<compile_context>
chip_gen: v7x
topology: tpu7x:2x2x1
jax: 0.10.2.dev20260603
libtpu: 0.0.44.dev20260713+nightly
codegen_flags: <defaults>
</compile_context>

<pallas_src>
import functools

import jax
import jax.numpy as jnp
from jax import lax
from jax.experimental import pallas as pl
from jax.experimental.pallas import tpu as pltpu
from jax.experimental.pallas import tpu_sc as plsc

N = 10000
E = 320000
D = 128
DEPTH = 3
BATCH = 10
NV = 3
GPN = N // BATCH

NC = 2
NS = 16
NW = NC * NS
CH = 128
CPW = 80
EPC = NW * CPW * CH
NP = 10240
RPT = NP // NS
ZR = 128
NRING = 4


def _seg_partials(h, ei, spad, dpad):
  mesh = plsc.VectorSubcoreMesh(core_axis_name="c", subcore_axis_name="s")

  @functools.partial(
      pl.kernel,
      mesh=mesh,
      out_type=jax.ShapeDtypeStruct((NC * NP, D), jnp.float32),
      scratch_types=[
          pltpu.VMEM((NRING, CH), jnp.int32),
          pltpu.VMEM((NRING, CH), jnp.int32),
          pltpu.VMEM((CH, D), jnp.float32),
          pltpu.VMEM((CH, D), jnp.float32),
          pltpu.VMEM_SHARED((NP, D), jnp.float32),
          pltpu.SemaphoreType.DMA,
          pltpu.SemaphoreType.DMA,
          pltpu.SemaphoreType.DMA,
      ],
  )
  def k(h_hbm, ei_hbm, spad_hbm, dpad_hbm, out_hbm,
        sidx, didx, rows0, rows1, acc, sem_i, sem0, sem1):
    cid = lax.axis_index("c")
    sid = lax.axis_index("s")
    wid = sid * NC + cid
    ebase = wid * CPW * CH

    def ifire(j):
      s = j % NRING
      off = ebase + j * CH

      @pl.when(off < E)
      def _():
        pltpu.make_async_copy(
            ei_hbm.at[0, pl.ds(off, CH)], sidx.at[s], sem_i).start()
        pltpu.make_async_copy(
            ei_hbm.at[1, pl.ds(off, CH)], didx.at[s], sem_i).start()

      @pl.when(off >= E)
      def _():
        pltpu.make_async_copy(
            spad_hbm.at[pl.ds(off - E, CH)], sidx.at[s], sem_i).start()
        pltpu.make_async_copy(
            dpad_hbm.at[pl.ds(off - E, CH)], didx.at[s], sem_i).start()

    def idrain(j):
      s = j % NRING
      pltpu.make_async_copy(
          spad_hbm.at[pl.ds(0, CH)], sidx.at[s], sem_i).wait()
      pltpu.make_async_copy(
          spad_hbm.at[pl.ds(0, CH)], didx.at[s], sem_i).wait()

    for j in range(2):
      ifire(j)

    @pl.when(cid == 0)
    def _():

      def hc(i, carry):
        r0 = sid * RPT + i * ZR
        pltpu.sync_copy(h_hbm.at[pl.ds(r0, ZR)], acc.at[pl.ds(r0, ZR)])
        return carry

      @pl.when(sid < NS - 1)
      def _():
        lax.fori_loop(0, RPT // ZR, hc, 0)

      @pl.when(sid == NS - 1)
      def _():
        lax.fori_loop(0, (N - (NS - 1) * RPT) // ZR, hc, 0)
        nrem = N - (NS - 1) * RPT - ((N - (NS - 1) * RPT) // ZR) * ZR
        if nrem:
          base = (NS - 1) * RPT + ((N - (NS - 1) * RPT) // ZR) * ZR
          pltpu.sync_copy(h_hbm.at[pl.ds(base, nrem)],
                          acc.at[pl.ds(base, nrem)])

    @pl.when(cid == 1)
    def _():
      zeros16 = jnp.zeros((16,), jnp.float32)

      def zb(i, carry):
        r = i // (D // 16)
        c = i % (D // 16)
        rows0[r, pl.ds(c * 16, 16)] = zeros16
        return carry

      lax.fori_loop(0, CH * (D // 16), zb, 0)

      def zc(i, carry):
        pltpu.sync_copy(rows0, acc.at[pl.ds(sid * RPT + i * ZR, ZR)])
        return carry

      lax.fori_loop(0, RPT // ZR, zc, 0)

    for j in range(2):
      idrain(j)
    plsc.subcore_barrier()

    def gstart(j, buf, sem):
      pltpu.make_async_copy(h_hbm.at[sidx.at[j % NRING]], buf, sem).start()

    def gwait(j, buf, sem):
      pltpu.make_async_copy(h_hbm.at[sidx.at[j % NRING]], buf, sem).wait()

    gstart(0, rows0, sem0)
    last = CPW // 2 - 1

    def body(jj, carry):
      j = jj * 2

      @pl.when(jj < last)
      def _():
        ifire(j + 2)
        ifire(j + 3)

      gstart(j + 1, rows1, sem1)
      gwait(j, rows0, sem0)
      pltpu.sync_copy(rows0, acc.at[didx.at[j % NRING]], add=True)

      @pl.when(jj < last)
      def _():
        idrain(j + 2)
        idrain(j + 3)
        gstart(j + 2, rows0, sem0)

      gwait(j + 1, rows1, sem1)
      pltpu.sync_copy(rows1, acc.at[didx.at[(j + 1) % NRING]], add=True)
      return carry

    lax.fori_loop(0, CPW // 2, body, 0)
    plsc.subcore_barrier()

    def wo(i, carry):
      r0 = sid * RPT + i * ZR
      pltpu.sync_copy(acc.at[pl.ds(r0, ZR)],
                      out_hbm.at[pl.ds(cid * NP + r0, ZR)])
      return carry

    lax.fori_loop(0, RPT // ZR, wo, 0)

  return k(h, ei, spad, dpad)


def _mlp(z, w1_ref, b1_ref, g1_ref, bb1_ref, w2_ref, b2_ref, g2_ref, bb2_ref):
  z = jnp.dot(z, w1_ref[...], preferred_element_type=jnp.float32) + b1_ref[...]
  mu = jnp.mean(z, axis=0, keepdims=True)
  var = jnp.mean(jnp.square(z - mu), axis=0, keepdims=True)
  z = (z - mu) * lax.rsqrt(var + 1e-5) * g1_ref[...] + bb1_ref[...]
  z = jnp.maximum(z, 0.0)
  z = jnp.dot(z, w2_ref[...], preferred_element_type=jnp.float32) + b2_ref[...]
  mu = jnp.mean(z, axis=0, keepdims=True)
  var = jnp.mean(jnp.square(z - mu), axis=0, keepdims=True)
  z = (z - mu) * lax.rsqrt(var + 1e-5) * g2_ref[...] + bb2_ref[...]
  return jnp.maximum(z, 0.0)


def _layer1_body(h_ref, parts_ref, w1_ref, b1_ref, g1_ref, bb1_ref,
                 w2_ref, b2_ref, g2_ref, bb2_ref, qa_ref, qb_ref,
                 o_ref, pp_ref, mi_ref, mo_ref):
  hin = h_ref[...]
  hout = _mlp(parts_ref[0] + parts_ref[1], w1_ref, b1_ref, g1_ref, bb1_ref,
              w2_ref, b2_ref, g2_ref, bb2_ref)
  o_ref[...] = hout
  hin_r = hin.reshape(BATCH, GPN, D)
  hout_r = hout.reshape(BATCH, GPN, D)
  pp_ref[...] = (
      jnp.matmul(hin_r, qa_ref[...], preferred_element_type=jnp.float32)
      + jnp.matmul(hout_r, qb_ref[...], preferred_element_type=jnp.float32)
  )[..., 0]
  mi_ref[...] = jnp.mean(hin_r, axis=1)
  mo_ref[...] = jnp.mean(hout_r, axis=1)


def _layer23_body(parts_ref, w1_ref, b1_ref, g1_ref, bb1_ref,
                  w2_ref, b2_ref, g2_ref, bb2_ref, qb_ref,
                  o_ref, pp_ref, mo_ref):
  hout = _mlp(parts_ref[0] + parts_ref[1], w1_ref, b1_ref, g1_ref, bb1_ref,
              w2_ref, b2_ref, g2_ref, bb2_ref)
  o_ref[...] = hout
  hout_r = hout.reshape(BATCH, GPN, D)
  pp_ref[...] = jnp.matmul(
      hout_r, qb_ref[...], preferred_element_type=jnp.float32)[..., 0]
  mo_ref[...] = jnp.mean(hout_r, axis=1)


def _wsp(s):
  return pl.BlockSpec(s, lambda i: (0,) * len(s))


_WSPECS = [_wsp((D, D)), _wsp((1, D)), _wsp((1, D)), _wsp((1, D)),
           _wsp((D, D)), _wsp((1, D)), _wsp((1, D)), _wsp((1, D))]


def _layer1_tc(h, parts, w1, b1, g1, bb1, w2, b2, g2, bb2, qa, qb):
  r = lambda a: a.reshape(1, D)
  return pl.pallas_call(
      _layer1_body,
      grid=(1,),
      in_specs=[_wsp((N, D)), _wsp((2, N, D))] + _WSPECS
      + [_wsp((D, 1)), _wsp((D, 1))],
      out_specs=[_wsp((N, D)), _wsp((BATCH, GPN)), _wsp((BATCH, D)),
                 _wsp((BATCH, D))],
      out_shape=[
          jax.ShapeDtypeStruct((N, D), jnp.float32),
          jax.ShapeDtypeStruct((BATCH, GPN), jnp.float32),
          jax.ShapeDtypeStruct((BATCH, D), jnp.float32),
          jax.ShapeDtypeStruct((BATCH, D), jnp.float32),
      ],
  )(h, parts.reshape(2, NP, D), w1, r(b1), r(g1), r(bb1),
    w2, r(b2), r(g2), r(bb2), qa, qb)


def _layer23_tc(parts, w1, b1, g1, bb1, w2, b2, g2, bb2, qb):
  r = lambda a: a.reshape(1, D)
  return pl.pallas_call(
      _layer23_body,
      grid=(1,),
      in_specs=[_wsp((2, N, D))] + _WSPECS + [_wsp((D, 1))],
      out_specs=[_wsp((N, D)), _wsp((BATCH, GPN)), _wsp((BATCH, D))],
      out_shape=[
          jax.ShapeDtypeStruct((N, D), jnp.float32),
          jax.ShapeDtypeStruct((BATCH, GPN), jnp.float32),
          jax.ShapeDtypeStruct((BATCH, D), jnp.float32),
      ],
  )(parts.reshape(2, NP, D), w1, r(b1), r(g1), r(bb1),
    w2, r(b2), r(g2), r(bb2), qb)


def _head_body(pp1_ref, pp2_ref, pp3_ref, mx_ref, m1_ref, m2_ref, m3_ref,
               v0_ref, v1_ref, v2_ref, v3_ref, cpi_ref, cv_ref,
               pi_ref, v_ref):
  s = pp1_ref[...] + pp2_ref[...] + pp3_ref[...] + cpi_ref[0, 0]
  m = jnp.max(s, axis=1, keepdims=True)
  lse = jnp.log(jnp.sum(jnp.exp(s - m), axis=1, keepdims=True)) + m
  pi_ref[...] = s - lse
  dot = lambda a, b: jnp.dot(a, b, preferred_element_type=jnp.float32)
  v = (dot(mx_ref[...], v0_ref[...]) + dot(m1_ref[...], v1_ref[...])
       + dot(m2_ref[...], v2_ref[...]) + dot(m3_ref[...], v3_ref[...])
       + cv_ref[...])
  vm = jnp.max(v, axis=1, keepdims=True)
  vlse = jnp.log(jnp.sum(jnp.exp(v - vm), axis=1, keepdims=True)) + vm
  v_ref[...] = v - vlse


def _head_tc(pp1, pp2, pp3, mx, m1, m2, m3, v0, v1, v2, v3, c_pi, c_v):
  wsp = lambda s: pl.BlockSpec(s, lambda i: (0,) * len(s))
  return pl.pallas_call(
      _head_body,
      grid=(1,),
      in_specs=[
          wsp((BATCH, GPN)), wsp((BATCH, GPN)), wsp((BATCH, GPN)),
          wsp((BATCH, D)), wsp((BATCH, D)), wsp((BATCH, D)), wsp((BATCH, D)),
          wsp((D, NV)), wsp((D, NV)), wsp((D, NV)), wsp((D, NV)),
          wsp((1, 1)), wsp((1, NV)),
      ],
      out_specs=[wsp((BATCH, GPN)), wsp((BATCH, NV))],
      out_shape=[
          jax.ShapeDtypeStruct((BATCH, GPN), jnp.float32),
          jax.ShapeDtypeStruct((BATCH, NV), jnp.float32),
      ],
  )(pp1, pp2, pp3,
    mx, m1, m2, m3, v0, v1, v2, v3, c_pi.reshape(1, 1), c_v.reshape(1, NV))


def kernel(x, edge_index, batch_size, gin_W1, gin_b1, gin_bn_g, gin_bn_b,
           gin_W2, gin_b2, norm_g, norm_b, jk_W, jk_b, lin_W, lin_b,
           v_W, v_b, pi_W, pi_b):
  pad = EPC - E
  ar = jnp.arange(pad, dtype=jnp.int32)
  spad = ar % N
  dpad = N + (ar % (NP - N))

  p_h = jk_W @ (lin_W[D:] @ pi_W)
  q0 = lin_W[:D] @ pi_W
  qs = [p_h[i * D:(i + 1) * D] for i in range(DEPTH)]
  c_pi = jk_b @ (lin_W[D:] @ pi_W) + lin_b @ pi_W + pi_b
  vh = jk_W @ (lin_W[D:] @ v_W)
  v0 = lin_W[:D] @ v_W
  vs = [vh[i * D:(i + 1) * D] for i in range(DEPTH)]
  c_v = jk_b @ (lin_W[D:] @ v_W) + lin_b @ v_W + v_b

  h = x
  pps, mos = [], []
  mx = None
  for i in range(DEPTH):
    parts = _seg_partials(h, edge_index, spad, dpad)
    if i == 0:
      h, pp, mx, mo = _layer1_tc(h, parts, gin_W1[i], gin_b1[i],
                                 gin_bn_g[i], gin_bn_b[i], gin_W2[i],
                                 gin_b2[i], norm_g[i], norm_b[i], q0, qs[i])
    else:
      h, pp, mo = _layer23_tc(parts, gin_W1[i], gin_b1[i],
                              gin_bn_g[i], gin_bn_b[i], gin_W2[i],
                              gin_b2[i], norm_g[i], norm_b[i], qs[i])
    pps.append(pp)
    mos.append(mo)
  pi, v = _head_tc(pps[0], pps[1], pps[2], mx, mos[0], mos[1], mos[2],
                   v0, vs[0], vs[1], vs[2], c_pi, c_v)
  return (pi, v)

# --- scband reference (transcript-rebuilt; emitter-appended) ---
"""Pipeline reference for scband-graph-net-4260607557736 (READ-ONLY COPY).

The authoritative reference and input builder live on the scoring server;
editing this copy changes nothing except your own understanding.
"""

import jax, jax.numpy as jnp
import numpy as np

N_NODES = 10000
N_EDGES = 320000
D_FEAT = 128
HIDDEN = 128
DEPTH = 3
PC = 32
NV = 3
BATCH = 10
PST = 1.0
VST = 1.0


def setup_inputs(seed: int = 0) -> dict:
    key = jax.random.key(seed)
    ks = jax.random.split(key, 16)
    s = 0.05
    inp = {}
    inp["x"] = jax.random.normal(ks[0], (N_NODES, D_FEAT), dtype=jnp.float32)
    inp["edge_index"] = jax.random.randint(ks[1], (2, N_EDGES), 0, N_NODES, dtype=jnp.int32)
    inp["batch_size"] = BATCH
    # GIN conv MLP params (in==hidden==128 so layers stack)
    inp["gin_W1"] = jax.random.normal(ks[2], (DEPTH, HIDDEN, HIDDEN), dtype=jnp.float32) * s
    inp["gin_b1"] = jnp.zeros((DEPTH, HIDDEN), dtype=jnp.float32)
    inp["gin_bn_g"] = jnp.ones((DEPTH, HIDDEN), dtype=jnp.float32)
    inp["gin_bn_b"] = jnp.zeros((DEPTH, HIDDEN), dtype=jnp.float32)
    inp["gin_W2"] = jax.random.normal(ks[3], (DEPTH, HIDDEN, HIDDEN), dtype=jnp.float32) * s
    inp["gin_b2"] = jnp.zeros((DEPTH, HIDDEN), dtype=jnp.float32)
    # per-layer BatchNorm applied after each conv in BasicGNN
    inp["norm_g"] = jnp.ones((DEPTH, HIDDEN), dtype=jnp.float32)
    inp["norm_b"] = jnp.zeros((DEPTH, HIDDEN), dtype=jnp.float32)
    # jk='cat' final linear inside GIN model
    inp["jk_W"] = jax.random.normal(ks[4], (DEPTH * HIDDEN, DEPTH * HIDDEN), dtype=jnp.float32) * s
    inp["jk_b"] = jnp.zeros((DEPTH * HIDDEN,), dtype=jnp.float32)
    # LinearLayer: mlp(channels + depth*num_channels -> policy_head_channels), no middle layers
    inp["lin_W"] = jax.random.normal(ks[5], (D_FEAT + DEPTH * HIDDEN, PC), dtype=jnp.float32) * s
    inp["lin_b"] = jnp.zeros((PC,), dtype=jnp.float32)
    # v_fc: Linear(PC -> num_players + has_draw)
    inp["v_W"] = jax.random.normal(ks[6], (PC, NV), dtype=jnp.float32) * s
    inp["v_b"] = jnp.zeros((NV,), dtype=jnp.float32)
    # pi_fc: Linear(PC -> 1)
    inp["pi_W"] = jax.random.normal(ks[7], (PC, 1), dtype=jnp.float32) * s
    inp["pi_b"] = jnp.zeros((1,), dtype=jnp.float32)
    return inp


def _batchnorm(h, g, b):
    mu = h.mean(axis=0)
    var = h.var(axis=0)
    return (h - mu) / jnp.sqrt(var + 1e-5) * g + b


def reference(x, edge_index, batch_size, gin_W1, gin_b1, gin_bn_g, gin_bn_b, gin_W2, gin_b2,
              norm_g, norm_b, jk_W, jk_b, lin_W, lin_b, v_W, v_b, pi_W, pi_b):
    src = edge_index[0]
    dst = edge_index[1]
    h = x
    xs = []
    for i in range(DEPTH):
        # GINConv: mlp((1+eps)*x + sum_{j in N(i)} x_j), eps=0
        agg = jax.ops.segment_sum(h[src], dst, num_segments=N_NODES)
        z = h + agg
        z = z @ gin_W1[i] + gin_b1[i]
        z = _batchnorm(z, gin_bn_g[i], gin_bn_b[i])
        z = jax.nn.relu(z)
        z = z @ gin_W2[i] + gin_b2[i]
        # BasicGNN per-layer norm (BatchNorm) + ReLU activation
        z = _batchnorm(z, norm_g[i], norm_b[i])
        z = jax.nn.relu(z)
        xs.append(z)
        h = z
    # JumpingKnowledge 'cat' inside GIN followed by final lin to depth*hidden
    hcat = jnp.concatenate(xs, axis=-1) @ jk_W + jk_b
    # outer JumpingKnowledge('cat') over [data.x, gnn_out]
    xfull = jnp.concatenate([x, hcat], axis=-1)
    xfull = xfull + (jnp.asarray(batch_size) * 0).astype(xfull.dtype)
    xfull = xfull.reshape(BATCH, N_NODES // BATCH, D_FEAT + DEPTH * HIDDEN)
    feat = xfull @ lin_W + lin_b
    v = feat @ v_W + v_b
    v = v.mean(axis=-2)  # global_mean_pool with batch=None
    v = v.reshape(BATCH, -1)
    pi = feat @ pi_W + pi_b
    pi = pi.reshape(BATCH, -1)
    return (jax.nn.log_softmax(pi / PST, axis=1), jax.nn.log_softmax(v / VST, axis=1))

if __name__ == "__main__":
    import jax
    _d = setup_inputs()
    print(jax.jit(kernel)(*tuple(_d.values())))

</pallas_src>

<mosaic_0001>
#map = affine_map<(d0, d1) -> (0, 0)>
#map1 = affine_map<(d0, d1) -> (0)>
module attributes {stable_mosaic.version = 14 : i64} {
  func.func @k(%arg0: i32, %arg1: i32, %arg2: memref<10000x128xf32, #tpu.memory_space<hbm>>, %arg3: memref<2x320000xi32, #tpu.memory_space<hbm>>, %arg4: memref<7680xi32, #tpu.memory_space<hbm>>, %arg5: memref<7680xi32, #tpu.memory_space<hbm>>, %arg6: memref<20480x128xf32, #tpu.memory_space<hbm>>, %arg7: memref<4x128xi32, #tpu.memory_space<vmem>>, %arg8: memref<4x128xi32, #tpu.memory_space<vmem>>, %arg9: memref<128x128xf32, #tpu.memory_space<vmem>>, %arg10: memref<128x128xf32, #tpu.memory_space<vmem>>, %arg11: memref<10240x128xf32, #tpu.memory_space<vmem_shared>>, %arg12: memref<!tpu.dma_semaphore, #tpu.memory_space<semaphore_mem>>, %arg13: memref<!tpu.dma_semaphore, #tpu.memory_space<semaphore_mem>>, %arg14: memref<!tpu.dma_semaphore, #tpu.memory_space<semaphore_mem>>) attributes {dimension_semantics = [#tpu.dimension_semantics<core_parallel>, #tpu.dimension_semantics<subcore_parallel>], iteration_bounds = array<i64: 2, 16>, scalar_prefetch = 0 : i64, scratch_operands = 8 : i64, tpu.core_type = #tpu.core_type<sc_vector_subcore>, window_params = [{transform_indices = #map}, {transform_indices = #map}, {transform_indices = #map1}, {transform_indices = #map1}, {transform_indices = #map}]} {
    %mul3A = arith.constant 2 : i32
    %mul3A_0 = arith.muli %arg1, %mul3A : i32
    %add3A = arith.addi %mul3A_0, %arg0 : i32
    %mul3A_1 = arith.constant 80 : i32
    %mul3A_2 = arith.muli %add3A, %mul3A_1 : i32
    %mul3A_3 = arith.constant 128 : i32
    %mul3A_4 = arith.muli %mul3A_2, %mul3A_3 : i32
    %add3A_5 = arith.constant 0 : i32
    %add3A_6 = arith.addi %mul3A_4, %add3A_5 : i32
    %lt3A = arith.constant 320000 : i32
    %lt3A_7 = arith.cmpi slt, %add3A_6, %lt3A : i32
    %convert_element_type3A = arith.extui %lt3A_7 : i1 to i32
    %cond3A = arith.constant 0 : i32
    %cond3A_8 = arith.cmpi ne, %convert_element_type3A, %cond3A : i32
    scf.if %cond3A_8 {
      %dma_start3A_95 = arith.constant 0 : i32
      %dma_start3A_96 = arith.constant 0 : i32
      %dma_start3A_97 = arith.constant 0 : i32
      %dma_start3A_98 = tpu.memref_slice %arg7[%dma_start3A_96, %dma_start3A_97] : memref<4x128xi32, #tpu.memory_space<vmem>> -> memref<1x128xi32, #tpu.memory_space<vmem>>
      %dma_start3A_99 = tpu.memref_squeeze %dma_start3A_98 : memref<1x128xi32, #tpu.memory_space<vmem>> -> memref<128xi32, #tpu.memory_space<vmem>>
      %dma_start3A_100 = tpu.memref_slice %arg3[%dma_start3A_95, %add3A_6] : memref<2x320000xi32, #tpu.memory_space<hbm>> -> memref<1x128xi32, #tpu.memory_space<hbm>>
      %dma_start3A_101 = tpu.memref_squeeze %dma_start3A_100 : memref<1x128xi32, #tpu.memory_space<hbm>> -> memref<128xi32, #tpu.memory_space<hbm>>
      %dma_start3A_102 = arith.constant 0 : i32
      %dma_start3A_103 = tpu.memref_slice %arg7[%dma_start3A_96, %dma_start3A_102] : memref<4x128xi32, #tpu.memory_space<vmem>> -> memref<1x128xi32, #tpu.memory_space<vmem>>
      %dma_start3A_104 = tpu.memref_squeeze %dma_start3A_103 : memref<1x128xi32, #tpu.memory_space<vmem>> -> memref<128xi32, #tpu.memory_space<vmem>>
      %dma_start3A_105 = tpu.memref_slice %arg3[%dma_start3A_95, %add3A_6] : memref<2x320000xi32, #tpu.memory_space<hbm>> -> memref<1x128xi32, #tpu.memory_space<hbm>>
      %dma_start3A_106 = tpu.memref_squeeze %dma_start3A_105 : memref<1x128xi32, #tpu.memory_space<hbm>> -> memref<128xi32, #tpu.memory_space<hbm>>
      tpu.enqueue_dma source(%dma_start3A_106 : memref<128xi32, #tpu.memory_space<hbm>>) target(%dma_start3A_104 : memref<128xi32, #tpu.memory_space<vmem>>) target_semaphore(%arg12 : memref<!tpu.dma_semaphore, #tpu.memory_space<semaphore_mem>>)
      %dma_start3A_107 = arith.constant 1 : i32
      %dma_start3A_108 = arith.constant 0 : i32
      %dma_start3A_109 = arith.constant 0 : i32
      %dma_start3A_110 = tpu.memref_slice %arg8[%dma_start3A_108, %dma_start3A_109] : memref<4x128xi32, #tpu.memory_space<vmem>> -> memref<1x128xi32, #tpu.memory_space<vmem>>
      %dma_start3A_111 = tpu.memref_squeeze %dma_start3A_110 : memref<1x128xi32, #tpu.memory_space<vmem>> -> memref<128xi32, #tpu.memory_space<vmem>>
      %dma_start3A_112 = tpu.memref_slice %arg3[%dma_start3A_107, %add3A_6] : memref<2x320000xi32, #tpu.memory_space<hbm>> -> memref<1x128xi32, #tpu.memory_space<hbm>>
      %dma_start3A_113 = tpu.memref_squeeze %dma_start3A_112 : memref<1x128xi32, #tpu.memory_space<hbm>> -> memref<128xi32, #tpu.memory_space<hbm>>
      %dma_start3A_114 = arith.constant 0 : i32
      %dma_start3A_115 = tpu.memref_slice %arg8[%dma_start3A_108, %dma_start3A_114] : memref<4x128xi32, #tpu.memory_space<vmem>> -> memref<1x128xi32, #tpu.memory_space<vmem>>
      %dma_start3A_116 = tpu.memref_squeeze %dma_start3A_115 : memref<1x128xi32, #tpu.memory_space<vmem>> -> memref<128xi32, #tpu.memory_space<vmem>>
      %dma_start3A_117 = tpu.memref_slice %arg3[%dma_start3A_107, %add3A_6] : memref<2x320000xi32, #tpu.memory_space<hbm>> -> memref<1x128xi32, #tpu.memory_space<hbm>>
      %dma_start3A_118 = tpu.memref_squeeze %dma_start3A_117 : memref<1x128xi32, #tpu.memory_space<hbm>> -> memref<128xi32, #tpu.memory_space<hbm>>
      tpu.enqueue_dma source(%dma_start3A_118 : memref<128xi32, #tpu.memory_space<hbm>>) target(%dma_start3A_116 : memref<128xi32, #tpu.memory_space<vmem>>) target_semaphore(%arg12 : memref<!tpu.dma_semaphore, #tpu.memory_space<semaphore_mem>>)
    } else {
    }
    %ge3A = arith.constant 320000 : i32
    %ge3A_9 = arith.cmpi sge, %add3A_6, %ge3A : i32
    %convert_element_type3A_10 = arith.extui %ge3A_9 : i1 to i32
    %cond3A_11 = arith.constant 0 : i32
    %cond3A_12 = arith.cmpi ne, %convert_element_type3A_10, %cond3A_11 : i32
    scf.if %cond3A_12 {
      %sub3A = arith.constant 320000 : i32
      %sub3A_95 = arith.subi %add3A_6, %sub3A : i32
      %dma_start3A_96 = arith.constant 0 : i32
      %dma_start3A_97 = arith.constant 0 : i32
      %dma_start3A_98 = tpu.memref_slice %arg7[%dma_start3A_96, %dma_start3A_97] : memref<4x128xi32, #tpu.memory_space<vmem>> -> memref<1x128xi32, #tpu.memory_space<vmem>>
      %dma_start3A_99 = tpu.memref_squeeze %dma_start3A_98 : memref<1x128xi32, #tpu.memory_space<vmem>> -> memref<128xi32, #tpu.memory_space<vmem>>
      %dma_start3A_100 = tpu.memref_slice %arg4[%sub3A_95] : memref<7680xi32, #tpu.memory_space<hbm>> -> memref<128xi32, #tpu.memory_space<hbm>>
      %dma_start3A_101 = arith.constant 0 : i32
      %dma_start3A_102 = tpu.memref_slice %arg7[%dma_start3A_96, %dma_start3A_101] : memref<4x128xi32, #tpu.memory_space<vmem>> -> memref<1x128xi32, #tpu.memory_space<vmem>>
      %dma_start3A_103 = tpu.memref_squeeze %dma_start3A_102 : memref<1x128xi32, #tpu.memory_space<vmem>> -> memref<128xi32, #tpu.memory_space<vmem>>
      %dma_start3A_104 = tpu.memref_slice %arg4[%sub3A_95] : memref<7680xi32, #tpu.memory_space<hbm>> -> memref<128xi32, #tpu.memory_space<hbm>>
      tpu.enqueue_dma source(%dma_start3A_104 : memref<128xi32, #tpu.memory_space<hbm>>) target(%dma_start3A_103 : memref<128xi32, #tpu.memory_space<vmem>>) target_semaphore(%arg12 : memref<!tpu.dma_semaphore, #tpu.memory_space<semaphore_mem>>)
      %sub3A_105 = arith.constant 320000 : i32
      %sub3A_106 = arith.subi %add3A_6, %sub3A_105 : i32
      %dma_start3A_107 = arith.constant 0 : i32
      %dma_start3A_108 = arith.constant 0 : i32
      %dma_start3A_109 = tpu.memref_slice %arg8[%dma_start3A_107, %dma_start3A_108] : memref<4x128xi32, #tpu.memory_space<vmem>> -> memref<1x128xi32, #tpu.memory_space<vmem>>
      %dma_start3A_110 = tpu.memref_squeeze %dma_start3A_109 : memref<1x128xi32, #tpu.memory_space<vmem>> -> memref<128xi32, #tpu.memory_space<vmem>>
      %dma_start3A_111 = tpu.memref_slice %arg5[%sub3A_106] : memref<7680xi32, #tpu.memory_space<hbm>> -> memref<128xi32, #tpu.memory_space<hbm>>
      %dma_start3A_112 = arith.constant 0 : i32
      %dma_start3A_113 = tpu.memref_slice %arg8[%dma_start3A_107, %dma_start3A_112] : memref<4x128xi32, #tpu.memory_space<vmem>> -> memref<1x128xi32, #tpu.memory_space<vmem>>
      %dma_start3A_114 = tpu.memref_squeeze %dma_start3A_113 : memref<1x128xi32, #tpu.memory_space<vmem>> -> memref<128xi32, #tpu.memory_space<vmem>>
      %dma_start3A_115 = tpu.memref_slice %arg5[%sub3A_106] : memref<7680xi32, #tpu.memory_space<hbm>> -> memref<128xi32, #tpu.memory_space<hbm>>
      tpu.enqueue_dma source(%dma_start3A_115 : memref<128xi32, #tpu.memory_space<hbm>>) target(%dma_start3A_114 : memref<128xi32, #tpu.memory_space<vmem>>) target_semaphore(%arg12 : memref<!tpu.dma_semaphore, #tpu.memory_space<semaphore_mem>>)
    } else {
    }
    %add3A_13 = arith.constant 128 : i32
    %add3A_14 = arith.addi %mul3A_4, %add3A_13 : i32
    %lt3A_15 = arith.constant 320000 : i32
    %lt3A_16 = arith.cmpi slt, %add3A_14, %lt3A_15 : i32
    %convert_element_type3A_17 = arith.extui %lt3A_16 : i1 to i32
    %cond3A_18 = arith.constant 0 : i32
    %cond3A_19 = arith.cmpi ne, %convert_element_type3A_17, %cond3A_18 : i32
    scf.if %cond3A_19 {
      %dma_start3A_95 = arith.constant 0 : i32
      %dma_start3A_96 = arith.constant 1 : i32
      %dma_start3A_97 = arith.constant 0 : i32
      %dma_start3A_98 = tpu.memref_slice %arg7[%dma_start3A_96, %dma_start3A_97] : memref<4x128xi32, #tpu.memory_space<vmem>> -> memref<1x128xi32, #tpu.memory_space<vmem>>
      %dma_start3A_99 = tpu.memref_squeeze %dma_start3A_98 : memref<1x128xi32, #tpu.memory_space<vmem>> -> memref<128xi32, #tpu.memory_space<vmem>>
      %dma_start3A_100 = tpu.memref_slice %arg3[%dma_start3A_95, %add3A_14] : memref<2x320000xi32, #tpu.memory_space<hbm>> -> memref<1x128xi32, #tpu.memory_space<hbm>>
      %dma_start3A_101 = tpu.memref_squeeze %dma_start3A_100 : memref<1x128xi32, #tpu.memory_space<hbm>> -> memref<128xi32, #tpu.memory_space<hbm>>
      %dma_start3A_102 = arith.constant 0 : i32
      %dma_start3A_103 = tpu.memref_slice %arg7[%dma_start3A_96, %dma_start3A_102] : memref<4x128xi32, #tpu.memory_space<vmem>> -> memref<1x128xi32, #tpu.memory_space<vmem>>
      %dma_start3A_104 = tpu.memref_squeeze %dma_start3A_103 : memref<1x128xi32, #tpu.memory_space<vmem>> -> memref<128xi32, #tpu.memory_space<vmem>>
      %dma_start3A_105 = tpu.memref_slice %arg3[%dma_start3A_95, %add3A_14] : memref<2x320000xi32, #tpu.memory_space<hbm>> -> memref<1x128xi32, #tpu.memory_space<hbm>>
      %dma_start3A_106 = tpu.memref_squeeze %dma_start3A_105 : memref<1x128xi32, #tpu.memory_space<hbm>> -> memref<128xi32, #tpu.memory_space<hbm>>
      tpu.enqueue_dma source(%dma_start3A_106 : memref<128xi32, #tpu.memory_space<hbm>>) target(%dma_start3A_104 : memref<128xi32, #tpu.memory_space<vmem>>) target_semaphore(%arg12 : memref<!tpu.dma_semaphore, #tpu.memory_space<semaphore_mem>>)
      %dma_start3A_107 = arith.constant 1 : i32
      %dma_start3A_108 = arith.constant 1 : i32
      %dma_start3A_109 = arith.constant 0 : i32
      %dma_start3A_110 = tpu.memref_slice %arg8[%dma_start3A_108, %dma_start3A_109] : memref<4x128xi32, #tpu.memory_space<vmem>> -> memref<1x128xi32, #tpu.memory_space<vmem>>
      %dma_start3A_111 = tpu.memref_squeeze %dma_start3A_110 : memref<1x128xi32, #tpu.memory_space<vmem>> -> memref<128xi32, #tpu.memory_space<vmem>>
      %dma_start3A_112 = tpu.memref_slice %arg3[%dma_start3A_107, %add3A_14] : memref<2x320000xi32, #tpu.memory_space<hbm>> -> memref<1x128xi32, #tpu.memory_space<hbm>>
      %dma_start3A_113 = tpu.memref_squeeze %dma_start3A_112 : memref<1x128xi32, #tpu.memory_space<hbm>> -> memref<128xi32, #tpu.memory_space<hbm>>
      %dma_start3A_114 = arith.constant 0 : i32
      %dma_start3A_115 = tpu.memref_slice %arg8[%dma_start3A_108, %dma_start3A_114] : memref<4x128xi32, #tpu.memory_space<vmem>> -> memref<1x128xi32, #tpu.memory_space<vmem>>
      %dma_start3A_116 = tpu.memref_squeeze %dma_start3A_115 : memref<1x128xi32, #tpu.memory_space<vmem>> -> memref<128xi32, #tpu.memory_space<vmem>>
      %dma_start3A_117 = tpu.memref_slice %arg3[%dma_start3A_107, %add3A_14] : memref<2x320000xi32, #tpu.memory_space<hbm>> -> memref<1x128xi32, #tpu.memory_space<hbm>>
      %dma_start3A_118 = tpu.memref_squeeze %dma_start3A_117 : memref<1x128xi32, #tpu.memory_space<hbm>> -> memref<128xi32, #tpu.memory_space<hbm>>
      tpu.enqueue_dma source(%dma_start3A_118 : memref<128xi32, #tpu.memory_space<hbm>>) target(%dma_start3A_116 : memref<128xi32, #tpu.memory_space<vmem>>) target_semaphore(%arg12 : memref<!tpu.dma_semaphore, #tpu.memory_space<semaphore_mem>>)
    } else {
    }
    %ge3A_20 = arith.constant 320000 : i32
    %ge3A_21 = arith.cmpi sge, %add3A_14, %ge3A_20 : i32
    %convert_element_type3A_22 = arith.extui %ge3A_21 : i1 to i32
    %cond3A_23 = arith.constant 0 : i32
    %cond3A_24 = arith.cmpi ne, %convert_element_type3A_22, %cond3A_23 : i32
    scf.if %cond3A_24 {
      %sub3A = arith.constant 320000 : i32
      %sub3A_95 = arith.subi %add3A_14, %sub3A : i32
      %dma_start3A_96 = arith.constant 1 : i32
      %dma_start3A_97 = arith.constant 0 : i32
      %dma_start3A_98 = tpu.memref_slice %arg7[%dma_start3A_96, %dma_start3A_97] : memref<4x128xi32, #tpu.memory_space<vmem>> -> memref<1x128xi32, #tpu.memory_space<vmem>>
      %dma_start3A_99 = tpu.memref_squeeze %dma_start3A_98 : memref<1x128xi32, #tpu.memory_space<vmem>> -> memref<128xi32, #tpu.memory_space<vmem>>
      %dma_start3A_100 = tpu.memref_slice %arg4[%sub3A_95] : memref<7680xi32, #tpu.memory_space<hbm>> -> memref<128xi32, #tpu.memory_space<hbm>>
      %dma_start3A_101 = arith.constant 0 : i32
      %dma_start3A_102 = tpu.memref_slice %arg7[%dma_start3A_96, %dma_start3A_101] : memref<4x128xi32, #tpu.memory_space<vmem>> -> memref<1x128xi32, #tpu.memory_space<vmem>>
      %dma_start3A_103 = tpu.memref_squeeze %dma_start3A_102 : memref<1x128xi32, #tpu.memory_space<vmem>> -> memref<128xi32, #tpu.memory_space<vmem>>
      %dma_start3A_104 = tpu.memref_slice %arg4[%sub3A_95] : memref<7680xi32, #tpu.memory_space<hbm>> -> memref<128xi32, #tpu.memory_space<hbm>>
      tpu.enqueue_dma source(%dma_start3A_104 : memref<128xi32, #tpu.memory_space<hbm>>) target(%dma_start3A_103 : memref<128xi32, #tpu.memory_space<vmem>>) target_semaphore(%arg12 : memref<!tpu.dma_semaphore, #tpu.memory_space<semaphore_mem>>)
      %sub3A_105 = arith.constant 320000 : i32
      %sub3A_106 = arith.subi %add3A_14, %sub3A_105 : i32
      %dma_start3A_107 = arith.constant 1 : i32
      %dma_start3A_108 = arith.constant 0 : i32
      %dma_start3A_109 = tpu.memref_slice %arg8[%dma_start3A_107, %dma_start3A_108] : memref<4x128xi32, #tpu.memory_space<vmem>> -> memref<1x128xi32, #tpu.memory_space<vmem>>
      %dma_start3A_110 = tpu.memref_squeeze %dma_start3A_109 : memref<1x128xi32, #tpu.memory_space<vmem>> -> memref<128xi32, #tpu.memory_space<vmem>>
      %dma_start3A_111 = tpu.memref_slice %arg5[%sub3A_106] : memref<7680xi32, #tpu.memory_space<hbm>> -> memref<128xi32, #tpu.memory_space<hbm>>
      %dma_start3A_112 = arith.constant 0 : i32
      %dma_start3A_113 = tpu.memref_slice %arg8[%dma_start3A_107, %dma_start3A_112] : memref<4x128xi32, #tpu.memory_space<vmem>> -> memref<1x128xi32, #tpu.memory_space<vmem>>
      %dma_start3A_114 = tpu.memref_squeeze %dma_start3A_113 : memref<1x128xi32, #tpu.memory_space<vmem>> -> memref<128xi32, #tpu.memory_space<vmem>>
      %dma_start3A_115 = tpu.memref_slice %arg5[%sub3A_106] : memref<7680xi32, #tpu.memory_space<hbm>> -> memref<128xi32, #tpu.memory_space<hbm>>
      tpu.enqueue_dma source(%dma_start3A_115 : memref<128xi32, #tpu.memory_space<hbm>>) target(%dma_start3A_114 : memref<128xi32, #tpu.memory_space<vmem>>) target_semaphore(%arg12 : memref<!tpu.dma_semaphore, #tpu.memory_space<semaphore_mem>>)
    } else {
    }
    %eq3A = arith.constant 0 : i32
    %eq3A_25 = arith.cmpi eq, %arg0, %eq3A : i32
    %convert_element_type3A_26 = arith.extui %eq3A_25 : i1 to i32
    %cond3A_27 = arith.constant 0 : i32
    %cond3A_28 = arith.cmpi ne, %convert_element_type3A_26, %cond3A_27 : i32
    scf.if %cond3A_28 {
      %lt3A_95 = arith.constant 15 : i32
      %lt3A_96 = arith.cmpi slt, %arg1, %lt3A_95 : i32
      %convert_element_type3A_97 = arith.extui %lt3A_96 : i1 to i32
      %cond3A_98 = arith.constant 0 : i32
      %cond3A_99 = arith.cmpi ne, %convert_element_type3A_97, %cond3A_98 : i32
      scf.if %cond3A_99 {
        %scan3A_105 = arith.constant 0 : i32
        %scan3A_106 = arith.constant 0 : i32
        %scan3A_107 = arith.constant 5 : i32
        %scan3A_108 = arith.addi %scan3A_106, %scan3A_107 : i32
        %scan3A_109 = arith.constant 1 : i32
        scf.for %scan3A_111 = %scan3A_106 to %scan3A_108 step %scan3A_109  : i32 {
          %mul3A_112 = arith.constant 640 : i32
          %mul3A_113 = arith.muli %arg1, %mul3A_112 : i32
          %mul3A_114 = arith.constant 128 : i32
          %mul3A_115 = arith.muli %scan3A_111, %mul3A_114 : i32
          %add3A_116 = arith.addi %mul3A_113, %mul3A_115 : i32
          "tpu.region"() ({
            %run_scoped3A = tpu.sem_alloc : memref<!tpu.dma_semaphore, #tpu.memory_space<semaphore_mem>>
            %dma_start3A_117 = arith.constant 0 : i32
            %dma_start3A_118 = tpu.memref_slice %arg11[%add3A_116, %dma_start3A_117] : memref<10240x128xf32, #tpu.memory_space<vmem_shared>> -> memref<128x128xf32, #tpu.memory_space<vmem_shared>>
            %dma_start3A_119 = arith.constant 0 : i32
            %dma_start3A_120 = tpu.memref_slice %arg2[%add3A_116, %dma_start3A_119] : memref<10000x128xf32, #tpu.memory_space<hbm>> -> memref<128x128xf32, #tpu.memory_space<hbm>>
            tpu.enqueue_dma source(%dma_start3A_120 : memref<128x128xf32, #tpu.memory_space<hbm>>) target(%dma_start3A_118 : memref<128x128xf32, #tpu.memory_space<vmem_shared>>) target_semaphore(%run_scoped3A : memref<!tpu.dma_semaphore, #tpu.memory_space<semaphore_mem>>)
            %dma_wait3A_121 = arith.constant 0 : i32
            %dma_wait3A_122 = tpu.memref_slice %arg11[%add3A_116, %dma_wait3A_121] : memref<10240x128xf32, #tpu.memory_space<vmem_shared>> -> memref<128x128xf32, #tpu.memory_space<vmem_shared>>
            %dma_wait3A_123 = arith.constant 0 : i32
            %dma_wait3A_124 = tpu.memref_slice %arg2[%add3A_116, %dma_wait3A_123] : memref<10000x128xf32, #tpu.memory_space<hbm>> -> memref<128x128xf32, #tpu.memory_space<hbm>>
            tpu.wait_dma2 semaphore(%run_scoped3A : memref<!tpu.dma_semaphore, #tpu.memory_space<semaphore_mem>>) src(%dma_wait3A_124 : memref<128x128xf32, #tpu.memory_space<hbm>>) dst(%dma_wait3A_122 : memref<128x128xf32, #tpu.memory_space<vmem_shared>>)
            tpu.yield
          }) : () -> ()
        }
        %scan3A_110 = arith.constant 5 : i32
      } else {
      }
      %eq3A_100 = arith.constant 15 : i32
      %eq3A_101 = arith.cmpi eq, %arg1, %eq3A_100 : i32
      %convert_element_type3A_102 = arith.extui %eq3A_101 : i1 to i32
      %cond3A_103 = arith.constant 0 : i32
      %cond3A_104 = arith.cmpi ne, %convert_element_type3A_102, %cond3A_103 : i32
      scf.if %cond3A_104 {
        %scan3A_105 = arith.constant 0 : i32
        %scan3A_106 = arith.constant 0 : i32
        %scan3A_107 = arith.constant 3 : i32
        %scan3A_108 = arith.addi %scan3A_106, %scan3A_107 : i32
        %scan3A_109 = arith.constant 1 : i32
        scf.for %scan3A_111 = %scan3A_106 to %scan3A_108 step %scan3A_109  : i32 {
          %mul3A_112 = arith.constant 640 : i32
          %mul3A_113 = arith.muli %arg1, %mul3A_112 : i32
          %mul3A_114 = arith.constant 128 : i32
          %mul3A_115 = arith.muli %scan3A_111, %mul3A_114 : i32
          %add3A_116 = arith.addi %mul3A_113, %mul3A_115 : i32
          "tpu.region"() ({
            %run_scoped3A = tpu.sem_alloc : memref<!tpu.dma_semaphore, #tpu.memory_space<semaphore_mem>>
            %dma_start3A_117 = arith.constant 0 : i32
            %dma_start3A_118 = tpu.memref_slice %arg11[%add3A_116, %dma_start3A_117] : memref<10240x128xf32, #tpu.memory_space<vmem_shared>> -> memref<128x128xf32, #tpu.memory_space<vmem_shared>>
            %dma_start3A_119 = arith.constant 0 : i32
            %dma_start3A_120 = tpu.memref_slice %arg2[%add3A_116, %dma_start3A_119] : memref<10000x128xf32, #tpu.memory_space<hbm>> -> memref<128x128xf32, #tpu.memory_space<hbm>>
            tpu.enqueue_dma source(%dma_start3A_120 : memref<128x128xf32, #tpu.memory_space<hbm>>) target(%dma_start3A_118 : memref<128x128xf32, #tpu.memory_space<vmem_shared>>) target_semaphore(%run_scoped3A : memref<!tpu.dma_semaphore, #tpu.memory_space<semaphore_mem>>)
            %dma_wait3A_121 = arith.constant 0 : i32
            %dma_wait3A_122 = tpu.memref_slice %arg11[%add3A_116, %dma_wait3A_121] : memref<10240x128xf32, #tpu.memory_space<vmem_shared>> -> memref<128x128xf32, #tpu.memory_space<vmem_shared>>
            %dma_wait3A_123 = arith.constant 0 : i32
            %dma_wait3A_124 = tpu.memref_slice %arg2[%add3A_116, %dma_wait3A_123] : memref<10000x128xf32, #tpu.memory_space<hbm>> -> memref<128x128xf32, #tpu.memory_space<hbm>>
            tpu.wait_dma2 semaphore(%run_scoped3A : memref<!tpu.dma_semaphore, #tpu.memory_space<semaphore_mem>>) src(%dma_wait3A_124 : memref<128x128xf32, #tpu.memory_space<hbm>>) dst(%dma_wait3A_122 : memref<128x128xf32, #tpu.memory_space<vmem_shared>>)
            tpu.yield
          }) : () -> ()
        }
        %scan3A_110 = arith.constant 3 : i32
        "tpu.region"() ({
          %run_scoped3A = tpu.sem_alloc : memref<!tpu.dma_semaphore, #tpu.memory_space<semaphore_mem>>
          %dma_start3A_111 = arith.constant 9984 : i32
          %dma_start3A_112 = arith.constant 0 : i32
          %dma_start3A_113 = tpu.memref_slice %arg11[%dma_start3A_111, %dma_start3A_112] : memref<10240x128xf32, #tpu.memory_space<vmem_shared>> -> memref<16x128xf32, #tpu.memory_space<vmem_shared>>
          %dma_start3A_114 = arith.constant 9984 : i32
          %dma_start3A_115 = arith.constant 0 : i32
          %dma_start3A_116 = tpu.memref_slice %arg2[%dma_start3A_114, %dma_start3A_115] : memref<10000x128xf32, #tpu.memory_space<hbm>> -> memref<16x128xf32, #tpu.memory_space<hbm>>
          tpu.enqueue_dma source(%dma_start3A_116 : memref<16x128xf32, #tpu.memory_space<hbm>>) target(%dma_start3A_113 : memref<16x128xf32, #tpu.memory_space<vmem_shared>>) target_semaphore(%run_scoped3A : memref<!tpu.dma_semaphore, #tpu.memory_space<semaphore_mem>>)
          %dma_wait3A_117 = arith.constant 9984 : i32
          %dma_wait3A_118 = arith.constant 0 : i32
          %dma_wait3A_119 = tpu.memref_slice %arg11[%dma_wait3A_117, %dma_wait3A_118] : memref<10240x128xf32, #tpu.memory_space<vmem_shared>> -> memref<16x128xf32, #tpu.memory_space<vmem_shared>>
          %dma_wait3A_120 = arith.constant 9984 : i32
          %dma_wait3A_121 = arith.constant 0 : i32
          %dma_wait3A_122 = tpu.memref_slice %arg2[%dma_wait3A_120, %dma_wait3A_121] : memref<10000x128xf32, #tpu.memory_space<hbm>> -> memref<16x128xf32, #tpu.memory_space<hbm>>
          tpu.wait_dma2 semaphore(%run_scoped3A : memref<!tpu.dma_semaphore, #tpu.memory_space<semaphore_mem>>) src(%dma_wait3A_122 : memref<16x128xf32, #tpu.memory_space<hbm>>) dst(%dma_wait3A_119 : memref<16x128xf32, #tpu.memory_space<vmem_shared>>)
          tpu.yield
        }) : () -> ()
      } else {
      }
    } else {
    }
    %eq3A_29 = arith.constant 1 : i32
    %eq3A_30 = arith.cmpi eq, %arg0, %eq3A_29 : i32
    %convert_element_type3A_31 = arith.extui %eq3A_30 : i1 to i32
    %cond3A_32 = arith.constant 0 : i32
    %cond3A_33 = arith.cmpi ne, %convert_element_type3A_31, %cond3A_32 : i32
    scf.if %cond3A_33 {
      %broadcast_in_dim3A = arith.constant 0.000000e+00 : f32
      %broadcast_in_dim3A_95 = vector.broadcast %broadcast_in_dim3A : f32 to vector<16xf32>
      %scan3A_96 = arith.constant 0 : i32
      %scan3A_97 = arith.constant 0 : i32
      %scan3A_98 = arith.constant 1024 : i32
      %scan3A_99 = arith.addi %scan3A_97, %scan3A_98 : i32
      %scan3A_100 = arith.constant 1 : i32
      scf.for %scan3A_108 = %scan3A_97 to %scan3A_99 step %scan3A_100  : i32 {
        %jit3A = arith.constant 8 : i32
        %div3A = arith.divsi %scan3A_108, %jit3A : i32
        %sign3A = arith.constant 0 : i32
        %sign3A_109 = arith.cmpi sgt, %scan3A_108, %sign3A : i32
        %sign3A_110 = arith.extui %sign3A_109 : i1 to i32
        %sign3A_111 = arith.constant 0 : i32
        %sign3A_112 = arith.cmpi slt, %scan3A_108, %sign3A_111 : i32
        %sign3A_113 = arith.extui %sign3A_112 : i1 to i32
        %sign3A_114 = arith.subi %sign3A_110, %sign3A_113 : i32
        %sign3A_115 = arith.constant 0 : i32
        %sign3A_116 = arith.cmpi sgt, %jit3A, %sign3A_115 : i32
        %sign3A_117 = arith.extui %sign3A_116 : i1 to i32
        %sign3A_118 = arith.constant 0 : i32
        %sign3A_119 = arith.cmpi slt, %jit3A, %sign3A_118 : i32
        %sign3A_120 = arith.extui %sign3A_119 : i1 to i32
        %sign3A_121 = arith.subi %sign3A_117, %sign3A_120 : i32
        %ne3A = arith.cmpi ne, %sign3A_114, %sign3A_121 : i32
        %rem3A = arith.remsi %scan3A_108, %jit3A : i32
        %ne3A_122 = arith.constant 0 : i32
        %ne3A_123 = arith.cmpi ne, %rem3A, %ne3A_122 : i32
        %and3A = arith.andi %ne3A, %ne3A_123 : i1
        %sub3A = arith.constant 1 : i32
        %sub3A_124 = arith.subi %div3A, %sub3A : i32
        %select_n3A = arith.select %and3A, %sub3A_124, %div3A : i32
        %jit3A_125 = arith.constant 8 : i32
        %eq3A_126 = arith.constant 0 : i32
        %eq3A_127 = arith.cmpi eq, %jit3A_125, %eq3A_126 : i32
        %jit3A_128 = arith.constant 1 : i32
        %select_n3A_129 = arith.select %eq3A_127, %jit3A_128, %jit3A_125 : i32
        %rem3A_130 = arith.remsi %scan3A_108, %select_n3A_129 : i32
        %ne3A_131 = arith.constant 0 : i32
        %ne3A_132 = arith.cmpi ne, %rem3A_130, %ne3A_131 : i32
        %lt3A_133 = arith.constant 0 : i32
        %lt3A_134 = arith.cmpi slt, %rem3A_130, %lt3A_133 : i32
        %lt3A_135 = arith.constant 0 : i32
        %lt3A_136 = arith.cmpi slt, %select_n3A_129, %lt3A_135 : i32
        %ne3A_137 = arith.xori %lt3A_134, %lt3A_136 : i1
        %and3A_138 = arith.andi %ne3A_137, %ne3A_132 : i1
        %add3A_139 = arith.addi %rem3A_130, %select_n3A_129 : i32
        %select_n3A_140 = arith.select %and3A_138, %add3A_139, %rem3A_130 : i32
        %mul3A_141 = arith.constant 16 : i32
        %mul3A_142 = arith.muli %select_n3A_140, %mul3A_141 : i32
        %swap3A = arith.index_cast %select_n3A : i32 to index
        %swap3A_143 = arith.index_cast %mul3A_142 : i32 to index
        %swap3A_144 = tpu.vector_load %arg9[%swap3A, %swap3A_143] {strides = array<i32>} : memref<128x128xf32, #tpu.memory_space<vmem>>, vector<1x16xf32>,
        %swap3A_145 = vector.shape_cast %swap3A_144 : vector<1x16xf32> to vector<16xf32>
        %swap3A_146 = vector.shape_cast %broadcast_in_dim3A_95 : vector<16xf32> to vector<1x16xf32>
        tpu.vector_store %arg9[%swap3A, %swap3A_143], %swap3A_146 {strides = array<i32>} : memref<128x128xf32, #tpu.memory_space<vmem>>, vector<1x16xf32>,
      }
      %scan3A_101 = arith.constant 1024 : i32
      %scan3A_102 = arith.constant 0 : i32
      %scan3A_103 = arith.constant 0 : i32
      %scan3A_104 = arith.constant 5 : i32
      %scan3A_105 = arith.addi %scan3A_103, %scan3A_104 : i32
      %scan3A_106 = arith.constant 1 : i32
      scf.for %scan3A_108 = %scan3A_103 to %scan3A_105 step %scan3A_106  : i32 {
        %mul3A_109 = arith.constant 640 : i32
        %mul3A_110 = arith.muli %arg1, %mul3A_109 : i32
        %mul3A_111 = arith.constant 128 : i32
        %mul3A_112 = arith.muli %scan3A_108, %mul3A_111 : i32
        %add3A_113 = arith.addi %mul3A_110, %mul3A_112 : i32
        "tpu.region"() ({
          %run_scoped3A = tpu.sem_alloc : memref<!tpu.dma_semaphore, #tpu.memory_space<semaphore_mem>>
          %dma_start3A_114 = arith.constant 0 : i32
          %dma_start3A_115 = tpu.memref_slice %arg11[%add3A_113, %dma_start3A_114] : memref<10240x128xf32, #tpu.memory_space<vmem_shared>> -> memref<128x128xf32, #tpu.memory_space<vmem_shared>>
          %dma_start3A_116 = arith.constant 0 : i32
          %dma_start3A_117 = tpu.memref_slice %arg11[%add3A_113, %dma_start3A_116] : memref<10240x128xf32, #tpu.memory_space<vmem_shared>> -> memref<128x128xf32, #tpu.memory_space<vmem_shared>>
          tpu.enqueue_dma source(%arg9 : memref<128x128xf32, #tpu.memory_space<vmem>>) target(%dma_start3A_117 : memref<128x128xf32, #tpu.memory_space<vmem_shared>>) target_semaphore(%run_scoped3A : memref<!tpu.dma_semaphore, #tpu.memory_space<semaphore_mem>>)
          %dma_wait3A_118 = arith.constant 0 : i32
          %dma_wait3A_119 = tpu.memref_slice %arg11[%add3A_113, %dma_wait3A_118] : memref<10240x128xf32, #tpu.memory_space<vmem_shared>> -> memref<128x128xf32, #tpu.memory_space<vmem_shared>>
          %dma_wait3A_120 = arith.constant 0 : i32
          %dma_wait3A_121 = tpu.memref_slice %arg11[%add3A_113, %dma_wait3A_120] : memref<10240x128xf32, #tpu.memory_space<vmem_shared>> -> memref<128x128xf32, #tpu.memory_space<vmem_shared>>
          tpu.wait_dma2 semaphore(%run_scoped3A : memref<!tpu.dma_semaphore, #tpu.memory_space<semaphore_mem>>) src(%arg9 : memref<128x128xf32, #tpu.memory_space<vmem>>) dst(%dma_wait3A_121 : memref<128x128xf32, #tpu.memory_space<vmem_shared>>)
          tpu.yield
        }) : () -> ()
      }
      %scan3A_107 = arith.constant 5 : i32
    } else {
    }
    %dma_wait3A = arith.constant 0 : i32
    %dma_wait3A_34 = arith.constant 0 : i32
    %dma_wait3A_35 = tpu.memref_slice %arg7[%dma_wait3A, %dma_wait3A_34] : memref<4x128xi32, #tpu.memory_space<vmem>> -> memref<1x128xi32, #tpu.memory_space<vmem>>
    %dma_wait3A_36 = tpu.memref_squeeze %dma_wait3A_35 : memref<1x128xi32, #tpu.memory_space<vmem>> -> memref<128xi32, #tpu.memory_space<vmem>>
    %dma_wait3A_37 = arith.constant 0 : i32
    %dma_wait3A_38 = tpu.memref_slice %arg4[%dma_wait3A_37] : memref<7680xi32, #tpu.memory_space<hbm>> -> memref<128xi32, #tpu.memory_space<hbm>>
    %dma_wait3A_39 = arith.constant 0 : i32
    %dma_wait3A_40 = tpu.memref_slice %arg7[%dma_wait3A, %dma_wait3A_39] : memref<4x128xi32, #tpu.memory_space<vmem>> -> memref<1x128xi32, #tpu.memory_space<vmem>>
    %dma_wait3A_41 = tpu.memref_squeeze %dma_wait3A_40 : memref<1x128xi32, #tpu.memory_space<vmem>> -> memref<128xi32, #tpu.memory_space<vmem>>
    %dma_wait3A_42 = arith.constant 0 : i32
    %dma_wait3A_43 = tpu.memref_slice %arg4[%dma_wait3A_42] : memref<7680xi32, #tpu.memory_space<hbm>> -> memref<128xi32, #tpu.memory_space<hbm>>
    tpu.wait_dma2 semaphore(%arg12 : memref<!tpu.dma_semaphore, #tpu.memory_space<semaphore_mem>>) src(%dma_wait3A_43 : memref<128xi32, #tpu.memory_space<hbm>>) dst(%dma_wait3A_41 : memref<128xi32, #tpu.memory_space<vmem>>)
    %dma_wait3A_44 = arith.constant 0 : i32
    %dma_wait3A_45 = arith.constant 0 : i32
    %dma_wait3A_46 = tpu.memref_slice %arg8[%dma_wait3A_44, %dma_wait3A_45] : memref<4x128xi32, #tpu.memory_space<vmem>> -> memref<1x128xi32, #tpu.memory_space<vmem>>
    %dma_wait3A_47 = tpu.memref_squeeze %dma_wait3A_46 : memref<1x128xi32, #tpu.memory_space<vmem>> -> memref<128xi32, #tpu.memory_space<vmem>>
    %dma_wait3A_48 = arith.constant 0 : i32
    %dma_wait3A_49 = tpu.memref_slice %arg4[%dma_wait3A_48] : memref<7680xi32, #tpu.memory_space<hbm>> -> memref<128xi32, #tpu.memory_space<hbm>>
    %dma_wait3A_50 = arith.constant 0 : i32
    %dma_wait3A_51 = tpu.memref_slice %arg8[%dma_wait3A_44, %dma_wait3A_50] : memref<4x128xi32, #tpu.memory_space<vmem>> -> memref<1x128xi32, #tpu.memory_space<vmem>>
    %dma_wait3A_52 = tpu.memref_squeeze %dma_wait3A_51 : memref<1x128xi32, #tpu.memory_space<vmem>> -> memref<128xi32, #tpu.memory_space<vmem>>
    %dma_wait3A_53 = arith.constant 0 : i32
    %dma_wait3A_54 = tpu.memref_slice %arg4[%dma_wait3A_53] : memref<7680xi32, #tpu.memory_space<hbm>> -> memref<128xi32, #tpu.memory_space<hbm>>
    tpu.wait_dma2 semaphore(%arg12 : memref<!tpu.dma_semaphore, #tpu.memory_space<semaphore_mem>>) src(%dma_wait3A_54 : memref<128xi32, #tpu.memory_space<hbm>>) dst(%dma_wait3A_52 : memref<128xi32, #tpu.memory_space<vmem>>)
    %dma_wait3A_55 = arith.constant 1 : i32
    %dma_wait3A_56 = arith.constant 0 : i32
    %dma_wait3A_57 = tpu.memref_slice %arg7[%dma_wait3A_55, %dma_wait3A_56] : memref<4x128xi32, #tpu.memory_space<vmem>> -> memref<1x128xi32, #tpu.memory_space<vmem>>
    %dma_wait3A_58 = tpu.memref_squeeze %dma_wait3A_57 : memref<1x128xi32, #tpu.memory_space<vmem>> -> memref<128xi32, #tpu.memory_space<vmem>>
    %dma_wait3A_59 = arith.constant 0 : i32
    %dma_wait3A_60 = tpu.memref_slice %arg4[%dma_wait3A_59] : memref<7680xi32, #tpu.memory_space<hbm>> -> memref<128xi32, #tpu.memory_space<hbm>>
    %dma_wait3A_61 = arith.constant 0 : i32
    %dma_wait3A_62 = tpu.memref_slice %arg7[%dma_wait3A_55, %dma_wait3A_61] : memref<4x128xi32, #tpu.memory_space<vmem>> -> memref<1x128xi32, #tpu.memory_space<vmem>>
    %dma_wait3A_63 = tpu.memref_squeeze %dma_wait3A_62 : memref<1x128xi32, #tpu.memory_space<vmem>> -> memref<128xi32, #tpu.memory_space<vmem>>
    %dma_wait3A_64 = arith.constant 0 : i32
    %dma_wait3A_65 = tpu.memref_slice %arg4[%dma_wait3A_64] : memref<7680xi32, #tpu.memory_space<hbm>> -> memref<128xi32, #tpu.memory_space<hbm>>
    tpu.wait_dma2 semaphore(%arg12 : memref<!tpu.dma_semaphore, #tpu.memory_space<semaphore_mem>>) src(%dma_wait3A_65 : memref<128xi32, #tpu.memory_space<hbm>>) dst(%dma_wait3A_63 : memref<128xi32, #tpu.memory_space<vmem>>)
    %dma_wait3A_66 = arith.constant 1 : i32
    %dma_wait3A_67 = arith.constant 0 : i32
    %dma_wait3A_68 = tpu.memref_slice %arg8[%dma_wait3A_66, %dma_wait3A_67] : memref<4x128xi32, #tpu.memory_space<vmem>> -> memref<1x128xi32, #tpu.memory_space<vmem>>
    %dma_wait3A_69 = tpu.memref_squeeze %dma_wait3A_68 : memref<1x128xi32, #tpu.memory_space<vmem>> -> memref<128xi32, #tpu.memory_space<vmem>>
    %dma_wait3A_70 = arith.constant 0 : i32
    %dma_wait3A_71 = tpu.memref_slice %arg4[%dma_wait3A_70] : memref<7680xi32, #tpu.memory_space<hbm>> -> memref<128xi32, #tpu.memory_space<hbm>>
    %dma_wait3A_72 = arith.constant 0 : i32
    %dma_wait3A_73 = tpu.memref_slice %arg8[%dma_wait3A_66, %dma_wait3A_72] : memref<4x128xi32, #tpu.memory_space<vmem>> -> memref<1x128xi32, #tpu.memory_space<vmem>>
    %dma_wait3A_74 = tpu.memref_squeeze %dma_wait3A_73 : memref<1x128xi32, #tpu.memory_space<vmem>> -> memref<128xi32, #tpu.memory_space<vmem>>
    %dma_wait3A_75 = arith.constant 0 : i32
    %dma_wait3A_76 = tpu.memref_slice %arg4[%dma_wait3A_75] : memref<7680xi32, #tpu.memory_space<hbm>> -> memref<128xi32, #tpu.memory_space<hbm>>
    tpu.wait_dma2 semaphore(%arg12 : memref<!tpu.dma_semaphore, #tpu.memory_space<semaphore_mem>>) src(%dma_wait3A_76 : memref<128xi32, #tpu.memory_space<hbm>>) dst(%dma_wait3A_74 : memref<128xi32, #tpu.memory_space<vmem>>)
    %barrier3A = arith.constant 0 : index
    tpu.barrier barrier_id(%barrier3A)
    %dma_start3A = arith.constant 0 : i32
    %dma_start3A_77 = arith.constant 0 : i32
    %dma_start3A_78 = tpu.memref_slice %arg7[%dma_start3A, %dma_start3A_77] : memref<4x128xi32, #tpu.memory_space<vmem>> -> memref<1x128xi32, #tpu.memory_space<vmem>>
    %dma_start3A_79 = tpu.memref_squeeze %dma_start3A_78 : memref<1x128xi32, #tpu.memory_space<vmem>> -> memref<128xi32, #tpu.memory_space<vmem>>
    %dma_start3A_80 = arith.constant 0 : i32
    %dma_start3A_81 = arith.constant 0 : i32
    %dma_start3A_82 = tpu.memref_slice %arg2[%dma_start3A_80, %dma_start3A_81] : memref<10000x128xf32, #tpu.memory_space<hbm>> -> memref<10000x128xf32, #tpu.memory_space<hbm>>
    tpu.enqueue_indirect_dma source(%dma_start3A_82 : memref<10000x128xf32, #tpu.memory_space<hbm>>) target(%arg9 : memref<128x128xf32, #tpu.memory_space<vmem>>) offsets(%dma_start3A_79 : memref<128xi32, #tpu.memory_space<vmem>>) semaphore(%arg13 : memref<!tpu.dma_semaphore, #tpu.memory_space<semaphore_mem>>)
    %scan3A = arith.constant 0 : i32
    %scan3A_83 = arith.constant 0 : i32
    %scan3A_84 = arith.constant 40 : i32
    %scan3A_85 = arith.addi %scan3A_83, %scan3A_84 : i32
    %scan3A_86 = arith.constant 1 : i32
    scf.for %scan3A_95 = %scan3A_83 to %scan3A_85 step %scan3A_86  : i32 {
      %mul3A_96 = arith.constant 2 : i32
      %mul3A_97 = arith.muli %scan3A_95, %mul3A_96 : i32
      %lt3A_98 = arith.constant 39 : i32
      %lt3A_99 = arith.cmpi slt, %scan3A_95, %lt3A_98 : i32
      %convert_element_type3A_100 = arith.extui %lt3A_99 : i1 to i32
      %cond3A_101 = arith.constant 0 : i32
      %cond3A_102 = arith.cmpi ne, %convert_element_type3A_100, %cond3A_101 : i32
      scf.if %cond3A_102 {
        %add3A_207 = arith.constant 2 : i32
        %add3A_208 = arith.addi %mul3A_97, %add3A_207 : i32
        %jit3A_209 = arith.constant 4 : i32
        %eq3A_210 = arith.constant 0 : i32
        %eq3A_211 = arith.cmpi eq, %jit3A_209, %eq3A_210 : i32
        %jit3A_212 = arith.constant 1 : i32
        %select_n3A_213 = arith.select %eq3A_211, %jit3A_212, %jit3A_209 : i32
        %rem3A_214 = arith.remsi %add3A_208, %select_n3A_213 : i32
        %ne3A_215 = arith.constant 0 : i32
        %ne3A_216 = arith.cmpi ne, %rem3A_214, %ne3A_215 : i32
        %lt3A_217 = arith.constant 0 : i32
        %lt3A_218 = arith.cmpi slt, %rem3A_214, %lt3A_217 : i32
        %lt3A_219 = arith.constant 0 : i32
        %lt3A_220 = arith.cmpi slt, %select_n3A_213, %lt3A_219 : i32
        %ne3A_221 = arith.xori %lt3A_218, %lt3A_220 : i1
        %and3A_222 = arith.andi %ne3A_221, %ne3A_216 : i1
        %add3A_223 = arith.addi %rem3A_214, %select_n3A_213 : i32
        %select_n3A_224 = arith.select %and3A_222, %add3A_223, %rem3A_214 : i32
        %mul3A_225 = arith.constant 128 : i32
        %mul3A_226 = arith.muli %add3A_208, %mul3A_225 : i32
        %add3A_227 = arith.addi %mul3A_4, %mul3A_226 : i32
        %lt3A_228 = arith.constant 320000 : i32
        %lt3A_229 = arith.cmpi slt, %add3A_227, %lt3A_228 : i32
        %convert_element_type3A_230 = arith.extui %lt3A_229 : i1 to i32
        %cond3A_231 = arith.constant 0 : i32
        %cond3A_232 = arith.cmpi ne, %convert_element_type3A_230, %cond3A_231 : i32
        scf.if %cond3A_232 {
          %dma_start3A_269 = arith.constant 0 : i32
          %dma_start3A_270 = arith.constant 0 : i32
          %dma_start3A_271 = tpu.memref_slice %arg7[%select_n3A_224, %dma_start3A_270] : memref<4x128xi32, #tpu.memory_space<vmem>> -> memref<1x128xi32, #tpu.memory_space<vmem>>
          %dma_start3A_272 = tpu.memref_squeeze %dma_start3A_271 : memref<1x128xi32, #tpu.memory_space<vmem>> -> memref<128xi32, #tpu.memory_space<vmem>>
          %dma_start3A_273 = tpu.memref_slice %arg3[%dma_start3A_269, %add3A_227] : memref<2x320000xi32, #tpu.memory_space<hbm>> -> memref<1x128xi32, #tpu.memory_space<hbm>>
          %dma_start3A_274 = tpu.memref_squeeze %dma_start3A_273 : memref<1x128xi32, #tpu.memory_space<hbm>> -> memref<128xi32, #tpu.memory_space<hbm>>
          %dma_start3A_275 = arith.constant 0 : i32
          %dma_start3A_276 = tpu.memref_slice %arg7[%select_n3A_224, %dma_start3A_275] : memref<4x128xi32, #tpu.memory_space<vmem>> -> memref<1x128xi32, #tpu.memory_space<vmem>>
          %dma_start3A_277 = tpu.memref_squeeze %dma_start3A_276 : memref<1x128xi32, #tpu.memory_space<vmem>> -> memref<128xi32, #tpu.memory_space<vmem>>
          %dma_start3A_278 = tpu.memref_slice %arg3[%dma_start3A_269, %add3A_227] : memref<2x320000xi32, #tpu.memory_space<hbm>> -> memref<1x128xi32, #tpu.memory_space<hbm>>
          %dma_start3A_279 = tpu.memref_squeeze %dma_start3A_278 : memref<1x128xi32, #tpu.memory_space<hbm>> -> memref<128xi32, #tpu.memory_space<hbm>>
          tpu.enqueue_dma source(%dma_start3A_279 : memref<128xi32, #tpu.memory_space<hbm>>) target(%dma_start3A_277 : memref<128xi32, #tpu.memory_space<vmem>>) target_semaphore(%arg12 : memref<!tpu.dma_semaphore, #tpu.memory_space<semaphore_mem>>)
          %dma_start3A_280 = arith.constant 1 : i32
          %dma_start3A_281 = arith.constant 0 : i32
          %dma_start3A_282 = tpu.memref_slice %arg8[%select_n3A_224, %dma_start3A_281] : memref<4x128xi32, #tpu.memory_space<vmem>> -> memref<1x128xi32, #tpu.memory_space<vmem>>
          %dma_start3A_283 = tpu.memref_squeeze %dma_start3A_282 : memref<1x128xi32, #tpu.memory_space<vmem>> -> memref<128xi32, #tpu.memory_space<vmem>>
          %dma_start3A_284 = tpu.memref_slice %arg3[%dma_start3A_280, %add3A_227] : memref<2x320000xi32, #tpu.memory_space<hbm>> -> memref<1x128xi32, #tpu.memory_space<hbm>>
          %dma_start3A_285 = tpu.memref_squeeze %dma_start3A_284 : memref<1x128xi32, #tpu.memory_space<hbm>> -> memref<128xi32, #tpu.memory_space<hbm>>
          %dma_start3A_286 = arith.constant 0 : i32
          %dma_start3A_287 = tpu.memref_slice %arg8[%select_n3A_224, %dma_start3A_286] : memref<4x128xi32, #tpu.memory_space<vmem>> -> memref<1x128xi32, #tpu.memory_space<vmem>>
          %dma_start3A_288 = tpu.memref_squeeze %dma_start3A_287 : memref<1x128xi32, #tpu.memory_space<vmem>> -> memref<128xi32, #tpu.memory_space<vmem>>
          %dma_start3A_289 = tpu.memref_slice %arg3[%dma_start3A_280, %add3A_227] : memref<2x320000xi32, #tpu.memory_space<hbm>> -> memref<1x128xi32, #tpu.memory_space<hbm>>
          %dma_start3A_290 = tpu.memref_squeeze %dma_start3A_289 : memref<1x128xi32, #tpu.memory_space<hbm>> -> memref<128xi32, #tpu.memory_space<hbm>>
          tpu.enqueue_dma source(%dma_start3A_290 : memref<128xi32, #tpu.memory_space<hbm>>) target(%dma_start3A_288 : memref<128xi32, #tpu.memory_space<vmem>>) target_semaphore(%arg12 : memref<!tpu.dma_semaphore, #tpu.memory_space<semaphore_mem>>)
        } else {
        }
        %ge3A_233 = arith.constant 320000 : i32
        %ge3A_234 = arith.cmpi sge, %add3A_227, %ge3A_233 : i32
        %convert_element_type3A_235 = arith.extui %ge3A_234 : i1 to i32
        %cond3A_236 = arith.constant 0 : i32
        %cond3A_237 = arith.cmpi ne, %convert_element_type3A_235, %cond3A_236 : i32
        scf.if %cond3A_237 {
          %sub3A = arith.constant 320000 : i32
          %sub3A_269 = arith.subi %add3A_227, %sub3A : i32
          %dma_start3A_270 = arith.constant 0 : i32
          %dma_start3A_271 = tpu.memref_slice %arg7[%select_n3A_224, %dma_start3A_270] : memref<4x128xi32, #tpu.memory_space<vmem>> -> memref<1x128xi32, #tpu.memory_space<vmem>>
          %dma_start3A_272 = tpu.memref_squeeze %dma_start3A_271 : memref<1x128xi32, #tpu.memory_space<vmem>> -> memref<128xi32, #tpu.memory_space<vmem>>
          %dma_start3A_273 = tpu.memref_slice %arg4[%sub3A_269] : memref<7680xi32, #tpu.memory_space<hbm>> -> memref<128xi32, #tpu.memory_space<hbm>>
          %dma_start3A_274 = arith.constant 0 : i32
          %dma_start3A_275 = tpu.memref_slice %arg7[%select_n3A_224, %dma_start3A_274] : memref<4x128xi32, #tpu.memory_space<vmem>> -> memref<1x128xi32, #tpu.memory_space<vmem>>
          %dma_start3A_276 = tpu.memref_squeeze %dma_start3A_275 : memref<1x128xi32, #tpu.memory_space<vmem>> -> memref<128xi32, #tpu.memory_space<vmem>>
          %dma_start3A_277 = tpu.memref_slice %arg4[%sub3A_269] : memref<7680xi32, #tpu.memory_space<hbm>> -> memref<128xi32, #tpu.memory_space<hbm>>
          tpu.enqueue_dma source(%dma_start3A_277 : memref<128xi32, #tpu.memory_space<hbm>>) target(%dma_start3A_276 : memref<128xi32, #tpu.memory_space<vmem>>) target_semaphore(%arg12 : memref<!tpu.dma_semaphore, #tpu.memory_space<semaphore_mem>>)
          %sub3A_278 = arith.constant 320000 : i32
          %sub3A_279 = arith.subi %add3A_227, %sub3A_278 : i32
          %dma_start3A_280 = arith.constant 0 : i32
          %dma_start3A_281 = tpu.memref_slice %arg8[%select_n3A_224, %dma_start3A_280] : memref<4x128xi32, #tpu.memory_space<vmem>> -> memref<1x128xi32, #tpu.memory_space<vmem>>
          %dma_start3A_282 = tpu.memref_squeeze %dma_start3A_281 : memref<1x128xi32, #tpu.memory_space<vmem>> -> memref<128xi32, #tpu.memory_space<vmem>>
          %dma_start3A_283 = tpu.memref_slice %arg5[%sub3A_279] : memref<7680xi32, #tpu.memory_space<hbm>> -> memref<128xi32, #tpu.memory_space<hbm>>
          %dma_start3A_284 = arith.constant 0 : i32
          %dma_start3A_285 = tpu.memref_slice %arg8[%select_n3A_224, %dma_start3A_284] : memref<4x128xi32, #tpu.memory_space<vmem>> -> memref<1x128xi32, #tpu.memory_space<vmem>>
          %dma_start3A_286 = tpu.memref_squeeze %dma_start3A_285 : memref<1x128xi32, #tpu.memory_space<vmem>> -> memref<128xi32, #tpu.memory_space<vmem>>
          %dma_start3A_287 = tpu.memref_slice %arg5[%sub3A_279] : memref<7680xi32, #tpu.memory_space<hbm>> -> memref<128xi32, #tpu.memory_space<hbm>>
          tpu.enqueue_dma source(%dma_start3A_287 : memref<128xi32, #tpu.memory_space<hbm>>) target(%dma_start3A_286 : memref<128xi32, #tpu.memory_space<vmem>>) target_semaphore(%arg12 : memref<!tpu.dma_semaphore, #tpu.memory_space<semaphore_mem>>)
        } else {
        }
        %add3A_238 = arith.constant 3 : i32
        %add3A_239 = arith.addi %mul3A_97, %add3A_238 : i32
        %jit3A_240 = arith.constant 4 : i32
        %eq3A_241 = arith.constant 0 : i32
        %eq3A_242 = arith.cmpi eq, %jit3A_240, %eq3A_241 : i32
        %jit3A_243 = arith.constant 1 : i32
        %select_n3A_244 = arith.select %eq3A_242, %jit3A_243, %jit3A_240 : i32
        %rem3A_245 = arith.remsi %add3A_239, %select_n3A_244 : i32
        %ne3A_246 = arith.constant 0 : i32
        %ne3A_247 = arith.cmpi ne, %rem3A_245, %ne3A_246 : i32
        %lt3A_248 = arith.constant 0 : i32
        %lt3A_249 = arith.cmpi slt, %rem3A_245, %lt3A_248 : i32
        %lt3A_250 = arith.constant 0 : i32
        %lt3A_251 = arith.cmpi slt, %select_n3A_244, %lt3A_250 : i32
        %ne3A_252 = arith.xori %lt3A_249, %lt3A_251 : i1
        %and3A_253 = arith.andi %ne3A_252, %ne3A_247 : i1
        %add3A_254 = arith.addi %rem3A_245, %select_n3A_244 : i32
        %select_n3A_255 = arith.select %and3A_253, %add3A_254, %rem3A_245 : i32
        %mul3A_256 = arith.constant 128 : i32
        %mul3A_257 = arith.muli %add3A_239, %mul3A_256 : i32
        %add3A_258 = arith.addi %mul3A_4, %mul3A_257 : i32
        %lt3A_259 = arith.constant 320000 : i32
        %lt3A_260 = arith.cmpi slt, %add3A_258, %lt3A_259 : i32
        %convert_element_type3A_261 = arith.extui %lt3A_260 : i1 to i32
        %cond3A_262 = arith.constant 0 : i32
        %cond3A_263 = arith.cmpi ne, %convert_element_type3A_261, %cond3A_262 : i32
        scf.if %cond3A_263 {
          %dma_start3A_269 = arith.constant 0 : i32
          %dma_start3A_270 = arith.constant 0 : i32
          %dma_start3A_271 = tpu.memref_slice %arg7[%select_n3A_255, %dma_start3A_270] : memref<4x128xi32, #tpu.memory_space<vmem>> -> memref<1x128xi32, #tpu.memory_space<vmem>>
          %dma_start3A_272 = tpu.memref_squeeze %dma_start3A_271 : memref<1x128xi32, #tpu.memory_space<vmem>> -> memref<128xi32, #tpu.memory_space<vmem>>
          %dma_start3A_273 = tpu.memref_slice %arg3[%dma_start3A_269, %add3A_258] : memref<2x320000xi32, #tpu.memory_space<hbm>> -> memref<1x128xi32, #tpu.memory_space<hbm>>
          %dma_start3A_274 = tpu.memref_squeeze %dma_start3A_273 : memref<1x128xi32, #tpu.memory_space<hbm>> -> memref<128xi32, #tpu.memory_space<hbm>>
          %dma_start3A_275 = arith.constant 0 : i32
          %dma_start3A_276 = tpu.memref_slice %arg7[%select_n3A_255, %dma_start3A_275] : memref<4x128xi32, #tpu.memory_space<vmem>> -> memref<1x128xi32, #tpu.memory_space<vmem>>
          %dma_start3A_277 = tpu.memref_squeeze %dma_start3A_276 : memref<1x128xi32, #tpu.memory_space<vmem>> -> memref<128xi32, #tpu.memory_space<vmem>>
          %dma_start3A_278 = tpu.memref_slice %arg3[%dma_start3A_269, %add3A_258] : memref<2x320000xi32, #tpu.memory_space<hbm>> -> memref<1x128xi32, #tpu.memory_space<hbm>>
          %dma_start3A_279 = tpu.memref_squeeze %dma_start3A_278 : memref<1x128xi32, #tpu.memory_space<hbm>> -> memref<128xi32, #tpu.memory_space<hbm>>
          tpu.enqueue_dma source(%dma_start3A_279 : memref<128xi32, #tpu.memory_space<hbm>>) target(%dma_start3A_277 : memref<128xi32, #tpu.memory_space<vmem>>) target_semaphore(%arg12 : memref<!tpu.dma_semaphore, #tpu.memory_space<semaphore_mem>>)
          %dma_start3A_280 = arith.constant 1 : i32
          %dma_start3A_281 = arith.constant 0 : i32
          %dma_start3A_282 = tpu.memref_slice %arg8[%select_n3A_255, %dma_start3A_281] : memref<4x128xi32, #tpu.memory_space<vmem>> -> memref<1x128xi32, #tpu.memory_space<vmem>>
          %dma_start3A_283 = tpu.memref_squeeze %dma_start3A_282 : memref<1x128xi32, #tpu.memory_space<vmem>> -> memref<128xi32, #tpu.memory_space<vmem>>
          %dma_start3A_284 = tpu.memref_slice %arg3[%dma_start3A_280, %add3A_258] : memref<2x320000xi32, #tpu.memory_space<hbm>> -> memref<1x128xi32, #tpu.memory_space<hbm>>
          %dma_start3A_285 = tpu.memref_squeeze %dma_start3A_284 : memref<1x128xi32, #tpu.memory_space<hbm>> -> memref<128xi32, #tpu.memory_space<hbm>>
          %dma_start3A_286 = arith.constant 0 : i32
          %dma_start3A_287 = tpu.memref_slice %arg8[%select_n3A_255, %dma_start3A_286] : memref<4x128xi32, #tpu.memory_space<vmem>> -> memref<1x128xi32, #tpu.memory_space<vmem>>
          %dma_start3A_288 = tpu.memref_squeeze %dma_start3A_287 : memref<1x128xi32, #tpu.memory_space<vmem>> -> memref<128xi32, #tpu.memory_space<vmem>>
          %dma_start3A_289 = tpu.memref_slice %arg3[%dma_start3A_280, %add3A_258] : memref<2x320000xi32, #tpu.memory_space<hbm>> -> memref<1x128xi32, #tpu.memory_space<hbm>>
          %dma_start3A_290 = tpu.memref_squeeze %dma_start3A_289 : memref<1x128xi32, #tpu.memory_space<hbm>> -> memref<128xi32, #tpu.memory_space<hbm>>
          tpu.enqueue_dma source(%dma_start3A_290 : memref<128xi32, #tpu.memory_space<hbm>>) target(%dma_start3A_288 : memref<128xi32, #tpu.memory_space<vmem>>) target_semaphore(%arg12 : memref<!tpu.dma_semaphore, #tpu.memory_space<semaphore_mem>>)
        } else {
        }
        %ge3A_264 = arith.constant 320000 : i32
        %ge3A_265 = arith.cmpi sge, %add3A_258, %ge3A_264 : i32
        %convert_element_type3A_266 = arith.extui %ge3A_265 : i1 to i32
        %cond3A_267 = arith.constant 0 : i32
        %cond3A_268 = arith.cmpi ne, %convert_element_type3A_266, %cond3A_267 : i32
        scf.if %cond3A_268 {
          %sub3A = arith.constant 320000 : i32
          %sub3A_269 = arith.subi %add3A_258, %sub3A : i32
          %dma_start3A_270 = arith.constant 0 : i32
          %dma_start3A_271 = tpu.memref_slice %arg7[%select_n3A_255, %dma_start3A_270] : memref<4x128xi32, #tpu.memory_space<vmem>> -> memref<1x128xi32, #tpu.memory_space<vmem>>
          %dma_start3A_272 = tpu.memref_squeeze %dma_start3A_271 : memref<1x128xi32, #tpu.memory_space<vmem>> -> memref<128xi32, #tpu.memory_space<vmem>>
          %dma_start3A_273 = tpu.memref_slice %arg4[%sub3A_269] : memref<7680xi32, #tpu.memory_space<hbm>> -> memref<128xi32, #tpu.memory_space<hbm>>
          %dma_start3A_274 = arith.constant 0 : i32
          %dma_start3A_275 = tpu.memref_slice %arg7[%select_n3A_255, %dma_start3A_274] : memref<4x128xi32, #tpu.memory_space<vmem>> -> memref<1x128xi32, #tpu.memory_space<vmem>>
          %dma_start3A_276 = tpu.memref_squeeze %dma_start3A_275 : memref<1x128xi32, #tpu.memory_space<vmem>> -> memref<128xi32, #tpu.memory_space<vmem>>
          %dma_start3A_277 = tpu.memref_slice %arg4[%sub3A_269] : memref<7680xi32, #tpu.memory_space<hbm>> -> memref<128xi32, #tpu.memory_space<hbm>>
          tpu.enqueue_dma source(%dma_start3A_277 : memref<128xi32, #tpu.memory_space<hbm>>) target(%dma_start3A_276 : memref<128xi32, #tpu.memory_space<vmem>>) target_semaphore(%arg12 : memref<!tpu.dma_semaphore, #tpu.memory_space<semaphore_mem>>)
          %sub3A_278 = arith.constant 320000 : i32
          %sub3A_279 = arith.subi %add3A_258, %sub3A_278 : i32
          %dma_start3A_280 = arith.constant 0 : i32
          %dma_start3A_281 = tpu.memref_slice %arg8[%select_n3A_255, %dma_start3A_280] : memref<4x128xi32, #tpu.memory_space<vmem>> -> memref<1x128xi32, #tpu.memory_space<vmem>>
          %dma_start3A_282 = tpu.memref_squeeze %dma_start3A_281 : memref<1x128xi32, #tpu.memory_space<vmem>> -> memref<128xi32, #tpu.memory_space<vmem>>
          %dma_start3A_283 = tpu.memref_slice %arg5[%sub3A_279] : memref<7680xi32, #tpu.memory_space<hbm>> -> memref<128xi32, #tpu.memory_space<hbm>>
          %dma_start3A_284 = arith.constant 0 : i32
          %dma_start3A_285 = tpu.memref_slice %arg8[%select_n3A_255, %dma_start3A_284] : memref<4x128xi32, #tpu.memory_space<vmem>> -> memref<1x128xi32, #tpu.memory_space<vmem>>
          %dma_start3A_286 = tpu.memref_squeeze %dma_start3A_285 : memref<1x128xi32, #tpu.memory_space<vmem>> -> memref<128xi32, #tpu.memory_space<vmem>>
          %dma_start3A_287 = tpu.memref_slice %arg5[%sub3A_279] : memref<7680xi32, #tpu.memory_space<hbm>> -> memref<128xi32, #tpu.memory_space<hbm>>
          tpu.enqueue_dma source(%dma_start3A_287 : memref<128xi32, #tpu.memory_space<hbm>>) target(%dma_start3A_286 : memref<128xi32, #tpu.memory_space<vmem>>) target_semaphore(%arg12 : memref<!tpu.dma_semaphore, #tpu.memory_space<semaphore_mem>>)
        } else {
        }
      } else {
      }
      %add3A_103 = arith.constant 1 : i32
      %add3A_104 = arith.addi %mul3A_97, %add3A_103 : i32
      %jit3A = arith.constant 4 : i32
      %eq3A_105 = arith.constant 0 : i32
      %eq3A_106 = arith.cmpi eq, %jit3A, %eq3A_105 : i32
      %jit3A_107 = arith.constant 1 : i32
      %select_n3A = arith.select %eq3A_106, %jit3A_107, %jit3A : i32
      %rem3A = arith.remsi %add3A_104, %select_n3A : i32
      %ne3A = arith.constant 0 : i32
      %ne3A_108 = arith.cmpi ne, %rem3A, %ne3A : i32
      %lt3A_109 = arith.constant 0 : i32
      %lt3A_110 = arith.cmpi slt, %rem3A, %lt3A_109 : i32
      %lt3A_111 = arith.constant 0 : i32
      %lt3A_112 = arith.cmpi slt, %select_n3A, %lt3A_111 : i32
      %ne3A_113 = arith.xori %lt3A_110, %lt3A_112 : i1
      %and3A = arith.andi %ne3A_113, %ne3A_108 : i1
      %add3A_114 = arith.addi %rem3A, %select_n3A : i32
      %select_n3A_115 = arith.select %and3A, %add3A_114, %rem3A : i32
      %dma_start3A_116 = arith.constant 0 : i32
      %dma_start3A_117 = tpu.memref_slice %arg7[%select_n3A_115, %dma_start3A_116] : memref<4x128xi32, #tpu.memory_space<vmem>> -> memref<1x128xi32, #tpu.memory_space<vmem>>
      %dma_start3A_118 = tpu.memref_squeeze %dma_start3A_117 : memref<1x128xi32, #tpu.memory_space<vmem>> -> memref<128xi32, #tpu.memory_space<vmem>>
      %dma_start3A_119 = arith.constant 0 : i32
      %dma_start3A_120 = arith.constant 0 : i32
      %dma_start3A_121 = tpu.memref_slice %arg2[%dma_start3A_119, %dma_start3A_120] : memref<10000x128xf32, #tpu.memory_space<hbm>> -> memref<10000x128xf32, #tpu.memory_space<hbm>>
      tpu.enqueue_indirect_dma source(%dma_start3A_121 : memref<10000x128xf32, #tpu.memory_space<hbm>>) target(%arg10 : memref<128x128xf32, #tpu.memory_space<vmem>>) offsets(%dma_start3A_118 : memref<128xi32, #tpu.memory_space<vmem>>) semaphore(%arg14 : memref<!tpu.dma_semaphore, #tpu.memory_space<semaphore_mem>>)
      %jit3A_122 = arith.constant 4 : i32
      %eq3A_123 = arith.constant 0 : i32
      %eq3A_124 = arith.cmpi eq, %jit3A_122, %eq3A_123 : i32
      %jit3A_125 = arith.constant 1 : i32
      %select_n3A_126 = arith.select %eq3A_124, %jit3A_125, %jit3A_122 : i32
      %rem3A_127 = arith.remsi %mul3A_97, %select_n3A_126 : i32
      %ne3A_128 = arith.constant 0 : i32
      %ne3A_129 = arith.cmpi ne, %rem3A_127, %ne3A_128 : i32
      %lt3A_130 = arith.constant 0 : i32
      %lt3A_131 = arith.cmpi slt, %rem3A_127, %lt3A_130 : i32
      %lt3A_132 = arith.constant 0 : i32
      %lt3A_133 = arith.cmpi slt, %select_n3A_126, %lt3A_132 : i32
      %ne3A_134 = arith.xori %lt3A_131, %lt3A_133 : i1
      %and3A_135 = arith.andi %ne3A_134, %ne3A_129 : i1
      %add3A_136 = arith.addi %rem3A_127, %select_n3A_126 : i32
      %select_n3A_137 = arith.select %and3A_135, %add3A_136, %rem3A_127 : i32
      %dma_wait3A_138 = arith.constant 0 : i32
      %dma_wait3A_139 = tpu.memref_slice %arg7[%select_n3A_137, %dma_wait3A_138] : memref<4x128xi32, #tpu.memory_space<vmem>> -> memref<1x128xi32, #tpu.memory_space<vmem>>
      %dma_wait3A_140 = tpu.memref_squeeze %dma_wait3A_139 : memref<1x128xi32, #tpu.memory_space<vmem>> -> memref<128xi32, #tpu.memory_space<vmem>>
      %dma_wait3A_141 = arith.constant 0 : i32
      %dma_wait3A_142 = arith.constant 0 : i32
      %dma_wait3A_143 = tpu.memref_slice %arg2[%dma_wait3A_141, %dma_wait3A_142] : memref<10000x128xf32, #tpu.memory_space<hbm>> -> memref<10000x128xf32, #tpu.memory_space<hbm>>
      tpu.wait_indirect_dma semaphore(%arg13 : memref<!tpu.dma_semaphore, #tpu.memory_space<semaphore_mem>>) src(%dma_wait3A_143 : memref<10000x128xf32, #tpu.memory_space<hbm>>) dst(%arg9 : memref<128x128xf32, #tpu.memory_space<vmem>>)
      %jit3A_144 = arith.constant 4 : i32
      %eq3A_145 = arith.constant 0 : i32
      %eq3A_146 = arith.cmpi eq, %jit3A_144, %eq3A_145 : i32
      %jit3A_147 = arith.constant 1 : i32
      %select_n3A_148 = arith.select %eq3A_146, %jit3A_147, %jit3A_144 : i32
      %rem3A_149 = arith.remsi %mul3A_97, %select_n3A_148 : i32
      %ne3A_150 = arith.constant 0 : i32
      %ne3A_151 = arith.cmpi ne, %rem3A_149, %ne3A_150 : i32
      %lt3A_152 = arith.constant 0 : i32
      %lt3A_153 = arith.cmpi slt, %rem3A_149, %lt3A_152 : i32
      %lt3A_154 = arith.constant 0 : i32
      %lt3A_155 = arith.cmpi slt, %select_n3A_148, %lt3A_154 : i32
      %ne3A_156 = arith.xori %lt3A_153, %lt3A_155 : i1
      %and3A_157 = arith.andi %ne3A_156, %ne3A_151 : i1
      %add3A_158 = arith.addi %rem3A_149, %select_n3A_148 : i32
      %select_n3A_159 = arith.select %and3A_157, %add3A_158, %rem3A_149 : i32
      "tpu.region"() ({
        %run_scoped3A = tpu.sem_alloc : memref<!tpu.dma_semaphore, #tpu.memory_space<semaphore_mem>>
        %dma_start3A_207 = arith.constant 0 : i32
        %dma_start3A_208 = tpu.memref_slice %arg8[%select_n3A_159, %dma_start3A_207] : memref<4x128xi32, #tpu.memory_space<vmem>> -> memref<1x128xi32, #tpu.memory_space<vmem>>
        %dma_start3A_209 = tpu.memref_squeeze %dma_start3A_208 : memref<1x128xi32, #tpu.memory_space<vmem>> -> memref<128xi32, #tpu.memory_space<vmem>>
        %dma_start3A_210 = arith.constant 0 : i32
        %dma_start3A_211 = arith.constant 0 : i32
        %dma_start3A_212 = tpu.memref_slice %arg11[%dma_start3A_210, %dma_start3A_211] : memref<10240x128xf32, #tpu.memory_space<vmem_shared>> -> memref<10240x128xf32, #tpu.memory_space<vmem_shared>>
        tpu.enqueue_indirect_dma source(%arg9 : memref<128x128xf32, #tpu.memory_space<vmem>>) target(%dma_start3A_212 : memref<10240x128xf32, #tpu.memory_space<vmem_shared>>) offsets(%dma_start3A_209 : memref<128xi32, #tpu.memory_space<vmem>>) semaphore(%run_scoped3A : memref<!tpu.dma_semaphore, #tpu.memory_space<semaphore_mem>>) {add = true}
        %dma_wait3A_213 = arith.constant 0 : i32
        %dma_wait3A_214 = tpu.memref_slice %arg8[%select_n3A_159, %dma_wait3A_213] : memref<4x128xi32, #tpu.memory_space<vmem>> -> memref<1x128xi32, #tpu.memory_space<vmem>>
        %dma_wait3A_215 = tpu.memref_squeeze %dma_wait3A_214 : memref<1x128xi32, #tpu.memory_space<vmem>> -> memref<128xi32, #tpu.memory_space<vmem>>
        %dma_wait3A_216 = arith.constant 0 : i32
        %dma_wait3A_217 = arith.constant 0 : i32
        %dma_wait3A_218 = tpu.memref_slice %arg11[%dma_wait3A_216, %dma_wait3A_217] : memref<10240x128xf32, #tpu.memory_space<vmem_shared>> -> memref<10240x128xf32, #tpu.memory_space<vmem_shared>>
        tpu.wait_indirect_dma semaphore(%run_scoped3A : memref<!tpu.dma_semaphore, #tpu.memory_space<semaphore_mem>>) src(%arg9 : memref<128x128xf32, #tpu.memory_space<vmem>>) dst(%dma_wait3A_218 : memref<10240x128xf32, #tpu.memory_space<vmem_shared>>)
        tpu.yield
      }) : () -> ()
      %lt3A_160 = arith.constant 39 : i32
      %lt3A_161 = arith.cmpi slt, %scan3A_95, %lt3A_160 : i32
      %convert_element_type3A_162 = arith.extui %lt3A_161 : i1 to i32
      %cond3A_163 = arith.constant 0 : i32
      %cond3A_164 = arith.cmpi ne, %convert_element_type3A_162, %cond3A_163 : i32
      scf.if %cond3A_164 {
        %add3A_207 = arith.constant 2 : i32
        %add3A_208 = arith.addi %mul3A_97, %add3A_207 : i32
        %jit3A_209 = arith.constant 4 : i32
        %eq3A_210 = arith.constant 0 : i32
        %eq3A_211 = arith.cmpi eq, %jit3A_209, %eq3A_210 : i32
        %jit3A_212 = arith.constant 1 : i32
        %select_n3A_213 = arith.select %eq3A_211, %jit3A_212, %jit3A_209 : i32
        %rem3A_214 = arith.remsi %add3A_208, %select_n3A_213 : i32
        %ne3A_215 = arith.constant 0 : i32
        %ne3A_216 = arith.cmpi ne, %rem3A_214, %ne3A_215 : i32
        %lt3A_217 = arith.constant 0 : i32
        %lt3A_218 = arith.cmpi slt, %rem3A_214, %lt3A_217 : i32
        %lt3A_219 = arith.constant 0 : i32
        %lt3A_220 = arith.cmpi slt, %select_n3A_213, %lt3A_219 : i32
        %ne3A_221 = arith.xori %lt3A_218, %lt3A_220 : i1
        %and3A_222 = arith.andi %ne3A_221, %ne3A_216 : i1
        %add3A_223 = arith.addi %rem3A_214, %select_n3A_213 : i32
        %select_n3A_224 = arith.select %and3A_222, %add3A_223, %rem3A_214 : i32
        %dma_wait3A_225 = arith.constant 0 : i32
        %dma_wait3A_226 = tpu.memref_slice %arg7[%select_n3A_224, %dma_wait3A_225] : memref<4x128xi32, #tpu.memory_space<vmem>> -> memref<1x128xi32, #tpu.memory_space<vmem>>
        %dma_wait3A_227 = tpu.memref_squeeze %dma_wait3A_226 : memref<1x128xi32, #tpu.memory_space<vmem>> -> memref<128xi32, #tpu.memory_space<vmem>>
        %dma_wait3A_228 = arith.constant 0 : i32
        %dma_wait3A_229 = tpu.memref_slice %arg4[%dma_wait3A_228] : memref<7680xi32, #tpu.memory_space<hbm>> -> memref<128xi32, #tpu.memory_space<hbm>>
        %dma_wait3A_230 = arith.constant 0 : i32
        %dma_wait3A_231 = tpu.memref_slice %arg7[%select_n3A_224, %dma_wait3A_230] : memref<4x128xi32, #tpu.memory_space<vmem>> -> memref<1x128xi32, #tpu.memory_space<vmem>>
        %dma_wait3A_232 = tpu.memref_squeeze %dma_wait3A_231 : memref<1x128xi32, #tpu.memory_space<vmem>> -> memref<128xi32, #tpu.memory_space<vmem>>
        %dma_wait3A_233 = arith.constant 0 : i32
        %dma_wait3A_234 = tpu.memref_slice %arg4[%dma_wait3A_233] : memref<7680xi32, #tpu.memory_space<hbm>> -> memref<128xi32, #tpu.memory_space<hbm>>
        tpu.wait_dma2 semaphore(%arg12 : memref<!tpu.dma_semaphore, #tpu.memory_space<semaphore_mem>>) src(%dma_wait3A_234 : memref<128xi32, #tpu.memory_space<hbm>>) dst(%dma_wait3A_232 : memref<128xi32, #tpu.memory_space<vmem>>)
        %dma_wait3A_235 = arith.constant 0 : i32
        %dma_wait3A_236 = tpu.memref_slice %arg8[%select_n3A_224, %dma_wait3A_235] : memref<4x128xi32, #tpu.memory_space<vmem>> -> memref<1x128xi32, #tpu.memory_space<vmem>>
        %dma_wait3A_237 = tpu.memref_squeeze %dma_wait3A_236 : memref<1x128xi32, #tpu.memory_space<vmem>> -> memref<128xi32, #tpu.memory_space<vmem>>
        %dma_wait3A_238 = arith.constant 0 : i32
        %dma_wait3A_239 = tpu.memref_slice %arg4[%dma_wait3A_238] : memref<7680xi32, #tpu.memory_space<hbm>> -> memref<128xi32, #tpu.memory_space<hbm>>
        %dma_wait3A_240 = arith.constant 0 : i32
        %dma_wait3A_241 = tpu.memref_slice %arg8[%select_n3A_224, %dma_wait3A_240] : memref<4x128xi32, #tpu.memory_space<vmem>> -> memref<1x128xi32, #tpu.memory_space<vmem>>
        %dma_wait3A_242 = tpu.memref_squeeze %dma_wait3A_241 : memref<1x128xi32, #tpu.memory_space<vmem>> -> memref<128xi32, #tpu.memory_space<vmem>>
        %dma_wait3A_243 = arith.constant 0 : i32
        %dma_wait3A_244 = tpu.memref_slice %arg4[%dma_wait3A_243] : memref<7680xi32, #tpu.memory_space<hbm>> -> memref<128xi32, #tpu.memory_space<hbm>>
        tpu.wait_dma2 semaphore(%arg12 : memref<!tpu.dma_semaphore, #tpu.memory_space<semaphore_mem>>) src(%dma_wait3A_244 : memref<128xi32, #tpu.memory_space<hbm>>) dst(%dma_wait3A_242 : memref<128xi32, #tpu.memory_space<vmem>>)
        %add3A_245 = arith.constant 3 : i32
        %add3A_246 = arith.addi %mul3A_97, %add3A_245 : i32
        %jit3A_247 = arith.constant 4 : i32
        %eq3A_248 = arith.constant 0 : i32
        %eq3A_249 = arith.cmpi eq, %jit3A_247, %eq3A_248 : i32
        %jit3A_250 = arith.constant 1 : i32
        %select_n3A_251 = arith.select %eq3A_249, %jit3A_250, %jit3A_247 : i32
        %rem3A_252 = arith.remsi %add3A_246, %select_n3A_251 : i32
        %ne3A_253 = arith.constant 0 : i32
        %ne3A_254 = arith.cmpi ne, %rem3A_252, %ne3A_253 : i32
        %lt3A_255 = arith.constant 0 : i32
        %lt3A_256 = arith.cmpi slt, %rem3A_252, %lt3A_255 : i32
        %lt3A_257 = arith.constant 0 : i32
        %lt3A_258 = arith.cmpi slt, %select_n3A_251, %lt3A_257 : i32
        %ne3A_259 = arith.xori %lt3A_256, %lt3A_258 : i1
        %and3A_260 = arith.andi %ne3A_259, %ne3A_254 : i1
        %add3A_261 = arith.addi %rem3A_252, %select_n3A_251 : i32
        %select_n3A_262 = arith.select %and3A_260, %add3A_261, %rem3A_252 : i32
        %dma_wait3A_263 = arith.constant 0 : i32
        %dma_wait3A_264 = tpu.memref_slice %arg7[%select_n3A_262, %dma_wait3A_263] : memref<4x128xi32, #tpu.memory_space<vmem>> -> memref<1x128xi32, #tpu.memory_space<vmem>>
        %dma_wait3A_265 = tpu.memref_squeeze %dma_wait3A_264 : memref<1x128xi32, #tpu.memory_space<vmem>> -> memref<128xi32, #tpu.memory_space<vmem>>
        %dma_wait3A_266 = arith.constant 0 : i32
        %dma_wait3A_267 = tpu.memref_slice %arg4[%dma_wait3A_266] : memref<7680xi32, #tpu.memory_space<hbm>> -> memref<128xi32, #tpu.memory_space<hbm>>
        %dma_wait3A_268 = arith.constant 0 : i32
        %dma_wait3A_269 = tpu.memref_slice %arg7[%select_n3A_262, %dma_wait3A_268] : memref<4x128xi32, #tpu.memory_space<vmem>> -> memref<1x128xi32, #tpu.memory_space<vmem>>
        %dma_wait3A_270 = tpu.memref_squeeze %dma_wait3A_269 : memref<1x128xi32, #tpu.memory_space<vmem>> -> memref<128xi32, #tpu.memory_space<vmem>>
        %dma_wait3A_271 = arith.constant 0 : i32
        %dma_wait3A_272 = tpu.memref_slice %arg4[%dma_wait3A_271] : memref<7680xi32, #tpu.memory_space<hbm>> -> memref<128xi32, #tpu.memory_space<hbm>>
        tpu.wait_dma2 semaphore(%arg12 : memref<!tpu.dma_semaphore, #tpu.memory_space<semaphore_mem>>) src(%dma_wait3A_272 : memref<128xi32, #tpu.memory_space<hbm>>) dst(%dma_wait3A_270 : memref<128xi32, #tpu.memory_space<vmem>>)
        %dma_wait3A_273 = arith.constant 0 : i32
        %dma_wait3A_274 = tpu.memref_slice %arg8[%select_n3A_262, %dma_wait3A_273] : memref<4x128xi32, #tpu.memory_space<vmem>> -> memref<1x128xi32, #tpu.memory_space<vmem>>
        %dma_wait3A_275 = tpu.memref_squeeze %dma_wait3A_274 : memref<1x128xi32, #tpu.memory_space<vmem>> -> memref<128xi32, #tpu.memory_space<vmem>>
        %dma_wait3A_276 = arith.constant 0 : i32
        %dma_wait3A_277 = tpu.memref_slice %arg4[%dma_wait3A_276] : memref<7680xi32, #tpu.memory_space<hbm>> -> memref<128xi32, #tpu.memory_space<hbm>>
        %dma_wait3A_278 = arith.constant 0 : i32
        %dma_wait3A_279 = tpu.memref_slice %arg8[%select_n3A_262, %dma_wait3A_278] : memref<4x128xi32, #tpu.memory_space<vmem>> -> memref<1x128xi32, #tpu.memory_space<vmem>>
        %dma_wait3A_280 = tpu.memref_squeeze %dma_wait3A_279 : memref<1x128xi32, #tpu.memory_space<vmem>> -> memref<128xi32, #tpu.memory_space<vmem>>
        %dma_wait3A_281 = arith.constant 0 : i32
        %dma_wait3A_282 = tpu.memref_slice %arg4[%dma_wait3A_281] : memref<7680xi32, #tpu.memory_space<hbm>> -> memref<128xi32, #tpu.memory_space<hbm>>
        tpu.wait_dma2 semaphore(%arg12 : memref<!tpu.dma_semaphore, #tpu.memory_space<semaphore_mem>>) src(%dma_wait3A_282 : memref<128xi32, #tpu.memory_space<hbm>>) dst(%dma_wait3A_280 : memref<128xi32, #tpu.memory_space<vmem>>)
        %add3A_283 = arith.constant 2 : i32
        %add3A_284 = arith.addi %mul3A_97, %add3A_283 : i32
        %jit3A_285 = arith.constant 4 : i32
        %eq3A_286 = arith.constant 0 : i32
        %eq3A_287 = arith.cmpi eq, %jit3A_285, %eq3A_286 : i32
        %jit3A_288 = arith.constant 1 : i32
        %select_n3A_289 = arith.select %eq3A_287, %jit3A_288, %jit3A_285 : i32
        %rem3A_290 = arith.remsi %add3A_284, %select_n3A_289 : i32
        %ne3A_291 = arith.constant 0 : i32
        %ne3A_292 = arith.cmpi ne, %rem3A_290, %ne3A_291 : i32
        %lt3A_293 = arith.constant 0 : i32
        %lt3A_294 = arith.cmpi slt, %rem3A_290, %lt3A_293 : i32
        %lt3A_295 = arith.constant 0 : i32
        %lt3A_296 = arith.cmpi slt, %select_n3A_289, %lt3A_295 : i32
        %ne3A_297 = arith.xori %lt3A_294, %lt3A_296 : i1
        %and3A_298 = arith.andi %ne3A_297, %ne3A_292 : i1
        %add3A_299 = arith.addi %rem3A_290, %select_n3A_289 : i32
        %select_n3A_300 = arith.select %and3A_298, %add3A_299, %rem3A_290 : i32
        %dma_start3A_301 = arith.constant 0 : i32
        %dma_start3A_302 = tpu.memref_slice %arg7[%select_n3A_300, %dma_start3A_301] : memref<4x128xi32, #tpu.memory_space<vmem>> -> memref<1x128xi32, #tpu.memory_space<vmem>>
        %dma_start3A_303 = tpu.memref_squeeze %dma_start3A_302 : memref<1x128xi32, #tpu.memory_space<vmem>> -> memref<128xi32, #tpu.memory_space<vmem>>
        %dma_start3A_304 = arith.constant 0 : i32
        %dma_start3A_305 = arith.constant 0 : i32
        %dma_start3A_306 = tpu.memref_slice %arg2[%dma_start3A_304, %dma_start3A_305] : memref<10000x128xf32, #tpu.memory_space<hbm>> -> memref<10000x128xf32, #tpu.memory_space<hbm>>
        tpu.enqueue_indirect_dma source(%dma_start3A_306 : memref<10000x128xf32, #tpu.memory_space<hbm>>) target(%arg9 : memref<128x128xf32, #tpu.memory_space<vmem>>) offsets(%dma_start3A_303 : memref<128xi32, #tpu.memory_space<vmem>>) semaphore(%arg13 : memref<!tpu.dma_semaphore, #tpu.memory_space<semaphore_mem>>)
      } else {
      }
      %add3A_165 = arith.constant 1 : i32
      %add3A_166 = arith.addi %mul3A_97, %add3A_165 : i32
      %jit3A_167 = arith.constant 4 : i32
      %eq3A_168 = arith.constant 0 : i32
      %eq3A_169 = arith.cmpi eq, %jit3A_167, %eq3A_168 : i32
      %jit3A_170 = arith.constant 1 : i32
      %select_n3A_171 = arith.select %eq3A_169, %jit3A_170, %jit3A_167 : i32
      %rem3A_172 = arith.remsi %add3A_166, %select_n3A_171 : i32
      %ne3A_173 = arith.constant 0 : i32
      %ne3A_174 = arith.cmpi ne, %rem3A_172, %ne3A_173 : i32
      %lt3A_175 = arith.constant 0 : i32
      %lt3A_176 = arith.cmpi slt, %rem3A_172, %lt3A_175 : i32
      %lt3A_177 = arith.constant 0 : i32
      %lt3A_178 = arith.cmpi slt, %select_n3A_171, %lt3A_177 : i32
      %ne3A_179 = arith.xori %lt3A_176, %lt3A_178 : i1
      %and3A_180 = arith.andi %ne3A_179, %ne3A_174 : i1
      %add3A_181 = arith.addi %rem3A_172, %select_n3A_171 : i32
      %select_n3A_182 = arith.select %and3A_180, %add3A_181, %rem3A_172 : i32
      %dma_wait3A_183 = arith.constant 0 : i32
      %dma_wait3A_184 = tpu.memref_slice %arg7[%select_n3A_182, %dma_wait3A_183] : memref<4x128xi32, #tpu.memory_space<vmem>> -> memref<1x128xi32, #tpu.memory_space<vmem>>
      %dma_wait3A_185 = tpu.memref_squeeze %dma_wait3A_184 : memref<1x128xi32, #tpu.memory_space<vmem>> -> memref<128xi32, #tpu.memory_space<vmem>>
      %dma_wait3A_186 = arith.constant 0 : i32
      %dma_wait3A_187 = arith.constant 0 : i32
      %dma_wait3A_188 = tpu.memref_slice %arg2[%dma_wait3A_186, %dma_wait3A_187] : memref<10000x128xf32, #tpu.memory_space<hbm>> -> memref<10000x128xf32, #tpu.memory_space<hbm>>
      tpu.wait_indirect_dma semaphore(%arg14 : memref<!tpu.dma_semaphore, #tpu.memory_space<semaphore_mem>>) src(%dma_wait3A_188 : memref<10000x128xf32, #tpu.memory_space<hbm>>) dst(%arg10 : memref<128x128xf32, #tpu.memory_space<vmem>>)
      %add3A_189 = arith.constant 1 : i32
      %add3A_190 = arith.addi %mul3A_97, %add3A_189 : i32
      %jit3A_191 = arith.constant 4 : i32
      %eq3A_192 = arith.constant 0 : i32
      %eq3A_193 = arith.cmpi eq, %jit3A_191, %eq3A_192 : i32
      %jit3A_194 = arith.constant 1 : i32
      %select_n3A_195 = arith.select %eq3A_193, %jit3A_194, %jit3A_191 : i32
      %rem3A_196 = arith.remsi %add3A_190, %select_n3A_195 : i32
      %ne3A_197 = arith.constant 0 : i32
      %ne3A_198 = arith.cmpi ne, %rem3A_196, %ne3A_197 : i32
      %lt3A_199 = arith.constant 0 : i32
      %lt3A_200 = arith.cmpi slt, %rem3A_196, %lt3A_199 : i32
      %lt3A_201 = arith.constant 0 : i32
      %lt3A_202 = arith.cmpi slt, %select_n3A_195, %lt3A_201 : i32
      %ne3A_203 = arith.xori %lt3A_200, %lt3A_202 : i1
      %and3A_204 = arith.andi %ne3A_203, %ne3A_198 : i1
      %add3A_205 = arith.addi %rem3A_196, %select_n3A_195 : i32
      %select_n3A_206 = arith.select %and3A_204, %add3A_205, %rem3A_196 : i32
      "tpu.region"() ({
        %run_scoped3A = tpu.sem_alloc : memref<!tpu.dma_semaphore, #tpu.memory_space<semaphore_mem>>
        %dma_start3A_207 = arith.constant 0 : i32
        %dma_start3A_208 = tpu.memref_slice %arg8[%select_n3A_206, %dma_start3A_207] : memref<4x128xi32, #tpu.memory_space<vmem>> -> memref<1x128xi32, #tpu.memory_space<vmem>>
        %dma_start3A_209 = tpu.memref_squeeze %dma_start3A_208 : memref<1x128xi32, #tpu.memory_space<vmem>> -> memref<128xi32, #tpu.memory_space<vmem>>
        %dma_start3A_210 = arith.constant 0 : i32
        %dma_start3A_211 = arith.constant 0 : i32
        %dma_start3A_212 = tpu.memref_slice %arg11[%dma_start3A_210, %dma_start3A_211] : memref<10240x128xf32, #tpu.memory_space<vmem_shared>> -> memref<10240x128xf32, #tpu.memory_space<vmem_shared>>
        tpu.enqueue_indirect_dma source(%arg10 : memref<128x128xf32, #tpu.memory_space<vmem>>) target(%dma_start3A_212 : memref<10240x128xf32, #tpu.memory_space<vmem_shared>>) offsets(%dma_start3A_209 : memref<128xi32, #tpu.memory_space<vmem>>) semaphore(%run_scoped3A : memref<!tpu.dma_semaphore, #tpu.memory_space<semaphore_mem>>) {add = true}
        %dma_wait3A_213 = arith.constant 0 : i32
        %dma_wait3A_214 = tpu.memref_slice %arg8[%select_n3A_206, %dma_wait3A_213] : memref<4x128xi32, #tpu.memory_space<vmem>> -> memref<1x128xi32, #tpu.memory_space<vmem>>
        %dma_wait3A_215 = tpu.memref_squeeze %dma_wait3A_214 : memref<1x128xi32, #tpu.memory_space<vmem>> -> memref<128xi32, #tpu.memory_space<vmem>>
        %dma_wait3A_216 = arith.constant 0 : i32
        %dma_wait3A_217 = arith.constant 0 : i32
        %dma_wait3A_218 = tpu.memref_slice %arg11[%dma_wait3A_216, %dma_wait3A_217] : memref<10240x128xf32, #tpu.memory_space<vmem_shared>> -> memref<10240x128xf32, #tpu.memory_space<vmem_shared>>
        tpu.wait_indirect_dma semaphore(%run_scoped3A : memref<!tpu.dma_semaphore, #tpu.memory_space<semaphore_mem>>) src(%arg10 : memref<128x128xf32, #tpu.memory_space<vmem>>) dst(%dma_wait3A_218 : memref<10240x128xf32, #tpu.memory_space<vmem_shared>>)
        tpu.yield
      }) : () -> ()
    }
    %scan3A_87 = arith.constant 40 : i32
    %barrier3A_88 = arith.constant 0 : index
    tpu.barrier barrier_id(%barrier3A_88)
    %scan3A_89 = arith.constant 0 : i32
    %scan3A_90 = arith.constant 0 : i32
    %scan3A_91 = arith.constant 5 : i32
    %scan3A_92 = arith.addi %scan3A_90, %scan3A_91 : i32
    %scan3A_93 = arith.constant 1 : i32
    scf.for %scan3A_95 = %scan3A_90 to %scan3A_92 step %scan3A_93  : i32 {
      %mul3A_96 = arith.constant 640 : i32
      %mul3A_97 = arith.muli %arg1, %mul3A_96 : i32
      %mul3A_98 = arith.constant 128 : i32
      %mul3A_99 = arith.muli %scan3A_95, %mul3A_98 : i32
      %add3A_100 = arith.addi %mul3A_97, %mul3A_99 : i32
      %mul3A_101 = arith.constant 10240 : i32
      %mul3A_102 = arith.muli %arg0, %mul3A_101 : i32
      %add3A_103 = arith.addi %mul3A_102, %add3A_100 : i32
      "tpu.region"() ({
        %run_scoped3A = tpu.sem_alloc : memref<!tpu.dma_semaphore, #tpu.memory_space<semaphore_mem>>
        %dma_start3A_104 = arith.constant 0 : i32
        %dma_start3A_105 = tpu.memref_slice %arg6[%add3A_103, %dma_start3A_104] : memref<20480x128xf32, #tpu.memory_space<hbm>> -> memref<128x128xf32, #tpu.memory_space<hbm>>
        %dma_start3A_106 = arith.constant 0 : i32
        %dma_start3A_107 = tpu.memref_slice %arg11[%add3A_100, %dma_start3A_106] : memref<10240x128xf32, #tpu.memory_space<vmem_shared>> -> memref<128x128xf32, #tpu.memory_space<vmem_shared>>
        tpu.enqueue_dma source(%dma_start3A_107 : memref<128x128xf32, #tpu.memory_space<vmem_shared>>) target(%dma_start3A_105 : memref<128x128xf32, #tpu.memory_space<hbm>>) target_semaphore(%run_scoped3A : memref<!tpu.dma_semaphore, #tpu.memory_space<semaphore_mem>>)
        %dma_wait3A_108 = arith.constant 0 : i32
        %dma_wait3A_109 = tpu.memref_slice %arg6[%add3A_103, %dma_wait3A_108] : memref<20480x128xf32, #tpu.memory_space<hbm>> -> memref<128x128xf32, #tpu.memory_space<hbm>>
        %dma_wait3A_110 = arith.constant 0 : i32
        %dma_wait3A_111 = tpu.memref_slice %arg11[%add3A_100, %dma_wait3A_110] : memref<10240x128xf32, #tpu.memory_space<vmem_shared>> -> memref<128x128xf32, #tpu.memory_space<vmem_shared>>
        tpu.wait_dma2 semaphore(%run_scoped3A : memref<!tpu.dma_semaphore, #tpu.memory_space<semaphore_mem>>) src(%dma_wait3A_111 : memref<128x128xf32, #tpu.memory_space<vmem_shared>>) dst(%dma_wait3A_109 : memref<128x128xf32, #tpu.memory_space<hbm>>)
        tpu.yield
      }) : () -> ()
    }
    %scan3A_94 = arith.constant 5 : i32
    return
  }
}

#map = affine_map<(d0, d1) -> (0, 0)>
#map1 = affine_map<(d0, d1) -> (0)>
module attributes {stable_mosaic.version = 14 : i64} {
  func.func @k(%arg0: i32, %arg1: i32, %arg2: memref<10000x128xf32, #tpu.memory_space<hbm>>, %arg3: memref<2x320000xi32, #tpu.memory_space<hbm>>, %arg4: memref<7680xi32, #tpu.memory_space<hbm>>, %arg5: memref<7680xi32, #tpu.memory_space<hbm>>, %arg6: memref<20480x128xf32, #tpu.memory_space<hbm>>, %arg7: memref<4x128xi32, #tpu.memory_space<vmem>>, %arg8: memref<4x128xi32, #tpu.memory_space<vmem>>, %arg9: memref<128x128xf32, #tpu.memory_space<vmem>>, %arg10: memref<128x128xf32, #tpu.memory_space<vmem>>, %arg11: memref<10240x128xf32, #tpu.memory_space<vmem_shared>>, %arg12: memref<!tpu.dma_semaphore, #tpu.memory_space<semaphore_mem>>, %arg13: memref<!tpu.dma_semaphore, #tpu.memory_space<semaphore_mem>>, %arg14: memref<!tpu.dma_semaphore, #tpu.memory_space<semaphore_mem>>) attributes {dimension_semantics = [#tpu.dimension_semantics<core_parallel>, #tpu.dimension_semantics<subcore_parallel>], iteration_bounds = array<i64: 2, 16>, scalar_prefetch = 0 : i64, scratch_operands = 8 : i64, tpu.core_type = #tpu.core_type<sc_vector_subcore>, window_params = [{transform_indices = #map}, {transform_indices = #map}, {transform_indices = #map1}, {transform_indices = #map1}, {transform_indices = #map}]} {
    %mul3A = arith.constant 2 : i32
    %mul3A_0 = arith.muli %arg1, %mul3A : i32
    %add3A = arith.addi %mul3A_0, %arg0 : i32
    %mul3A_1 = arith.constant 80 : i32
    %mul3A_2 = arith.muli %add3A, %mul3A_1 : i32
    %mul3A_3 = arith.constant 128 : i32
    %mul3A_4 = arith.muli %mul3A_2, %mul3A_3 : i32
    %add3A_5 = arith.constant 0 : i32
    %add3A_6 = arith.addi %mul3A_4, %add3A_5 : i32
    %lt3A = arith.constant 320000 : i32
    %lt3A_7 = arith.cmpi slt, %add3A_6, %lt3A : i32
    %convert_element_type3A = arith.extui %lt3A_7 : i1 to i32
    %cond3A = arith.constant 0 : i32
    %cond3A_8 = arith.cmpi ne, %convert_element_type3A, %cond3A : i32
    scf.if %cond3A_8 {
      %dma_start3A_95 = arith.constant 0 : i32
      %dma_start3A_96 = arith.constant 0 : i32
      %dma_start3A_97 = arith.constant 0 : i32
      %dma_start3A_98 = tpu.memref_slice %arg7[%dma_start3A_96, %dma_start3A_97] : memref<4x128xi32, #tpu.memory_space<vmem>> -> memref<1x128xi32, #tpu.memory_space<vmem>>
      %dma_start3A_99 = tpu.memref_squeeze %dma_start3A_98 : memref<1x128xi32, #tpu.memory_space<vmem>> -> memref<128xi32, #tpu.memory_space<vmem>>
      %dma_start3A_100 = tpu.memref_slice %arg3[%dma_start3A_95, %add3A_6] : memref<2x320000xi32, #tpu.memory_space<hbm>> -> memref<1x128xi32, #tpu.memory_space<hbm>>
      %dma_start3A_101 = tpu.memref_squeeze %dma_start3A_100 : memref<1x128xi32, #tpu.memory_space<hbm>> -> memref<128xi32, #tpu.memory_space<hbm>>
      %dma_start3A_102 = arith.constant 0 : i32
      %dma_start3A_103 = tpu.memref_slice %arg7[%dma_start3A_96, %dma_start3A_102] : memref<4x128xi32, #tpu.memory_space<vmem>> -> memref<1x128xi32, #tpu.memory_space<vmem>>
      %dma_start3A_104 = tpu.memref_squeeze %dma_start3A_103 : memref<1x128xi32, #tpu.memory_space<vmem>> -> memref<128xi32, #tpu.memory_space<vmem>>
      %dma_start3A_105 = tpu.memref_slice %arg3[%dma_start3A_95, %add3A_6] : memref<2x320000xi32, #tpu.memory_space<hbm>> -> memref<1x128xi32, #tpu.memory_space<hbm>>
      %dma_start3A_106 = tpu.memref_squeeze %dma_start3A_105 : memref<1x128xi32, #tpu.memory_space<hbm>> -> memref<128xi32, #tpu.memory_space<hbm>>
      tpu.enqueue_dma source(%dma_start3A_106 : memref<128xi32, #tpu.memory_space<hbm>>) target(%dma_start3A_104 : memref<128xi32, #tpu.memory_space<vmem>>) target_semaphore(%arg12 : memref<!tpu.dma_semaphore, #tpu.memory_space<semaphore_mem>>)
      %dma_start3A_107 = arith.constant 1 : i32
      %dma_start3A_108 = arith.constant 0 : i32
      %dma_start3A_109 = arith.constant 0 : i32
      %dma_start3A_110 = tpu.memref_slice %arg8[%dma_start3A_108, %dma_start3A_109] : memref<4x128xi32, #tpu.memory_space<vmem>> -> memref<1x128xi32, #tpu.memory_space<vmem>>
      %dma_start3A_111 = tpu.memref_squeeze %dma_start3A_110 : memref<1x128xi32, #tpu.memory_space<vmem>> -> memref<128xi32, #tpu.memory_space<vmem>>
      %dma_start3A_112 = tpu.memref_slice %arg3[%dma_start3A_107, %add3A_6] : memref<2x320000xi32, #tpu.memory_space<hbm>> -> memref<1x128xi32, #tpu.memory_space<hbm>>
      %dma_start3A_113 = tpu.memref_squeeze %dma_start3A_112 : memref<1x128xi32, #tpu.memory_space<hbm>> -> memref<128xi32, #tpu.memory_space<hbm>>
      %dma_start3A_114 = arith.constant 0 : i32
      %dma_start3A_115 = tpu.memref_slice %arg8[%dma_start3A_108, %dma_start3A_114] : memref<4x128xi32, #tpu.memory_space<vmem>> -> memref<1x128xi32, #tpu.memory_space<vmem>>
      %dma_start3A_116 = tpu.memref_squeeze %dma_start3A_115 : memref<1x128xi32, #tpu.memory_space<vmem>> -> memref<128xi32, #tpu.memory_space<vmem>>
      %dma_start3A_117 = tpu.memref_slice %arg3[%dma_start3A_107, %add3A_6] : memref<2x320000xi32, #tpu.memory_space<hbm>> -> memref<1x128xi32, #tpu.memory_space<hbm>>
      %dma_start3A_118 = tpu.memref_squeeze %dma_start3A_117 : memref<1x128xi32, #tpu.memory_space<hbm>> -> memref<128xi32, #tpu.memory_space<hbm>>
      tpu.enqueue_dma source(%dma_start3A_118 : memref<128xi32, #tpu.memory_space<hbm>>) target(%dma_start3A_116 : memref<128xi32, #tpu.memory_space<vmem>>) target_semaphore(%arg12 : memref<!tpu.dma_semaphore, #tpu.memory_space<semaphore_mem>>)
    } else {
    }
    %ge3A = arith.constant 320000 : i32
    %ge3A_9 = arith.cmpi sge, %add3A_6, %ge3A : i32
    %convert_element_type3A_10 = arith.extui %ge3A_9 : i1 to i32
    %cond3A_11 = arith.constant 0 : i32
    %cond3A_12 = arith.cmpi ne, %convert_element_type3A_10, %cond3A_11 : i32
    scf.if %cond3A_12 {
      %sub3A = arith.constant 320000 : i32
      %sub3A_95 = arith.subi %add3A_6, %sub3A : i32
      %dma_start3A_96 = arith.constant 0 : i32
      %dma_start3A_97 = arith.constant 0 : i32
      %dma_start3A_98 = tpu.memref_slice %arg7[%dma_start3A_96, %dma_start3A_97] : memref<4x128xi32, #tpu.memory_space<vmem>> -> memref<1x128xi32, #tpu.memory_space<vmem>>
      %dma_start3A_99 = tpu.memref_squeeze %dma_start3A_98 : memref<1x128xi32, #tpu.memory_space<vmem>> -> memref<128xi32, #tpu.memory_space<vmem>>
      %dma_start3A_100 = tpu.memref_slice %arg4[%sub3A_95] : memref<7680xi32, #tpu.memory_space<hbm>> -> memref<128xi32, #tpu.memory_space<hbm>>
      %dma_start3A_101 = arith.constant 0 : i32
      %dma_start3A_102 = tpu.memref_slice %arg7[%dma_start3A_96, %dma_start3A_101] : memref<4x128xi32, #tpu.memory_space<vmem>> -> memref<1x128xi32, #tpu.memory_space<vmem>>
      %dma_start3A_103 = tpu.memref_squeeze %dma_start3A_102 : memref<1x128xi32, #tpu.memory_space<vmem>> -> memref<128xi32, #tpu.memory_space<vmem>>
      %dma_start3A_104 = tpu.memref_slice %arg4[%sub3A_95] : memref<7680xi32, #tpu.memory_space<hbm>> -> memref<128xi32, #tpu.memory_space<hbm>>
      tpu.enqueue_dma source(%dma_start3A_104 : memref<128xi32, #tpu.memory_space<hbm>>) target(%dma_start3A_103 : memref<128xi32, #tpu.memory_space<vmem>>) target_semaphore(%arg12 : memref<!tpu.dma_semaphore, #tpu.memory_space<semaphore_mem>>)
      %sub3A_105 = arith.constant 320000 : i32
      %sub3A_106 = arith.subi %add3A_6, %sub3A_105 : i32
      %dma_start3A_107 = arith.constant 0 : i32
      %dma_start3A_108 = arith.constant 0 : i32
      %dma_start3A_109 = tpu.memref_slice %arg8[%dma_start3A_107, %dma_start3A_108] : memref<4x128xi32, #tpu.memory_space<vmem>> -> memref<1x128xi32, #tpu.memory_space<vmem>>
      %dma_start3A_110 = tpu.memref_squeeze %dma_start3A_109 : memref<1x128xi32, #tpu.memory_space<vmem>> -> memref<128xi32, #tpu.memory_space<vmem>>
      %dma_start3A_111 = tpu.memref_slice %arg5[%sub3A_106] : memref<7680xi32, #tpu.memory_space<hbm>> -> memref<128xi32, #tpu.memory_space<hbm>>
      %dma_start3A_112 = arith.constant 0 : i32
      %dma_start3A_113 = tpu.memref_slice %arg8[%dma_start3A_107, %dma_start3A_112] : memref<4x128xi32, #tpu.memory_space<vmem>> -> memref<1x128xi32, #tpu.memory_space<vmem>>
      %dma_start3A_114 = tpu.memref_squeeze %dma_start3A_113 : memref<1x128xi32, #tpu.memory_space<vmem>> -> memref<128xi32, #tpu.memory_space<vmem>>
      %dma_start3A_115 = tpu.memref_slice %arg5[%sub3A_106] : memref<7680xi32, #tpu.memory_space<hbm>> -> memref<128xi32, #tpu.memory_space<hbm>>
      tpu.enqueue_dma source(%dma_start3A_115 : memref<128xi32, #tpu.memory_space<hbm>>) target(%dma_start3A_114 : memref<128xi32, #tpu.memory_space<vmem>>) target_semaphore(%arg12 : memref<!tpu.dma_semaphore, #tpu.memory_space<semaphore_mem>>)
    } else {
    }
    %add3A_13 = arith.constant 128 : i32
    %add3A_14 = arith.addi %mul3A_4, %add3A_13 : i32
    %lt3A_15 = arith.constant 320000 : i32
    %lt3A_16 = arith.cmpi slt, %add3A_14, %lt3A_15 : i32
    %convert_element_type3A_17 = arith.extui %lt3A_16 : i1 to i32
    %cond3A_18 = arith.constant 0 : i32
    %cond3A_19 = arith.cmpi ne, %convert_element_type3A_17, %cond3A_18 : i32
    scf.if %cond3A_19 {
      %dma_start3A_95 = arith.constant 0 : i32
      %dma_start3A_96 = arith.constant 1 : i32
      %dma_start3A_97 = arith.constant 0 : i32
      %dma_start3A_98 = tpu.memref_slice %arg7[%dma_start3A_96, %dma_start3A_97] : memref<4x128xi32, #tpu.memory_space<vmem>> -> memref<1x128xi32, #tpu.memory_space<vmem>>
      %dma_start3A_99 = tpu.memref_squeeze %dma_start3A_98 : memref<1x128xi32, #tpu.memory_space<vmem>> -> memref<128xi32, #tpu.memory_space<vmem>>
      %dma_start3A_100 = tpu.memref_slice %arg3[%dma_start3A_95, %add3A_14] : memref<2x320000xi32, #tpu.memory_space<hbm>> -> memref<1x128xi32, #tpu.memory_space<hbm>>
      %dma_start3A_101 = tpu.memref_squeeze %dma_start3A_100 : memref<1x128xi32, #tpu.memory_space<hbm>> -> memref<128xi32, #tpu.memory_space<hbm>>
      %dma_start3A_102 = arith.constant 0 : i32
      %dma_start3A_103 = tpu.memref_slice %arg7[%dma_start3A_96, %dma_start3A_102] : memref<4x128xi32, #tpu.memory_space<vmem>> -> memref<1x128xi32, #tpu.memory_space<vmem>>
      %dma_start3A_104 = tpu.memref_squeeze %dma_start3A_103 : memref<1x128xi32, #tpu.memory_space<vmem>> -> memref<128xi32, #tpu.memory_space<vmem>>
      %dma_start3A_105 = tpu.memref_slice %arg3[%dma_start3A_95, %add3A_14] : memref<2x320000xi32, #tpu.memory_space<hbm>> -> memref<1x128xi32, #tpu.memory_space<hbm>>
      %dma_start3A_106 = tpu.memref_squeeze %dma_start3A_105 : memref<1x128xi32, #tpu.memory_space<hbm>> -> memref<128xi32, #tpu.memory_space<hbm>>
      tpu.enqueue_dma source(%dma_start3A_106 : memref<128xi32, #tpu.memory_space<hbm>>) target(%dma_start3A_104 : memref<128xi32, #tpu.memory_space<vmem>>) target_semaphore(%arg12 : memref<!tpu.dma_semaphore, #tpu.memory_space<semaphore_mem>>)
      %dma_start3A_107 = arith.constant 1 : i32
      %dma_start3A_108 = arith.constant 1 : i32
      %dma_start3A_109 = arith.constant 0 : i32
      %dma_start3A_110 = tpu.memref_slice %arg8[%dma_start3A_108, %dma_start3A_109] : memref<4x128xi32, #tpu.memory_space<vmem>> -> memref<1x128xi32, #tpu.memory_space<vmem>>
      %dma_start3A_111 = tpu.memref_squeeze %dma_start3A_110 : memref<1x128xi32, #tpu.memory_space<vmem>> -> memref<128xi32, #tpu.memory_space<vmem>>
      %dma_start3A_112 = tpu.memref_slice %arg3[%dma_start3A_107, %add3A_14] : memref<2x320000xi32, #tpu.memory_space<hbm>> -> memref<1x128xi32, #tpu.memory_space<hbm>>
      %dma_start3A_113 = tpu.memref_squeeze %dma_start3A_112 : memref<1x128xi32, #tpu.memory_space<hbm>> -> memref<128xi32, #tpu.memory_space<hbm>>
      %dma_start3A_114 = arith.constant 0 : i32
      %dma_start3A_115 = tpu.memref_slice %arg8[%dma_start3A_108, %dma_start3A_114] : memref<4x128xi32, #tpu.memory_space<vmem>> -> memref<1x128xi32, #tpu.memory_space<vmem>>
      %dma_start3A_116 = tpu.memref_squeeze %dma_start3A_115 : memref<1x128xi32, #tpu.memory_space<vmem>> -> memref<128xi32, #tpu.memory_space<vmem>>
      %dma_start3A_117 = tpu.memref_slice %arg3[%dma_start3A_107, %add3A_14] : memref<2x320000xi32, #tpu.memory_space<hbm>> -> memref<1x128xi32, #tpu.memory_space<hbm>>
      %dma_start3A_118 = tpu.memref_squeeze %dma_start3A_117 : memref<1x128xi32, #tpu.memory_space<hbm>> -> memref<128xi32, #tpu.memory_space<hbm>>
      tpu.enqueue_dma source(%dma_start3A_118 : memref<128xi32, #tpu.memory_space<hbm>>) target(%dma_start3A_116 : memref<128xi32, #tpu.memory_space<vmem>>) target_semaphore(%arg12 : memref<!tpu.dma_semaphore, #tpu.memory_space<semaphore_mem>>)
    } else {
    }
    %ge3A_20 = arith.constant 320000 : i32
    %ge3A_21 = arith.cmpi sge, %add3A_14, %ge3A_20 : i32
    %convert_element_type3A_22 = arith.extui %ge3A_21 : i1 to i32
    %cond3A_23 = arith.constant 0 : i32
    %cond3A_24 = arith.cmpi ne, %convert_element_type3A_22, %cond3A_23 : i32
    scf.if %cond3A_24 {
      %sub3A = arith.constant 320000 : i32
      %sub3A_95 = arith.subi %add3A_14, %sub3A : i32
      %dma_start3A_96 = arith.constant 1 : i32
      %dma_start3A_97 = arith.constant 0 : i32
      %dma_start3A_98 = tpu.memref_slice %arg7[%dma_start3A_96, %dma_start3A_97] : memref<4x128xi32, #tpu.memory_space<vmem>> -> memref<1x128xi32, #tpu.memory_space<vmem>>
      %dma_start3A_99 = tpu.memref_squeeze %dma_start3A_98 : memref<1x128xi32, #tpu.memory_space<vmem>> -> memref<128xi32, #tpu.memory_space<vmem>>
      %dma_start3A_100 = tpu.memref_slice %arg4[%sub3A_95] : memref<7680xi32, #tpu.memory_space<hbm>> -> memref<128xi32, #tpu.memory_space<hbm>>
      %dma_start3A_101 = arith.constant 0 : i32
      %dma_start3A_102 = tpu.memref_slice %arg7[%dma_start3A_96, %dma_start3A_101] : memref<4x128xi32, #tpu.memory_space<vmem>> -> memref<1x128xi32, #tpu.memory_space<vmem>>
      %dma_start3A_103 = tpu.memref_squeeze %dma_start3A_102 : memref<1x128xi32, #tpu.memory_space<vmem>> -> memref<128xi32, #tpu.memory_space<vmem>>
      %dma_start3A_104 = tpu.memref_slice %arg4[%sub3A_95] : memref<7680xi32, #tpu.memory_space<hbm>> -> memref<128xi32, #tpu.memory_space<hbm>>
      tpu.enqueue_dma source(%dma_start3A_104 : memref<128xi32, #tpu.memory_space<hbm>>) target(%dma_start3A_103 : memref<128xi32, #tpu.memory_space<vmem>>) target_semaphore(%arg12 : memref<!tpu.dma_semaphore, #tpu.memory_space<semaphore_mem>>)
      %sub3A_105 = arith.constant 320000 : i32
      %sub3A_106 = arith.subi %add3A_14, %sub3A_105 : i32
      %dma_start3A_107 = arith.constant 1 : i32
      %dma_start3A_108 = arith.constant 0 : i32
      %dma_start3A_109 = tpu.memref_slice %arg8[%dma_start3A_107, %dma_start3A_108] : memref<4x128xi32, #tpu.memory_space<vmem>> -> memref<1x128xi32, #tpu.memory_space<vmem>>
      %dma_start3A_110 = tpu.memref_squeeze %dma_start3A_109 : memref<1x128xi32, #tpu.memory_space<vmem>> -> memref<128xi32, #tpu.memory_space<vmem>>
      %dma_start3A_111 = tpu.memref_slice %arg5[%sub3A_106] : memref<7680xi32, #tpu.memory_space<hbm>> -> memref<128xi32, #tpu.memory_space<hbm>>
      %dma_start3A_112 = arith.constant 0 : i32
      %dma_start3A_113 = tpu.memref_slice %arg8[%dma_start3A_107, %dma_start3A_112] : memref<4x128xi32, #tpu.memory_space<vmem>> -> memref<1x128xi32, #tpu.memory_space<vmem>>
      %dma_start3A_114 = tpu.memref_squeeze %dma_start3A_113 : memref<1x128xi32, #tpu.memory_space<vmem>> -> memref<128xi32, #tpu.memory_space<vmem>>
      %dma_start3A_115 = tpu.memref_slice %arg5[%sub3A_106] : memref<7680xi32, #tpu.memory_space<hbm>> -> memref<128xi32, #tpu.memory_space<hbm>>
      tpu.enqueue_dma source(%dma_start3A_115 : memref<128xi32, #tpu.memory_space<hbm>>) target(%dma_start3A_114 : memref<128xi32, #tpu.memory_space<vmem>>) target_semaphore(%arg12 : memref<!tpu.dma_semaphore, #tpu.memory_space<semaphore_mem>>)
    } else {
    }
    %eq3A = arith.constant 0 : i32
    %eq3A_25 = arith.cmpi eq, %arg0, %eq3A : i32
    %convert_element_type3A_26 = arith.extui %eq3A_25 : i1 to i32
    %cond3A_27 = arith.constant 0 : i32
    %cond3A_28 = arith.cmpi ne, %convert_element_type3A_26, %cond3A_27 : i32
    scf.if %cond3A_28 {
      %lt3A_95 = arith.constant 15 : i32
      %lt3A_96 = arith.cmpi slt, %arg1, %lt3A_95 : i32
      %convert_element_type3A_97 = arith.extui %lt3A_96 : i1 to i32
      %cond3A_98 = arith.constant 0 : i32
      %cond3A_99 = arith.cmpi ne, %convert_element_type3A_97, %cond3A_98 : i32
      scf.if %cond3A_99 {
        %scan3A_105 = arith.constant 0 : i32
        %scan3A_106 = arith.constant 0 : i32
        %scan3A_107 = arith.constant 5 : i32
        %scan3A_108 = arith.addi %scan3A_106, %scan3A_107 : i32
        %scan3A_109 = arith.constant 1 : i32
        scf.for %scan3A_111 = %scan3A_106 to %scan3A_108 step %scan3A_109  : i32 {
          %mul3A_112 = arith.constant 640 : i32
          %mul3A_113 = arith.muli %arg1, %mul3A_112 : i32
          %mul3A_114 = arith.constant 128 : i32
          %mul3A_115 = arith.muli %scan3A_111, %mul3A_114 : i32
          %add3A_116 = arith.addi %mul3A_113, %mul3A_115 : i32
          "tpu.region"() ({
            %run_scoped3A = tpu.sem_alloc : memref<!tpu.dma_semaphore, #tpu.memory_space<semaphore_mem>>
            %dma_start3A_117 = arith.constant 0 : i32
            %dma_start3A_118 = tpu.memref_slice %arg11[%add3A_116, %dma_start3A_117] : memref<10240x128xf32, #tpu.memory_space<vmem_shared>> -> memref<128x128xf32, #tpu.memory_space<vmem_shared>>
            %dma_start3A_119 = arith.constant 0 : i32
            %dma_start3A_120 = tpu.memref_slice %arg2[%add3A_116, %dma_start3A_119] : memref<10000x128xf32, #tpu.memory_space<hbm>> -> memref<128x128xf32, #tpu.memory_space<hbm>>
            tpu.enqueue_dma source(%dma_start3A_120 : memref<128x128xf32, #tpu.memory_space<hbm>>) target(%dma_start3A_118 : memref<128x128xf32, #tpu.memory_space<vmem_shared>>) target_semaphore(%run_scoped3A : memref<!tpu.dma_semaphore, #tpu.memory_space<semaphore_mem>>)
            %dma_wait3A_121 = arith.constant 0 : i32
            %dma_wait3A_122 = tpu.memref_slice %arg11[%add3A_116, %dma_wait3A_121] : memref<10240x128xf32, #tpu.memory_space<vmem_shared>> -> memref<128x128xf32, #tpu.memory_space<vmem_shared>>
            %dma_wait3A_123 = arith.constant 0 : i32
            %dma_wait3A_124 = tpu.memref_slice %arg2[%add3A_116, %dma_wait3A_123] : memref<10000x128xf32, #tpu.memory_space<hbm>> -> memref<128x128xf32, #tpu.memory_space<hbm>>
            tpu.wait_dma2 semaphore(%run_scoped3A : memref<!tpu.dma_semaphore, #tpu.memory_space<semaphore_mem>>) src(%dma_wait3A_124 : memref<128x128xf32, #tpu.memory_space<hbm>>) dst(%dma_wait3A_122 : memref<128x128xf32, #tpu.memory_space<vmem_shared>>)
            tpu.yield
          }) : () -> ()
        }
        %scan3A_110 = arith.constant 5 : i32
      } else {
      }
      %eq3A_100 = arith.constant 15 : i32
      %eq3A_101 = arith.cmpi eq, %arg1, %eq3A_100 : i32
      %convert_element_type3A_102 = arith.extui %eq3A_101 : i1 to i32
      %cond3A_103 = arith.constant 0 : i32
      %cond3A_104 = arith.cmpi ne, %convert_element_type3A_102, %cond3A_103 : i32
      scf.if %cond3A_104 {
        %scan3A_105 = arith.constant 0 : i32
        %scan3A_106 = arith.constant 0 : i32
        %scan3A_107 = arith.constant 3 : i32
        %scan3A_108 = arith.addi %scan3A_106, %scan3A_107 : i32
        %scan3A_109 = arith.constant 1 : i32
        scf.for %scan3A_111 = %scan3A_106 to %scan3A_108 step %scan3A_109  : i32 {
          %mul3A_112 = arith.constant 640 : i32
          %mul3A_113 = arith.muli %arg1, %mul3A_112 : i32
          %mul3A_114 = arith.constant 128 : i32
          %mul3A_115 = arith.muli %scan3A_111, %mul3A_114 : i32
          %add3A_116 = arith.addi %mul3A_113, %mul3A_115 : i32
          "tpu.region"() ({
            %run_scoped3A = tpu.sem_alloc : memref<!tpu.dma_semaphore, #tpu.memory_space<semaphore_mem>>
            %dma_start3A_117 = arith.constant 0 : i32
            %dma_start3A_118 = tpu.memref_slice %arg11[%add3A_116, %dma_start3A_117] : memref<10240x128xf32, #tpu.memory_space<vmem_shared>> -> memref<128x128xf32, #tpu.memory_space<vmem_shared>>
            %dma_start3A_119 = arith.constant 0 : i32
            %dma_start3A_120 = tpu.memref_slice %arg2[%add3A_116, %dma_start3A_119] : memref<10000x128xf32, #tpu.memory_space<hbm>> -> memref<128x128xf32, #tpu.memory_space<hbm>>
            tpu.enqueue_dma source(%dma_start3A_120 : memref<128x128xf32, #tpu.memory_space<hbm>>) target(%dma_start3A_118 : memref<128x128xf32, #tpu.memory_space<vmem_shared>>) target_semaphore(%run_scoped3A : memref<!tpu.dma_semaphore, #tpu.memory_space<semaphore_mem>>)
            %dma_wait3A_121 = arith.constant 0 : i32
            %dma_wait3A_122 = tpu.memref_slice %arg11[%add3A_116, %dma_wait3A_121] : memref<10240x128xf32, #tpu.memory_space<vmem_shared>> -> memref<128x128xf32, #tpu.memory_space<vmem_shared>>
            %dma_wait3A_123 = arith.constant 0 : i32
            %dma_wait3A_124 = tpu.memref_slice %arg2[%add3A_116, %dma_wait3A_123] : memref<10000x128xf32, #tpu.memory_space<hbm>> -> memref<128x128xf32, #tpu.memory_space<hbm>>
            tpu.wait_dma2 semaphore(%run_scoped3A : memref<!tpu.dma_semaphore, #tpu.memory_space<semaphore_mem>>) src(%dma_wait3A_124 : memref<128x128xf32, #tpu.memory_space<hbm>>) dst(%dma_wait3A_122 : memref<128x128xf32, #tpu.memory_space<vmem_shared>>)
            tpu.yield
          }) : () -> ()
        }
        %scan3A_110 = arith.constant 3 : i32
        "tpu.region"() ({
          %run_scoped3A = tpu.sem_alloc : memref<!tpu.dma_semaphore, #tpu.memory_space<semaphore_mem>>
          %dma_start3A_111 = arith.constant 9984 : i32
          %dma_start3A_112 = arith.constant 0 : i32
          %dma_start3A_113 = tpu.memref_slice %arg11[%dma_start3A_111, %dma_start3A_112] : memref<10240x128xf32, #tpu.memory_space<vmem_shared>> -> memref<16x128xf32, #tpu.memory_space<vmem_shared>>
          %dma_start3A_114 = arith.constant 9984 : i32
          %dma_start3A_115 = arith.constant 0 : i32
          %dma_start3A_116 = tpu.memref_slice %arg2[%dma_start3A_114, %dma_start3A_115] : memref<10000x128xf32, #tpu.memory_space<hbm>> -> memref<16x128xf32, #tpu.memory_space<hbm>>
          tpu.enqueue_dma source(%dma_start3A_116 : memref<16x128xf32, #tpu.memory_space<hbm>>) target(%dma_start3A_113 : memref<16x128xf32, #tpu.memory_space<vmem_shared>>) target_semaphore(%run_scoped3A : memref<!tpu.dma_semaphore, #tpu.memory_space<semaphore_mem>>)
          %dma_wait3A_117 = arith.constant 9984 : i32
          %dma_wait3A_118 = arith.constant 0 : i32
          %dma_wait3A_119 = tpu.memref_slice %arg11[%dma_wait3A_117, %dma_wait3A_118] : memref<10240x128xf32, #tpu.memory_space<vmem_shared>> -> memref<16x128xf32, #tpu.memory_space<vmem_shared>>
          %dma_wait3A_120 = arith.constant 9984 : i32
          %dma_wait3A_121 = arith.constant 0 : i32
          %dma_wait3A_122 = tpu.memref_slice %arg2[%dma_wait3A_120, %dma_wait3A_121] : memref<10000x128xf32, #tpu.memory_space<hbm>> -> memref<16x128xf32, #tpu.memory_space<hbm>>
          tpu.wait_dma2 semaphore(%run_scoped3A : memref<!tpu.dma_semaphore, #tpu.memory_space<semaphore_mem>>) src(%dma_wait3A_122 : memref<16x128xf32, #tpu.memory_space<hbm>>) dst(%dma_wait3A_119 : memref<16x128xf32, #tpu.memory_space<vmem_shared>>)
          tpu.yield
        }) : () -> ()
      } else {
      }
    } else {
    }
    %eq3A_29 = arith.constant 1 : i32
    %eq3A_30 = arith.cmpi eq, %arg0, %eq3A_29 : i32
    %convert_element_type3A_31 = arith.extui %eq3A_30 : i1 to i32
    %cond3A_32 = arith.constant 0 : i32
    %cond3A_33 = arith.cmpi ne, %convert_element_type3A_31, %cond3A_32 : i32
    scf.if %cond3A_33 {
      %broadcast_in_dim3A = arith.constant 0.000000e+00 : f32
      %broadcast_in_dim3A_95 = vector.broadcast %broadcast_in_dim3A : f32 to vector<16xf32>
      %scan3A_96 = arith.constant 0 : i32
      %scan3A_97 = arith.constant 0 : i32
      %scan3A_98 = arith.constant 1024 : i32
      %scan3A_99 = arith.addi %scan3A_97, %scan3A_98 : i32
      %scan3A_100 = arith.constant 1 : i32
      scf.for %scan3A_108 = %scan3A_97 to %scan3A_99 step %scan3A_100  : i32 {
        %jit3A = arith.constant 8 : i32
        %div3A = arith.divsi %scan3A_108, %jit3A : i32
        %sign3A = arith.constant 0 : i32
        %sign3A_109 = arith.cmpi sgt, %scan3A_108, %sign3A : i32
        %sign3A_110 = arith.extui %sign3A_109 : i1 to i32
        %sign3A_111 = arith.constant 0 : i32
        %sign3A_112 = arith.cmpi slt, %scan3A_108, %sign3A_111 : i32
        %sign3A_113 = arith.extui %sign3A_112 : i1 to i32
        %sign3A_114 = arith.subi %sign3A_110, %sign3A_113 : i32
        %sign3A_115 = arith.constant 0 : i32
        %sign3A_116 = arith.cmpi sgt, %jit3A, %sign3A_115 : i32
        %sign3A_117 = arith.extui %sign3A_116 : i1 to i32
        %sign3A_118 = arith.constant 0 : i32
        %sign3A_119 = arith.cmpi slt, %jit3A, %sign3A_118 : i32
        %sign3A_120 = arith.extui %sign3A_119 : i1 to i32
        %sign3A_121 = arith.subi %sign3A_117, %sign3A_120 : i32
        %ne3A = arith.cmpi ne, %sign3A_114, %sign3A_121 : i32
        %rem3A = arith.remsi %scan3A_108, %jit3A : i32
        %ne3A_122 = arith.constant 0 : i32
        %ne3A_123 = arith.cmpi ne, %rem3A, %ne3A_122 : i32
        %and3A = arith.andi %ne3A, %ne3A_123 : i1
        %sub3A = arith.constant 1 : i32
        %sub3A_124 = arith.subi %div3A, %sub3A : i32
        %select_n3A = arith.select %and3A, %sub3A_124, %div3A : i32
        %jit3A_125 = arith.constant 8 : i32
        %eq3A_126 = arith.constant 0 : i32
        %eq3A_127 = arith.cmpi eq, %jit3A_125, %eq3A_126 : i32
        %jit3A_128 = arith.constant 1 : i32
        %select_n3A_129 = arith.select %eq3A_127, %jit3A_128, %jit3A_125 : i32
        %rem3A_130 = arith.remsi %scan3A_108, %select_n3A_129 : i32
        %ne3A_131 = arith.constant 0 : i32
        %ne3A_132 = arith.cmpi ne, %rem3A_130, %ne3A_131 : i32
        %lt3A_133 = arith.constant 0 : i32
        %lt3A_134 = arith.cmpi slt, %rem3A_130, %lt3A_133 : i32
        %lt3A_135 = arith.constant 0 : i32
        %lt3A_136 = arith.cmpi slt, %select_n3A_129, %lt3A_135 : i32
        %ne3A_137 = arith.xori %lt3A_134, %lt3A_136 : i1
        %and3A_138 = arith.andi %ne3A_137, %ne3A_132 : i1
        %add3A_139 = arith.addi %rem3A_130, %select_n3A_129 : i32
        %select_n3A_140 = arith.select %and3A_138, %add3A_139, %rem3A_130 : i32
        %mul3A_141 = arith.constant 16 : i32
        %mul3A_142 = arith.muli %select_n3A_140, %mul3A_141 : i32
        %swap3A = arith.index_cast %select_n3A : i32 to index
        %swap3A_143 = arith.index_cast %mul3A_142 : i32 to index
        %swap3A_144 = tpu.vector_load %arg9[%swap3A, %swap3A_143] {strides = array<i32>} : memref<128x128xf32, #tpu.memory_space<vmem>>, vector<1x16xf32>,
        %swap3A_145 = vector.shape_cast %swap3A_144 : vector<1x16xf32> to vector<16xf32>
        %swap3A_146 = vector.shape_cast %broadcast_in_dim3A_95 : vector<16xf32> to vector<1x16xf32>
        tpu.vector_store %arg9[%swap3A, %swap3A_143], %swap3A_146 {strides = array<i32>} : memref<128x128xf32, #tpu.memory_space<vmem>>, vector<1x16xf32>,
      }
      %scan3A_101 = arith.constant 1024 : i32
      %scan3A_102 = arith.constant 0 : i32
      %scan3A_103 = arith.constant 0 : i32
      %scan3A_104 = arith.constant 5 : i32
      %scan3A_105 = arith.addi %scan3A_103, %scan3A_104 : i32
      %scan3A_106 = arith.constant 1 : i32
      scf.for %scan3A_108 = %scan3A_103 to %scan3A_105 step %scan3A_106  : i32 {
        %mul3A_109 = arith.constant 640 : i32
        %mul3A_110 = arith.muli %arg1, %mul3A_109 : i32
        %mul3A_111 = arith.constant 128 : i32
        %mul3A_112 = arith.muli %scan3A_108, %mul3A_111 : i32
        %add3A_113 = arith.addi %mul3A_110, %mul3A_112 : i32
        "tpu.region"() ({
          %run_scoped3A = tpu.sem_alloc : memref<!tpu.dma_semaphore, #tpu.memory_space<semaphore_mem>>
          %dma_start3A_114 = arith.constant 0 : i32
          %dma_start3A_115 = tpu.memref_slice %arg11[%add3A_113, %dma_start3A_114] : memref<10240x128xf32, #tpu.memory_space<vmem_shared>> -> memref<128x128xf32, #tpu.memory_space<vmem_shared>>
          %dma_start3A_116 = arith.constant 0 : i32
          %dma_start3A_117 = tpu.memref_slice %arg11[%add3A_113, %dma_start3A_116] : memref<10240x128xf32, #tpu.memory_space<vmem_shared>> -> memref<128x128xf32, #tpu.memory_space<vmem_shared>>
          tpu.enqueue_dma source(%arg9 : memref<128x128xf32, #tpu.memory_space<vmem>>) target(%dma_start3A_117 : memref<128x128xf32, #tpu.memory_space<vmem_shared>>) target_semaphore(%run_scoped3A : memref<!tpu.dma_semaphore, #tpu.memory_space<semaphore_mem>>)
          %dma_wait3A_118 = arith.constant 0 : i32
          %dma_wait3A_119 = tpu.memref_slice %arg11[%add3A_113, %dma_wait3A_118] : memref<10240x128xf32, #tpu.memory_space<vmem_shared>> -> memref<128x128xf32, #tpu.memory_space<vmem_shared>>
          %dma_wait3A_120 = arith.constant 0 : i32
          %dma_wait3A_121 = tpu.memref_slice %arg11[%add3A_113, %dma_wait3A_120] : memref<10240x128xf32, #tpu.memory_space<vmem_shared>> -> memref<128x128xf32, #tpu.memory_space<vmem_shared>>
          tpu.wait_dma2 semaphore(%run_scoped3A : memref<!tpu.dma_semaphore, #tpu.memory_space<semaphore_mem>>) src(%arg9 : memref<128x128xf32, #tpu.memory_space<vmem>>) dst(%dma_wait3A_121 : memref<128x128xf32, #tpu.memory_space<vmem_shared>>)
          tpu.yield
        }) : () -> ()
      }
      %scan3A_107 = arith.constant 5 : i32
    } else {
    }
    %dma_wait3A = arith.constant 0 : i32
    %dma_wait3A_34 = arith.constant 0 : i32
    %dma_wait3A_35 = tpu.memref_slice %arg7[%dma_wait3A, %dma_wait3A_34] : memref<4x128xi32, #tpu.memory_space<vmem>> -> memref<1x128xi32, #tpu.memory_space<vmem>>
    %dma_wait3A_36 = tpu.memref_squeeze %dma_wait3A_35 : memref<1x128xi32, #tpu.memory_space<vmem>> -> memref<128xi32, #tpu.memory_space<vmem>>
    %dma_wait3A_37 = arith.constant 0 : i32
    %dma_wait3A_38 = tpu.memref_slice %arg4[%dma_wait3A_37] : memref<7680xi32, #tpu.memory_space<hbm>> -> memref<128xi32, #tpu.memory_space<hbm>>
    %dma_wait3A_39 = arith.constant 0 : i32
    %dma_wait3A_40 = tpu.memref_slice %arg7[%dma_wait3A, %dma_wait3A_39] : memref<4x128xi32, #tpu.memory_space<vmem>> -> memref<1x128xi32, #tpu.memory_space<vmem>>
    %dma_wait3A_41 = tpu.memref_squeeze %dma_wait3A_40 : memref<1x128xi32, #tpu.memory_space<vmem>> -> memref<128xi32, #tpu.memory_space<vmem>>
    %dma_wait3A_42 = arith.constant 0 : i32
    %dma_wait3A_43 = tpu.memref_slice %arg4[%dma_wait3A_42] : memref<7680xi32, #tpu.memory_space<hbm>> -> memref<128xi32, #tpu.memory_space<hbm>>
    tpu.wait_dma2 semaphore(%arg12 : memref<!tpu.dma_semaphore, #tpu.memory_space<semaphore_mem>>) src(%dma_wait3A_43 : memref<128xi32, #tpu.memory_space<hbm>>) dst(%dma_wait3A_41 : memref<128xi32, #tpu.memory_space<vmem>>)
    %dma_wait3A_44 = arith.constant 0 : i32
    %dma_wait3A_45 = arith.constant 0 : i32
    %dma_wait3A_46 = tpu.memref_slice %arg8[%dma_wait3A_44, %dma_wait3A_45] : memref<4x128xi32, #tpu.memory_space<vmem>> -> memref<1x128xi32, #tpu.memory_space<vmem>>
    %dma_wait3A_47 = tpu.memref_squeeze %dma_wait3A_46 : memref<1x128xi32, #tpu.memory_space<vmem>> -> memref<128xi32, #tpu.memory_space<vmem>>
    %dma_wait3A_48 = arith.constant 0 : i32
    %dma_wait3A_49 = tpu.memref_slice %arg4[%dma_wait3A_48] : memref<7680xi32, #tpu.memory_space<hbm>> -> memref<128xi32, #tpu.memory_space<hbm>>
    %dma_wait3A_50 = arith.constant 0 : i32
    %dma_wait3A_51 = tpu.memref_slice %arg8[%dma_wait3A_44, %dma_wait3A_50] : memref<4x128xi32, #tpu.memory_space<vmem>> -> memref<1x128xi32, #tpu.memory_space<vmem>>
    %dma_wait3A_52 = tpu.memref_squeeze %dma_wait3A_51 : memref<1x128xi32, #tpu.memory_space<vmem>> -> memref<128xi32, #tpu.memory_space<vmem>>
    %dma_wait3A_53 = arith.constant 0 : i32
    %dma_wait3A_54 = tpu.memref_slice %arg4[%dma_wait3A_53] : memref<7680xi32, #tpu.memory_space<hbm>> -> memref<128xi32, #tpu.memory_space<hbm>>
    tpu.wait_dma2 semaphore(%arg12 : memref<!tpu.dma_semaphore, #tpu.memory_space<semaphore_mem>>) src(%dma_wait3A_54 : memref<128xi32, #tpu.memory_space<hbm>>) dst(%dma_wait3A_52 : memref<128xi32, #tpu.memory_space<vmem>>)
    %dma_wait3A_55 = arith.constant 1 : i32
    %dma_wait3A_56 = arith.constant 0 : i32
    %dma_wait3A_57 = tpu.memref_slice %arg7[%dma_wait3A_55, %dma_wait3A_56] : memref<4x128xi32, #tpu.memory_space<vmem>> -> memref<1x128xi32, #tpu.memory_space<vmem>>
    %dma_wait3A_58 = tpu.memref_squeeze %dma_wait3A_57 : memref<1x128xi32, #tpu.memory_space<vmem>> -> memref<128xi32, #tpu.memory_space<vmem>>
    %dma_wait3A_59 = arith.constant 0 : i32
    %dma_wait3A_60 = tpu.memref_slice %arg4[%dma_wait3A_59] : memref<7680xi32, #tpu.memory_space<hbm>> -> memref<128xi32, #tpu.memory_space<hbm>>
    %dma_wait3A_61 = arith.constant 0 : i32
    %dma_wait3A_62 = tpu.memref_slice %arg7[%dma_wait3A_55, %dma_wait3A_61] : memref<4x128xi32, #tpu.memory_space<vmem>> -> memref<1x128xi32, #tpu.memory_space<vmem>>
    %dma_wait3A_63 = tpu.memref_squeeze %dma_wait3A_62 : memref<1x128xi32, #tpu.memory_space<vmem>> -> memref<128xi32, #tpu.memory_space<vmem>>
    %dma_wait3A_64 = arith.constant 0 : i32
    %dma_wait3A_65 = tpu.memref_slice %arg4[%dma_wait3A_64] : memref<7680xi32, #tpu.memory_space<hbm>> -> memref<128xi32, #tpu.memory_space<hbm>>
    tpu.wait_dma2 semaphore(%arg12 : memref<!tpu.dma_semaphore, #tpu.memory_space<semaphore_mem>>) src(%dma_wait3A_65 : memref<128xi32, #tpu.memory_space<hbm>>) dst(%dma_wait3A_63 : memref<128xi32, #tpu.memory_space<vmem>>)
    %dma_wait3A_66 = arith.constant 1 : i32
    %dma_wait3A_67 = arith.constant 0 : i32
    %dma_wait3A_68 = tpu.memref_slice %arg8[%dma_wait3A_66, %dma_wait3A_67] : memref<4x128xi32, #tpu.memory_space<vmem>> -> memref<1x128xi32, #tpu.memory_space<vmem>>
    %dma_wait3A_69 = tpu.memref_squeeze %dma_wait3A_68 : memref<1x128xi32, #tpu.memory_space<vmem>> -> memref<128xi32, #tpu.memory_space<vmem>>
    %dma_wait3A_70 = arith.constant 0 : i32
    %dma_wait3A_71 = tpu.memref_slice %arg4[%dma_wait3A_70] : memref<7680xi32, #tpu.memory_space<hbm>> -> memref<128xi32, #tpu.memory_space<hbm>>
    %dma_wait3A_72 = arith.constant 0 : i32
    %dma_wait3A_73 = tpu.memref_slice %arg8[%dma_wait3A_66, %dma_wait3A_72] : memref<4x128xi32, #tpu.memory_space<vmem>> -> memref<1x128xi32, #tpu.memory_space<vmem>>
    %dma_wait3A_74 = tpu.memref_squeeze %dma_wait3A_73 : memref<1x128xi32, #tpu.memory_space<vmem>> -> memref<128xi32, #tpu.memory_space<vmem>>
    %dma_wait3A_75 = arith.constant 0 : i32
    %dma_wait3A_76 = tpu.memref_slice %arg4[%dma_wait3A_75] : memref<7680xi32, #tpu.memory_space<hbm>> -> memref<128xi32, #tpu.memory_space<hbm>>
    tpu.wait_dma2 semaphore(%arg12 : memref<!tpu.dma_semaphore, #tpu.memory_space<semaphore_mem>>) src(%dma_wait3A_76 : memref<128xi32, #tpu.memory_space<hbm>>) dst(%dma_wait3A_74 : memref<128xi32, #tpu.memory_space<vmem>>)
    %barrier3A = arith.constant 0 : index
    tpu.barrier barrier_id(%barrier3A)
    %dma_start3A = arith.constant 0 : i32
    %dma_start3A_77 = arith.constant 0 : i32
    %dma_start3A_78 = tpu.memref_slice %arg7[%dma_start3A, %dma_start3A_77] : memref<4x128xi32, #tpu.memory_space<vmem>> -> memref<1x128xi32, #tpu.memory_space<vmem>>
    %dma_start3A_79 = tpu.memref_squeeze %dma_start3A_78 : memref<1x128xi32, #tpu.memory_space<vmem>> -> memref<128xi32, #tpu.memory_space<vmem>>
    %dma_start3A_80 = arith.constant 0 : i32
    %dma_start3A_81 = arith.constant 0 : i32
    %dma_start3A_82 = tpu.memref_slice %arg2[%dma_start3A_80, %dma_start3A_81] : memref<10000x128xf32, #tpu.memory_space<hbm>> -> memref<10000x128xf32, #tpu.memory_space<hbm>>
    tpu.enqueue_indirect_dma source(%dma_start3A_82 : memref<10000x128xf32, #tpu.memory_space<hbm>>) target(%arg9 : memref<128x128xf32, #tpu.memory_space<vmem>>) offsets(%dma_start3A_79 : memref<128xi32, #tpu.memory_space<vmem>>) semaphore(%arg13 : memref<!tpu.dma_semaphore, #tpu.memory_space<semaphore_mem>>)
    %scan3A = arith.constant 0 : i32
    %scan3A_83 = arith.constant 0 : i32
    %scan3A_84 = arith.constant 40 : i32
    %scan3A_85 = arith.addi %scan3A_83, %scan3A_84 : i32
    %scan3A_86 = arith.constant 1 : i32
    scf.for %scan3A_95 = %scan3A_83 to %scan3A_85 step %scan3A_86  : i32 {
      %mul3A_96 = arith.constant 2 : i32
      %mul3A_97 = arith.muli %scan3A_95, %mul3A_96 : i32
      %lt3A_98 = arith.constant 39 : i32
      %lt3A_99 = arith.cmpi slt, %scan3A_95, %lt3A_98 : i32
      %convert_element_type3A_100 = arith.extui %lt3A_99 : i1 to i32
      %cond3A_101 = arith.constant 0 : i32
      %cond3A_102 = arith.cmpi ne, %convert_element_type3A_100, %cond3A_101 : i32
      scf.if %cond3A_102 {
        %add3A_207 = arith.constant 2 : i32
        %add3A_208 = arith.addi %mul3A_97, %add3A_207 : i32
        %jit3A_209 = arith.constant 4 : i32
        %eq3A_210 = arith.constant 0 : i32
        %eq3A_211 = arith.cmpi eq, %jit3A_209, %eq3A_210 : i32
        %jit3A_212 = arith.constant 1 : i32
        %select_n3A_213 = arith.select %eq3A_211, %jit3A_212, %jit3A_209 : i32
        %rem3A_214 = arith.remsi %add3A_208, %select_n3A_213 : i32
        %ne3A_215 = arith.constant 0 : i32
        %ne3A_216 = arith.cmpi ne, %rem3A_214, %ne3A_215 : i32
        %lt3A_217 = arith.constant 0 : i32
        %lt3A_218 = arith.cmpi slt, %rem3A_214, %lt3A_217 : i32
        %lt3A_219 = arith.constant 0 : i32
        %lt3A_220 = arith.cmpi slt, %select_n3A_213, %lt3A_219 : i32
        %ne3A_221 = arith.xori %lt3A_218, %lt3A_220 : i1
        %and3A_222 = arith.andi %ne3A_221, %ne3A_216 : i1
        %add3A_223 = arith.addi %rem3A_214, %select_n3A_213 : i32
        %select_n3A_224 = arith.select %and3A_222, %add3A_223, %rem3A_214 : i32
        %mul3A_225 = arith.constant 128 : i32
        %mul3A_226 = arith.muli %add3A_208, %mul3A_225 : i32
        %add3A_227 = arith.addi %mul3A_4, %mul3A_226 : i32
        %lt3A_228 = arith.constant 320000 : i32
        %lt3A_229 = arith.cmpi slt, %add3A_227, %lt3A_228 : i32
        %convert_element_type3A_230 = arith.extui %lt3A_229 : i1 to i32
        %cond3A_231 = arith.constant 0 : i32
        %cond3A_232 = arith.cmpi ne, %convert_element_type3A_230, %cond3A_231 : i32
        scf.if %cond3A_232 {
          %dma_start3A_269 = arith.constant 0 : i32
          %dma_start3A_270 = arith.constant 0 : i32
          %dma_start3A_271 = tpu.memref_slice %arg7[%select_n3A_224, %dma_start3A_270] : memref<4x128xi32, #tpu.memory_space<vmem>> -> memref<1x128xi32, #tpu.memory_space<vmem>>
          %dma_start3A_272 = tpu.memref_squeeze %dma_start3A_271 : memref<1x128xi32, #tpu.memory_space<vmem>> -> memref<128xi32, #tpu.memory_space<vmem>>
          %dma_start3A_273 = tpu.memref_slice %arg3[%dma_start3A_269, %add3A_227] : memref<2x320000xi32, #tpu.memory_space<hbm>> -> memref<1x128xi32, #tpu.memory_space<hbm>>
          %dma_start3A_274 = tpu.memref_squeeze %dma_start3A_273 : memref<1x128xi32, #tpu.memory_space<hbm>> -> memref<128xi32, #tpu.memory_space<hbm>>
          %dma_start3A_275 = arith.constant 0 : i32
          %dma_start3A_276 = tpu.memref_slice %arg7[%select_n3A_224, %dma_start3A_275] : memref<4x128xi32, #tpu.memory_space<vmem>> -> memref<1x128xi32, #tpu.memory_space<vmem>>
          %dma_start3A_277 = tpu.memref_squeeze %dma_start3A_276 : memref<1x128xi32, #tpu.memory_space<vmem>> -> memref<128xi32, #tpu.memory_space<vmem>>
          %dma_start3A_278 = tpu.memref_slice %arg3[%dma_start3A_269, %add3A_227] : memref<2x320000xi32, #tpu.memory_space<hbm>> -> memref<1x128xi32, #tpu.memory_space<hbm>>
          %dma_start3A_279 = tpu.memref_squeeze %dma_start3A_278 : memref<1x128xi32, #tpu.memory_space<hbm>> -> memref<128xi32, #tpu.memory_space<hbm>>
          tpu.enqueue_dma source(%dma_start3A_279 : memref<128xi32, #tpu.memory_space<hbm>>) target(%dma_start3A_277 : memref<128xi32, #tpu.memory_space<vmem>>) target_semaphore(%arg12 : memref<!tpu.dma_semaphore, #tpu.memory_space<semaphore_mem>>)
          %dma_start3A_280 = arith.constant 1 : i32
          %dma_start3A_281 = arith.constant 0 : i32
          %dma_start3A_282 = tpu.memref_slice %arg8[%select_n3A_224, %dma_start3A_281] : memref<4x128xi32, #tpu.memory_space<vmem>> -> memref<1x128xi32, #tpu.memory_space<vmem>>
          %dma_start3A_283 = tpu.memref_squeeze %dma_start3A_282 : memref<1x128xi32, #tpu.memory_space<vmem>> -> memref<128xi32, #tpu.memory_space<vmem>>
          %dma_start3A_284 = tpu.memref_slice %arg3[%dma_start3A_280, %add3A_227] : memref<2x320000xi32, #tpu.memory_space<hbm>> -> memref<1x128xi32, #tpu.memory_space<hbm>>
          %dma_start3A_285 = tpu.memref_squeeze %dma_start3A_284 : memref<1x128xi32, #tpu.memory_space<hbm>> -> memref<128xi32, #tpu.memory_space<hbm>>
          %dma_start3A_286 = arith.constant 0 : i32
          %dma_start3A_287 = tpu.memref_slice %arg8[%select_n3A_224, %dma_start3A_286] : memref<4x128xi32, #tpu.memory_space<vmem>> -> memref<1x128xi32, #tpu.memory_space<vmem>>
          %dma_start3A_288 = tpu.memref_squeeze %dma_start3A_287 : memref<1x128xi32, #tpu.memory_space<vmem>> -> memref<128xi32, #tpu.memory_space<vmem>>
          %dma_start3A_289 = tpu.memref_slice %arg3[%dma_start3A_280, %add3A_227] : memref<2x320000xi32, #tpu.memory_space<hbm>> -> memref<1x128xi32, #tpu.memory_space<hbm>>
          %dma_start3A_290 = tpu.memref_squeeze %dma_start3A_289 : memref<1x128xi32, #tpu.memory_space<hbm>> -> memref<128xi32, #tpu.memory_space<hbm>>
          tpu.enqueue_dma source(%dma_start3A_290 : memref<128xi32, #tpu.memory_space<hbm>>) target(%dma_start3A_288 : memref<128xi32, #tpu.memory_space<vmem>>) target_semaphore(%arg12 : memref<!tpu.dma_semaphore, #tpu.memory_space<semaphore_mem>>)
        } else {
        }
        %ge3A_233 = arith.constant 320000 : i32
        %ge3A_234 = arith.cmpi sge, %add3A_227, %ge3A_233 : i32
        %convert_element_type3A_235 = arith.extui %ge3A_234 : i1 to i32
        %cond3A_236 = arith.constant 0 : i32
        %cond3A_237 = arith.cmpi ne, %convert_element_type3A_235, %cond3A_236 : i32
        scf.if %cond3A_237 {
          %sub3A = arith.constant 320000 : i32
          %sub3A_269 = arith.subi %add3A_227, %sub3A : i32
          %dma_start3A_270 = arith.constant 0 : i32
          %dma_start3A_271 = tpu.memref_slice %arg7[%select_n3A_224, %dma_start3A_270] : memref<4x128xi32, #tpu.memory_space<vmem>> -> memref<1x128xi32, #tpu.memory_space<vmem>>
          %dma_start3A_272 = tpu.memref_squeeze %dma_start3A_271 : memref<1x128xi32, #tpu.memory_space<vmem>> -> memref<128xi32, #tpu.memory_space<vmem>>
          %dma_start3A_273 = tpu.memref_slice %arg4[%sub3A_269] : memref<7680xi32, #tpu.memory_space<hbm>> -> memref<128xi32, #tpu.memory_space<hbm>>
          %dma_start3A_274 = arith.constant 0 : i32
          %dma_start3A_275 = tpu.memref_slice %arg7[%select_n3A_224, %dma_start3A_274] : memref<4x128xi32, #tpu.memory_space<vmem>> -> memref<1x128xi32, #tpu.memory_space<vmem>>
          %dma_start3A_276 = tpu.memref_squeeze %dma_start3A_275 : memref<1x128xi32, #tpu.memory_space<vmem>> -> memref<128xi32, #tpu.memory_space<vmem>>
          %dma_start3A_277 = tpu.memref_slice %arg4[%sub3A_269] : memref<7680xi32, #tpu.memory_space<hbm>> -> memref<128xi32, #tpu.memory_space<hbm>>
          tpu.enqueue_dma source(%dma_start3A_277 : memref<128xi32, #tpu.memory_space<hbm>>) target(%dma_start3A_276 : memref<128xi32, #tpu.memory_space<vmem>>) target_semaphore(%arg12 : memref<!tpu.dma_semaphore, #tpu.memory_space<semaphore_mem>>)
          %sub3A_278 = arith.constant 320000 : i32
          %sub3A_279 = arith.subi %add3A_227, %sub3A_278 : i32
          %dma_start3A_280 = arith.constant 0 : i32
          %dma_start3A_281 = tpu.memref_slice %arg8[%select_n3A_224, %dma_start3A_280] : memref<4x128xi32, #tpu.memory_space<vmem>> -> memref<1x128xi32, #tpu.memory_space<vmem>>
          %dma_start3A_282 = tpu.memref_squeeze %dma_start3A_281 : memref<1x128xi32, #tpu.memory_space<vmem>> -> memref<128xi32, #tpu.memory_space<vmem>>
          %dma_start3A_283 = tpu.memref_slice %arg5[%sub3A_279] : memref<7680xi32, #tpu.memory_space<hbm>> -> memref<128xi32, #tpu.memory_space<hbm>>
          %dma_start3A_284 = arith.constant 0 : i32
          %dma_start3A_285 = tpu.memref_slice %arg8[%select_n3A_224, %dma_start3A_284] : memref<4x128xi32, #tpu.memory_space<vmem>> -> memref<1x128xi32, #tpu.memory_space<vmem>>
          %dma_start3A_286 = tpu.memref_squeeze %dma_start3A_285 : memref<1x128xi32, #tpu.memory_space<vmem>> -> memref<128xi32, #tpu.memory_space<vmem>>
          %dma_start3A_287 = tpu.memref_slice %arg5[%sub3A_279] : memref<7680xi32, #tpu.memory_space<hbm>> -> memref<128xi32, #tpu.memory_space<hbm>>
          tpu.enqueue_dma source(%dma_start3A_287 : memref<128xi32, #tpu.memory_space<hbm>>) target(%dma_start3A_286 : memref<128xi32, #tpu.memory_space<vmem>>) target_semaphore(%arg12 : memref<!tpu.dma_semaphore, #tpu.memory_space<semaphore_mem>>)
        } else {
        }
        %add3A_238 = arith.constant 3 : i32
        %add3A_239 = arith.addi %mul3A_97, %add3A_238 : i32
        %jit3A_240 = arith.constant 4 : i32
        %eq3A_241 = arith.constant 0 : i32
        %eq3A_242 = arith.cmpi eq, %jit3A_240, %eq3A_241 : i32
        %jit3A_243 = arith.constant 1 : i32
        %select_n3A_244 = arith.select %eq3A_242, %jit3A_243, %jit3A_240 : i32
        %rem3A_245 = arith.remsi %add3A_239, %select_n3A_244 : i32
        %ne3A_246 = arith.constant 0 : i32
        %ne3A_247 = arith.cmpi ne, %rem3A_245, %ne3A_246 : i32
        %lt3A_248 = arith.constant 0 : i32
        %lt3A_249 = arith.cmpi slt, %rem3A_245, %lt3A_248 : i32
        %lt3A_250 = arith.constant 0 : i32
        %lt3A_251 = arith.cmpi slt, %select_n3A_244, %lt3A_250 : i32
        %ne3A_252 = arith.xori %lt3A_249, %lt3A_251 : i1
        %and3A_253 = arith.andi %ne3A_252, %ne3A_247 : i1
        %add3A_254 = arith.addi %rem3A_245, %select_n3A_244 : i32
        %select_n3A_255 = arith.select %and3A_253, %add3A_254, %rem3A_245 : i32
        %mul3A_256 = arith.constant 128 : i32
        %mul3A_257 = arith.muli %add3A_239, %mul3A_256 : i32
        %add3A_258 = arith.addi %mul3A_4, %mul3A_257 : i32
        %lt3A_259 = arith.constant 320000 : i32
        %lt3A_260 = arith.cmpi slt, %add3A_258, %lt3A_259 : i32
        %convert_element_type3A_261 = arith.extui %lt3A_260 : i1 to i32
        %cond3A_262 = arith.constant 0 : i32
        %cond3A_263 = arith.cmpi ne, %convert_element_type3A_261, %cond3A_262 : i32
        scf.if %cond3A_263 {
          %dma_start3A_269 = arith.constant 0 : i32
          %dma_start3A_270 = arith.constant 0 : i32
          %dma_start3A_271 = tpu.memref_slice %arg7[%select_n3A_255, %dma_start3A_270] : memref<4x128xi32, #tpu.memory_space<vmem>> -> memref<1x128xi32, #tpu.memory_space<vmem>>
          %dma_start3A_272 = tpu.memref_squeeze %dma_start3A_271 : memref<1x128xi32, #tpu.memory_space<vmem>> -> memref<128xi32, #tpu.memory_space<vmem>>
          %dma_start3A_273 = tpu.memref_slice %arg3[%dma_start3A_269, %add3A_258] : memref<2x320000xi32, #tpu.memory_space<hbm>> -> memref<1x128xi32, #tpu.memory_space<hbm>>
          %dma_start3A_274 = tpu.memref_squeeze %dma_start3A_273 : memref<1x128xi32, #tpu.memory_space<hbm>> -> memref<128xi32, #tpu.memory_space<hbm>>
          %dma_start3A_275 = arith.constant 0 : i32
          %dma_start3A_276 = tpu.memref_slice %arg7[%select_n3A_255, %dma_start3A_275] : memref<4x128xi32, #tpu.memory_space<vmem>> -> memref<1x128xi32, #tpu.memory_space<vmem>>
          %dma_start3A_277 = tpu.memref_squeeze %dma_start3A_276 : memref<1x128xi32, #tpu.memory_space<vmem>> -> memref<128xi32, #tpu.memory_space<vmem>>
          %dma_start3A_278 = tpu.memref_slice %arg3[%dma_start3A_269, %add3A_258] : memref<2x320000xi32, #tpu.memory_space<hbm>> -> memref<1x128xi32, #tpu.memory_space<hbm>>
          %dma_start3A_279 = tpu.memref_squeeze %dma_start3A_278 : memref<1x128xi32, #tpu.memory_space<hbm>> -> memref<128xi32, #tpu.memory_space<hbm>>
          tpu.enqueue_dma source(%dma_start3A_279 : memref<128xi32, #tpu.memory_space<hbm>>) target(%dma_start3A_277 : memref<128xi32, #tpu.memory_space<vmem>>) target_semaphore(%arg12 : memref<!tpu.dma_semaphore, #tpu.memory_space<semaphore_mem>>)
          %dma_start3A_280 = arith.constant 1 : i32
          %dma_start3A_281 = arith.constant 0 : i32
          %dma_start3A_282 = tpu.memref_slice %arg8[%select_n3A_255, %dma_start3A_281] : memref<4x128xi32, #tpu.memory_space<vmem>> -> memref<1x128xi32, #tpu.memory_space<vmem>>
          %dma_start3A_283 = tpu.memref_squeeze %dma_start3A_282 : memref<1x128xi32, #tpu.memory_space<vmem>> -> memref<128xi32, #tpu.memory_space<vmem>>
          %dma_start3A_284 = tpu.memref_slice %arg3[%dma_start3A_280, %add3A_258] : memref<2x320000xi32, #tpu.memory_space<hbm>> -> memref<1x128xi32, #tpu.memory_space<hbm>>
          %dma_start3A_285 = tpu.memref_squeeze %dma_start3A_284 : memref<1x128xi32, #tpu.memory_space<hbm>> -> memref<128xi32, #tpu.memory_space<hbm>>
          %dma_start3A_286 = arith.constant 0 : i32
          %dma_start3A_287 = tpu.memref_slice %arg8[%select_n3A_255, %dma_start3A_286] : memref<4x128xi32, #tpu.memory_space<vmem>> -> memref<1x128xi32, #tpu.memory_space<vmem>>
          %dma_start3A_288 = tpu.memref_squeeze %dma_start3A_287 : memref<1x128xi32, #tpu.memory_space<vmem>> -> memref<128xi32, #tpu.memory_space<vmem>>
          %dma_start3A_289 = tpu.memref_slice %arg3[%dma_start3A_280, %add3A_258] : memref<2x320000xi32, #tpu.memory_space<hbm>> -> memref<1x128xi32, #tpu.memory_space<hbm>>
          %dma_start3A_290 = tpu.memref_squeeze %dma_start3A_289 : memref<1x128xi32, #tpu.memory_space<hbm>> -> memref<128xi32, #tpu.memory_space<hbm>>
          tpu.enqueue_dma source(%dma_start3A_290 : memref<128xi32, #tpu.memory_space<hbm>>) target(%dma_start3A_288 : memref<128xi32, #tpu.memory_space<vmem>>) target_semaphore(%arg12 : memref<!tpu.dma_semaphore, #tpu.memory_space<semaphore_mem>>)
        } else {
        }
        %ge3A_264 = arith.constant 320000 : i32
        %ge3A_265 = arith.cmpi sge, %add3A_258, %ge3A_264 : i32
        %convert_element_type3A_266 = arith.extui %ge3A_265 : i1 to i32
        %cond3A_267 = arith.constant 0 : i32
        %cond3A_268 = arith.cmpi ne, %convert_element_type3A_266, %cond3A_267 : i32
        scf.if %cond3A_268 {
          %sub3A = arith.constant 320000 : i32
          %sub3A_269 = arith.subi %add3A_258, %sub3A : i32
          %dma_start3A_270 = arith.constant 0 : i32
          %dma_start3A_271 = tpu.memref_slice %arg7[%select_n3A_255, %dma_start3A_270] : memref<4x128xi32, #tpu.memory_space<vmem>> -> memref<1x128xi32, #tpu.memory_space<vmem>>
          %dma_start3A_272 = tpu.memref_squeeze %dma_start3A_271 : memref<1x128xi32, #tpu.memory_space<vmem>> -> memref<128xi32, #tpu.memory_space<vmem>>
          %dma_start3A_273 = tpu.memref_slice %arg4[%sub3A_269] : memref<7680xi32, #tpu.memory_space<hbm>> -> memref<128xi32, #tpu.memory_space<hbm>>
          %dma_start3A_274 = arith.constant 0 : i32
          %dma_start3A_275 = tpu.memref_slice %arg7[%select_n3A_255, %dma_start3A_274] : memref<4x128xi32, #tpu.memory_space<vmem>> -> memref<1x128xi32, #tpu.memory_space<vmem>>
          %dma_start3A_276 = tpu.memref_squeeze %dma_start3A_275 : memref<1x128xi32, #tpu.memory_space<vmem>> -> memref<128xi32, #tpu.memory_space<vmem>>
          %dma_start3A_277 = tpu.memref_slice %arg4[%sub3A_269] : memref<7680xi32, #tpu.memory_space<hbm>> -> memref<128xi32, #tpu.memory_space<hbm>>
          tpu.enqueue_dma source(%dma_start3A_277 : memref<128xi32, #tpu.memory_space<hbm>>) target(%dma_start3A_276 : memref<128xi32, #tpu.memory_space<vmem>>) target_semaphore(%arg12 : memref<!tpu.dma_semaphore, #tpu.memory_space<semaphore_mem>>)
          %sub3A_278 = arith.constant 320000 : i32
          %sub3A_279 = arith.subi %add3A_258, %sub3A_278 : i32
          %dma_start3A_280 = arith.constant 0 : i32
          %dma_start3A_281 = tpu.memref_slice %arg8[%select_n3A_255, %dma_start3A_280] : memref<4x128xi32, #tpu.memory_space<vmem>> -> memref<1x128xi32, #tpu.memory_space<vmem>>
          %dma_start3A_282 = tpu.memref_squeeze %dma_start3A_281 : memref<1x128xi32, #tpu.memory_space<vmem>> -> memref<128xi32, #tpu.memory_space<vmem>>
          %dma_start3A_283 = tpu.memref_slice %arg5[%sub3A_279] : memref<7680xi32, #tpu.memory_space<hbm>> -> memref<128xi32, #tpu.memory_space<hbm>>
          %dma_start3A_284 = arith.constant 0 : i32
          %dma_start3A_285 = tpu.memref_slice %arg8[%select_n3A_255, %dma_start3A_284] : memref<4x128xi32, #tpu.memory_space<vmem>> -> memref<1x128xi32, #tpu.memory_space<vmem>>
          %dma_start3A_286 = tpu.memref_squeeze %dma_start3A_285 : memref<1x128xi32, #tpu.memory_space<vmem>> -> memref<128xi32, #tpu.memory_space<vmem>>
          %dma_start3A_287 = tpu.memref_slice %arg5[%sub3A_279] : memref<7680xi32, #tpu.memory_space<hbm>> -> memref<128xi32, #tpu.memory_space<hbm>>
          tpu.enqueue_dma source(%dma_start3A_287 : memref<128xi32, #tpu.memory_space<hbm>>) target(%dma_start3A_286 : memref<128xi32, #tpu.memory_space<vmem>>) target_semaphore(%arg12 : memref<!tpu.dma_semaphore, #tpu.memory_space<semaphore_mem>>)
        } else {
        }
      } else {
      }
      %add3A_103 = arith.constant 1 : i32
      %add3A_104 = arith.addi %mul3A_97, %add3A_103 : i32
      %jit3A = arith.constant 4 : i32
      %eq3A_105 = arith.constant 0 : i32
      %eq3A_106 = arith.cmpi eq, %jit3A, %eq3A_105 : i32
      %jit3A_107 = arith.constant 1 : i32
      %select_n3A = arith.select %eq3A_106, %jit3A_107, %jit3A : i32
      %rem3A = arith.remsi %add3A_104, %select_n3A : i32
      %ne3A = arith.constant 0 : i32
      %ne3A_108 = arith.cmpi ne, %rem3A, %ne3A : i32
      %lt3A_109 = arith.constant 0 : i32
      %lt3A_110 = arith.cmpi slt, %rem3A, %lt3A_109 : i32
      %lt3A_111 = arith.constant 0 : i32
      %lt3A_112 = arith.cmpi slt, %select_n3A, %lt3A_111 : i32
      %ne3A_113 = arith.xori %lt3A_110, %lt3A_112 : i1
      %and3A = arith.andi %ne3A_113, %ne3A_108 : i1
      %add3A_114 = arith.addi %rem3A, %select_n3A : i32
      %select_n3A_115 = arith.select %and3A, %add3A_114, %rem3A : i32
      %dma_start3A_116 = arith.constant 0 : i32
      %dma_start3A_117 = tpu.memref_slice %arg7[%select_n3A_115, %dma_start3A_116] : memref<4x128xi32, #tpu.memory_space<vmem>> -> memref<1x128xi32, #tpu.memory_space<vmem>>
      %dma_start3A_118 = tpu.memref_squeeze %dma_start3A_117 : memref<1x128xi32, #tpu.memory_space<vmem>> -> memref<128xi32, #tpu.memory_space<vmem>>
      %dma_start3A_119 = arith.constant 0 : i32
      %dma_start3A_120 = arith.constant 0 : i32
      %dma_start3A_121 = tpu.memref_slice %arg2[%dma_start3A_119, %dma_start3A_120] : memref<10000x128xf32, #tpu.memory_space<hbm>> -> memref<10000x128xf32, #tpu.memory_space<hbm>>
      tpu.enqueue_indirect_dma source(%dma_start3A_121 : memref<10000x128xf32, #tpu.memory_space<hbm>>) target(%arg10 : memref<128x128xf32, #tpu.memory_space<vmem>>) offsets(%dma_start3A_118 : memref<128xi32, #tpu.memory_space<vmem>>) semaphore(%arg14 : memref<!tpu.dma_semaphore, #tpu.memory_space<semaphore_mem>>)
      %jit3A_122 = arith.constant 4 : i32
      %eq3A_123 = arith.constant 0 : i32
      %eq3A_124 = arith.cmpi eq, %jit3A_122, %eq3A_123 : i32
      %jit3A_125 = arith.constant 1 : i32
      %select_n3A_126 = arith.select %eq3A_124, %jit3A_125, %jit3A_122 : i32
      %rem3A_127 = arith.remsi %mul3A_97, %select_n3A_126 : i32
      %ne3A_128 = arith.constant 0 : i32
      %ne3A_129 = arith.cmpi ne, %rem3A_127, %ne3A_128 : i32
      %lt3A_130 = arith.constant 0 : i32
      %lt3A_131 = arith.cmpi slt, %rem3A_127, %lt3A_130 : i32
      %lt3A_132 = arith.constant 0 : i32
      %lt3A_133 = arith.cmpi slt, %select_n3A_126, %lt3A_132 : i32
      %ne3A_134 = arith.xori %lt3A_131, %lt3A_133 : i1
      %and3A_135 = arith.andi %ne3A_134, %ne3A_129 : i1
      %add3A_136 = arith.addi %rem3A_127, %select_n3A_126 : i32
      %select_n3A_137 = arith.select %and3A_135, %add3A_136, %rem3A_127 : i32
      %dma_wait3A_138 = arith.constant 0 : i32
      %dma_wait3A_139 = tpu.memref_slice %arg7[%select_n3A_137, %dma_wait3A_138] : memref<4x128xi32, #tpu.memory_space<vmem>> -> memref<1x128xi32, #tpu.memory_space<vmem>>
      %dma_wait3A_140 = tpu.memref_squeeze %dma_wait3A_139 : memref<1x128xi32, #tpu.memory_space<vmem>> -> memref<128xi32, #tpu.memory_space<vmem>>
      %dma_wait3A_141 = arith.constant 0 : i32
      %dma_wait3A_142 = arith.constant 0 : i32
      %dma_wait3A_143 = tpu.memref_slice %arg2[%dma_wait3A_141, %dma_wait3A_142] : memref<10000x128xf32, #tpu.memory_space<hbm>> -> memref<10000x128xf32, #tpu.memory_space<hbm>>
      tpu.wait_indirect_dma semaphore(%arg13 : memref<!tpu.dma_semaphore, #tpu.memory_space<semaphore_mem>>) src(%dma_wait3A_143 : memref<10000x128xf32, #tpu.memory_space<hbm>>) dst(%arg9 : memref<128x128xf32, #tpu.memory_space<vmem>>)
      %jit3A_144 = arith.constant 4 : i32
      %eq3A_145 = arith.constant 0 : i32
      %eq3A_146 = arith.cmpi eq, %jit3A_144, %eq3A_145 : i32
      %jit3A_147 = arith.constant 1 : i32
      %select_n3A_148 = arith.select %eq3A_146, %jit3A_147, %jit3A_144 : i32
      %rem3A_149 = arith.remsi %mul3A_97, %select_n3A_148 : i32
      %ne3A_150 = arith.constant 0 : i32
      %ne3A_151 = arith.cmpi ne, %rem3A_149, %ne3A_150 : i32
      %lt3A_152 = arith.constant 0 : i32
      %lt3A_153 = arith.cmpi slt, %rem3A_149, %lt3A_152 : i32
      %lt3A_154 = arith.constant 0 : i32
      %lt3A_155 = arith.cmpi slt, %select_n3A_148, %lt3A_154 : i32
      %ne3A_156 = arith.xori %lt3A_153, %lt3A_155 : i1
      %and3A_157 = arith.andi %ne3A_156, %ne3A_151 : i1
      %add3A_158 = arith.addi %rem3A_149, %select_n3A_148 : i32
      %select_n3A_159 = arith.select %and3A_157, %add3A_158, %rem3A_149 : i32
      "tpu.region"() ({
        %run_scoped3A = tpu.sem_alloc : memref<!tpu.dma_semaphore, #tpu.memory_space<semaphore_mem>>
        %dma_start3A_207 = arith.constant 0 : i32
        %dma_start3A_208 = tpu.memref_slice %arg8[%select_n3A_159, %dma_start3A_207] : memref<4x128xi32, #tpu.memory_space<vmem>> -> memref<1x128xi32, #tpu.memory_space<vmem>>
        %dma_start3A_209 = tpu.memref_squeeze %dma_start3A_208 : memref<1x128xi32, #tpu.memory_space<vmem>> -> memref<128xi32, #tpu.memory_space<vmem>>
        %dma_start3A_210 = arith.constant 0 : i32
        %dma_start3A_211 = arith.constant 0 : i32
        %dma_start3A_212 = tpu.memref_slice %arg11[%dma_start3A_210, %dma_start3A_211] : memref<10240x128xf32, #tpu.memory_space<vmem_shared>> -> memref<10240x128xf32, #tpu.memory_space<vmem_shared>>
        tpu.enqueue_indirect_dma source(%arg9 : memref<128x128xf32, #tpu.memory_space<vmem>>) target(%dma_start3A_212 : memref<10240x128xf32, #tpu.memory_space<vmem_shared>>) offsets(%dma_start3A_209 : memref<128xi32, #tpu.memory_space<vmem>>) semaphore(%run_scoped3A : memref<!tpu.dma_semaphore, #tpu.memory_space<semaphore_mem>>) {add = true}
        %dma_wait3A_213 = arith.constant 0 : i32
        %dma_wait3A_214 = tpu.memref_slice %arg8[%select_n3A_159, %dma_wait3A_213] : memref<4x128xi32, #tpu.memory_space<vmem>> -> memref<1x128xi32, #tpu.memory_space<vmem>>
        %dma_wait3A_215 = tpu.memref_squeeze %dma_wait3A_214 : memref<1x128xi32, #tpu.memory_space<vmem>> -> memref<128xi32, #tpu.memory_space<vmem>>
        %dma_wait3A_216 = arith.constant 0 : i32
        %dma_wait3A_217 = arith.constant 0 : i32
        %dma_wait3A_218 = tpu.memref_slice %arg11[%dma_wait3A_216, %dma_wait3A_217] : memref<10240x128xf32, #tpu.memory_space<vmem_shared>> -> memref<10240x128xf32, #tpu.memory_space<vmem_shared>>
        tpu.wait_indirect_dma semaphore(%run_scoped3A : memref<!tpu.dma_semaphore, #tpu.memory_space<semaphore_mem>>) src(%arg9 : memref<128x128xf32, #tpu.memory_space<vmem>>) dst(%dma_wait3A_218 : memref<10240x128xf32, #tpu.memory_space<vmem_shared>>)
        tpu.yield
      }) : () -> ()
      %lt3A_160 = arith.constant 39 : i32
      %lt3A_161 = arith.cmpi slt, %scan3A_95, %lt3A_160 : i32
      %convert_element_type3A_162 = arith.extui %lt3A_161 : i1 to i32
      %cond3A_163 = arith.constant 0 : i32
      %cond3A_164 = arith.cmpi ne, %convert_element_type3A_162, %cond3A_163 : i32
      scf.if %cond3A_164 {
        %add3A_207 = arith.constant 2 : i32
        %add3A_208 = arith.addi %mul3A_97, %add3A_207 : i32
        %jit3A_209 = arith.constant 4 : i32
        %eq3A_210 = arith.constant 0 : i32
        %eq3A_211 = arith.cmpi eq, %jit3A_209, %eq3A_210 : i32
        %jit3A_212 = arith.constant 1 : i32
        %select_n3A_213 = arith.select %eq3A_211, %jit3A_212, %jit3A_209 : i32
        %rem3A_214 = arith.remsi %add3A_208, %select_n3A_213 : i32
        %ne3A_215 = arith.constant 0 : i32
        %ne3A_216 = arith.cmpi ne, %rem3A_214, %ne3A_215 : i32
        %lt3A_217 = arith.constant 0 : i32
        %lt3A_218 = arith.cmpi slt, %rem3A_214, %lt3A_217 : i32
        %lt3A_219 = arith.constant 0 : i32
        %lt3A_220 = arith.cmpi slt, %select_n3A_213, %lt3A_219 : i32
        %ne3A_221 = arith.xori %lt3A_218, %lt3A_220 : i1
        %and3A_222 = arith.andi %ne3A_221, %ne3A_216 : i1
        %add3A_223 = arith.addi %rem3A_214, %select_n3A_213 : i32
        %select_n3A_224 = arith.select %and3A_222, %add3A_223, %rem3A_214 : i32
        %dma_wait3A_225 = arith.constant 0 : i32
        %dma_wait3A_226 = tpu.memref_slice %arg7[%select_n3A_224, %dma_wait3A_225] : memref<4x128xi32, #tpu.memory_space<vmem>> -> memref<1x128xi32, #tpu.memory_space<vmem>>
        %dma_wait3A_227 = tpu.memref_squeeze %dma_wait3A_226 : memref<1x128xi32, #tpu.memory_space<vmem>> -> memref<128xi32, #tpu.memory_space<vmem>>
        %dma_wait3A_228 = arith.constant 0 : i32
        %dma_wait3A_229 = tpu.memref_slice %arg4[%dma_wait3A_228] : memref<7680xi32, #tpu.memory_space<hbm>> -> memref<128xi32, #tpu.memory_space<hbm>>
        %dma_wait3A_230 = arith.constant 0 : i32
        %dma_wait3A_231 = tpu.memref_slice %arg7[%select_n3A_224, %dma_wait3A_230] : memref<4x128xi32, #tpu.memory_space<vmem>> -> memref<1x128xi32, #tpu.memory_space<vmem>>
        %dma_wait3A_232 = tpu.memref_squeeze %dma_wait3A_231 : memref<1x128xi32, #tpu.memory_space<vmem>> -> memref<128xi32, #tpu.memory_space<vmem>>
        %dma_wait3A_233 = arith.constant 0 : i32
        %dma_wait3A_234 = tpu.memref_slice %arg4[%dma_wait3A_233] : memref<7680xi32, #tpu.memory_space<hbm>> -> memref<128xi32, #tpu.memory_space<hbm>>
        tpu.wait_dma2 semaphore(%arg12 : memref<!tpu.dma_semaphore, #tpu.memory_space<semaphore_mem>>) src(%dma_wait3A_234 : memref<128xi32, #tpu.memory_space<hbm>>) dst(%dma_wait3A_232 : memref<128xi32, #tpu.memory_space<vmem>>)
        %dma_wait3A_235 = arith.constant 0 : i32
        %dma_wait3A_236 = tpu.memref_slice %arg8[%select_n3A_224, %dma_wait3A_235] : memref<4x128xi32, #tpu.memory_space<vmem>> -> memref<1x128xi32, #tpu.memory_space<vmem>>
        %dma_wait3A_237 = tpu.memref_squeeze %dma_wait3A_236 : memref<1x128xi32, #tpu.memory_space<vmem>> -> memref<128xi32, #tpu.memory_space<vmem>>
        %dma_wait3A_238 = arith.constant 0 : i32
        %dma_wait3A_239 = tpu.memref_slice %arg4[%dma_wait3A_238] : memref<7680xi32, #tpu.memory_space<hbm>> -> memref<128xi32, #tpu.memory_space<hbm>>
        %dma_wait3A_240 = arith.constant 0 : i32
        %dma_wait3A_241 = tpu.memref_slice %arg8[%select_n3A_224, %dma_wait3A_240] : memref<4x128xi32, #tpu.memory_space<vmem>> -> memref<1x128xi32, #tpu.memory_space<vmem>>
        %dma_wait3A_242 = tpu.memref_squeeze %dma_wait3A_241 : memref<1x128xi32, #tpu.memory_space<vmem>> -> memref<128xi32, #tpu.memory_space<vmem>>
        %dma_wait3A_243 = arith.constant 0 : i32
        %dma_wait3A_244 = tpu.memref_slice %arg4[%dma_wait3A_243] : memref<7680xi32, #tpu.memory_space<hbm>> -> memref<128xi32, #tpu.memory_space<hbm>>
        tpu.wait_dma2 semaphore(%arg12 : memref<!tpu.dma_semaphore, #tpu.memory_space<semaphore_mem>>) src(%dma_wait3A_244 : memref<128xi32, #tpu.memory_space<hbm>>) dst(%dma_wait3A_242 : memref<128xi32, #tpu.memory_space<vmem>>)
        %add3A_245 = arith.constant 3 : i32
        %add3A_246 = arith.addi %mul3A_97, %add3A_245 : i32
        %jit3A_247 = arith.constant 4 : i32
        %eq3A_248 = arith.constant 0 : i32
        %eq3A_249 = arith.cmpi eq, %jit3A_247, %eq3A_248 : i32
        %jit3A_250 = arith.constant 1 : i32
        %select_n3A_251 = arith.select %eq3A_249, %jit3A_250, %jit3A_247 : i32
        %rem3A_252 = arith.remsi %add3A_246, %select_n3A_251 : i32
        %ne3A_253 = arith.constant 0 : i32
        %ne3A_254 = arith.cmpi ne, %rem3A_252, %ne3A_253 : i32
        %lt3A_255 = arith.constant 0 : i32
        %lt3A_256 = arith.cmpi slt, %rem3A_252, %lt3A_255 : i32
        %lt3A_257 = arith.constant 0 : i32
        %lt3A_258 = arith.cmpi slt, %select_n3A_251, %lt3A_257 : i32
        %ne3A_259 = arith.xori %lt3A_256, %lt3A_258 : i1
        %and3A_260 = arith.andi %ne3A_259, %ne3A_254 : i1
        %add3A_261 = arith.addi %rem3A_252, %select_n3A_251 : i32
        %select_n3A_262 = arith.select %and3A_260, %add3A_261, %rem3A_252 : i32
        %dma_wait3A_263 = arith.constant 0 : i32
        %dma_wait3A_264 = tpu.memref_slice %arg7[%select_n3A_262, %dma_wait3A_263] : memref<4x128xi32, #tpu.memory_space<vmem>> -> memref<1x128xi32, #tpu.memory_space<vmem>>
        %dma_wait3A_265 = tpu.memref_squeeze %dma_wait3A_264 : memref<1x128xi32, #tpu.memory_space<vmem>> -> memref<128xi32, #tpu.memory_space<vmem>>
        %dma_wait3A_266 = arith.constant 0 : i32
        %dma_wait3A_267 = tpu.memref_slice %arg4[%dma_wait3A_266] : memref<7680xi32, #tpu.memory_space<hbm>> -> memref<128xi32, #tpu.memory_space<hbm>>
        %dma_wait3A_268 = arith.constant 0 : i32
        %dma_wait3A_269 = tpu.memref_slice %arg7[%select_n3A_262, %dma_wait3A_268] : memref<4x128xi32, #tpu.memory_space<vmem>> -> memref<1x128xi32, #tpu.memory_space<vmem>>
        %dma_wait3A_270 = tpu.memref_squeeze %dma_wait3A_269 : memref<1x128xi32, #tpu.memory_space<vmem>> -> memref<128xi32, #tpu.memory_space<vmem>>
        %dma_wait3A_271 = arith.constant 0 : i32
        %dma_wait3A_272 = tpu.memref_slice %arg4[%dma_wait3A_271] : memref<7680xi32, #tpu.memory_space<hbm>> -> memref<128xi32, #tpu.memory_space<hbm>>
        tpu.wait_dma2 semaphore(%arg12 : memref<!tpu.dma_semaphore, #tpu.memory_space<semaphore_mem>>) src(%dma_wait3A_272 : memref<128xi32, #tpu.memory_space<hbm>>) dst(%dma_wait3A_270 : memref<128xi32, #tpu.memory_space<vmem>>)
        %dma_wait3A_273 = arith.constant 0 : i32
        %dma_wait3A_274 = tpu.memref_slice %arg8[%select_n3A_262, %dma_wait3A_273] : memref<4x128xi32, #tpu.memory_space<vmem>> -> memref<1x128xi32, #tpu.memory_space<vmem>>
        %dma_wait3A_275 = tpu.memref_squeeze %dma_wait3A_274 : memref<1x128xi32, #tpu.memory_space<vmem>> -> memref<128xi32, #tpu.memory_space<vmem>>
        %dma_wait3A_276 = arith.constant 0 : i32
        %dma_wait3A_277 = tpu.memref_slice %arg4[%dma_wait3A_276] : memref<7680xi32, #tpu.memory_space<hbm>> -> memref<128xi32, #tpu.memory_space<hbm>>
        %dma_wait3A_278 = arith.constant 0 : i32
        %dma_wait3A_279 = tpu.memref_slice %arg8[%select_n3A_262, %dma_wait3A_278] : memref<4x128xi32, #tpu.memory_space<vmem>> -> memref<1x128xi32, #tpu.memory_space<vmem>>
        %dma_wait3A_280 = tpu.memref_squeeze %dma_wait3A_279 : memref<1x128xi32, #tpu.memory_space<vmem>> -> memref<128xi32, #tpu.memory_space<vmem>>
        %dma_wait3A_281 = arith.constant 0 : i32
        %dma_wait3A_282 = tpu.memref_slice %arg4[%dma_wait3A_281] : memref<7680xi32, #tpu.memory_space<hbm>> -> memref<128xi32, #tpu.memory_space<hbm>>
        tpu.wait_dma2 semaphore(%arg12 : memref<!tpu.dma_semaphore, #tpu.memory_space<semaphore_mem>>) src(%dma_wait3A_282 : memref<128xi32, #tpu.memory_space<hbm>>) dst(%dma_wait3A_280 : memref<128xi32, #tpu.memory_space<vmem>>)
        %add3A_283 = arith.constant 2 : i32
        %add3A_284 = arith.addi %mul3A_97, %add3A_283 : i32
        %jit3A_285 = arith.constant 4 : i32
        %eq3A_286 = arith.constant 0 : i32
        %eq3A_287 = arith.cmpi eq, %jit3A_285, %eq3A_286 : i32
        %jit3A_288 = arith.constant 1 : i32
        %select_n3A_289 = arith.select %eq3A_287, %jit3A_288, %jit3A_285 : i32
        %rem3A_290 = arith.remsi %add3A_284, %select_n3A_289 : i32
        %ne3A_291 = arith.constant 0 : i32
        %ne3A_292 = arith.cmpi ne, %rem3A_290, %ne3A_291 : i32
        %lt3A_293 = arith.constant 0 : i32
        %lt3A_294 = arith.cmpi slt, %rem3A_290, %lt3A_293 : i32
        %lt3A_295 = arith.constant 0 : i32
        %lt3A_296 = arith.cmpi slt, %select_n3A_289, %lt3A_295 : i32
        %ne3A_297 = arith.xori %lt3A_294, %lt3A_296 : i1
        %and3A_298 = arith.andi %ne3A_297, %ne3A_292 : i1
        %add3A_299 = arith.addi %rem3A_290, %select_n3A_289 : i32
        %select_n3A_300 = arith.select %and3A_298, %add3A_299, %rem3A_290 : i32
        %dma_start3A_301 = arith.constant 0 : i32
        %dma_start3A_302 = tpu.memref_slice %arg7[%select_n3A_300, %dma_start3A_301] : memref<4x128xi32, #tpu.memory_space<vmem>> -> memref<1x128xi32, #tpu.memory_space<vmem>>
        %dma_start3A_303 = tpu.memref_squeeze %dma_start3A_302 : memref<1x128xi32, #tpu.memory_space<vmem>> -> memref<128xi32, #tpu.memory_space<vmem>>
        %dma_start3A_304 = arith.constant 0 : i32
        %dma_start3A_305 = arith.constant 0 : i32
        %dma_start3A_306 = tpu.memref_slice %arg2[%dma_start3A_304, %dma_start3A_305] : memref<10000x128xf32, #tpu.memory_space<hbm>> -> memref<10000x128xf32, #tpu.memory_space<hbm>>
        tpu.enqueue_indirect_dma source(%dma_start3A_306 : memref<10000x128xf32, #tpu.memory_space<hbm>>) target(%arg9 : memref<128x128xf32, #tpu.memory_space<vmem>>) offsets(%dma_start3A_303 : memref<128xi32, #tpu.memory_space<vmem>>) semaphore(%arg13 : memref<!tpu.dma_semaphore, #tpu.memory_space<semaphore_mem>>)
      } else {
      }
      %add3A_165 = arith.constant 1 : i32
      %add3A_166 = arith.addi %mul3A_97, %add3A_165 : i32
      %jit3A_167 = arith.constant 4 : i32
      %eq3A_168 = arith.constant 0 : i32
      %eq3A_169 = arith.cmpi eq, %jit3A_167, %eq3A_168 : i32
      %jit3A_170 = arith.constant 1 : i32
      %select_n3A_171 = arith.select %eq3A_169, %jit3A_170, %jit3A_167 : i32
      %rem3A_172 = arith.remsi %add3A_166, %select_n3A_171 : i32
      %ne3A_173 = arith.constant 0 : i32
      %ne3A_174 = arith.cmpi ne, %rem3A_172, %ne3A_173 : i32
      %lt3A_175 = arith.constant 0 : i32
      %lt3A_176 = arith.cmpi slt, %rem3A_172, %lt3A_175 : i32
      %lt3A_177 = arith.constant 0 : i32
      %lt3A_178 = arith.cmpi slt, %select_n3A_171, %lt3A_177 : i32
      %ne3A_179 = arith.xori %lt3A_176, %lt3A_178 : i1
      %and3A_180 = arith.andi %ne3A_179, %ne3A_174 : i1
      %add3A_181 = arith.addi %rem3A_172, %select_n3A_171 : i32
      %select_n3A_182 = arith.select %and3A_180, %add3A_181, %rem3A_172 : i32
      %dma_wait3A_183 = arith.constant 0 : i32
      %dma_wait3A_184 = tpu.memref_slice %arg7[%select_n3A_182, %dma_wait3A_183] : memref<4x128xi32, #tpu.memory_space<vmem>> -> memref<1x128xi32, #tpu.memory_space<vmem>>
      %dma_wait3A_185 = tpu.memref_squeeze %dma_wait3A_184 : memref<1x128xi32, #tpu.memory_space<vmem>> -> memref<128xi32, #tpu.memory_space<vmem>>
      %dma_wait3A_186 = arith.constant 0 : i32
      %dma_wait3A_187 = arith.constant 0 : i32
      %dma_wait3A_188 = tpu.memref_slice %arg2[%dma_wait3A_186, %dma_wait3A_187] : memref<10000x128xf32, #tpu.memory_space<hbm>> -> memref<10000x128xf32, #tpu.memory_space<hbm>>
      tpu.wait_indirect_dma semaphore(%arg14 : memref<!tpu.dma_semaphore, #tpu.memory_space<semaphore_mem>>) src(%dma_wait3A_188 : memref<10000x128xf32, #tpu.memory_space<hbm>>) dst(%arg10 : memref<128x128xf32, #tpu.memory_space<vmem>>)
      %add3A_189 = arith.constant 1 : i32
      %add3A_190 = arith.addi %mul3A_97, %add3A_189 : i32
      %jit3A_191 = arith.constant 4 : i32
      %eq3A_192 = arith.constant 0 : i32
      %eq3A_193 = arith.cmpi eq, %jit3A_191, %eq3A_192 : i32
      %jit3A_194 = arith.constant 1 : i32
      %select_n3A_195 = arith.select %eq3A_193, %jit3A_194, %jit3A_191 : i32
      %rem3A_196 = arith.remsi %add3A_190, %select_n3A_195 : i32
      %ne3A_197 = arith.constant 0 : i32
      %ne3A_198 = arith.cmpi ne, %rem3A_196, %ne3A_197 : i32
      %lt3A_199 = arith.constant 0 : i32
      %lt3A_200 = arith.cmpi slt, %rem3A_196, %lt3A_199 : i32
      %lt3A_201 = arith.constant 0 : i32
      %lt3A_202 = arith.cmpi slt, %select_n3A_195, %lt3A_201 : i32
      %ne3A_203 = arith.xori %lt3A_200, %lt3A_202 : i1
      %and3A_204 = arith.andi %ne3A_203, %ne3A_198 : i1
      %add3A_205 = arith.addi %rem3A_196, %select_n3A_195 : i32
      %select_n3A_206 = arith.select %and3A_204, %add3A_205, %rem3A_196 : i32
      "tpu.region"() ({
        %run_scoped3A = tpu.sem_alloc : memref<!tpu.dma_semaphore, #tpu.memory_space<semaphore_mem>>
        %dma_start3A_207 = arith.constant 0 : i32
        %dma_start3A_208 = tpu.memref_slice %arg8[%select_n3A_206, %dma_start3A_207] : memref<4x128xi32, #tpu.memory_space<vmem>> -> memref<1x128xi32, #tpu.memory_space<vmem>>
        %dma_start3A_209 = tpu.memref_squeeze %dma_start3A_208 : memref<1x128xi32, #tpu.memory_space<vmem>> -> memref<128xi32, #tpu.memory_space<vmem>>
        %dma_start3A_210 = arith.constant 0 : i32
        %dma_start3A_211 = arith.constant 0 : i32
        %dma_start3A_212 = tpu.memref_slice %arg11[%dma_start3A_210, %dma_start3A_211] : memref<10240x128xf32, #tpu.memory_space<vmem_shared>> -> memref<10240x128xf32, #tpu.memory_space<vmem_shared>>
        tpu.enqueue_indirect_dma source(%arg10 : memref<128x128xf32, #tpu.memory_space<vmem>>) target(%dma_start3A_212 : memref<10240x128xf32, #tpu.memory_space<vmem_shared>>) offsets(%dma_start3A_209 : memref<128xi32, #tpu.memory_space<vmem>>) semaphore(%run_scoped3A : memref<!tpu.dma_semaphore, #tpu.memory_space<semaphore_mem>>) {add = true}
        %dma_wait3A_213 = arith.constant 0 : i32
        %dma_wait3A_214 = tpu.memref_slice %arg8[%select_n3A_206, %dma_wait3A_213] : memref<4x128xi32, #tpu.memory_space<vmem>> -> memref<1x128xi32, #tpu.memory_space<vmem>>
        %dma_wait3A_215 = tpu.memref_squeeze %dma_wait3A_214 : memref<1x128xi32, #tpu.memory_space<vmem>> -> memref<128xi32, #tpu.memory_space<vmem>>
        %dma_wait3A_216 = arith.constant 0 : i32
        %dma_wait3A_217 = arith.constant 0 : i32
        %dma_wait3A_218 = tpu.memref_slice %arg11[%dma_wait3A_216, %dma_wait3A_217] : memref<10240x128xf32, #tpu.memory_space<vmem_shared>> -> memref<10240x128xf32, #tpu.memory_space<vmem_shared>>
        tpu.wait_indirect_dma semaphore(%run_scoped3A : memref<!tpu.dma_semaphore, #tpu.memory_space<semaphore_mem>>) src(%arg10 : memref<128x128xf32, #tpu.memory_space<vmem>>) dst(%dma_wait3A_218 : memref<10240x128xf32, #tpu.memory_space<vmem_shared>>)
        tpu.yield
      }) : () -> ()
    }
    %scan3A_87 = arith.constant 40 : i32
    %barrier3A_88 = arith.constant 0 : index
    tpu.barrier barrier_id(%barrier3A_88)
    %scan3A_89 = arith.constant 0 : i32
    %scan3A_90 = arith.constant 0 : i32
    %scan3A_91 = arith.constant 5 : i32
    %scan3A_92 = arith.addi %scan3A_90, %scan3A_91 : i32
    %scan3A_93 = arith.constant 1 : i32
    scf.for %scan3A_95 = %scan3A_90 to %scan3A_92 step %scan3A_93  : i32 {
      %mul3A_96 = arith.constant 640 : i32
      %mul3A_97 = arith.muli %arg1, %mul3A_96 : i32
      %mul3A_98 = arith.constant 128 : i32
      %mul3A_99 = arith.muli %scan3A_95, %mul3A_98 : i32
      %add3A_100 = arith.addi %mul3A_97, %mul3A_99 : i32
      %mul3A_101 = arith.constant 10240 : i32
      %mul3A_102 = arith.muli %arg0, %mul3A_101 : i32
      %add3A_103 = arith.addi %mul3A_102, %add3A_100 : i32
      "tpu.region"() ({
        %run_scoped3A = tpu.sem_alloc : memref<!tpu.dma_semaphore, #tpu.memory_space<semaphore_mem>>
        %dma_start3A_104 = arith.constant 0 : i32
        %dma_start3A_105 = tpu.memref_slice %arg6[%add3A_103, %dma_start3A_104] : memref<20480x128xf32, #tpu.memory_space<hbm>> -> memref<128x128xf32, #tpu.memory_space<hbm>>
        %dma_start3A_106 = arith.constant 0 : i32
        %dma_start3A_107 = tpu.memref_slice %arg11[%add3A_100, %dma_start3A_106] : memref<10240x128xf32, #tpu.memory_space<vmem_shared>> -> memref<128x128xf32, #tpu.memory_space<vmem_shared>>
        tpu.enqueue_dma source(%dma_start3A_107 : memref<128x128xf32, #tpu.memory_space<vmem_shared>>) target(%dma_start3A_105 : memref<128x128xf32, #tpu.memory_space<hbm>>) target_semaphore(%run_scoped3A : memref<!tpu.dma_semaphore, #tpu.memory_space<semaphore_mem>>)
        %dma_wait3A_108 = arith.constant 0 : i32
        %dma_wait3A_109 = tpu.memref_slice %arg6[%add3A_103, %dma_wait3A_108] : memref<20480x128xf32, #tpu.memory_space<hbm>> -> memref<128x128xf32, #tpu.memory_space<hbm>>
        %dma_wait3A_110 = arith.constant 0 : i32
        %dma_wait3A_111 = tpu.memref_slice %arg11[%add3A_100, %dma_wait3A_110] : memref<10240x128xf32, #tpu.memory_space<vmem_shared>> -> memref<128x128xf32, #tpu.memory_space<vmem_shared>>
        tpu.wait_dma2 semaphore(%run_scoped3A : memref<!tpu.dma_semaphore, #tpu.memory_space<semaphore_mem>>) src(%dma_wait3A_111 : memref<128x128xf32, #tpu.memory_space<vmem_shared>>) dst(%dma_wait3A_109 : memref<128x128xf32, #tpu.memory_space<hbm>>)
        tpu.yield
      }) : () -> ()
    }
    %scan3A_94 = arith.constant 5 : i32
    return
  }
}

#map = affine_map<(d0, d1) -> (0, 0)>
#map1 = affine_map<(d0, d1) -> (0)>
module attributes {stable_mosaic.version = 14 : i64} {
  func.func @k(%arg0: i32, %arg1: i32, %arg2: memref<10000x128xf32, #tpu.memory_space<hbm>>, %arg3: memref<2x320000xi32, #tpu.memory_space<hbm>>, %arg4: memref<7680xi32, #tpu.memory_space<hbm>>, %arg5: memref<7680xi32, #tpu.memory_space<hbm>>, %arg6: memref<20480x128xf32, #tpu.memory_space<hbm>>, %arg7: memref<4x128xi32, #tpu.memory_space<vmem>>, %arg8: memref<4x128xi32, #tpu.memory_space<vmem>>, %arg9: memref<128x128xf32, #tpu.memory_space<vmem>>, %arg10: memref<128x128xf32, #tpu.memory_space<vmem>>, %arg11: memref<10240x128xf32, #tpu.memory_space<vmem_shared>>, %arg12: memref<!tpu.dma_semaphore, #tpu.memory_space<semaphore_mem>>, %arg13: memref<!tpu.dma_semaphore, #tpu.memory_space<semaphore_mem>>, %arg14: memref<!tpu.dma_semaphore, #tpu.memory_space<semaphore_mem>>) attributes {dimension_semantics = [#tpu.dimension_semantics<core_parallel>, #tpu.dimension_semantics<subcore_parallel>], iteration_bounds = array<i64: 2, 16>, scalar_prefetch = 0 : i64, scratch_operands = 8 : i64, tpu.core_type = #tpu.core_type<sc_vector_subcore>, window_params = [{transform_indices = #map}, {transform_indices = #map}, {transform_indices = #map1}, {transform_indices = #map1}, {transform_indices = #map}]} {
    %mul3A = arith.constant 2 : i32
    %mul3A_0 = arith.muli %arg1, %mul3A : i32
    %add3A = arith.addi %mul3A_0, %arg0 : i32
    %mul3A_1 = arith.constant 80 : i32
    %mul3A_2 = arith.muli %add3A, %mul3A_1 : i32
    %mul3A_3 = arith.constant 128 : i32
    %mul3A_4 = arith.muli %mul3A_2, %mul3A_3 : i32
    %add3A_5 = arith.constant 0 : i32
    %add3A_6 = arith.addi %mul3A_4, %add3A_5 : i32
    %lt3A = arith.constant 320000 : i32
    %lt3A_7 = arith.cmpi slt, %add3A_6, %lt3A : i32
    %convert_element_type3A = arith.extui %lt3A_7 : i1 to i32
    %cond3A = arith.constant 0 : i32
    %cond3A_8 = arith.cmpi ne, %convert_element_type3A, %cond3A : i32
    scf.if %cond3A_8 {
      %dma_start3A_95 = arith.constant 0 : i32
      %dma_start3A_96 = arith.constant 0 : i32
      %dma_start3A_97 = arith.constant 0 : i32
      %dma_start3A_98 = tpu.memref_slice %arg7[%dma_start3A_96, %dma_start3A_97] : memref<4x128xi32, #tpu.memory_space<vmem>> -> memref<1x128xi32, #tpu.memory_space<vmem>>
      %dma_start3A_99 = tpu.memref_squeeze %dma_start3A_98 : memref<1x128xi32, #tpu.memory_space<vmem>> -> memref<128xi32, #tpu.memory_space<vmem>>
      %dma_start3A_100 = tpu.memref_slice %arg3[%dma_start3A_95, %add3A_6] : memref<2x320000xi32, #tpu.memory_space<hbm>> -> memref<1x128xi32, #tpu.memory_space<hbm>>
      %dma_start3A_101 = tpu.memref_squeeze %dma_start3A_100 : memref<1x128xi32, #tpu.memory_space<hbm>> -> memref<128xi32, #tpu.memory_space<hbm>>
      %dma_start3A_102 = arith.constant 0 : i32
      %dma_start3A_103 = tpu.memref_slice %arg7[%dma_start3A_96, %dma_start3A_102] : memref<4x128xi32, #tpu.memory_space<vmem>> -> memref<1x128xi32, #tpu.memory_space<vmem>>
      %dma_start3A_104 = tpu.memref_squeeze %dma_start3A_103 : memref<1x128xi32, #tpu.memory_space<vmem>> -> memref<128xi32, #tpu.memory_space<vmem>>
      %dma_start3A_105 = tpu.memref_slice %arg3[%dma_start3A_95, %add3A_6] : memref<2x320000xi32, #tpu.memory_space<hbm>> -> memref<1x128xi32, #tpu.memory_space<hbm>>
      %dma_start3A_106 = tpu.memref_squeeze %dma_start3A_105 : memref<1x128xi32, #tpu.memory_space<hbm>> -> memref<128xi32, #tpu.memory_space<hbm>>
      tpu.enqueue_dma source(%dma_start3A_106 : memref<128xi32, #tpu.memory_space<hbm>>) target(%dma_start3A_104 : memref<128xi32, #tpu.memory_space<vmem>>) target_semaphore(%arg12 : memref<!tpu.dma_semaphore, #tpu.memory_space<semaphore_mem>>)
      %dma_start3A_107 = arith.constant 1 : i32
      %dma_start3A_108 = arith.constant 0 : i32
      %dma_start3A_109 = arith.constant 0 : i32
      %dma_start3A_110 = tpu.memref_slice %arg8[%dma_start3A_108, %dma_start3A_109] : memref<4x128xi32, #tpu.memory_space<vmem>> -> memref<1x128xi32, #tpu.memory_space<vmem>>
      %dma_start3A_111 = tpu.memref_squeeze %dma_start3A_110 : memref<1x128xi32, #tpu.memory_space<vmem>> -> memref<128xi32, #tpu.memory_space<vmem>>
      %dma_start3A_112 = tpu.memref_slice %arg3[%dma_start3A_107, %add3A_6] : memref<2x320000xi32, #tpu.memory_space<hbm>> -> memref<1x128xi32, #tpu.memory_space<hbm>>
      %dma_start3A_113 = tpu.memref_squeeze %dma_start3A_112 : memref<1x128xi32, #tpu.memory_space<hbm>> -> memref<128xi32, #tpu.memory_space<hbm>>
      %dma_start3A_114 = arith.constant 0 : i32
      %dma_start3A_115 = tpu.memref_slice %arg8[%dma_start3A_108, %dma_start3A_114] : memref<4x128xi32, #tpu.memory_space<vmem>> -> memref<1x128xi32, #tpu.memory_space<vmem>>
      %dma_start3A_116 = tpu.memref_squeeze %dma_start3A_115 : memref<1x128xi32, #tpu.memory_space<vmem>> -> memref<128xi32, #tpu.memory_space<vmem>>
      %dma_start3A_117 = tpu.memref_slice %arg3[%dma_start3A_107, %add3A_6] : memref<2x320000xi32, #tpu.memory_space<hbm>> -> memref<1x128xi32, #tpu.memory_space<hbm>>
      %dma_start3A_118 = tpu.memref_squeeze %dma_start3A_117 : memref<1x128xi32, #tpu.memory_space<hbm>> -> memref<128xi32, #tpu.memory_space<hbm>>
      tpu.enqueue_dma source(%dma_start3A_118 : memref<128xi32, #tpu.memory_space<hbm>>) target(%dma_start3A_116 : memref<128xi32, #tpu.memory_space<vmem>>) target_semaphore(%arg12 : memref<!tpu.dma_semaphore, #tpu.memory_space<semaphore_mem>>)
    } else {
    }
    %ge3A = arith.constant 320000 : i32
    %ge3A_9 = arith.cmpi sge, %add3A_6, %ge3A : i32
    %convert_element_type3A_10 = arith.extui %ge3A_9 : i1 to i32
    %cond3A_11 = arith.constant 0 : i32
    %cond3A_12 = arith.cmpi ne, %convert_element_type3A_10, %cond3A_11 : i32
    scf.if %cond3A_12 {
      %sub3A = arith.constant 320000 : i32
      %sub3A_95 = arith.subi %add3A_6, %sub3A : i32
      %dma_start3A_96 = arith.constant 0 : i32
      %dma_start3A_97 = arith.constant 0 : i32
      %dma_start3A_98 = tpu.memref_slice %arg7[%dma_start3A_96, %dma_start3A_97] : memref<4x128xi32, #tpu.memory_space<vmem>> -> memref<1x128xi32, #tpu.memory_space<vmem>>
      %dma_start3A_99 = tpu.memref_squeeze %dma_start3A_98 : memref<1x128xi32, #tpu.memory_space<vmem>> -> memref<128xi32, #tpu.memory_space<vmem>>
      %dma_start3A_100 = tpu.memref_slice %arg4[%sub3A_95] : memref<7680xi32, #tpu.memory_space<hbm>> -> memref<128xi32, #tpu.memory_space<hbm>>
      %dma_start3A_101 = arith.constant 0 : i32
      %dma_start3A_102 = tpu.memref_slice %arg7[%dma_start3A_96, %dma_start3A_101] : memref<4x128xi32, #tpu.memory_space<vmem>> -> memref<1x128xi32, #tpu.memory_space<vmem>>
      %dma_start3A_103 = tpu.memref_squeeze %dma_start3A_102 : memref<1x128xi32, #tpu.memory_space<vmem>> -> memref<128xi32, #tpu.memory_space<vmem>>
      %dma_start3A_104 = tpu.memref_slice %arg4[%sub3A_95] : memref<7680xi32, #tpu.memory_space<hbm>> -> memref<128xi32, #tpu.memory_space<hbm>>
      tpu.enqueue_dma source(%dma_start3A_104 : memref<128xi32, #tpu.memory_space<hbm>>) target(%dma_start3A_103 : memref<128xi32, #tpu.memory_space<vmem>>) target_semaphore(%arg12 : memref<!tpu.dma_semaphore, #tpu.memory_space<semaphore_mem>>)
      %sub3A_105 = arith.constant 320000 : i32
      %sub3A_106 = arith.subi %add3A_6, %sub3A_105 : i32
      %dma_start3A_107 = arith.constant 0 : i32
      %dma_start3A_108 = arith.constant 0 : i32
      %dma_start3A_109 = tpu.memref_slice %arg8[%dma_start3A_107, %dma_start3A_108] : memref<4x128xi32, #tpu.memory_space<vmem>> -> memref<1x128xi32, #tpu.memory_space<vmem>>
      %dma_start3A_110 = tpu.memref_squeeze %dma_start3A_109 : memref<1x128xi32, #tpu.memory_space<vmem>> -> memref<128xi32, #tpu.memory_space<vmem>>
      %dma_start3A_111 = tpu.memref_slice %arg5[%sub3A_106] : memref<7680xi32, #tpu.memory_space<hbm>> -> memref<128xi32, #tpu.memory_space<hbm>>
      %dma_start3A_112 = arith.constant 0 : i32
      %dma_start3A_113 = tpu.memref_slice %arg8[%dma_start3A_107, %dma_start3A_112] : memref<4x128xi32, #tpu.memory_space<vmem>> -> memref<1x128xi32, #tpu.memory_space<vmem>>
      %dma_start3A_114 = tpu.memref_squeeze %dma_start3A_113 : memref<1x128xi32, #tpu.memory_space<vmem>> -> memref<128xi32, #tpu.memory_space<vmem>>
      %dma_start3A_115 = tpu.memref_slice %arg5[%sub3A_106] : memref<7680xi32, #tpu.memory_space<hbm>> -> memref<128xi32, #tpu.memory_space<hbm>>
      tpu.enqueue_dma source(%dma_start3A_115 : memref<128xi32, #tpu.memory_space<hbm>>) target(%dma_start3A_114 : memref<128xi32, #tpu.memory_space<vmem>>) target_semaphore(%arg12 : memref<!tpu.dma_semaphore, #tpu.memory_space<semaphore_mem>>)
    } else {
    }
    %add3A_13 = arith.constant 128 : i32
    %add3A_14 = arith.addi %mul3A_4, %add3A_13 : i32
    %lt3A_15 = arith.constant 320000 : i32
    %lt3A_16 = arith.cmpi slt, %add3A_14, %lt3A_15 : i32
    %convert_element_type3A_17 = arith.extui %lt3A_16 : i1 to i32
    %cond3A_18 = arith.constant 0 : i32
    %cond3A_19 = arith.cmpi ne, %convert_element_type3A_17, %cond3A_18 : i32
    scf.if %cond3A_19 {
      %dma_start3A_95 = arith.constant 0 : i32
      %dma_start3A_96 = arith.constant 1 : i32
      %dma_start3A_97 = arith.constant 0 : i32
      %dma_start3A_98 = tpu.memref_slice %arg7[%dma_start3A_96, %dma_start3A_97] : memref<4x128xi32, #tpu.memory_space<vmem>> -> memref<1x128xi32, #tpu.memory_space<vmem>>
      %dma_start3A_99 = tpu.memref_squeeze %dma_start3A_98 : memref<1x128xi32, #tpu.memory_space<vmem>> -> memref<128xi32, #tpu.memory_space<vmem>>
      %dma_start3A_100 = tpu.memref_slice %arg3[%dma_start3A_95, %add3A_14] : memref<2x320000xi32, #tpu.memory_space<hbm>> -> memref<1x128xi32, #tpu.memory_space<hbm>>
      %dma_start3A_101 = tpu.memref_squeeze %dma_start3A_100 : memref<1x128xi32, #tpu.memory_space<hbm>> -> memref<128xi32, #tpu.memory_space<hbm>>
      %dma_start3A_102 = arith.constant 0 : i32
      %dma_start3A_103 = tpu.memref_slice %arg7[%dma_start3A_96, %dma_start3A_102] : memref<4x128xi32, #tpu.memory_space<vmem>> -> memref<1x128xi32, #tpu.memory_space<vmem>>
      %dma_start3A_104 = tpu.memref_squeeze %dma_start3A_103 : memref<1x128xi32, #tpu.memory_space<vmem>> -> memref<128xi32, #tpu.memory_space<vmem>>
      %dma_start3A_105 = tpu.memref_slice %arg3[%dma_start3A_95, %add3A_14] : memref<2x320000xi32, #tpu.memory_space<hbm>> -> memref<1x128xi32, #tpu.memory_space<hbm>>
      %dma_start3A_106 = tpu.memref_squeeze %dma_start3A_105 : memref<1x128xi32, #tpu.memory_space<hbm>> -> memref<128xi32, #tpu.memory_space<hbm>>
      tpu.enqueue_dma source(%dma_start3A_106 : memref<128xi32, #tpu.memory_space<hbm>>) target(%dma_start3A_104 : memref<128xi32, #tpu.memory_space<vmem>>) target_semaphore(%arg12 : memref<!tpu.dma_semaphore, #tpu.memory_space<semaphore_mem>>)
      %dma_start3A_107 = arith.constant 1 : i32
      %dma_start3A_108 = arith.constant 1 : i32
      %dma_start3A_109 = arith.constant 0 : i32
      %dma_start3A_110 = tpu.memref_slice %arg8[%dma_start3A_108, %dma_start3A_109] : memref<4x128xi32, #tpu.memory_space<vmem>> -> memref<1x128xi32, #tpu.memory_space<vmem>>
      %dma_start3A_111 = tpu.memref_squeeze %dma_start3A_110 : memref<1x128xi32, #tpu.memory_space<vmem>> -> memref<128xi32, #tpu.memory_space<vmem>>
      %dma_start3A_112 = tpu.memref_slice %arg3[%dma_start3A_107, %add3A_14] : memref<2x320000xi32, #tpu.memory_space<hbm>> -> memref<1x128xi32, #tpu.memory_space<hbm>>
      %dma_start3A_113 = tpu.memref_squeeze %dma_start3A_112 : memref<1x128xi32, #tpu.memory_space<hbm>> -> memref<128xi32, #tpu.memory_space<hbm>>
      %dma_start3A_114 = arith.constant 0 : i32
      %dma_start3A_115 = tpu.memref_slice %arg8[%dma_start3A_108, %dma_start3A_114] : memref<4x128xi32, #tpu.memory_space<vmem>> -> memref<1x128xi32, #tpu.memory_space<vmem>>
      %dma_start3A_116 = tpu.memref_squeeze %dma_start3A_115 : memref<1x128xi32, #tpu.memory_space<vmem>> -> memref<128xi32, #tpu.memory_space<vmem>>
      %dma_start3A_117 = tpu.memref_slice %arg3[%dma_start3A_107, %add3A_14] : memref<2x320000xi32, #tpu.memory_space<hbm>> -> memref<1x128xi32, #tpu.memory_space<hbm>>
      %dma_start3A_118 = tpu.memref_squeeze %dma_start3A_117 : memref<1x128xi32, #tpu.memory_space<hbm>> -> memref<128xi32, #tpu.memory_space<hbm>>
      tpu.enqueue_dma source(%dma_start3A_118 : memref<128xi32, #tpu.memory_space<hbm>>) target(%dma_start3A_116 : memref<128xi32, #tpu.memory_space<vmem>>) target_semaphore(%arg12 : memref<!tpu.dma_semaphore, #tpu.memory_space<semaphore_mem>>)
    } else {
    }
    %ge3A_20 = arith.constant 320000 : i32
    %ge3A_21 = arith.cmpi sge, %add3A_14, %ge3A_20 : i32
    %convert_element_type3A_22 = arith.extui %ge3A_21 : i1 to i32
    %cond3A_23 = arith.constant 0 : i32
    %cond3A_24 = arith.cmpi ne, %convert_element_type3A_22, %cond3A_23 : i32
    scf.if %cond3A_24 {
      %sub3A = arith.constant 320000 : i32
      %sub3A_95 = arith.subi %add3A_14, %sub3A : i32
      %dma_start3A_96 = arith.constant 1 : i32
      %dma_start3A_97 = arith.constant 0 : i32
      %dma_start3A_98 = tpu.memref_slice %arg7[%dma_start3A_96, %dma_start3A_97] : memref<4x128xi32, #tpu.memory_space<vmem>> -> memref<1x128xi32, #tpu.memory_space<vmem>>
      %dma_start3A_99 = tpu.memref_squeeze %dma_start3A_98 : memref<1x128xi32, #tpu.memory_space<vmem>> -> memref<128xi32, #tpu.memory_space<vmem>>
      %dma_start3A_100 = tpu.memref_slice %arg4[%sub3A_95] : memref<7680xi32, #tpu.memory_space<hbm>> -> memref<128xi32, #tpu.memory_space<hbm>>
      %dma_start3A_101 = arith.constant 0 : i32
      %dma_start3A_102 = tpu.memref_slice %arg7[%dma_start3A_96, %dma_start3A_101] : memref<4x128xi32, #tpu.memory_space<vmem>> -> memref<1x128xi32, #tpu.memory_space<vmem>>
      %dma_start3A_103 = tpu.memref_squeeze %dma_start3A_102 : memref<1x128xi32, #tpu.memory_space<vmem>> -> memref<128xi32, #tpu.memory_space<vmem>>
      %dma_start3A_104 = tpu.memref_slice %arg4[%sub3A_95] : memref<7680xi32, #tpu.memory_space<hbm>> -> memref<128xi32, #tpu.memory_space<hbm>>
      tpu.enqueue_dma source(%dma_start3A_104 : memref<128xi32, #tpu.memory_space<hbm>>) target(%dma_start3A_103 : memref<128xi32, #tpu.memory_space<vmem>>) target_semaphore(%arg12 : memref<!tpu.dma_semaphore, #tpu.memory_space<semaphore_mem>>)
      %sub3A_105 = arith.constant 320000 : i32
      %sub3A_106 = arith.subi %add3A_14, %sub3A_105 : i32
      %dma_start3A_107 = arith.constant 1 : i32
      %dma_start3A_108 = arith.constant 0 : i32
      %dma_start3A_109 = tpu.memref_slice %arg8[%dma_start3A_107, %dma_start3A_108] : memref<4x128xi32, #tpu.memory_space<vmem>> -> memref<1x128xi32, #tpu.memory_space<vmem>>
      %dma_start3A_110 = tpu.memref_squeeze %dma_start3A_109 : memref<1x128xi32, #tpu.memory_space<vmem>> -> memref<128xi32, #tpu.memory_space<vmem>>
      %dma_start3A_111 = tpu.memref_slice %arg5[%sub3A_106] : memref<7680xi32, #tpu.memory_space<hbm>> -> memref<128xi32, #tpu.memory_space<hbm>>
      %dma_start3A_112 = arith.constant 0 : i32
      %dma_start3A_113 = tpu.memref_slice %arg8[%dma_start3A_107, %dma_start3A_112] : memref<4x128xi32, #tpu.memory_space<vmem>> -> memref<1x128xi32, #tpu.memory_space<vmem>>
      %dma_start3A_114 = tpu.memref_squeeze %dma_start3A_113 : memref<1x128xi32, #tpu.memory_space<vmem>> -> memref<128xi32, #tpu.memory_space<vmem>>
      %dma_start3A_115 = tpu.memref_slice %arg5[%sub3A_106] : memref<7680xi32, #tpu.memory_space<hbm>> -> memref<128xi32, #tpu.memory_space<hbm>>
      tpu.enqueue_dma source(%dma_start3A_115 : memref<128xi32, #tpu.memory_space<hbm>>) target(%dma_start3A_114 : memref<128xi32, #tpu.memory_space<vmem>>) target_semaphore(%arg12 : memref<!tpu.dma_semaphore, #tpu.memory_space<semaphore_mem>>)
    } else {
    }
    %eq3A = arith.constant 0 : i32
    %eq3A_25 = arith.cmpi eq, %arg0, %eq3A : i32
    %convert_element_type3A_26 = arith.extui %eq3A_25 : i1 to i32
    %cond3A_27 = arith.constant 0 : i32
    %cond3A_28 = arith.cmpi ne, %convert_element_type3A_26, %cond3A_27 : i32
    scf.if %cond3A_28 {
      %lt3A_95 = arith.constant 15 : i32
      %lt3A_96 = arith.cmpi slt, %arg1, %lt3A_95 : i32
      %convert_element_type3A_97 = arith.extui %lt3A_96 : i1 to i32
      %cond3A_98 = arith.constant 0 : i32
      %cond3A_99 = arith.cmpi ne, %convert_element_type3A_97, %cond3A_98 : i32
      scf.if %cond3A_99 {
        %scan3A_105 = arith.constant 0 : i32
        %scan3A_106 = arith.constant 0 : i32
        %scan3A_107 = arith.constant 5 : i32
        %scan3A_108 = arith.addi %scan3A_106, %scan3A_107 : i32
        %scan3A_109 = arith.constant 1 : i32
        scf.for %scan3A_111 = %scan3A_106 to %scan3A_108 step %scan3A_109  : i32 {
          %mul3A_112 = arith.constant 640 : i32
          %mul3A_113 = arith.muli %arg1, %mul3A_112 : i32
          %mul3A_114 = arith.constant 128 : i32
          %mul3A_115 = arith.muli %scan3A_111, %mul3A_114 : i32
          %add3A_116 = arith.addi %mul3A_113, %mul3A_115 : i32
          "tpu.region"() ({
            %run_scoped3A = tpu.sem_alloc : memref<!tpu.dma_semaphore, #tpu.memory_space<semaphore_mem>>
            %dma_start3A_117 = arith.constant 0 : i32
            %dma_start3A_118 = tpu.memref_slice %arg11[%add3A_116, %dma_start3A_117] : memref<10240x128xf32, #tpu.memory_space<vmem_shared>> -> memref<128x128xf32, #tpu.memory_space<vmem_shared>>
            %dma_start3A_119 = arith.constant 0 : i32
            %dma_start3A_120 = tpu.memref_slice %arg2[%add3A_116, %dma_start3A_119] : memref<10000x128xf32, #tpu.memory_space<hbm>> -> memref<128x128xf32, #tpu.memory_space<hbm>>
            tpu.enqueue_dma source(%dma_start3A_120 : memref<128x128xf32, #tpu.memory_space<hbm>>) target(%dma_start3A_118 : memref<128x128xf32, #tpu.memory_space<vmem_shared>>) target_semaphore(%run_scoped3A : memref<!tpu.dma_semaphore, #tpu.memory_space<semaphore_mem>>)
            %dma_wait3A_121 = arith.constant 0 : i32
            %dma_wait3A_122 = tpu.memref_slice %arg11[%add3A_116, %dma_wait3A_121] : memref<10240x128xf32, #tpu.memory_space<vmem_shared>> -> memref<128x128xf32, #tpu.memory_space<vmem_shared>>
            %dma_wait3A_123 = arith.constant 0 : i32
            %dma_wait3A_124 = tpu.memref_slice %arg2[%add3A_116, %dma_wait3A_123] : memref<10000x128xf32, #tpu.memory_space<hbm>> -> memref<128x128xf32, #tpu.memory_space<hbm>>
            tpu.wait_dma2 semaphore(%run_scoped3A : memref<!tpu.dma_semaphore, #tpu.memory_space<semaphore_mem>>) src(%dma_wait3A_124 : memref<128x128xf32, #tpu.memory_space<hbm>>) dst(%dma_wait3A_122 : memref<128x128xf32, #tpu.memory_space<vmem_shared>>)
            tpu.yield
          }) : () -> ()
        }
        %scan3A_110 = arith.constant 5 : i32
      } else {
      }
      %eq3A_100 = arith.constant 15 : i32
      %eq3A_101 = arith.cmpi eq, %arg1, %eq3A_100 : i32
      %convert_element_type3A_102 = arith.extui %eq3A_101 : i1 to i32
      %cond3A_103 = arith.constant 0 : i32
      %cond3A_104 = arith.cmpi ne, %convert_element_type3A_102, %cond3A_103 : i32
      scf.if %cond3A_104 {
        %scan3A_105 = arith.constant 0 : i32
        %scan3A_106 = arith.constant 0 : i32
        %scan3A_107 = arith.constant 3 : i32
        %scan3A_108 = arith.addi %scan3A_106, %scan3A_107 : i32
        %scan3A_109 = arith.constant 1 : i32
        scf.for %scan3A_111 = %scan3A_106 to %scan3A_108 step %scan3A_109  : i32 {
          %mul3A_112 = arith.constant 640 : i32
          %mul3A_113 = arith.muli %arg1, %mul3A_112 : i32
          %mul3A_114 = arith.constant 128 : i32
          %mul3A_115 = arith.muli %scan3A_111, %mul3A_114 : i32
          %add3A_116 = arith.addi %mul3A_113, %mul3A_115 : i32
          "tpu.region"() ({
            %run_scoped3A = tpu.sem_alloc : memref<!tpu.dma_semaphore, #tpu.memory_space<semaphore_mem>>
            %dma_start3A_117 = arith.constant 0 : i32
            %dma_start3A_118 = tpu.memref_slice %arg11[%add3A_116, %dma_start3A_117] : memref<10240x128xf32, #tpu.memory_space<vmem_shared>> -> memref<128x128xf32, #tpu.memory_space<vmem_shared>>
            %dma_start3A_119 = arith.constant 0 : i32
            %dma_start3A_120 = tpu.memref_slice %arg2[%add3A_116, %dma_start3A_119] : memref<10000x128xf32, #tpu.memory_space<hbm>> -> memref<128x128xf32, #tpu.memory_space<hbm>>
            tpu.enqueue_dma source(%dma_start3A_120 : memref<128x128xf32, #tpu.memory_space<hbm>>) target(%dma_start3A_118 : memref<128x128xf32, #tpu.memory_space<vmem_shared>>) target_semaphore(%run_scoped3A : memref<!tpu.dma_semaphore, #tpu.memory_space<semaphore_mem>>)
            %dma_wait3A_121 = arith.constant 0 : i32
            %dma_wait3A_122 = tpu.memref_slice %arg11[%add3A_116, %dma_wait3A_121] : memref<10240x128xf32, #tpu.memory_space<vmem_shared>> -> memref<128x128xf32, #tpu.memory_space<vmem_shared>>
            %dma_wait3A_123 = arith.constant 0 : i32
            %dma_wait3A_124 = tpu.memref_slice %arg2[%add3A_116, %dma_wait3A_123] : memref<10000x128xf32, #tpu.memory_space<hbm>> -> memref<128x128xf32, #tpu.memory_space<hbm>>
            tpu.wait_dma2 semaphore(%run_scoped3A : memref<!tpu.dma_semaphore, #tpu.memory_space<semaphore_mem>>) src(%dma_wait3A_124 : memref<128x128xf32, #tpu.memory_space<hbm>>) dst(%dma_wait3A_122 : memref<128x128xf32, #tpu.memory_space<vmem_shared>>)
            tpu.yield
          }) : () -> ()
        }
        %scan3A_110 = arith.constant 3 : i32
        "tpu.region"() ({
          %run_scoped3A = tpu.sem_alloc : memref<!tpu.dma_semaphore, #tpu.memory_space<semaphore_mem>>
          %dma_start3A_111 = arith.constant 9984 : i32
          %dma_start3A_112 = arith.constant 0 : i32
          %dma_start3A_113 = tpu.memref_slice %arg11[%dma_start3A_111, %dma_start3A_112] : memref<10240x128xf32, #tpu.memory_space<vmem_shared>> -> memref<16x128xf32, #tpu.memory_space<vmem_shared>>
          %dma_start3A_114 = arith.constant 9984 : i32
          %dma_start3A_115 = arith.constant 0 : i32
          %dma_start3A_116 = tpu.memref_slice %arg2[%dma_start3A_114, %dma_start3A_115] : memref<10000x128xf32, #tpu.memory_space<hbm>> -> memref<16x128xf32, #tpu.memory_space<hbm>>
          tpu.enqueue_dma source(%dma_start3A_116 : memref<16x128xf32, #tpu.memory_space<hbm>>) target(%dma_start3A_113 : memref<16x128xf32, #tpu.memory_space<vmem_shared>>) target_semaphore(%run_scoped3A : memref<!tpu.dma_semaphore, #tpu.memory_space<semaphore_mem>>)
          %dma_wait3A_117 = arith.constant 9984 : i32
          %dma_wait3A_118 = arith.constant 0 : i32
          %dma_wait3A_119 = tpu.memref_slice %arg11[%dma_wait3A_117, %dma_wait3A_118] : memref<10240x128xf32, #tpu.memory_space<vmem_shared>> -> memref<16x128xf32, #tpu.memory_space<vmem_shared>>
          %dma_wait3A_120 = arith.constant 9984 : i32
          %dma_wait3A_121 = arith.constant 0 : i32
          %dma_wait3A_122 = tpu.memref_slice %arg2[%dma_wait3A_120, %dma_wait3A_121] : memref<10000x128xf32, #tpu.memory_space<hbm>> -> memref<16x128xf32, #tpu.memory_space<hbm>>
          tpu.wait_dma2 semaphore(%run_scoped3A : memref<!tpu.dma_semaphore, #tpu.memory_space<semaphore_mem>>) src(%dma_wait3A_122 : memref<16x128xf32, #tpu.memory_space<hbm>>) dst(%dma_wait3A_119 : memref<16x128xf32, #tpu.memory_space<vmem_shared>>)
          tpu.yield
        }) : () -> ()
      } else {
      }
    } else {
    }
    %eq3A_29 = arith.constant 1 : i32
    %eq3A_30 = arith.cmpi eq, %arg0, %eq3A_29 : i32
    %convert_element_type3A_31 = arith.extui %eq3A_30 : i1 to i32
    %cond3A_32 = arith.constant 0 : i32
    %cond3A_33 = arith.cmpi ne, %convert_element_type3A_31, %cond3A_32 : i32
    scf.if %cond3A_33 {
      %broadcast_in_dim3A = arith.constant 0.000000e+00 : f32
      %broadcast_in_dim3A_95 = vector.broadcast %broadcast_in_dim3A : f32 to vector<16xf32>
      %scan3A_96 = arith.constant 0 : i32
      %scan3A_97 = arith.constant 0 : i32
      %scan3A_98 = arith.constant 1024 : i32
      %scan3A_99 = arith.addi %scan3A_97, %scan3A_98 : i32
      %scan3A_100 = arith.constant 1 : i32
      scf.for %scan3A_108 = %scan3A_97 to %scan3A_99 step %scan3A_100  : i32 {
        %jit3A = arith.constant 8 : i32
        %div3A = arith.divsi %scan3A_108, %jit3A : i32
        %sign3A = arith.constant 0 : i32
        %sign3A_109 = arith.cmpi sgt, %scan3A_108, %sign3A : i32
        %sign3A_110 = arith.extui %sign3A_109 : i1 to i32
        %sign3A_111 = arith.constant 0 : i32
        %sign3A_112 = arith.cmpi slt, %scan3A_108, %sign3A_111 : i32
        %sign3A_113 = arith.extui %sign3A_112 : i1 to i32
        %sign3A_114 = arith.subi %sign3A_110, %sign3A_113 : i32
        %sign3A_115 = arith.constant 0 : i32
        %sign3A_116 = arith.cmpi sgt, %jit3A, %sign3A_115 : i32
        %sign3A_117 = arith.extui %sign3A_116 : i1 to i32
        %sign3A_118 = arith.constant 0 : i32
        %sign3A_119 = arith.cmpi slt, %jit3A, %sign3A_118 : i32
        %sign3A_120 = arith.extui %sign3A_119 : i1 to i32
        %sign3A_121 = arith.subi %sign3A_117, %sign3A_120 : i32
        %ne3A = arith.cmpi ne, %sign3A_114, %sign3A_121 : i32
        %rem3A = arith.remsi %scan3A_108, %jit3A : i32
        %ne3A_122 = arith.constant 0 : i32
        %ne3A_123 = arith.cmpi ne, %rem3A, %ne3A_122 : i32
        %and3A = arith.andi %ne3A, %ne3A_123 : i1
        %sub3A = arith.constant 1 : i32
        %sub3A_124 = arith.subi %div3A, %sub3A : i32
        %select_n3A = arith.select %and3A, %sub3A_124, %div3A : i32
        %jit3A_125 = arith.constant 8 : i32
        %eq3A_126 = arith.constant 0 : i32
        %eq3A_127 = arith.cmpi eq, %jit3A_125, %eq3A_126 : i32
        %jit3A_128 = arith.constant 1 : i32
        %select_n3A_129 = arith.select %eq3A_127, %jit3A_128, %jit3A_125 : i32
        %rem3A_130 = arith.remsi %scan3A_108, %select_n3A_129 : i32
        %ne3A_131 = arith.constant 0 : i32
        %ne3A_132 = arith.cmpi ne, %rem3A_130, %ne3A_131 : i32
        %lt3A_133 = arith.constant 0 : i32
        %lt3A_134 = arith.cmpi slt, %rem3A_130, %lt3A_133 : i32
        %lt3A_135 = arith.constant 0 : i32
        %lt3A_136 = arith.cmpi slt, %select_n3A_129, %lt3A_135 : i32
        %ne3A_137 = arith.xori %lt3A_134, %lt3A_136 : i1
        %and3A_138 = arith.andi %ne3A_137, %ne3A_132 : i1
        %add3A_139 = arith.addi %rem3A_130, %select_n3A_129 : i32
        %select_n3A_140 = arith.select %and3A_138, %add3A_139, %rem3A_130 : i32
        %mul3A_141 = arith.constant 16 : i32
        %mul3A_142 = arith.muli %select_n3A_140, %mul3A_141 : i32
        %swap3A = arith.index_cast %select_n3A : i32 to index
        %swap3A_143 = arith.index_cast %mul3A_142 : i32 to index
        %swap3A_144 = tpu.vector_load %arg9[%swap3A, %swap3A_143] {strides = array<i32>} : memref<128x128xf32, #tpu.memory_space<vmem>>, vector<1x16xf32>,
        %swap3A_145 = vector.shape_cast %swap3A_144 : vector<1x16xf32> to vector<16xf32>
        %swap3A_146 = vector.shape_cast %broadcast_in_dim3A_95 : vector<16xf32> to vector<1x16xf32>
        tpu.vector_store %arg9[%swap3A, %swap3A_143], %swap3A_146 {strides = array<i32>} : memref<128x128xf32, #tpu.memory_space<vmem>>, vector<1x16xf32>,
      }
      %scan3A_101 = arith.constant 1024 : i32
      %scan3A_102 = arith.constant 0 : i32
      %scan3A_103 = arith.constant 0 : i32
      %scan3A_104 = arith.constant 5 : i32
      %scan3A_105 = arith.addi %scan3A_103, %scan3A_104 : i32
      %scan3A_106 = arith.constant 1 : i32
      scf.for %scan3A_108 = %scan3A_103 to %scan3A_105 step %scan3A_106  : i32 {
        %mul3A_109 = arith.constant 640 : i32
        %mul3A_110 = arith.muli %arg1, %mul3A_109 : i32
        %mul3A_111 = arith.constant 128 : i32
        %mul3A_112 = arith.muli %scan3A_108, %mul3A_111 : i32
        %add3A_113 = arith.addi %mul3A_110, %mul3A_112 : i32
        "tpu.region"() ({
          %run_scoped3A = tpu.sem_alloc : memref<!tpu.dma_semaphore, #tpu.memory_space<semaphore_mem>>
          %dma_start3A_114 = arith.constant 0 : i32
          %dma_start3A_115 = tpu.memref_slice %arg11[%add3A_113, %dma_start3A_114] : memref<10240x128xf32, #tpu.memory_space<vmem_shared>> -> memref<128x128xf32, #tpu.memory_space<vmem_shared>>
          %dma_start3A_116 = arith.constant 0 : i32
          %dma_start3A_117 = tpu.memref_slice %arg11[%add3A_113, %dma_start3A_116] : memref<10240x128xf32, #tpu.memory_space<vmem_shared>> -> memref<128x128xf32, #tpu.memory_space<vmem_shared>>
          tpu.enqueue_dma source(%arg9 : memref<128x128xf32, #tpu.memory_space<vmem>>) target(%dma_start3A_117 : memref<128x128xf32, #tpu.memory_space<vmem_shared>>) target_semaphore(%run_scoped3A : memref<!tpu.dma_semaphore, #tpu.memory_space<semaphore_mem>>)
          %dma_wait3A_118 = arith.constant 0 : i32
          %dma_wait3A_119 = tpu.memref_slice %arg11[%add3A_113, %dma_wait3A_118] : memref<10240x128xf32, #tpu.memory_space<vmem_shared>> -> memref<128x128xf32, #tpu.memory_space<vmem_shared>>
          %dma_wait3A_120 = arith.constant 0 : i32
          %dma_wait3A_121 = tpu.memref_slice %arg11[%add3A_113, %dma_wait3A_120] : memref<10240x128xf32, #tpu.memory_space<vmem_shared>> -> memref<128x128xf32, #tpu.memory_space<vmem_shared>>
          tpu.wait_dma2 semaphore(%run_scoped3A : memref<!tpu.dma_semaphore, #tpu.memory_space<semaphore_mem>>) src(%arg9 : memref<128x128xf32, #tpu.memory_space<vmem>>) dst(%dma_wait3A_121 : memref<128x128xf32, #tpu.memory_space<vmem_shared>>)
          tpu.yield
        }) : () -> ()
      }
      %scan3A_107 = arith.constant 5 : i32
    } else {
    }
    %dma_wait3A = arith.constant 0 : i32
    %dma_wait3A_34 = arith.constant 0 : i32
    %dma_wait3A_35 = tpu.memref_slice %arg7[%dma_wait3A, %dma_wait3A_34] : memref<4x128xi32, #tpu.memory_space<vmem>> -> memref<1x128xi32, #tpu.memory_space<vmem>>
    %dma_wait3A_36 = tpu.memref_squeeze %dma_wait3A_35 : memref<1x128xi32, #tpu.memory_space<vmem>> -> memref<128xi32, #tpu.memory_space<vmem>>
    %dma_wait3A_37 = arith.constant 0 : i32
    %dma_wait3A_38 = tpu.memref_slice %arg4[%dma_wait3A_37] : memref<7680xi32, #tpu.memory_space<hbm>> -> memref<128xi32, #tpu.memory_space<hbm>>
    %dma_wait3A_39 = arith.constant 0 : i32
    %dma_wait3A_40 = tpu.memref_slice %arg7[%dma_wait3A, %dma_wait3A_39] : memref<4x128xi32, #tpu.memory_space<vmem>> -> memref<1x128xi32, #tpu.memory_space<vmem>>
    %dma_wait3A_41 = tpu.memref_squeeze %dma_wait3A_40 : memref<1x128xi32, #tpu.memory_space<vmem>> -> memref<128xi32, #tpu.memory_space<vmem>>
    %dma_wait3A_42 = arith.constant 0 : i32
    %dma_wait3A_43 = tpu.memref_slice %arg4[%dma_wait3A_42] : memref<7680xi32, #tpu.memory_space<hbm>> -> memref<128xi32, #tpu.memory_space<hbm>>
    tpu.wait_dma2 semaphore(%arg12 : memref<!tpu.dma_semaphore, #tpu.memory_space<semaphore_mem>>) src(%dma_wait3A_43 : memref<128xi32, #tpu.memory_space<hbm>>) dst(%dma_wait3A_41 : memref<128xi32, #tpu.memory_space<vmem>>)
    %dma_wait3A_44 = arith.constant 0 : i32
    %dma_wait3A_45 = arith.constant 0 : i32
    %dma_wait3A_46 = tpu.memref_slice %arg8[%dma_wait3A_44, %dma_wait3A_45] : memref<4x128xi32, #tpu.memory_space<vmem>> -> memref<1x128xi32, #tpu.memory_space<vmem>>
    %dma_wait3A_47 = tpu.memref_squeeze %dma_wait3A_46 : memref<1x128xi32, #tpu.memory_space<vmem>> -> memref<128xi32, #tpu.memory_space<vmem>>
    %dma_wait3A_48 = arith.constant 0 : i32
    %dma_wait3A_49 = tpu.memref_slice %arg4[%dma_wait3A_48] : memref<7680xi32, #tpu.memory_space<hbm>> -> memref<128xi32, #tpu.memory_space<hbm>>
    %dma_wait3A_50 = arith.constant 0 : i32
    %dma_wait3A_51 = tpu.memref_slice %arg8[%dma_wait3A_44, %dma_wait3A_50] : memref<4x128xi32, #tpu.memory_space<vmem>> -> memref<1x128xi32, #tpu.memory_space<vmem>>
    %dma_wait3A_52 = tpu.memref_squeeze %dma_wait3A_51 : memref<1x128xi32, #tpu.memory_space<vmem>> -> memref<128xi32, #tpu.memory_space<vmem>>
    %dma_wait3A_53 = arith.constant 0 : i32
    %dma_wait3A_54 = tpu.memref_slice %arg4[%dma_wait3A_53] : memref<7680xi32, #tpu.memory_space<hbm>> -> memref<128xi32, #tpu.memory_space<hbm>>
    tpu.wait_dma2 semaphore(%arg12 : memref<!tpu.dma_semaphore, #tpu.memory_space<semaphore_mem>>) src(%dma_wait3A_54 : memref<128xi32, #tpu.memory_space<hbm>>) dst(%dma_wait3A_52 : memref<128xi32, #tpu.memory_space<vmem>>)
    %dma_wait3A_55 = arith.constant 1 : i32
    %dma_wait3A_56 = arith.constant 0 : i32
    %dma_wait3A_57 = tpu.memref_slice %arg7[%dma_wait3A_55, %dma_wait3A_56] : memref<4x128xi32, #tpu.memory_space<vmem>> -> memref<1x128xi32, #tpu.memory_space<vmem>>
    %dma_wait3A_58 = tpu.memref_squeeze %dma_wait3A_57 : memref<1x128xi32, #tpu.memory_space<vmem>> -> memref<128xi32, #tpu.memory_space<vmem>>
    %dma_wait3A_59 = arith.constant 0 : i32
    %dma_wait3A_60 = tpu.memref_slice %arg4[%dma_wait3A_59] : memref<7680xi32, #tpu.memory_space<hbm>> -> memref<128xi32, #tpu.memory_space<hbm>>
    %dma_wait3A_61 = arith.constant 0 : i32
    %dma_wait3A_62 = tpu.memref_slice %arg7[%dma_wait3A_55, %dma_wait3A_61] : memref<4x128xi32, #tpu.memory_space<vmem>> -> memref<1x128xi32, #tpu.memory_space<vmem>>
    %dma_wait3A_63 = tpu.memref_squeeze %dma_wait3A_62 : memref<1x128xi32, #tpu.memory_space<vmem>> -> memref<128xi32, #tpu.memory_space<vmem>>
    %dma_wait3A_64 = arith.constant 0 : i32
    %dma_wait3A_65 = tpu.memref_slice %arg4[%dma_wait3A_64] : memref<7680xi32, #tpu.memory_space<hbm>> -> memref<128xi32, #tpu.memory_space<hbm>>
    tpu.wait_dma2 semaphore(%arg12 : memref<!tpu.dma_semaphore, #tpu.memory_space<semaphore_mem>>) src(%dma_wait3A_65 : memref<128xi32, #tpu.memory_space<hbm>>) dst(%dma_wait3A_63 : memref<128xi32, #tpu.memory_space<vmem>>)
    %dma_wait3A_66 = arith.constant 1 : i32
    %dma_wait3A_67 = arith.constant 0 : i32
    %dma_wait3A_68 = tpu.memref_slice %arg8[%dma_wait3A_66, %dma_wait3A_67] : memref<4x128xi32, #tpu.memory_space<vmem>> -> memref<1x128xi32, #tpu.memory_space<vmem>>
    %dma_wait3A_69 = tpu.memref_squeeze %dma_wait3A_68 : memref<1x128xi32, #tpu.memory_space<vmem>> -> memref<128xi32, #tpu.memory_space<vmem>>
    %dma_wait3A_70 = arith.constant 0 : i32
    %dma_wait3A_71 = tpu.memref_slice %arg4[%dma_wait3A_70] : memref<7680xi32, #tpu.memory_space<hbm>> -> memref<128xi32, #tpu.memory_space<hbm>>
    %dma_wait3A_72 = arith.constant 0 : i32
    %dma_wait3A_73 = tpu.memref_slice %arg8[%dma_wait3A_66, %dma_wait3A_72] : memref<4x128xi32, #tpu.memory_space<vmem>> -> memref<1x128xi32, #tpu.memory_space<vmem>>
    %dma_wait3A_74 = tpu.memref_squeeze %dma_wait3A_73 : memref<1x128xi32, #tpu.memory_space<vmem>> -> memref<128xi32, #tpu.memory_space<vmem>>
    %dma_wait3A_75 = arith.constant 0 : i32
    %dma_wait3A_76 = tpu.memref_slice %arg4[%dma_wait3A_75] : memref<7680xi32, #tpu.memory_space<hbm>> -> memref<128xi32, #tpu.memory_space<hbm>>
    tpu.wait_dma2 semaphore(%arg12 : memref<!tpu.dma_semaphore, #tpu.memory_space<semaphore_mem>>) src(%dma_wait3A_76 : memref<128xi32, #tpu.memory_space<hbm>>) dst(%dma_wait3A_74 : memref<128xi32, #tpu.memory_space<vmem>>)
    %barrier3A = arith.constant 0 : index
    tpu.barrier barrier_id(%barrier3A)
    %dma_start3A = arith.constant 0 : i32
    %dma_start3A_77 = arith.constant 0 : i32
    %dma_start3A_78 = tpu.memref_slice %arg7[%dma_start3A, %dma_start3A_77] : memref<4x128xi32, #tpu.memory_space<vmem>> -> memref<1x128xi32, #tpu.memory_space<vmem>>
    %dma_start3A_79 = tpu.memref_squeeze %dma_start3A_78 : memref<1x128xi32, #tpu.memory_space<vmem>> -> memref<128xi32, #tpu.memory_space<vmem>>
    %dma_start3A_80 = arith.constant 0 : i32
    %dma_start3A_81 = arith.constant 0 : i32
    %dma_start3A_82 = tpu.memref_slice %arg2[%dma_start3A_80, %dma_start3A_81] : memref<10000x128xf32, #tpu.memory_space<hbm>> -> memref<10000x128xf32, #tpu.memory_space<hbm>>
    tpu.enqueue_indirect_dma source(%dma_start3A_82 : memref<10000x128xf32, #tpu.memory_space<hbm>>) target(%arg9 : memref<128x128xf32, #tpu.memory_space<vmem>>) offsets(%dma_start3A_79 : memref<128xi32, #tpu.memory_space<vmem>>) semaphore(%arg13 : memref<!tpu.dma_semaphore, #tpu.memory_space<semaphore_mem>>)
    %scan3A = arith.constant 0 : i32
    %scan3A_83 = arith.constant 0 : i32
    %scan3A_84 = arith.constant 40 : i32
    %scan3A_85 = arith.addi %scan3A_83, %scan3A_84 : i32
    %scan3A_86 = arith.constant 1 : i32
    scf.for %scan3A_95 = %scan3A_83 to %scan3A_85 step %scan3A_86  : i32 {
      %mul3A_96 = arith.constant 2 : i32
      %mul3A_97 = arith.muli %scan3A_95, %mul3A_96 : i32
      %lt3A_98 = arith.constant 39 : i32
      %lt3A_99 = arith.cmpi slt, %scan3A_95, %lt3A_98 : i32
      %convert_element_type3A_100 = arith.extui %lt3A_99 : i1 to i32
      %cond3A_101 = arith.constant 0 : i32
      %cond3A_102 = arith.cmpi ne, %convert_element_type3A_100, %cond3A_101 : i32
      scf.if %cond3A_102 {
        %add3A_207 = arith.constant 2 : i32
        %add3A_208 = arith.addi %mul3A_97, %add3A_207 : i32
        %jit3A_209 = arith.constant 4 : i32
        %eq3A_210 = arith.constant 0 : i32
        %eq3A_211 = arith.cmpi eq, %jit3A_209, %eq3A_210 : i32
        %jit3A_212 = arith.constant 1 : i32
        %select_n3A_213 = arith.select %eq3A_211, %jit3A_212, %jit3A_209 : i32
        %rem3A_214 = arith.remsi %add3A_208, %select_n3A_213 : i32
        %ne3A_215 = arith.constant 0 : i32
        %ne3A_216 = arith.cmpi ne, %rem3A_214, %ne3A_215 : i32
        %lt3A_217 = arith.constant 0 : i32
        %lt3A_218 = arith.cmpi slt, %rem3A_214, %lt3A_217 : i32
        %lt3A_219 = arith.constant 0 : i32
        %lt3A_220 = arith.cmpi slt, %select_n3A_213, %lt3A_219 : i32
        %ne3A_221 = arith.xori %lt3A_218, %lt3A_220 : i1
        %and3A_222 = arith.andi %ne3A_221, %ne3A_216 : i1
        %add3A_223 = arith.addi %rem3A_214, %select_n3A_213 : i32
        %select_n3A_224 = arith.select %and3A_222, %add3A_223, %rem3A_214 : i32
        %mul3A_225 = arith.constant 128 : i32
        %mul3A_226 = arith.muli %add3A_208, %mul3A_225 : i32
        %add3A_227 = arith.addi %mul3A_4, %mul3A_226 : i32
        %lt3A_228 = arith.constant 320000 : i32
        %lt3A_229 = arith.cmpi slt, %add3A_227, %lt3A_228 : i32
        %convert_element_type3A_230 = arith.extui %lt3A_229 : i1 to i32
        %cond3A_231 = arith.constant 0 : i32
        %cond3A_232 = arith.cmpi ne, %convert_element_type3A_230, %cond3A_231 : i32
        scf.if %cond3A_232 {
          %dma_start3A_269 = arith.constant 0 : i32
          %dma_start3A_270 = arith.constant 0 : i32
          %dma_start3A_271 = tpu.memref_slice %arg7[%select_n3A_224, %dma_start3A_270] : memref<4x128xi32, #tpu.memory_space<vmem>> -> memref<1x128xi32, #tpu.memory_space<vmem>>
          %dma_start3A_272 = tpu.memref_squeeze %dma_start3A_271 : memref<1x128xi32, #tpu.memory_space<vmem>> -> memref<128xi32, #tpu.memory_space<vmem>>
          %dma_start3A_273 = tpu.memref_slice %arg3[%dma_start3A_269, %add3A_227] : memref<2x320000xi32, #tpu.memory_space<hbm>> -> memref<1x128xi32, #tpu.memory_space<hbm>>
          %dma_start3A_274 = tpu.memref_squeeze %dma_start3A_273 : memref<1x128xi32, #tpu.memory_space<hbm>> -> memref<128xi32, #tpu.memory_space<hbm>>
          %dma_start3A_275 = arith.constant 0 : i32
          %dma_start3A_276 = tpu.memref_slice %arg7[%select_n3A_224, %dma_start3A_275] : memref<4x128xi32, #tpu.memory_space<vmem>> -> memref<1x128xi32, #tpu.memory_space<vmem>>
          %dma_start3A_277 = tpu.memref_squeeze %dma_start3A_276 : memref<1x128xi32, #tpu.memory_space<vmem>> -> memref<128xi32, #tpu.memory_space<vmem>>
          %dma_start3A_278 = tpu.memref_slice %arg3[%dma_start3A_269, %add3A_227] : memref<2x320000xi32, #tpu.memory_space<hbm>> -> memref<1x128xi32, #tpu.memory_space<hbm>>
          %dma_start3A_279 = tpu.memref_squeeze %dma_start3A_278 : memref<1x128xi32, #tpu.memory_space<hbm>> -> memref<128xi32, #tpu.memory_space<hbm>>
          tpu.enqueue_dma source(%dma_start3A_279 : memref<128xi32, #tpu.memory_space<hbm>>) target(%dma_start3A_277 : memref<128xi32, #tpu.memory_space<vmem>>) target_semaphore(%arg12 : memref<!tpu.dma_semaphore, #tpu.memory_space<semaphore_mem>>)
          %dma_start3A_280 = arith.constant 1 : i32
          %dma_start3A_281 = arith.constant 0 : i32
          %dma_start3A_282 = tpu.memref_slice %arg8[%select_n3A_224, %dma_start3A_281] : memref<4x128xi32, #tpu.memory_space<vmem>> -> memref<1x128xi32, #tpu.memory_space<vmem>>
          %dma_start3A_283 = tpu.memref_squeeze %dma_start3A_282 : memref<1x128xi32, #tpu.memory_space<vmem>> -> memref<128xi32, #tpu.memory_space<vmem>>
          %dma_start3A_284 = tpu.memref_slice %arg3[%dma_start3A_280, %add3A_227] : memref<2x320000xi32, #tpu.memory_space<hbm>> -> memref<1x128xi32, #tpu.memory_space<hbm>>
          %dma_start3A_285 = tpu.memref_squeeze %dma_start3A_284 : memref<1x128xi32, #tpu.memory_space<hbm>> -> memref<128xi32, #tpu.memory_space<hbm>>
          %dma_start3A_286 = arith.constant 0 : i32
          %dma_start3A_287 = tpu.memref_slice %arg8[%select_n3A_224, %dma_start3A_286] : memref<4x128xi32, #tpu.memory_space<vmem>> -> memref<1x128xi32, #tpu.memory_space<vmem>>
          %dma_start3A_288 = tpu.memref_squeeze %dma_start3A_287 : memref<1x128xi32, #tpu.memory_space<vmem>> -> memref<128xi32, #tpu.memory_space<vmem>>
          %dma_start3A_289 = tpu.memref_slice %arg3[%dma_start3A_280, %add3A_227] : memref<2x320000xi32, #tpu.memory_space<hbm>> -> memref<1x128xi32, #tpu.memory_space<hbm>>
          %dma_start3A_290 = tpu.memref_squeeze %dma_start3A_289 : memref<1x128xi32, #tpu.memory_space<hbm>> -> memref<128xi32, #tpu.memory_space<hbm>>
          tpu.enqueue_dma source(%dma_start3A_290 : memref<128xi32, #tpu.memory_space<hbm>>) target(%dma_start3A_288 : memref<128xi32, #tpu.memory_space<vmem>>) target_semaphore(%arg12 : memref<!tpu.dma_semaphore, #tpu.memory_space<semaphore_mem>>)
        } else {
        }
        %ge3A_233 = arith.constant 320000 : i32
        %ge3A_234 = arith.cmpi sge, %add3A_227, %ge3A_233 : i32
        %convert_element_type3A_235 = arith.extui %ge3A_234 : i1 to i32
        %cond3A_236 = arith.constant 0 : i32
        %cond3A_237 = arith.cmpi ne, %convert_element_type3A_235, %cond3A_236 : i32
        scf.if %cond3A_237 {
          %sub3A = arith.constant 320000 : i32
          %sub3A_269 = arith.subi %add3A_227, %sub3A : i32
          %dma_start3A_270 = arith.constant 0 : i32
          %dma_start3A_271 = tpu.memref_slice %arg7[%select_n3A_224, %dma_start3A_270] : memref<4x128xi32, #tpu.memory_space<vmem>> -> memref<1x128xi32, #tpu.memory_space<vmem>>
          %dma_start3A_272 = tpu.memref_squeeze %dma_start3A_271 : memref<1x128xi32, #tpu.memory_space<vmem>> -> memref<128xi32, #tpu.memory_space<vmem>>
          %dma_start3A_273 = tpu.memref_slice %arg4[%sub3A_269] : memref<7680xi32, #tpu.memory_space<hbm>> -> memref<128xi32, #tpu.memory_space<hbm>>
          %dma_start3A_274 = arith.constant 0 : i32
          %dma_start3A_275 = tpu.memref_slice %arg7[%select_n3A_224, %dma_start3A_274] : memref<4x128xi32, #tpu.memory_space<vmem>> -> memref<1x128xi32, #tpu.memory_space<vmem>>
          %dma_start3A_276 = tpu.memref_squeeze %dma_start3A_275 : memref<1x128xi32, #tpu.memory_space<vmem>> -> memref<128xi32, #tpu.memory_space<vmem>>
          %dma_start3A_277 = tpu.memref_slice %arg4[%sub3A_269] : memref<7680xi32, #tpu.memory_space<hbm>> -> memref<128xi32, #tpu.memory_space<hbm>>
          tpu.enqueue_dma source(%dma_start3A_277 : memref<128xi32, #tpu.memory_space<hbm>>) target(%dma_start3A_276 : memref<128xi32, #tpu.memory_space<vmem>>) target_semaphore(%arg12 : memref<!tpu.dma_semaphore, #tpu.memory_space<semaphore_mem>>)
          %sub3A_278 = arith.constant 320000 : i32
          %sub3A_279 = arith.subi %add3A_227, %sub3A_278 : i32
          %dma_start3A_280 = arith.constant 0 : i32
          %dma_start3A_281 = tpu.memref_slice %arg8[%select_n3A_224, %dma_start3A_280] : memref<4x128xi32, #tpu.memory_space<vmem>> -> memref<1x128xi32, #tpu.memory_space<vmem>>
          %dma_start3A_282 = tpu.memref_squeeze %dma_start3A_281 : memref<1x128xi32, #tpu.memory_space<vmem>> -> memref<128xi32, #tpu.memory_space<vmem>>
          %dma_start3A_283 = tpu.memref_slice %arg5[%sub3A_279] : memref<7680xi32, #tpu.memory_space<hbm>> -> memref<128xi32, #tpu.memory_space<hbm>>
          %dma_start3A_284 = arith.constant 0 : i32
          %dma_start3A_285 = tpu.memref_slice %arg8[%select_n3A_224, %dma_start3A_284] : memref<4x128xi32, #tpu.memory_space<vmem>> -> memref<1x128xi32, #tpu.memory_space<vmem>>
          %dma_start3A_286 = tpu.memref_squeeze %dma_start3A_285 : memref<1x128xi32, #tpu.memory_space<vmem>> -> memref<128xi32, #tpu.memory_space<vmem>>
          %dma_start3A_287 = tpu.memref_slice %arg5[%sub3A_279] : memref<7680xi32, #tpu.memory_space<hbm>> -> memref<128xi32, #tpu.memory_space<hbm>>
          tpu.enqueue_dma source(%dma_start3A_287 : memref<128xi32, #tpu.memory_space<hbm>>) target(%dma_start3A_286 : memref<128xi32, #tpu.memory_space<vmem>>) target_semaphore(%arg12 : memref<!tpu.dma_semaphore, #tpu.memory_space<semaphore_mem>>)
        } else {
        }
        %add3A_238 = arith.constant 3 : i32
        %add3A_239 = arith.addi %mul3A_97, %add3A_238 : i32
        %jit3A_240 = arith.constant 4 : i32
        %eq3A_241 = arith.constant 0 : i32
        %eq3A_242 = arith.cmpi eq, %jit3A_240, %eq3A_241 : i32
        %jit3A_243 = arith.constant 1 : i32
        %select_n3A_244 = arith.select %eq3A_242, %jit3A_243, %jit3A_240 : i32
        %rem3A_245 = arith.remsi %add3A_239, %select_n3A_244 : i32
        %ne3A_246 = arith.constant 0 : i32
        %ne3A_247 = arith.cmpi ne, %rem3A_245, %ne3A_246 : i32
        %lt3A_248 = arith.constant 0 : i32
        %lt3A_249 = arith.cmpi slt, %rem3A_245, %lt3A_248 : i32
        %lt3A_250 = arith.constant 0 : i32
        %lt3A_251 = arith.cmpi slt, %select_n3A_244, %lt3A_250 : i32
        %ne3A_252 = arith.xori %lt3A_249, %lt3A_251 : i1
        %and3A_253 = arith.andi %ne3A_252, %ne3A_247 : i1
        %add3A_254 = arith.addi %rem3A_245, %select_n3A_244 : i32
        %select_n3A_255 = arith.select %and3A_253, %add3A_254, %rem3A_245 : i32
        %mul3A_256 = arith.constant 128 : i32
        %mul3A_257 = arith.muli %add3A_239, %mul3A_256 : i32
        %add3A_258 = arith.addi %mul3A_4, %mul3A_257 : i32
        %lt3A_259 = arith.constant 320000 : i32
        %lt3A_260 = arith.cmpi slt, %add3A_258, %lt3A_259 : i32
        %convert_element_type3A_261 = arith.extui %lt3A_260 : i1 to i32
        %cond3A_262 = arith.constant 0 : i32
        %cond3A_263 = arith.cmpi ne, %convert_element_type3A_261, %cond3A_262 : i32
        scf.if %cond3A_263 {
          %dma_start3A_269 = arith.constant 0 : i32
          %dma_start3A_270 = arith.constant 0 : i32
          %dma_start3A_271 = tpu.memref_slice %arg7[%select_n3A_255, %dma_start3A_270] : memref<4x128xi32, #tpu.memory_space<vmem>> -> memref<1x128xi32, #tpu.memory_space<vmem>>
          %dma_start3A_272 = tpu.memref_squeeze %dma_start3A_271 : memref<1x128xi32, #tpu.memory_space<vmem>> -> memref<128xi32, #tpu.memory_space<vmem>>
          %dma_start3A_273 = tpu.memref_slice %arg3[%dma_start3A_269, %add3A_258] : memref<2x320000xi32, #tpu.memory_space<hbm>> -> memref<1x128xi32, #tpu.memory_space<hbm>>
          %dma_start3A_274 = tpu.memref_squeeze %dma_start3A_273 : memref<1x128xi32, #tpu.memory_space<hbm>> -> memref<128xi32, #tpu.memory_space<hbm>>
          %dma_start3A_275 = arith.constant 0 : i32
          %dma_start3A_276 = tpu.memref_slice %arg7[%select_n3A_255, %dma_start3A_275] : memref<4x128xi32, #tpu.memory_space<vmem>> -> memref<1x128xi32, #tpu.memory_space<vmem>>
          %dma_start3A_277 = tpu.memref_squeeze %dma_start3A_276 : memref<1x128xi32, #tpu.memory_space<vmem>> -> memref<128xi32, #tpu.memory_space<vmem>>
          %dma_start3A_278 = tpu.memref_slice %arg3[%dma_start3A_269, %add3A_258] : memref<2x320000xi32, #tpu.memory_space<hbm>> -> memref<1x128xi32, #tpu.memory_space<hbm>>
          %dma_start3A_279 = tpu.memref_squeeze %dma_start3A_278 : memref<1x128xi32, #tpu.memory_space<hbm>> -> memref<128xi32, #tpu.memory_space<hbm>>
          tpu.enqueue_dma source(%dma_start3A_279 : memref<128xi32, #tpu.memory_space<hbm>>) target(%dma_start3A_277 : memref<128xi32, #tpu.memory_space<vmem>>) target_semaphore(%arg12 : memref<!tpu.dma_semaphore, #tpu.memory_space<semaphore_mem>>)
          %dma_start3A_280 = arith.constant 1 : i32
          %dma_start3A_281 = arith.constant 0 : i32
          %dma_start3A_282 = tpu.memref_slice %arg8[%select_n3A_255, %dma_start3A_281] : memref<4x128xi32, #tpu.memory_space<vmem>> -> memref<1x128xi32, #tpu.memory_space<vmem>>
          %dma_start3A_283 = tpu.memref_squeeze %dma_start3A_282 : memref<1x128xi32, #tpu.memory_space<vmem>> -> memref<128xi32, #tpu.memory_space<vmem>>
          %dma_start3A_284 = tpu.memref_slice %arg3[%dma_start3A_280, %add3A_258] : memref<2x320000xi32, #tpu.memory_space<hbm>> -> memref<1x128xi32, #tpu.memory_space<hbm>>
          %dma_start3A_285 = tpu.memref_squeeze %dma_start3A_284 : memref<1x128xi32, #tpu.memory_space<hbm>> -> memref<128xi32, #tpu.memory_space<hbm>>
          %dma_start3A_286 = arith.constant 0 : i32
          %dma_start3A_287 = tpu.memref_slice %arg8[%select_n3A_255, %dma_start3A_286] : memref<4x128xi32, #tpu.memory_space<vmem>> -> memref<1x128xi32, #tpu.memory_space<vmem>>
          %dma_start3A_288 = tpu.memref_squeeze %dma_start3A_287 : memref<1x128xi32, #tpu.memory_space<vmem>> -> memref<128xi32, #tpu.memory_space<vmem>>
          %dma_start3A_289 = tpu.memref_slice %arg3[%dma_start3A_280, %add3A_258] : memref<2x320000xi32, #tpu.memory_space<hbm>> -> memref<1x128xi32, #tpu.memory_space<hbm>>
          %dma_start3A_290 = tpu.memref_squeeze %dma_start3A_289 : memref<1x128xi32, #tpu.memory_space<hbm>> -> memref<128xi32, #tpu.memory_space<hbm>>
          tpu.enqueue_dma source(%dma_start3A_290 : memref<128xi32, #tpu.memory_space<hbm>>) target(%dma_start3A_288 : memref<128xi32, #tpu.memory_space<vmem>>) target_semaphore(%arg12 : memref<!tpu.dma_semaphore, #tpu.memory_space<semaphore_mem>>)
        } else {
        }
        %ge3A_264 = arith.constant 320000 : i32
        %ge3A_265 = arith.cmpi sge, %add3A_258, %ge3A_264 : i32
        %convert_element_type3A_266 = arith.extui %ge3A_265 : i1 to i32
        %cond3A_267 = arith.constant 0 : i32
        %cond3A_268 = arith.cmpi ne, %convert_element_type3A_266, %cond3A_267 : i32
        scf.if %cond3A_268 {
          %sub3A = arith.constant 320000 : i32
          %sub3A_269 = arith.subi %add3A_258, %sub3A : i32
          %dma_start3A_270 = arith.constant 0 : i32
          %dma_start3A_271 = tpu.memref_slice %arg7[%select_n3A_255, %dma_start3A_270] : memref<4x128xi32, #tpu.memory_space<vmem>> -> memref<1x128xi32, #tpu.memory_space<vmem>>
          %dma_start3A_272 = tpu.memref_squeeze %dma_start3A_271 : memref<1x128xi32, #tpu.memory_space<vmem>> -> memref<128xi32, #tpu.memory_space<vmem>>
          %dma_start3A_273 = tpu.memref_slice %arg4[%sub3A_269] : memref<7680xi32, #tpu.memory_space<hbm>> -> memref<128xi32, #tpu.memory_space<hbm>>
          %dma_start3A_274 = arith.constant 0 : i32
          %dma_start3A_275 = tpu.memref_slice %arg7[%select_n3A_255, %dma_start3A_274] : memref<4x128xi32, #tpu.memory_space<vmem>> -> memref<1x128xi32, #tpu.memory_space<vmem>>
          %dma_start3A_276 = tpu.memref_squeeze %dma_start3A_275 : memref<1x128xi32, #tpu.memory_space<vmem>> -> memref<128xi32, #tpu.memory_space<vmem>>
          %dma_start3A_277 = tpu.memref_slice %arg4[%sub3A_269] : memref<7680xi32, #tpu.memory_space<hbm>> -> memref<128xi32, #tpu.memory_space<hbm>>
          tpu.enqueue_dma source(%dma_start3A_277 : memref<128xi32, #tpu.memory_space<hbm>>) target(%dma_start3A_276 : memref<128xi32, #tpu.memory_space<vmem>>) target_semaphore(%arg12 : memref<!tpu.dma_semaphore, #tpu.memory_space<semaphore_mem>>)
          %sub3A_278 = arith.constant 320000 : i32
          %sub3A_279 = arith.subi %add3A_258, %sub3A_278 : i32
          %dma_start3A_280 = arith.constant 0 : i32
          %dma_start3A_281 = tpu.memref_slice %arg8[%select_n3A_255, %dma_start3A_280] : memref<4x128xi32, #tpu.memory_space<vmem>> -> memref<1x128xi32, #tpu.memory_space<vmem>>
          %dma_start3A_282 = tpu.memref_squeeze %dma_start3A_281 : memref<1x128xi32, #tpu.memory_space<vmem>> -> memref<128xi32, #tpu.memory_space<vmem>>
          %dma_start3A_283 = tpu.memref_slice %arg5[%sub3A_279] : memref<7680xi32, #tpu.memory_space<hbm>> -> memref<128xi32, #tpu.memory_space<hbm>>
          %dma_start3A_284 = arith.constant 0 : i32
          %dma_start3A_285 = tpu.memref_slice %arg8[%select_n3A_255, %dma_start3A_284] : memref<4x128xi32, #tpu.memory_space<vmem>> -> memref<1x128xi32, #tpu.memory_space<vmem>>
          %dma_start3A_286 = tpu.memref_squeeze %dma_start3A_285 : memref<1x128xi32, #tpu.memory_space<vmem>> -> memref<128xi32, #tpu.memory_space<vmem>>
          %dma_start3A_287 = tpu.memref_slice %arg5[%sub3A_279] : memref<7680xi32, #tpu.memory_space<hbm>> -> memref<128xi32, #tpu.memory_space<hbm>>
          tpu.enqueue_dma source(%dma_start3A_287 : memref<128xi32, #tpu.memory_space<hbm>>) target(%dma_start3A_286 : memref<128xi32, #tpu.memory_space<vmem>>) target_semaphore(%arg12 : memref<!tpu.dma_semaphore, #tpu.memory_space<semaphore_mem>>)
        } else {
        }
      } else {
      }
      %add3A_103 = arith.constant 1 : i32
      %add3A_104 = arith.addi %mul3A_97, %add3A_103 : i32
      %jit3A = arith.constant 4 : i32
      %eq3A_105 = arith.constant 0 : i32
      %eq3A_106 = arith.cmpi eq, %jit3A, %eq3A_105 : i32
      %jit3A_107 = arith.constant 1 : i32
      %select_n3A = arith.select %eq3A_106, %jit3A_107, %jit3A : i32
      %rem3A = arith.remsi %add3A_104, %select_n3A : i32
      %ne3A = arith.constant 0 : i32
      %ne3A_108 = arith.cmpi ne, %rem3A, %ne3A : i32
      %lt3A_109 = arith.constant 0 : i32
      %lt3A_110 = arith.cmpi slt, %rem3A, %lt3A_109 : i32
      %lt3A_111 = arith.constant 0 : i32
      %lt3A_112 = arith.cmpi slt, %select_n3A, %lt3A_111 : i32
      %ne3A_113 = arith.xori %lt3A_110, %lt3A_112 : i1
      %and3A = arith.andi %ne3A_113, %ne3A_108 : i1
      %add3A_114 = arith.addi %rem3A, %select_n3A : i32
      %select_n3A_115 = arith.select %and3A, %add3A_114, %rem3A : i32
      %dma_start3A_116 = arith.constant 0 : i32
      %dma_start3A_117 = tpu.memref_slice %arg7[%select_n3A_115, %dma_start3A_116] : memref<4x128xi32, #tpu.memory_space<vmem>> -> memref<1x128xi32, #tpu.memory_space<vmem>>
      %dma_start3A_118 = tpu.memref_squeeze %dma_start3A_117 : memref<1x128xi32, #tpu.memory_space<vmem>> -> memref<128xi32, #tpu.memory_space<vmem>>
      %dma_start3A_119 = arith.constant 0 : i32
      %dma_start3A_120 = arith.constant 0 : i32
      %dma_start3A_121 = tpu.memref_slice %arg2[%dma_start3A_119, %dma_start3A_120] : memref<10000x128xf32, #tpu.memory_space<hbm>> -> memref<10000x128xf32, #tpu.memory_space<hbm>>
      tpu.enqueue_indirect_dma source(%dma_start3A_121 : memref<10000x128xf32, #tpu.memory_space<hbm>>) target(%arg10 : memref<128x128xf32, #tpu.memory_space<vmem>>) offsets(%dma_start3A_118 : memref<128xi32, #tpu.memory_space<vmem>>) semaphore(%arg14 : memref<!tpu.dma_semaphore, #tpu.memory_space<semaphore_mem>>)
      %jit3A_122 = arith.constant 4 : i32
      %eq3A_123 = arith.constant 0 : i32
      %eq3A_124 = arith.cmpi eq, %jit3A_122, %eq3A_123 : i32
      %jit3A_125 = arith.constant 1 : i32
      %select_n3A_126 = arith.select %eq3A_124, %jit3A_125, %jit3A_122 : i32
      %rem3A_127 = arith.remsi %mul3A_97, %select_n3A_126 : i32
      %ne3A_128 = arith.constant 0 : i32
      %ne3A_129 = arith.cmpi ne, %rem3A_127, %ne3A_128 : i32
      %lt3A_130 = arith.constant 0 : i32
      %lt3A_131 = arith.cmpi slt, %rem3A_127, %lt3A_130 : i32
      %lt3A_132 = arith.constant 0 : i32
      %lt3A_133 = arith.cmpi slt, %select_n3A_126, %lt3A_132 : i32
      %ne3A_134 = arith.xori %lt3A_131, %lt3A_133 : i1
      %and3A_135 = arith.andi %ne3A_134, %ne3A_129 : i1
      %add3A_136 = arith.addi %rem3A_127, %select_n3A_126 : i32
      %select_n3A_137 = arith.select %and3A_135, %add3A_136, %rem3A_127 : i32
      %dma_wait3A_138 = arith.constant 0 : i32
      %dma_wait3A_139 = tpu.memref_slice %arg7[%select_n3A_137, %dma_wait3A_138] : memref<4x128xi32, #tpu.memory_space<vmem>> -> memref<1x128xi32, #tpu.memory_space<vmem>>
      %dma_wait3A_140 = tpu.memref_squeeze %dma_wait3A_139 : memref<1x128xi32, #tpu.memory_space<vmem>> -> memref<128xi32, #tpu.memory_space<vmem>>
      %dma_wait3A_141 = arith.constant 0 : i32
      %dma_wait3A_142 = arith.constant 0 : i32
      %dma_wait3A_143 = tpu.memref_slice %arg2[%dma_wait3A_141, %dma_wait3A_142] : memref<10000x128xf32, #tpu.memory_space<hbm>> -> memref<10000x128xf32, #tpu.memory_space<hbm>>
      tpu.wait_indirect_dma semaphore(%arg13 : memref<!tpu.dma_semaphore, #tpu.memory_space<semaphore_mem>>) src(%dma_wait3A_143 : memref<10000x128xf32, #tpu.memory_space<hbm>>) dst(%arg9 : memref<128x128xf32, #tpu.memory_space<vmem>>)
      %jit3A_144 = arith.constant 4 : i32
      %eq3A_145 = arith.constant 0 : i32
      %eq3A_146 = arith.cmpi eq, %jit3A_144, %eq3A_145 : i32
      %jit3A_147 = arith.constant 1 : i32
      %select_n3A_148 = arith.select %eq3A_146, %jit3A_147, %jit3A_144 : i32
      %rem3A_149 = arith.remsi %mul3A_97, %select_n3A_148 : i32
      %ne3A_150 = arith.constant 0 : i32
      %ne3A_151 = arith.cmpi ne, %rem3A_149, %ne3A_150 : i32
      %lt3A_152 = arith.constant 0 : i32
      %lt3A_153 = arith.cmpi slt, %rem3A_149, %lt3A_152 : i32
      %lt3A_154 = arith.constant 0 : i32
      %lt3A_155 = arith.cmpi slt, %select_n3A_148, %lt3A_154 : i32
      %ne3A_156 = arith.xori %lt3A_153, %lt3A_155 : i1
      %and3A_157 = arith.andi %ne3A_156, %ne3A_151 : i1
      %add3A_158 = arith.addi %rem3A_149, %select_n3A_148 : i32
      %select_n3A_159 = arith.select %and3A_157, %add3A_158, %rem3A_149 : i32
      "tpu.region"() ({
        %run_scoped3A = tpu.sem_alloc : memref<!tpu.dma_semaphore, #tpu.memory_space<semaphore_mem>>
        %dma_start3A_207 = arith.constant 0 : i32
        %dma_start3A_208 = tpu.memref_slice %arg8[%select_n3A_159, %dma_start3A_207] : memref<4x128xi32, #tpu.memory_space<vmem>> -> memref<1x128xi32, #tpu.memory_space<vmem>>
        %dma_start3A_209 = tpu.memref_squeeze %dma_start3A_208 : memref<1x128xi32, #tpu.memory_space<vmem>> -> memref<128xi32, #tpu.memory_space<vmem>>
        %dma_start3A_210 = arith.constant 0 : i32
        %dma_start3A_211 = arith.constant 0 : i32
        %dma_start3A_212 = tpu.memref_slice %arg11[%dma_start3A_210, %dma_start3A_211] : memref<10240x128xf32, #tpu.memory_space<vmem_shared>> -> memref<10240x128xf32, #tpu.memory_space<vmem_shared>>
        tpu.enqueue_indirect_dma source(%arg9 : memref<128x128xf32, #tpu.memory_space<vmem>>) target(%dma_start3A_212 : memref<10240x128xf32, #tpu.memory_space<vmem_shared>>) offsets(%dma_start3A_209 : memref<128xi32, #tpu.memory_space<vmem>>) semaphore(%run_scoped3A : memref<!tpu.dma_semaphore, #tpu.memory_space<semaphore_mem>>) {add = true}
        %dma_wait3A_213 = arith.constant 0 : i32
        %dma_wait3A_214 = tpu.memref_slice %arg8[%select_n3A_159, %dma_wait3A_213] : memref<4x128xi32, #tpu.memory_space<vmem>> -> memref<1x128xi32, #tpu.memory_space<vmem>>
        %dma_wait3A_215 = tpu.memref_squeeze %dma_wait3A_214 : memref<1x128xi32, #tpu.memory_space<vmem>> -> memref<128xi32, #tpu.memory_space<vmem>>
        %dma_wait3A_216 = arith.constant 0 : i32
        %dma_wait3A_217 = arith.constant 0 : i32
        %dma_wait3A_218 = tpu.memref_slice %arg11[%dma_wait3A_216, %dma_wait3A_217] : memref<10240x128xf32, #tpu.memory_space<vmem_shared>> -> memref<10240x128xf32, #tpu.memory_space<vmem_shared>>
        tpu.wait_indirect_dma semaphore(%run_scoped3A : memref<!tpu.dma_semaphore, #tpu.memory_space<semaphore_mem>>) src(%arg9 : memref<128x128xf32, #tpu.memory_space<vmem>>) dst(%dma_wait3A_218 : memref<10240x128xf32, #tpu.memory_space<vmem_shared>>)
        tpu.yield
      }) : () -> ()
      %lt3A_160 = arith.constant 39 : i32
      %lt3A_161 = arith.cmpi slt, %scan3A_95, %lt3A_160 : i32
      %convert_element_type3A_162 = arith.extui %lt3A_161 : i1 to i32
      %cond3A_163 = arith.constant 0 : i32
      %cond3A_164 = arith.cmpi ne, %convert_element_type3A_162, %cond3A_163 : i32
      scf.if %cond3A_164 {
        %add3A_207 = arith.constant 2 : i32
        %add3A_208 = arith.addi %mul3A_97, %add3A_207 : i32
        %jit3A_209 = arith.constant 4 : i32
        %eq3A_210 = arith.constant 0 : i32
        %eq3A_211 = arith.cmpi eq, %jit3A_209, %eq3A_210 : i32
        %jit3A_212 = arith.constant 1 : i32
        %select_n3A_213 = arith.select %eq3A_211, %jit3A_212, %jit3A_209 : i32
        %rem3A_214 = arith.remsi %add3A_208, %select_n3A_213 : i32
        %ne3A_215 = arith.constant 0 : i32
        %ne3A_216 = arith.cmpi ne, %rem3A_214, %ne3A_215 : i32
        %lt3A_217 = arith.constant 0 : i32
        %lt3A_218 = arith.cmpi slt, %rem3A_214, %lt3A_217 : i32
        %lt3A_219 = arith.constant 0 : i32
        %lt3A_220 = arith.cmpi slt, %select_n3A_213, %lt3A_219 : i32
        %ne3A_221 = arith.xori %lt3A_218, %lt3A_220 : i1
        %and3A_222 = arith.andi %ne3A_221, %ne3A_216 : i1
        %add3A_223 = arith.addi %rem3A_214, %select_n3A_213 : i32
        %select_n3A_224 = arith.select %and3A_222, %add3A_223, %rem3A_214 : i32
        %dma_wait3A_225 = arith.constant 0 : i32
        %dma_wait3A_226 = tpu.memref_slice %arg7[%select_n3A_224, %dma_wait3A_225] : memref<4x128xi32, #tpu.memory_space<vmem>> -> memref<1x128xi32, #tpu.memory_space<vmem>>
        %dma_wait3A_227 = tpu.memref_squeeze %dma_wait3A_226 : memref<1x128xi32, #tpu.memory_space<vmem>> -> memref<128xi32, #tpu.memory_space<vmem>>
        %dma_wait3A_228 = arith.constant 0 : i32
        %dma_wait3A_229 = tpu.memref_slice %arg4[%dma_wait3A_228] : memref<7680xi32, #tpu.memory_space<hbm>> -> memref<128xi32, #tpu.memory_space<hbm>>
        %dma_wait3A_230 = arith.constant 0 : i32
        %dma_wait3A_231 = tpu.memref_slice %arg7[%select_n3A_224, %dma_wait3A_230] : memref<4x128xi32, #tpu.memory_space<vmem>> -> memref<1x128xi32, #tpu.memory_space<vmem>>
        %dma_wait3A_232 = tpu.memref_squeeze %dma_wait3A_231 : memref<1x128xi32, #tpu.memory_space<vmem>> -> memref<128xi32, #tpu.memory_space<vmem>>
        %dma_wait3A_233 = arith.constant 0 : i32
        %dma_wait3A_234 = tpu.memref_slice %arg4[%dma_wait3A_233] : memref<7680xi32, #tpu.memory_space<hbm>> -> memref<128xi32, #tpu.memory_space<hbm>>
        tpu.wait_dma2 semaphore(%arg12 : memref<!tpu.dma_semaphore, #tpu.memory_space<semaphore_mem>>) src(%dma_wait3A_234 : memref<128xi32, #tpu.memory_space<hbm>>) dst(%dma_wait3A_232 : memref<128xi32, #tpu.memory_space<vmem>>)
        %dma_wait3A_235 = arith.constant 0 : i32
        %dma_wait3A_236 = tpu.memref_slice %arg8[%select_n3A_224, %dma_wait3A_235] : memref<4x128xi32, #tpu.memory_space<vmem>> -> memref<1x128xi32, #tpu.memory_space<vmem>>
        %dma_wait3A_237 = tpu.memref_squeeze %dma_wait3A_236 : memref<1x128xi32, #tpu.memory_space<vmem>> -> memref<128xi32, #tpu.memory_space<vmem>>
        %dma_wait3A_238 = arith.constant 0 : i32
        %dma_wait3A_239 = tpu.memref_slice %arg4[%dma_wait3A_238] : memref<7680xi32, #tpu.memory_space<hbm>> -> memref<128xi32, #tpu.memory_space<hbm>>
        %dma_wait3A_240 = arith.constant 0 : i32
        %dma_wait3A_241 = tpu.memref_slice %arg8[%select_n3A_224, %dma_wait3A_240] : memref<4x128xi32, #tpu.memory_space<vmem>> -> memref<1x128xi32, #tpu.memory_space<vmem>>
        %dma_wait3A_242 = tpu.memref_squeeze %dma_wait3A_241 : memref<1x128xi32, #tpu.memory_space<vmem>> -> memref<128xi32, #tpu.memory_space<vmem>>
        %dma_wait3A_243 = arith.constant 0 : i32
        %dma_wait3A_244 = tpu.memref_slice %arg4[%dma_wait3A_243] : memref<7680xi32, #tpu.memory_space<hbm>> -> memref<128xi32, #tpu.memory_space<hbm>>
        tpu.wait_dma2 semaphore(%arg12 : memref<!tpu.dma_semaphore, #tpu.memory_space<semaphore_mem>>) src(%dma_wait3A_244 : memref<128xi32, #tpu.memory_space<hbm>>) dst(%dma_wait3A_242 : memref<128xi32, #tpu.memory_space<vmem>>)
        %add3A_245 = arith.constant 3 : i32
        %add3A_246 = arith.addi %mul3A_97, %add3A_245 : i32
        %jit3A_247 = arith.constant 4 : i32
        %eq3A_248 = arith.constant 0 : i32
        %eq3A_249 = arith.cmpi eq, %jit3A_247, %eq3A_248 : i32
        %jit3A_250 = arith.constant 1 : i32
        %select_n3A_251 = arith.select %eq3A_249, %jit3A_250, %jit3A_247 : i32
        %rem3A_252 = arith.remsi %add3A_246, %select_n3A_251 : i32
        %ne3A_253 = arith.constant 0 : i32
        %ne3A_254 = arith.cmpi ne, %rem3A_252, %ne3A_253 : i32
        %lt3A_255 = arith.constant 0 : i32
        %lt3A_256 = arith.cmpi slt, %rem3A_252, %lt3A_255 : i32
        %lt3A_257 = arith.constant 0 : i32
        %lt3A_258 = arith.cmpi slt, %select_n3A_251, %lt3A_257 : i32
        %ne3A_259 = arith.xori %lt3A_256, %lt3A_258 : i1
        %and3A_260 = arith.andi %ne3A_259, %ne3A_254 : i1
        %add3A_261 = arith.addi %rem3A_252, %select_n3A_251 : i32
        %select_n3A_262 = arith.select %and3A_260, %add3A_261, %rem3A_252 : i32
        %dma_wait3A_263 = arith.constant 0 : i32
        %dma_wait3A_264 = tpu.memref_slice %arg7[%select_n3A_262, %dma_wait3A_263] : memref<4x128xi32, #tpu.memory_space<vmem>> -> memref<1x128xi32, #tpu.memory_space<vmem>>
        %dma_wait3A_265 = tpu.memref_squeeze %dma_wait3A_264 : memref<1x128xi32, #tpu.memory_space<vmem>> -> memref<128xi32, #tpu.memory_space<vmem>>
        %dma_wait3A_266 = arith.constant 0 : i32
        %dma_wait3A_267 = tpu.memref_slice %arg4[%dma_wait3A_266] : memref<7680xi32, #tpu.memory_space<hbm>> -> memref<128xi32, #tpu.memory_space<hbm>>
        %dma_wait3A_268 = arith.constant 0 : i32
        %dma_wait3A_269 = tpu.memref_slice %arg7[%select_n3A_262, %dma_wait3A_268] : memref<4x128xi32, #tpu.memory_space<vmem>> -> memref<1x128xi32, #tpu.memory_space<vmem>>
        %dma_wait3A_270 = tpu.memref_squeeze %dma_wait3A_269 : memref<1x128xi32, #tpu.memory_space<vmem>> -> memref<128xi32, #tpu.memory_space<vmem>>
        %dma_wait3A_271 = arith.constant 0 : i32
        %dma_wait3A_272 = tpu.memref_slice %arg4[%dma_wait3A_271] : memref<7680xi32, #tpu.memory_space<hbm>> -> memref<128xi32, #tpu.memory_space<hbm>>
        tpu.wait_dma2 semaphore(%arg12 : memref<!tpu.dma_semaphore, #tpu.memory_space<semaphore_mem>>) src(%dma_wait3A_272 : memref<128xi32, #tpu.memory_space<hbm>>) dst(%dma_wait3A_270 : memref<128xi32, #tpu.memory_space<vmem>>)
        %dma_wait3A_273 = arith.constant 0 : i32
        %dma_wait3A_274 = tpu.memref_slice %arg8[%select_n3A_262, %dma_wait3A_273] : memref<4x128xi32, #tpu.memory_space<vmem>> -> memref<1x128xi32, #tpu.memory_space<vmem>>
        %dma_wait3A_275 = tpu.memref_squeeze %dma_wait3A_274 : memref<1x128xi32, #tpu.memory_space<vmem>> -> memref<128xi32, #tpu.memory_space<vmem>>
        %dma_wait3A_276 = arith.constant 0 : i32
        %dma_wait3A_277 = tpu.memref_slice %arg4[%dma_wait3A_276] : memref<7680xi32, #tpu.memory_space<hbm>> -> memref<128xi32, #tpu.memory_space<hbm>>
        %dma_wait3A_278 = arith.constant 0 : i32
        %dma_wait3A_279 = tpu.memref_slice %arg8[%select_n3A_262, %dma_wait3A_278] : memref<4x128xi32, #tpu.memory_space<vmem>> -> memref<1x128xi32, #tpu.memory_space<vmem>>
        %dma_wait3A_280 = tpu.memref_squeeze %dma_wait3A_279 : memref<1x128xi32, #tpu.memory_space<vmem>> -> memref<128xi32, #tpu.memory_space<vmem>>
        %dma_wait3A_281 = arith.constant 0 : i32
        %dma_wait3A_282 = tpu.memref_slice %arg4[%dma_wait3A_281] : memref<7680xi32, #tpu.memory_space<hbm>> -> memref<128xi32, #tpu.memory_space<hbm>>
        tpu.wait_dma2 semaphore(%arg12 : memref<!tpu.dma_semaphore, #tpu.memory_space<semaphore_mem>>) src(%dma_wait3A_282 : memref<128xi32, #tpu.memory_space<hbm>>) dst(%dma_wait3A_280 : memref<128xi32, #tpu.memory_space<vmem>>)
        %add3A_283 = arith.constant 2 : i32
        %add3A_284 = arith.addi %mul3A_97, %add3A_283 : i32
        %jit3A_285 = arith.constant 4 : i32
        %eq3A_286 = arith.constant 0 : i32
        %eq3A_287 = arith.cmpi eq, %jit3A_285, %eq3A_286 : i32
        %jit3A_288 = arith.constant 1 : i32
        %select_n3A_289 = arith.select %eq3A_287, %jit3A_288, %jit3A_285 : i32
        %rem3A_290 = arith.remsi %add3A_284, %select_n3A_289 : i32
        %ne3A_291 = arith.constant 0 : i32
        %ne3A_292 = arith.cmpi ne, %rem3A_290, %ne3A_291 : i32
        %lt3A_293 = arith.constant 0 : i32
        %lt3A_294 = arith.cmpi slt, %rem3A_290, %lt3A_293 : i32
        %lt3A_295 = arith.constant 0 : i32
        %lt3A_296 = arith.cmpi slt, %select_n3A_289, %lt3A_295 : i32
        %ne3A_297 = arith.xori %lt3A_294, %lt3A_296 : i1
        %and3A_298 = arith.andi %ne3A_297, %ne3A_292 : i1
        %add3A_299 = arith.addi %rem3A_290, %select_n3A_289 : i32
        %select_n3A_300 = arith.select %and3A_298, %add3A_299, %rem3A_290 : i32
        %dma_start3A_301 = arith.constant 0 : i32
        %dma_start3A_302 = tpu.memref_slice %arg7[%select_n3A_300, %dma_start3A_301] : memref<4x128xi32, #tpu.memory_space<vmem>> -> memref<1x128xi32, #tpu.memory_space<vmem>>
        %dma_start3A_303 = tpu.memref_squeeze %dma_start3A_302 : memref<1x128xi32, #tpu.memory_space<vmem>> -> memref<128xi32, #tpu.memory_space<vmem>>
        %dma_start3A_304 = arith.constant 0 : i32
        %dma_start3A_305 = arith.constant 0 : i32
        %dma_start3A_306 = tpu.memref_slice %arg2[%dma_start3A_304, %dma_start3A_305] : memref<10000x128xf32, #tpu.memory_space<hbm>> -> memref<10000x128xf32, #tpu.memory_space<hbm>>
        tpu.enqueue_indirect_dma source(%dma_start3A_306 : memref<10000x128xf32, #tpu.memory_space<hbm>>) target(%arg9 : memref<128x128xf32, #tpu.memory_space<vmem>>) offsets(%dma_start3A_303 : memref<128xi32, #tpu.memory_space<vmem>>) semaphore(%arg13 : memref<!tpu.dma_semaphore, #tpu.memory_space<semaphore_mem>>)
      } else {
      }
      %add3A_165 = arith.constant 1 : i32
      %add3A_166 = arith.addi %mul3A_97, %add3A_165 : i32
      %jit3A_167 = arith.constant 4 : i32
      %eq3A_168 = arith.constant 0 : i32
      %eq3A_169 = arith.cmpi eq, %jit3A_167, %eq3A_168 : i32
      %jit3A_170 = arith.constant 1 : i32
      %select_n3A_171 = arith.select %eq3A_169, %jit3A_170, %jit3A_167 : i32
      %rem3A_172 = arith.remsi %add3A_166, %select_n3A_171 : i32
      %ne3A_173 = arith.constant 0 : i32
      %ne3A_174 = arith.cmpi ne, %rem3A_172, %ne3A_173 : i32
      %lt3A_175 = arith.constant 0 : i32
      %lt3A_176 = arith.cmpi slt, %rem3A_172, %lt3A_175 : i32
      %lt3A_177 = arith.constant 0 : i32
      %lt3A_178 = arith.cmpi slt, %select_n3A_171, %lt3A_177 : i32
      %ne3A_179 = arith.xori %lt3A_176, %lt3A_178 : i1
      %and3A_180 = arith.andi %ne3A_179, %ne3A_174 : i1
      %add3A_181 = arith.addi %rem3A_172, %select_n3A_171 : i32
      %select_n3A_182 = arith.select %and3A_180, %add3A_181, %rem3A_172 : i32
      %dma_wait3A_183 = arith.constant 0 : i32
      %dma_wait3A_184 = tpu.memref_slice %arg7[%select_n3A_182, %dma_wait3A_183] : memref<4x128xi32, #tpu.memory_space<vmem>> -> memref<1x128xi32, #tpu.memory_space<vmem>>
      %dma_wait3A_185 = tpu.memref_squeeze %dma_wait3A_184 : memref<1x128xi32, #tpu.memory_space<vmem>> -> memref<128xi32, #tpu.memory_space<vmem>>
      %dma_wait3A_186 = arith.constant 0 : i32
      %dma_wait3A_187 = arith.constant 0 : i32
      %dma_wait3A_188 = tpu.memref_slice %arg2[%dma_wait3A_186, %dma_wait3A_187] : memref<10000x128xf32, #tpu.memory_space<hbm>> -> memref<10000x128xf32, #tpu.memory_space<hbm>>
      tpu.wait_indirect_dma semaphore(%arg14 : memref<!tpu.dma_semaphore, #tpu.memory_space<semaphore_mem>>) src(%dma_wait3A_188 : memref<10000x128xf32, #tpu.memory_space<hbm>>) dst(%arg10 : memref<128x128xf32, #tpu.memory_space<vmem>>)
      %add3A_189 = arith.constant 1 : i32
      %add3A_190 = arith.addi %mul3A_97, %add3A_189 : i32
      %jit3A_191 = arith.constant 4 : i32
      %eq3A_192 = arith.constant 0 : i32
      %eq3A_193 = arith.cmpi eq, %jit3A_191, %eq3A_192 : i32
      %jit3A_194 = arith.constant 1 : i32
      %select_n3A_195 = arith.select %eq3A_193, %jit3A_194, %jit3A_191 : i32
      %rem3A_196 = arith.remsi %add3A_190, %select_n3A_195 : i32
      %ne3A_197 = arith.constant 0 : i32
      %ne3A_198 = arith.cmpi ne, %rem3A_196, %ne3A_197 : i32
      %lt3A_199 = arith.constant 0 : i32
      %lt3A_200 = arith.cmpi slt, %rem3A_196, %lt3A_199 : i32
      %lt3A_201 = arith.constant 0 : i32
      %lt3A_202 = arith.cmpi slt, %select_n3A_195, %lt3A_201 : i32
      %ne3A_203 = arith.xori %lt3A_200, %lt3A_202 : i1
      %and3A_204 = arith.andi %ne3A_203, %ne3A_198 : i1
      %add3A_205 = arith.addi %rem3A_196, %select_n3A_195 : i32
      %select_n3A_206 = arith.select %and3A_204, %add3A_205, %rem3A_196 : i32
      "tpu.region"() ({
        %run_scoped3A = tpu.sem_alloc : memref<!tpu.dma_semaphore, #tpu.memory_space<semaphore_mem>>
        %dma_start3A_207 = arith.constant 0 : i32
        %dma_start3A_208 = tpu.memref_slice %arg8[%select_n3A_206, %dma_start3A_207] : memref<4x128xi32, #tpu.memory_space<vmem>> -> memref<1x128xi32, #tpu.memory_space<vmem>>
        %dma_start3A_209 = tpu.memref_squeeze %dma_start3A_208 : memref<1x128xi32, #tpu.memory_space<vmem>> -> memref<128xi32, #tpu.memory_space<vmem>>
        %dma_start3A_210 = arith.constant 0 : i32
        %dma_start3A_211 = arith.constant 0 : i32
        %dma_start3A_212 = tpu.memref_slice %arg11[%dma_start3A_210, %dma_start3A_211] : memref<10240x128xf32, #tpu.memory_space<vmem_shared>> -> memref<10240x128xf32, #tpu.memory_space<vmem_shared>>
        tpu.enqueue_indirect_dma source(%arg10 : memref<128x128xf32, #tpu.memory_space<vmem>>) target(%dma_start3A_212 : memref<10240x128xf32, #tpu.memory_space<vmem_shared>>) offsets(%dma_start3A_209 : memref<128xi32, #tpu.memory_space<vmem>>) semaphore(%run_scoped3A : memref<!tpu.dma_semaphore, #tpu.memory_space<semaphore_mem>>) {add = true}
        %dma_wait3A_213 = arith.constant 0 : i32
        %dma_wait3A_214 = tpu.memref_slice %arg8[%select_n3A_206, %dma_wait3A_213] : memref<4x128xi32, #tpu.memory_space<vmem>> -> memref<1x128xi32, #tpu.memory_space<vmem>>
        %dma_wait3A_215 = tpu.memref_squeeze %dma_wait3A_214 : memref<1x128xi32, #tpu.memory_space<vmem>> -> memref<128xi32, #tpu.memory_space<vmem>>
        %dma_wait3A_216 = arith.constant 0 : i32
        %dma_wait3A_217 = arith.constant 0 : i32
        %dma_wait3A_218 = tpu.memref_slice %arg11[%dma_wait3A_216, %dma_wait3A_217] : memref<10240x128xf32, #tpu.memory_space<vmem_shared>> -> memref<10240x128xf32, #tpu.memory_space<vmem_shared>>
        tpu.wait_indirect_dma semaphore(%run_scoped3A : memref<!tpu.dma_semaphore, #tpu.memory_space<semaphore_mem>>) src(%arg10 : memref<128x128xf32, #tpu.memory_space<vmem>>) dst(%dma_wait3A_218 : memref<10240x128xf32, #tpu.memory_space<vmem_shared>>)
        tpu.yield
      }) : () -> ()
    }
    %scan3A_87 = arith.constant 40 : i32
    %barrier3A_88 = arith.constant 0 : index
    tpu.barrier barrier_id(%barrier3A_88)
    %scan3A_89 = arith.constant 0 : i32
    %scan3A_90 = arith.constant 0 : i32
    %scan3A_91 = arith.constant 5 : i32
    %scan3A_92 = arith.addi %scan3A_90, %scan3A_91 : i32
    %scan3A_93 = arith.constant 1 : i32
    scf.for %scan3A_95 = %scan3A_90 to %scan3A_92 step %scan3A_93  : i32 {
      %mul3A_96 = arith.constant 640 : i32
      %mul3A_97 = arith.muli %arg1, %mul3A_96 : i32
      %mul3A_98 = arith.constant 128 : i32
      %mul3A_99 = arith.muli %scan3A_95, %mul3A_98 : i32
      %add3A_100 = arith.addi %mul3A_97, %mul3A_99 : i32
      %mul3A_101 = arith.constant 10240 : i32
      %mul3A_102 = arith.muli %arg0, %mul3A_101 : i32
      %add3A_103 = arith.addi %mul3A_102, %add3A_100 : i32
      "tpu.region"() ({
        %run_scoped3A = tpu.sem_alloc : memref<!tpu.dma_semaphore, #tpu.memory_space<semaphore_mem>>
        %dma_start3A_104 = arith.constant 0 : i32
        %dma_start3A_105 = tpu.memref_slice %arg6[%add3A_103, %dma_start3A_104] : memref<20480x128xf32, #tpu.memory_space<hbm>> -> memref<128x128xf32, #tpu.memory_space<hbm>>
        %dma_start3A_106 = arith.constant 0 : i32
        %dma_start3A_107 = tpu.memref_slice %arg11[%add3A_100, %dma_start3A_106] : memref<10240x128xf32, #tpu.memory_space<vmem_shared>> -> memref<128x128xf32, #tpu.memory_space<vmem_shared>>
        tpu.enqueue_dma source(%dma_start3A_107 : memref<128x128xf32, #tpu.memory_space<vmem_shared>>) target(%dma_start3A_105 : memref<128x128xf32, #tpu.memory_space<hbm>>) target_semaphore(%run_scoped3A : memref<!tpu.dma_semaphore, #tpu.memory_space<semaphore_mem>>)
        %dma_wait3A_108 = arith.constant 0 : i32
        %dma_wait3A_109 = tpu.memref_slice %arg6[%add3A_103, %dma_wait3A_108] : memref<20480x128xf32, #tpu.memory_space<hbm>> -> memref<128x128xf32, #tpu.memory_space<hbm>>
        %dma_wait3A_110 = arith.constant 0 : i32
        %dma_wait3A_111 = tpu.memref_slice %arg11[%add3A_100, %dma_wait3A_110] : memref<10240x128xf32, #tpu.memory_space<vmem_shared>> -> memref<128x128xf32, #tpu.memory_space<vmem_shared>>
        tpu.wait_dma2 semaphore(%run_scoped3A : memref<!tpu.dma_semaphore, #tpu.memory_space<semaphore_mem>>) src(%dma_wait3A_111 : memref<128x128xf32, #tpu.memory_space<vmem_shared>>) dst(%dma_wait3A_109 : memref<128x128xf32, #tpu.memory_space<hbm>>)
        tpu.yield
      }) : () -> ()
    }
    %scan3A_94 = arith.constant 5 : i32
    return
  }
}

module attributes {stable_mosaic.version = 14 : i64} {
  func.func @_layer1_body(%arg0: i32, %arg1: memref<10000x128xf32, #tpu.memory_space<vmem>>, %arg2: memref<2x10000x128xf32, #tpu.memory_space<vmem>>, %arg3: memref<128x128xf32, #tpu.memory_space<vmem>>, %arg4: memref<1x128xf32, #tpu.memory_space<vmem>>, %arg5: memref<1x128xf32, #tpu.memory_space<vmem>>, %arg6: memref<1x128xf32, #tpu.memory_space<vmem>>, %arg7: memref<128x128xf32, #tpu.memory_space<vmem>>, %arg8: memref<1x128xf32, #tpu.memory_space<vmem>>, %arg9: memref<1x128xf32, #tpu.memory_space<vmem>>, %arg10: memref<1x128xf32, #tpu.memory_space<vmem>>, %arg11: memref<128x1xf32, #tpu.memory_space<vmem>>, %arg12: memref<128x1xf32, #tpu.memory_space<vmem>>, %arg13: memref<10000x128xf32, #tpu.memory_space<vmem>>, %arg14: memref<10x1000xf32, #tpu.memory_space<vmem>>, %arg15: memref<10x128xf32, #tpu.memory_space<vmem>>, %arg16: memref<10x128xf32, #tpu.memory_space<vmem>>) attributes {dimension_semantics = [#tpu.dimension_semantics<arbitrary>], iteration_bounds = array<i64: 1>, scalar_prefetch = 0 : i64, scratch_operands = 0 : i64, tpu.core_type = #tpu.core_type<tc>, window_params = [{pipeline_mode = #tpu.pipeline_mode<synchronous>, transform_indices = @transform_0, window_bounds = array<i64: 10000, 128>}, {transform_indices = @transform_1, window_bounds = array<i64: 2, 10000, 128>}, {pipeline_mode = #tpu.pipeline_mode<synchronous>, transform_indices = @transform_2, window_bounds = array<i64: 128, 128>}, {pipeline_mode = #tpu.pipeline_mode<synchronous>, transform_indices = @transform_3, window_bounds = array<i64: 1, 128>}, {pipeline_mode = #tpu.pipeline_mode<synchronous>, transform_indices = @transform_4, window_bounds = array<i64: 1, 128>}, {pipeline_mode = #tpu.pipeline_mode<synchronous>, transform_indices = @transform_5, window_bounds = array<i64: 1, 128>}, {pipeline_mode = #tpu.pipeline_mode<synchronous>, transform_indices = @transform_6, window_bounds = array<i64: 128, 128>}, {pipeline_mode = #tpu.pipeline_mode<synchronous>, transform_indices = @transform_7, window_bounds = array<i64: 1, 128>}, {pipeline_mode = #tpu.pipeline_mode<synchronous>, transform_indices = @transform_8, window_bounds = array<i64: 1, 128>}, {pipeline_mode = #tpu.pipeline_mode<synchronous>, transform_indices = @transform_9, window_bounds = array<i64: 1, 128>}, {pipeline_mode = #tpu.pipeline_mode<synchronous>, transform_indices = @transform_10, window_bounds = array<i64: 128, 1>}, {pipeline_mode = #tpu.pipeline_mode<synchronous>, transform_indices = @transform_11, window_bounds = array<i64: 128, 1>}, {pipeline_mode = #tpu.pipeline_mode<synchronous>, transform_indices = @transform_12, window_bounds = array<i64: 10000, 128>}, {pipeline_mode = #tpu.pipeline_mode<synchronous>, transform_indices = @transform_13, window_bounds = array<i64: 10, 1000>}, {pipeline_mode = #tpu.pipeline_mode<synchronous>, transform_indices = @transform_14, window_bounds = array<i64: 10, 128>}, {pipeline_mode = #tpu.pipeline_mode<synchronous>, transform_indices = @transform_15, window_bounds = array<i64: 10, 128>}]} {
    %get3A = arith.constant 0 : index
    %get3A_0 = arith.constant 0 : index
    %get3A_1 = vector.load %arg1[%get3A, %get3A_0] : memref<10000x128xf32, #tpu.memory_space<vmem>>, vector<10000x128xf32>
    %get3A_2 = arith.constant 0 : index
    %get3A_3 = arith.constant 0 : index
    %get3A_4 = arith.constant 0 : index
    %get3A_5 = vector.load %arg2[%get3A_2, %get3A_3, %get3A_4] : memref<2x10000x128xf32, #tpu.memory_space<vmem>>, vector<1x10000x128xf32>
    %get3A_6 = vector.shape_cast %get3A_5 : vector<1x10000x128xf32> to vector<10000x128xf32>
    %get3A_7 = arith.constant 1 : index
    %get3A_8 = arith.constant 0 : index
    %get3A_9 = arith.constant 0 : index
    %get3A_10 = vector.load %arg2[%get3A_7, %get3A_8, %get3A_9] : memref<2x10000x128xf32, #tpu.memory_space<vmem>>, vector<1x10000x128xf32>
    %get3A_11 = vector.shape_cast %get3A_10 : vector<1x10000x128xf32> to vector<10000x128xf32>
    %add3A = arith.addf %get3A_6, %get3A_11 : vector<10000x128xf32>
    %get3A_12 = arith.constant 0 : index
    %get3A_13 = arith.constant 0 : index
    %get3A_14 = vector.load %arg3[%get3A_12, %get3A_13] : memref<128x128xf32, #tpu.memory_space<vmem>>, vector<128x128xf32>
    %dot_general3A = arith.constant dense<0.000000e+00> : vector<10000x128xf32>
    %dot_general3A_15 = tpu.matmul %add3A, %get3A_14, %dot_general3A {dimension_numbers = #tpu.dot_dimension_numbers<[1], [0], [0], [1], [0, 0, 1, 1], [], []>, transpose_lhs_hint = false} : vector<10000x128xf32>, vector<128x128xf32>, vector<10000x128xf32> -> vector<10000x128xf32>
    %get3A_16 = arith.constant 0 : index
    %get3A_17 = arith.constant 0 : index
    %get3A_18 = vector.load %arg4[%get3A_16, %get3A_17] : memref<1x128xf32, #tpu.memory_space<vmem>>, vector<1x128xf32>
    %add3A_19 = vector.broadcast %get3A_18 : vector<1x128xf32> to vector<10000x128xf32>
    %add3A_20 = arith.addf %dot_general3A_15, %add3A_19 : vector<10000x128xf32>
    %reduce_sum3A = arith.constant dense<0.000000e+00> : vector<128xf32>
    %reduce_sum3A_21 = vector.multi_reduction <add>, %add3A_20, %reduce_sum3A [0] : vector<10000x128xf32> to vector<128xf32>
    %broadcast_in_dim3A = vector.shape_cast %reduce_sum3A_21 : vector<128xf32> to vector<1x128xf32>
    %div3A = arith.constant 1.000000e+04 : f32
    %div3A_22 = vector.broadcast %div3A : f32 to vector<1x128xf32>
    %div3A_23 = arith.divf %broadcast_in_dim3A, %div3A_22 : vector<1x128xf32>
    %sub3A = vector.broadcast %div3A_23 : vector<1x128xf32> to vector<10000x128xf32>
    %sub3A_24 = arith.subf %add3A_20, %sub3A : vector<10000x128xf32>
    %square3A = arith.mulf %sub3A_24, %sub3A_24 : vector<10000x128xf32>
    %reduce_sum3A_25 = arith.constant dense<0.000000e+00> : vector<128xf32>
    %reduce_sum3A_26 = vector.multi_reduction <add>, %square3A, %reduce_sum3A_25 [0] : vector<10000x128xf32> to vector<128xf32>
    %broadcast_in_dim3A_27 = vector.shape_cast %reduce_sum3A_26 : vector<128xf32> to vector<1x128xf32>
    %div3A_28 = arith.constant 1.000000e+04 : f32
    %div3A_29 = vector.broadcast %div3A_28 : f32 to vector<1x128xf32>
    %div3A_30 = arith.divf %broadcast_in_dim3A_27, %div3A_29 : vector<1x128xf32>
    %sub3A_31 = vector.broadcast %div3A_23 : vector<1x128xf32> to vector<10000x128xf32>
    %sub3A_32 = arith.subf %add3A_20, %sub3A_31 : vector<10000x128xf32>
    %add3A_33 = arith.constant 9.99999974E-6 : f32
    %add3A_34 = vector.broadcast %add3A_33 : f32 to vector<1x128xf32>
    %add3A_35 = arith.addf %div3A_30, %add3A_34 : vector<1x128xf32>
    %rsqrt3A = math.rsqrt %add3A_35 : vector<1x128xf32>
    %mul3A = vector.broadcast %rsqrt3A : vector<1x128xf32> to vector<10000x128xf32>
    %mul3A_36 = arith.mulf %sub3A_32, %mul3A : vector<10000x128xf32>
    %get3A_37 = arith.constant 0 : index
    %get3A_38 = arith.constant 0 : index
    %get3A_39 = vector.load %arg5[%get3A_37, %get3A_38] : memref<1x128xf32, #tpu.memory_space<vmem>>, vector<1x128xf32>
    %mul3A_40 = vector.broadcast %get3A_39 : vector<1x128xf32> to vector<10000x128xf32>
    %mul3A_41 = arith.mulf %mul3A_36, %mul3A_40 : vector<10000x128xf32>
    %get3A_42 = arith.constant 0 : index
    %get3A_43 = arith.constant 0 : index
    %get3A_44 = vector.load %arg6[%get3A_42, %get3A_43] : memref<1x128xf32, #tpu.memory_space<vmem>>, vector<1x128xf32>
    %add3A_45 = vector.broadcast %get3A_44 : vector<1x128xf32> to vector<10000x128xf32>
    %add3A_46 = arith.addf %mul3A_41, %add3A_45 : vector<10000x128xf32>
    %max3A = arith.constant 0.000000e+00 : f32
    %max3A_47 = vector.broadcast %max3A : f32 to vector<10000x128xf32>
    %max3A_48 = arith.maximumf %add3A_46, %max3A_47 : vector<10000x128xf32>
    %get3A_49 = arith.constant 0 : index
    %get3A_50 = arith.constant 0 : index
    %get3A_51 = vector.load %arg7[%get3A_49, %get3A_50] : memref<128x128xf32, #tpu.memory_space<vmem>>, vector<128x128xf32>
    %dot_general3A_52 = arith.constant dense<0.000000e+00> : vector<10000x128xf32>
    %dot_general3A_53 = tpu.matmul %max3A_48, %get3A_51, %dot_general3A_52 {dimension_numbers = #tpu.dot_dimension_numbers<[1], [0], [0], [1], [0, 0, 1, 1], [], []>, transpose_lhs_hint = false} : vector<10000x128xf32>, vector<128x128xf32>, vector<10000x128xf32> -> vector<10000x128xf32>
    %get3A_54 = arith.constant 0 : index
    %get3A_55 = arith.constant 0 : index
    %get3A_56 = vector.load %arg8[%get3A_54, %get3A_55] : memref<1x128xf32, #tpu.memory_space<vmem>>, vector<1x128xf32>
    %add3A_57 = vector.broadcast %get3A_56 : vector<1x128xf32> to vector<10000x128xf32>
    %add3A_58 = arith.addf %dot_general3A_53, %add3A_57 : vector<10000x128xf32>
    %reduce_sum3A_59 = arith.constant dense<0.000000e+00> : vector<128xf32>
    %reduce_sum3A_60 = vector.multi_reduction <add>, %add3A_58, %reduce_sum3A_59 [0] : vector<10000x128xf32> to vector<128xf32>
    %broadcast_in_dim3A_61 = vector.shape_cast %reduce_sum3A_60 : vector<128xf32> to vector<1x128xf32>
    %div3A_62 = arith.constant 1.000000e+04 : f32
    %div3A_63 = vector.broadcast %div3A_62 : f32 to vector<1x128xf32>
    %div3A_64 = arith.divf %broadcast_in_dim3A_61, %div3A_63 : vector<1x128xf32>
    %sub3A_65 = vector.broadcast %div3A_64 : vector<1x128xf32> to vector<10000x128xf32>
    %sub3A_66 = arith.subf %add3A_58, %sub3A_65 : vector<10000x128xf32>
    %square3A_67 = arith.mulf %sub3A_66, %sub3A_66 : vector<10000x128xf32>
    %reduce_sum3A_68 = arith.constant dense<0.000000e+00> : vector<128xf32>
    %reduce_sum3A_69 = vector.multi_reduction <add>, %square3A_67, %reduce_sum3A_68 [0] : vector<10000x128xf32> to vector<128xf32>
    %broadcast_in_dim3A_70 = vector.shape_cast %reduce_sum3A_69 : vector<128xf32> to vector<1x128xf32>
    %div3A_71 = arith.constant 1.000000e+04 : f32
    %div3A_72 = vector.broadcast %div3A_71 : f32 to vector<1x128xf32>
    %div3A_73 = arith.divf %broadcast_in_dim3A_70, %div3A_72 : vector<1x128xf32>
    %sub3A_74 = vector.broadcast %div3A_64 : vector<1x128xf32> to vector<10000x128xf32>
    %sub3A_75 = arith.subf %add3A_58, %sub3A_74 : vector<10000x128xf32>
    %add3A_76 = arith.constant 9.99999974E-6 : f32
    %add3A_77 = vector.broadcast %add3A_76 : f32 to vector<1x128xf32>
    %add3A_78 = arith.addf %div3A_73, %add3A_77 : vector<1x128xf32>
    %rsqrt3A_79 = math.rsqrt %add3A_78 : vector<1x128xf32>
    %mul3A_80 = vector.broadcast %rsqrt3A_79 : vector<1x128xf32> to vector<10000x128xf32>
    %mul3A_81 = arith.mulf %sub3A_75, %mul3A_80 : vector<10000x128xf32>
    %get3A_82 = arith.constant 0 : index
    %get3A_83 = arith.constant 0 : index
    %get3A_84 = vector.load %arg9[%get3A_82, %get3A_83] : memref<1x128xf32, #tpu.memory_space<vmem>>, vector<1x128xf32>
    %mul3A_85 = vector.broadcast %get3A_84 : vector<1x128xf32> to vector<10000x128xf32>
    %mul3A_86 = arith.mulf %mul3A_81, %mul3A_85 : vector<10000x128xf32>
    %get3A_87 = arith.constant 0 : index
    %get3A_88 = arith.constant 0 : index
    %get3A_89 = vector.load %arg10[%get3A_87, %get3A_88] : memref<1x128xf32, #tpu.memory_space<vmem>>, vector<1x128xf32>
    %add3A_90 = vector.broadcast %get3A_89 : vector<1x128xf32> to vector<10000x128xf32>
    %add3A_91 = arith.addf %mul3A_86, %add3A_90 : vector<10000x128xf32>
    %max3A_92 = arith.constant 0.000000e+00 : f32
    %max3A_93 = vector.broadcast %max3A_92 : f32 to vector<10000x128xf32>
    %max3A_94 = arith.maximumf %add3A_91, %max3A_93 : vector<10000x128xf32>
    %swap3A = arith.constant 0 : index
    %swap3A_95 = arith.constant 0 : index
    %swap3A_96 = vector.load %arg13[%swap3A, %swap3A_95] : memref<10000x128xf32, #tpu.memory_space<vmem>>, vector<10000x128xf32>
    tpu.vector_store %arg13[%swap3A, %swap3A_95], %max3A_94 {strides = array<i32>} : memref<10000x128xf32, #tpu.memory_space<vmem>>, vector<10000x128xf32>,
    %reshape3A = vector.shape_cast %get3A_1 : vector<10000x128xf32> to vector<10x1000x128xf32>
    %reshape3A_97 = vector.shape_cast %max3A_94 : vector<10000x128xf32> to vector<10x1000x128xf32>
    %get3A_98 = arith.constant 0 : index
    %get3A_99 = arith.constant 0 : index
    %get3A_100 = vector.load %arg11[%get3A_98, %get3A_99] : memref<128x1xf32, #tpu.memory_space<vmem>>, vector<128x1xf32>
    %dot_general3A_101 = arith.constant dense<0.000000e+00> : vector<10x1000x1xf32>
    %dot_general3A_102 = tpu.matmul %reshape3A, %get3A_100, %dot_general3A_101 {dimension_numbers = #tpu.dot_dimension_numbers<[2], [0], [0, 1], [1], [0, 0, 0, 1, 1, 1], [], []>, transpose_lhs_hint = false} : vector<10x1000x128xf32>, vector<128x1xf32>, vector<10x1000x1xf32> -> vector<10x1000x1xf32>
    %get3A_103 = arith.constant 0 : index
    %get3A_104 = arith.constant 0 : index
    %get3A_105 = vector.load %arg12[%get3A_103, %get3A_104] : memref<128x1xf32, #tpu.memory_space<vmem>>, vector<128x1xf32>
    %dot_general3A_106 = arith.constant dense<0.000000e+00> : vector<10x1000x1xf32>
    %dot_general3A_107 = tpu.matmul %reshape3A_97, %get3A_105, %dot_general3A_106 {dimension_numbers = #tpu.dot_dimension_numbers<[2], [0], [0, 1], [1], [0, 0, 0, 1, 1, 1], [], []>, transpose_lhs_hint = false} : vector<10x1000x128xf32>, vector<128x1xf32>, vector<10x1000x1xf32> -> vector<10x1000x1xf32>
    %add3A_108 = arith.addf %dot_general3A_102, %dot_general3A_107 : vector<10x1000x1xf32>
    %squeeze3A = vector.shape_cast %add3A_108 : vector<10x1000x1xf32> to vector<10x1000xf32>
    %swap3A_109 = arith.constant 0 : index
    %swap3A_110 = arith.constant 0 : index
    %swap3A_111 = vector.load %arg14[%swap3A_109, %swap3A_110] : memref<10x1000xf32, #tpu.memory_space<vmem>>, vector<10x1000xf32>
    tpu.vector_store %arg14[%swap3A_109, %swap3A_110], %squeeze3A {strides = array<i32>} : memref<10x1000xf32, #tpu.memory_space<vmem>>, vector<10x1000xf32>,
    %reduce_sum3A_112 = arith.constant dense<0.000000e+00> : vector<10x128xf32>
    %reduce_sum3A_113 = vector.multi_reduction <add>, %reshape3A, %reduce_sum3A_112 [1] : vector<10x1000x128xf32> to vector<10x128xf32>
    %div3A_114 = arith.constant 1.000000e+03 : f32
    %div3A_115 = vector.broadcast %div3A_114 : f32 to vector<10x128xf32>
    %div3A_116 = arith.divf %reduce_sum3A_113, %div3A_115 : vector<10x128xf32>
    %swap3A_117 = arith.constant 0 : index
    %swap3A_118 = arith.constant 0 : index
    %swap3A_119 = vector.load %arg15[%swap3A_117, %swap3A_118] : memref<10x128xf32, #tpu.memory_space<vmem>>, vector<10x128xf32>
    tpu.vector_store %arg15[%swap3A_117, %swap3A_118], %div3A_116 {strides = array<i32>} : memref<10x128xf32, #tpu.memory_space<vmem>>, vector<10x128xf32>,
    %reduce_sum3A_120 = arith.constant dense<0.000000e+00> : vector<10x128xf32>
    %reduce_sum3A_121 = vector.multi_reduction <add>, %reshape3A_97, %reduce_sum3A_120 [1] : vector<10x1000x128xf32> to vector<10x128xf32>
    %div3A_122 = arith.constant 1.000000e+03 : f32
    %div3A_123 = vector.broadcast %div3A_122 : f32 to vector<10x128xf32>
    %div3A_124 = arith.divf %reduce_sum3A_121, %div3A_123 : vector<10x128xf32>
    %swap3A_125 = arith.constant 0 : index
    %swap3A_126 = arith.constant 0 : index
    %swap3A_127 = vector.load %arg16[%swap3A_125, %swap3A_126] : memref<10x128xf32, #tpu.memory_space<vmem>>, vector<10x128xf32>
    tpu.vector_store %arg16[%swap3A_125, %swap3A_126], %div3A_124 {strides = array<i32>} : memref<10x128xf32, #tpu.memory_space<vmem>>, vector<10x128xf32>,
    return
  }
  func.func @transform_0(%arg0: i32) -> (i32, i32) {
    %c0_i32 = arith.constant 0 : i32
    %c0_i32_0 = arith.constant 0 : i32
    %c0_i32_1 = arith.constant 0 : i32
    return %c0_i32, %c0_i32_0 : i32, i32
  }
  func.func @transform_1(%arg0: i32) -> (i32, i32, i32) {
    %c0_i32 = arith.constant 0 : i32
    %c0_i32_0 = arith.constant 0 : i32
    %c0_i32_1 = arith.constant 0 : i32
    %c0_i32_2 = arith.constant 0 : i32
    return %c0_i32, %c0_i32_0, %c0_i32_1 : i32, i32, i32
  }
  func.func @transform_2(%arg0: i32) -> (i32, i32) {
    %c0_i32 = arith.constant 0 : i32
    %c0_i32_0 = arith.constant 0 : i32
    %c0_i32_1 = arith.constant 0 : i32
    return %c0_i32, %c0_i32_0 : i32, i32
  }
  func.func @transform_3(%arg0: i32) -> (i32, i32) {
    %c0_i32 = arith.constant 0 : i32
    %c0_i32_0 = arith.constant 0 : i32
    %c0_i32_1 = arith.constant 0 : i32
    return %c0_i32, %c0_i32_0 : i32, i32
  }
  func.func @transform_4(%arg0: i32) -> (i32, i32) {
    %c0_i32 = arith.constant 0 : i32
    %c0_i32_0 = arith.constant 0 : i32
    %c0_i32_1 = arith.constant 0 : i32
    return %c0_i32, %c0_i32_0 : i32, i32
  }
  func.func @transform_5(%arg0: i32) -> (i32, i32) {
    %c0_i32 = arith.constant 0 : i32
    %c0_i32_0 = arith.constant 0 : i32
    %c0_i32_1 = arith.constant 0 : i32
    return %c0_i32, %c0_i32_0 : i32, i32
  }
  func.func @transform_6(%arg0: i32) -> (i32, i32) {
    %c0_i32 = arith.constant 0 : i32
    %c0_i32_0 = arith.constant 0 : i32
    %c0_i32_1 = arith.constant 0 : i32
    return %c0_i32, %c0_i32_0 : i32, i32
  }
  func.func @transform_7(%arg0: i32) -> (i32, i32) {
    %c0_i32 = arith.constant 0 : i32
    %c0_i32_0 = arith.constant 0 : i32
    %c0_i32_1 = arith.constant 0 : i32
    return %c0_i32, %c0_i32_0 : i32, i32
  }
  func.func @transform_8(%arg0: i32) -> (i32, i32) {
    %c0_i32 = arith.constant 0 : i32
    %c0_i32_0 = arith.constant 0 : i32
    %c0_i32_1 = arith.constant 0 : i32
    return %c0_i32, %c0_i32_0 : i32, i32
  }
  func.func @transform_9(%arg0: i32) -> (i32, i32) {
    %c0_i32 = arith.constant 0 : i32
    %c0_i32_0 = arith.constant 0 : i32
    %c0_i32_1 = arith.constant 0 : i32
    return %c0_i32, %c0_i32_0 : i32, i32
  }
  func.func @transform_10(%arg0: i32) -> (i32, i32) {
    %c0_i32 = arith.constant 0 : i32
    %c0_i32_0 = arith.constant 0 : i32
    %c0_i32_1 = arith.constant 0 : i32
    return %c0_i32, %c0_i32_0 : i32, i32
  }
  func.func @transform_11(%arg0: i32) -> (i32, i32) {
    %c0_i32 = arith.constant 0 : i32
    %c0_i32_0 = arith.constant 0 : i32
    %c0_i32_1 = arith.constant 0 : i32
    return %c0_i32, %c0_i32_0 : i32, i32
  }
  func.func @transform_12(%arg0: i32) -> (i32, i32) {
    %c0_i32 = arith.constant 0 : i32
    %c0_i32_0 = arith.constant 0 : i32
    %c0_i32_1 = arith.constant 0 : i32
    return %c0_i32, %c0_i32_0 : i32, i32
  }
  func.func @transform_13(%arg0: i32) -> (i32, i32) {
    %c0_i32 = arith.constant 0 : i32
    %c0_i32_0 = arith.constant 0 : i32
    %c0_i32_1 = arith.constant 0 : i32
    return %c0_i32, %c0_i32_0 : i32, i32
  }
  func.func @transform_14(%arg0: i32) -> (i32, i32) {
    %c0_i32 = arith.constant 0 : i32
    %c0_i32_0 = arith.constant 0 : i32
    %c0_i32_1 = arith.constant 0 : i32
    return %c0_i32, %c0_i32_0 : i32, i32
  }
  func.func @transform_15(%arg0: i32) -> (i32, i32) {
    %c0_i32 = arith.constant 0 : i32
    %c0_i32_0 = arith.constant 0 : i32
    %c0_i32_1 = arith.constant 0 : i32
    return %c0_i32, %c0_i32_0 : i32, i32
  }
}

module attributes {stable_mosaic.version = 14 : i64} {
  func.func @_layer23_body(%arg0: i32, %arg1: memref<2x10000x128xf32, #tpu.memory_space<vmem>>, %arg2: memref<128x128xf32, #tpu.memory_space<vmem>>, %arg3: memref<1x128xf32, #tpu.memory_space<vmem>>, %arg4: memref<1x128xf32, #tpu.memory_space<vmem>>, %arg5: memref<1x128xf32, #tpu.memory_space<vmem>>, %arg6: memref<128x128xf32, #tpu.memory_space<vmem>>, %arg7: memref<1x128xf32, #tpu.memory_space<vmem>>, %arg8: memref<1x128xf32, #tpu.memory_space<vmem>>, %arg9: memref<1x128xf32, #tpu.memory_space<vmem>>, %arg10: memref<128x1xf32, #tpu.memory_space<vmem>>, %arg11: memref<10000x128xf32, #tpu.memory_space<vmem>>, %arg12: memref<10x1000xf32, #tpu.memory_space<vmem>>, %arg13: memref<10x128xf32, #tpu.memory_space<vmem>>) attributes {dimension_semantics = [#tpu.dimension_semantics<arbitrary>], iteration_bounds = array<i64: 1>, scalar_prefetch = 0 : i64, scratch_operands = 0 : i64, tpu.core_type = #tpu.core_type<tc>, window_params = [{transform_indices = @transform_0, window_bounds = array<i64: 2, 10000, 128>}, {pipeline_mode = #tpu.pipeline_mode<synchronous>, transform_indices = @transform_1, window_bounds = array<i64: 128, 128>}, {pipeline_mode = #tpu.pipeline_mode<synchronous>, transform_indices = @transform_2, window_bounds = array<i64: 1, 128>}, {pipeline_mode = #tpu.pipeline_mode<synchronous>, transform_indices = @transform_3, window_bounds = array<i64: 1, 128>}, {pipeline_mode = #tpu.pipeline_mode<synchronous>, transform_indices = @transform_4, window_bounds = array<i64: 1, 128>}, {pipeline_mode = #tpu.pipeline_mode<synchronous>, transform_indices = @transform_5, window_bounds = array<i64: 128, 128>}, {pipeline_mode = #tpu.pipeline_mode<synchronous>, transform_indices = @transform_6, window_bounds = array<i64: 1, 128>}, {pipeline_mode = #tpu.pipeline_mode<synchronous>, transform_indices = @transform_7, window_bounds = array<i64: 1, 128>}, {pipeline_mode = #tpu.pipeline_mode<synchronous>, transform_indices = @transform_8, window_bounds = array<i64: 1, 128>}, {pipeline_mode = #tpu.pipeline_mode<synchronous>, transform_indices = @transform_9, window_bounds = array<i64: 128, 1>}, {pipeline_mode = #tpu.pipeline_mode<synchronous>, transform_indices = @transform_10, window_bounds = array<i64: 10000, 128>}, {pipeline_mode = #tpu.pipeline_mode<synchronous>, transform_indices = @transform_11, window_bounds = array<i64: 10, 1000>}, {pipeline_mode = #tpu.pipeline_mode<synchronous>, transform_indices = @transform_12, window_bounds = array<i64: 10, 128>}]} {
    %get3A = arith.constant 0 : index
    %get3A_0 = arith.constant 0 : index
    %get3A_1 = arith.constant 0 : index
    %get3A_2 = vector.load %arg1[%get3A, %get3A_0, %get3A_1] : memref<2x10000x128xf32, #tpu.memory_space<vmem>>, vector<1x10000x128xf32>
    %get3A_3 = vector.shape_cast %get3A_2 : vector<1x10000x128xf32> to vector<10000x128xf32>
    %get3A_4 = arith.constant 1 : index
    %get3A_5 = arith.constant 0 : index
    %get3A_6 = arith.constant 0 : index
    %get3A_7 = vector.load %arg1[%get3A_4, %get3A_5, %get3A_6] : memref<2x10000x128xf32, #tpu.memory_space<vmem>>, vector<1x10000x128xf32>
    %get3A_8 = vector.shape_cast %get3A_7 : vector<1x10000x128xf32> to vector<10000x128xf32>
    %add3A = arith.addf %get3A_3, %get3A_8 : vector<10000x128xf32>
    %get3A_9 = arith.constant 0 : index
    %get3A_10 = arith.constant 0 : index
    %get3A_11 = vector.load %arg2[%get3A_9, %get3A_10] : memref<128x128xf32, #tpu.memory_space<vmem>>, vector<128x128xf32>
    %dot_general3A = arith.constant dense<0.000000e+00> : vector<10000x128xf32>
    %dot_general3A_12 = tpu.matmul %add3A, %get3A_11, %dot_general3A {dimension_numbers = #tpu.dot_dimension_numbers<[1], [0], [0], [1], [0, 0, 1, 1], [], []>, transpose_lhs_hint = false} : vector<10000x128xf32>, vector<128x128xf32>, vector<10000x128xf32> -> vector<10000x128xf32>
    %get3A_13 = arith.constant 0 : index
    %get3A_14 = arith.constant 0 : index
    %get3A_15 = vector.load %arg3[%get3A_13, %get3A_14] : memref<1x128xf32, #tpu.memory_space<vmem>>, vector<1x128xf32>
    %add3A_16 = vector.broadcast %get3A_15 : vector<1x128xf32> to vector<10000x128xf32>
    %add3A_17 = arith.addf %dot_general3A_12, %add3A_16 : vector<10000x128xf32>
    %reduce_sum3A = arith.constant dense<0.000000e+00> : vector<128xf32>
    %reduce_sum3A_18 = vector.multi_reduction <add>, %add3A_17, %reduce_sum3A [0] : vector<10000x128xf32> to vector<128xf32>
    %broadcast_in_dim3A = vector.shape_cast %reduce_sum3A_18 : vector<128xf32> to vector<1x128xf32>
    %div3A = arith.constant 1.000000e+04 : f32
    %div3A_19 = vector.broadcast %div3A : f32 to vector<1x128xf32>
    %div3A_20 = arith.divf %broadcast_in_dim3A, %div3A_19 : vector<1x128xf32>
    %sub3A = vector.broadcast %div3A_20 : vector<1x128xf32> to vector<10000x128xf32>
    %sub3A_21 = arith.subf %add3A_17, %sub3A : vector<10000x128xf32>
    %square3A = arith.mulf %sub3A_21, %sub3A_21 : vector<10000x128xf32>
    %reduce_sum3A_22 = arith.constant dense<0.000000e+00> : vector<128xf32>
    %reduce_sum3A_23 = vector.multi_reduction <add>, %square3A, %reduce_sum3A_22 [0] : vector<10000x128xf32> to vector<128xf32>
    %broadcast_in_dim3A_24 = vector.shape_cast %reduce_sum3A_23 : vector<128xf32> to vector<1x128xf32>
    %div3A_25 = arith.constant 1.000000e+04 : f32
    %div3A_26 = vector.broadcast %div3A_25 : f32 to vector<1x128xf32>
    %div3A_27 = arith.divf %broadcast_in_dim3A_24, %div3A_26 : vector<1x128xf32>
    %sub3A_28 = vector.broadcast %div3A_20 : vector<1x128xf32> to vector<10000x128xf32>
    %sub3A_29 = arith.subf %add3A_17, %sub3A_28 : vector<10000x128xf32>
    %add3A_30 = arith.constant 9.99999974E-6 : f32
    %add3A_31 = vector.broadcast %add3A_30 : f32 to vector<1x128xf32>
    %add3A_32 = arith.addf %div3A_27, %add3A_31 : vector<1x128xf32>
    %rsqrt3A = math.rsqrt %add3A_32 : vector<1x128xf32>
    %mul3A = vector.broadcast %rsqrt3A : vector<1x128xf32> to vector<10000x128xf32>
    %mul3A_33 = arith.mulf %sub3A_29, %mul3A : vector<10000x128xf32>
    %get3A_34 = arith.constant 0 : index
    %get3A_35 = arith.constant 0 : index
    %get3A_36 = vector.load %arg4[%get3A_34, %get3A_35] : memref<1x128xf32, #tpu.memory_space<vmem>>, vector<1x128xf32>
    %mul3A_37 = vector.broadcast %get3A_36 : vector<1x128xf32> to vector<10000x128xf32>
    %mul3A_38 = arith.mulf %mul3A_33, %mul3A_37 : vector<10000x128xf32>
    %get3A_39 = arith.constant 0 : index
    %get3A_40 = arith.constant 0 : index
    %get3A_41 = vector.load %arg5[%get3A_39, %get3A_40] : memref<1x128xf32, #tpu.memory_space<vmem>>, vector<1x128xf32>
    %add3A_42 = vector.broadcast %get3A_41 : vector<1x128xf32> to vector<10000x128xf32>
    %add3A_43 = arith.addf %mul3A_38, %add3A_42 : vector<10000x128xf32>
    %max3A = arith.constant 0.000000e+00 : f32
    %max3A_44 = vector.broadcast %max3A : f32 to vector<10000x128xf32>
    %max3A_45 = arith.maximumf %add3A_43, %max3A_44 : vector<10000x128xf32>
    %get3A_46 = arith.constant 0 : index
    %get3A_47 = arith.constant 0 : index
    %get3A_48 = vector.load %arg6[%get3A_46, %get3A_47] : memref<128x128xf32, #tpu.memory_space<vmem>>, vector<128x128xf32>
    %dot_general3A_49 = arith.constant dense<0.000000e+00> : vector<10000x128xf32>
    %dot_general3A_50 = tpu.matmul %max3A_45, %get3A_48, %dot_general3A_49 {dimension_numbers = #tpu.dot_dimension_numbers<[1], [0], [0], [1], [0, 0, 1, 1], [], []>, transpose_lhs_hint = false} : vector<10000x128xf32>, vector<128x128xf32>, vector<10000x128xf32> -> vector<10000x128xf32>
    %get3A_51 = arith.constant 0 : index
    %get3A_52 = arith.constant 0 : index
    %get3A_53 = vector.load %arg7[%get3A_51, %get3A_52] : memref<1x128xf32, #tpu.memory_space<vmem>>, vector<1x128xf32>
    %add3A_54 = vector.broadcast %get3A_53 : vector<1x128xf32> to vector<10000x128xf32>
    %add3A_55 = arith.addf %dot_general3A_50, %add3A_54 : vector<10000x128xf32>
    %reduce_sum3A_56 = arith.constant dense<0.000000e+00> : vector<128xf32>
    %reduce_sum3A_57 = vector.multi_reduction <add>, %add3A_55, %reduce_sum3A_56 [0] : vector<10000x128xf32> to vector<128xf32>
    %broadcast_in_dim3A_58 = vector.shape_cast %reduce_sum3A_57 : vector<128xf32> to vector<1x128xf32>
    %div3A_59 = arith.constant 1.000000e+04 : f32
    %div3A_60 = vector.broadcast %div3A_59 : f32 to vector<1x128xf32>
    %div3A_61 = arith.divf %broadcast_in_dim3A_58, %div3A_60 : vector<1x128xf32>
    %sub3A_62 = vector.broadcast %div3A_61 : vector<1x128xf32> to vector<10000x128xf32>
    %sub3A_63 = arith.subf %add3A_55, %sub3A_62 : vector<10000x128xf32>
    %square3A_64 = arith.mulf %sub3A_63, %sub3A_63 : vector<10000x128xf32>
    %reduce_sum3A_65 = arith.constant dense<0.000000e+00> : vector<128xf32>
    %reduce_sum3A_66 = vector.multi_reduction <add>, %square3A_64, %reduce_sum3A_65 [0] : vector<10000x128xf32> to vector<128xf32>
    %broadcast_in_dim3A_67 = vector.shape_cast %reduce_sum3A_66 : vector<128xf32> to vector<1x128xf32>
    %div3A_68 = arith.constant 1.000000e+04 : f32
    %div3A_69 = vector.broadcast %div3A_68 : f32 to vector<1x128xf32>
    %div3A_70 = arith.divf %broadcast_in_dim3A_67, %div3A_69 : vector<1x128xf32>
    %sub3A_71 = vector.broadcast %div3A_61 : vector<1x128xf32> to vector<10000x128xf32>
    %sub3A_72 = arith.subf %add3A_55, %sub3A_71 : vector<10000x128xf32>
    %add3A_73 = arith.constant 9.99999974E-6 : f32
    %add3A_74 = vector.broadcast %add3A_73 : f32 to vector<1x128xf32>
    %add3A_75 = arith.addf %div3A_70, %add3A_74 : vector<1x128xf32>
    %rsqrt3A_76 = math.rsqrt %add3A_75 : vector<1x128xf32>
    %mul3A_77 = vector.broadcast %rsqrt3A_76 : vector<1x128xf32> to vector<10000x128xf32>
    %mul3A_78 = arith.mulf %sub3A_72, %mul3A_77 : vector<10000x128xf32>
    %get3A_79 = arith.constant 0 : index
    %get3A_80 = arith.constant 0 : index
    %get3A_81 = vector.load %arg8[%get3A_79, %get3A_80] : memref<1x128xf32, #tpu.memory_space<vmem>>, vector<1x128xf32>
    %mul3A_82 = vector.broadcast %get3A_81 : vector<1x128xf32> to vector<10000x128xf32>
    %mul3A_83 = arith.mulf %mul3A_78, %mul3A_82 : vector<10000x128xf32>
    %get3A_84 = arith.constant 0 : index
    %get3A_85 = arith.constant 0 : index
    %get3A_86 = vector.load %arg9[%get3A_84, %get3A_85] : memref<1x128xf32, #tpu.memory_space<vmem>>, vector<1x128xf32>
    %add3A_87 = vector.broadcast %get3A_86 : vector<1x128xf32> to vector<10000x128xf32>
    %add3A_88 = arith.addf %mul3A_83, %add3A_87 : vector<10000x128xf32>
    %max3A_89 = arith.constant 0.000000e+00 : f32
    %max3A_90 = vector.broadcast %max3A_89 : f32 to vector<10000x128xf32>
    %max3A_91 = arith.maximumf %add3A_88, %max3A_90 : vector<10000x128xf32>
    %swap3A = arith.constant 0 : index
    %swap3A_92 = arith.constant 0 : index
    %swap3A_93 = vector.load %arg11[%swap3A, %swap3A_92] : memref<10000x128xf32, #tpu.memory_space<vmem>>, vector<10000x128xf32>
    tpu.vector_store %arg11[%swap3A, %swap3A_92], %max3A_91 {strides = array<i32>} : memref<10000x128xf32, #tpu.memory_space<vmem>>, vector<10000x128xf32>,
    %reshape3A = vector.shape_cast %max3A_91 : vector<10000x128xf32> to vector<10x1000x128xf32>
    %get3A_94 = arith.constant 0 : index
    %get3A_95 = arith.constant 0 : index
    %get3A_96 = vector.load %arg10[%get3A_94, %get3A_95] : memref<128x1xf32, #tpu.memory_space<vmem>>, vector<128x1xf32>
    %dot_general3A_97 = arith.constant dense<0.000000e+00> : vector<10x1000x1xf32>
    %dot_general3A_98 = tpu.matmul %reshape3A, %get3A_96, %dot_general3A_97 {dimension_numbers = #tpu.dot_dimension_numbers<[2], [0], [0, 1], [1], [0, 0, 0, 1, 1, 1], [], []>, transpose_lhs_hint = false} : vector<10x1000x128xf32>, vector<128x1xf32>, vector<10x1000x1xf32> -> vector<10x1000x1xf32>
    %squeeze3A = vector.shape_cast %dot_general3A_98 : vector<10x1000x1xf32> to vector<10x1000xf32>
    %swap3A_99 = arith.constant 0 : index
    %swap3A_100 = arith.constant 0 : index
    %swap3A_101 = vector.load %arg12[%swap3A_99, %swap3A_100] : memref<10x1000xf32, #tpu.memory_space<vmem>>, vector<10x1000xf32>
    tpu.vector_store %arg12[%swap3A_99, %swap3A_100], %squeeze3A {strides = array<i32>} : memref<10x1000xf32, #tpu.memory_space<vmem>>, vector<10x1000xf32>,
    %reduce_sum3A_102 = arith.constant dense<0.000000e+00> : vector<10x128xf32>
    %reduce_sum3A_103 = vector.multi_reduction <add>, %reshape3A, %reduce_sum3A_102 [1] : vector<10x1000x128xf32> to vector<10x128xf32>
    %div3A_104 = arith.constant 1.000000e+03 : f32
    %div3A_105 = vector.broadcast %div3A_104 : f32 to vector<10x128xf32>
    %div3A_106 = arith.divf %reduce_sum3A_103, %div3A_105 : vector<10x128xf32>
    %swap3A_107 = arith.constant 0 : index
    %swap3A_108 = arith.constant 0 : index
    %swap3A_109 = vector.load %arg13[%swap3A_107, %swap3A_108] : memref<10x128xf32, #tpu.memory_space<vmem>>, vector<10x128xf32>
    tpu.vector_store %arg13[%swap3A_107, %swap3A_108], %div3A_106 {strides = array<i32>} : memref<10x128xf32, #tpu.memory_space<vmem>>, vector<10x128xf32>,
    return
  }
  func.func @transform_0(%arg0: i32) -> (i32, i32, i32) {
    %c0_i32 = arith.constant 0 : i32
    %c0_i32_0 = arith.constant 0 : i32
    %c0_i32_1 = arith.constant 0 : i32
    %c0_i32_2 = arith.constant 0 : i32
    return %c0_i32, %c0_i32_0, %c0_i32_1 : i32, i32, i32
  }
  func.func @transform_1(%arg0: i32) -> (i32, i32) {
    %c0_i32 = arith.constant 0 : i32
    %c0_i32_0 = arith.constant 0 : i32
    %c0_i32_1 = arith.constant 0 : i32
    return %c0_i32, %c0_i32_0 : i32, i32
  }
  func.func @transform_2(%arg0: i32) -> (i32, i32) {
    %c0_i32 = arith.constant 0 : i32
    %c0_i32_0 = arith.constant 0 : i32
    %c0_i32_1 = arith.constant 0 : i32
    return %c0_i32, %c0_i32_0 : i32, i32
  }
  func.func @transform_3(%arg0: i32) -> (i32, i32) {
    %c0_i32 = arith.constant 0 : i32
    %c0_i32_0 = arith.constant 0 : i32
    %c0_i32_1 = arith.constant 0 : i32
    return %c0_i32, %c0_i32_0 : i32, i32
  }
  func.func @transform_4(%arg0: i32) -> (i32, i32) {
    %c0_i32 = arith.constant 0 : i32
    %c0_i32_0 = arith.constant 0 : i32
    %c0_i32_1 = arith.constant 0 : i32
    return %c0_i32, %c0_i32_0 : i32, i32
  }
  func.func @transform_5(%arg0: i32) -> (i32, i32) {
    %c0_i32 = arith.constant 0 : i32
    %c0_i32_0 = arith.constant 0 : i32
    %c0_i32_1 = arith.constant 0 : i32
    return %c0_i32, %c0_i32_0 : i32, i32
  }
  func.func @transform_6(%arg0: i32) -> (i32, i32) {
    %c0_i32 = arith.constant 0 : i32
    %c0_i32_0 = arith.constant 0 : i32
    %c0_i32_1 = arith.constant 0 : i32
    return %c0_i32, %c0_i32_0 : i32, i32
  }
  func.func @transform_7(%arg0: i32) -> (i32, i32) {
    %c0_i32 = arith.constant 0 : i32
    %c0_i32_0 = arith.constant 0 : i32
    %c0_i32_1 = arith.constant 0 : i32
    return %c0_i32, %c0_i32_0 : i32, i32
  }
  func.func @transform_8(%arg0: i32) -> (i32, i32) {
    %c0_i32 = arith.constant 0 : i32
    %c0_i32_0 = arith.constant 0 : i32
    %c0_i32_1 = arith.constant 0 : i32
    return %c0_i32, %c0_i32_0 : i32, i32
  }
  func.func @transform_9(%arg0: i32) -> (i32, i32) {
    %c0_i32 = arith.constant 0 : i32
    %c0_i32_0 = arith.constant 0 : i32
    %c0_i32_1 = arith.constant 0 : i32
    return %c0_i32, %c0_i32_0 : i32, i32
  }
  func.func @transform_10(%arg0: i32) -> (i32, i32) {
    %c0_i32 = arith.constant 0 : i32
    %c0_i32_0 = arith.constant 0 : i32
    %c0_i32_1 = arith.constant 0 : i32
    return %c0_i32, %c0_i32_0 : i32, i32
  }
  func.func @transform_11(%arg0: i32) -> (i32, i32) {
    %c0_i32 = arith.constant 0 : i32
    %c0_i32_0 = arith.constant 0 : i32
    %c0_i32_1 = arith.constant 0 : i32
    return %c0_i32, %c0_i32_0 : i32, i32
  }
  func.func @transform_12(%arg0: i32) -> (i32, i32) {
    %c0_i32 = arith.constant 0 : i32
    %c0_i32_0 = arith.constant 0 : i32
    %c0_i32_1 = arith.constant 0 : i32
    return %c0_i32, %c0_i32_0 : i32, i32
  }
}

module attributes {stable_mosaic.version = 14 : i64} {
  func.func @_head_body(%arg0: i32, %arg1: memref<10x1000xf32, #tpu.memory_space<vmem>>, %arg2: memref<10x1000xf32, #tpu.memory_space<vmem>>, %arg3: memref<10x1000xf32, #tpu.memory_space<vmem>>, %arg4: memref<10x128xf32, #tpu.memory_space<vmem>>, %arg5: memref<10x128xf32, #tpu.memory_space<vmem>>, %arg6: memref<10x128xf32, #tpu.memory_space<vmem>>, %arg7: memref<10x128xf32, #tpu.memory_space<vmem>>, %arg8: memref<128x3xf32, #tpu.memory_space<vmem>>, %arg9: memref<128x3xf32, #tpu.memory_space<vmem>>, %arg10: memref<128x3xf32, #tpu.memory_space<vmem>>, %arg11: memref<128x3xf32, #tpu.memory_space<vmem>>, %arg12: memref<1x1xf32, #tpu.memory_space<vmem>>, %arg13: memref<1x3xf32, #tpu.memory_space<vmem>>, %arg14: memref<10x1000xf32, #tpu.memory_space<vmem>>, %arg15: memref<10x3xf32, #tpu.memory_space<vmem>>) attributes {dimension_semantics = [#tpu.dimension_semantics<arbitrary>], iteration_bounds = array<i64: 1>, scalar_prefetch = 0 : i64, scratch_operands = 0 : i64, tpu.core_type = #tpu.core_type<tc>, window_params = [{pipeline_mode = #tpu.pipeline_mode<synchronous>, transform_indices = @transform_0, window_bounds = array<i64: 10, 1000>}, {pipeline_mode = #tpu.pipeline_mode<synchronous>, transform_indices = @transform_1, window_bounds = array<i64: 10, 1000>}, {pipeline_mode = #tpu.pipeline_mode<synchronous>, transform_indices = @transform_2, window_bounds = array<i64: 10, 1000>}, {pipeline_mode = #tpu.pipeline_mode<synchronous>, transform_indices = @transform_3, window_bounds = array<i64: 10, 128>}, {pipeline_mode = #tpu.pipeline_mode<synchronous>, transform_indices = @transform_4, window_bounds = array<i64: 10, 128>}, {pipeline_mode = #tpu.pipeline_mode<synchronous>, transform_indices = @transform_5, window_bounds = array<i64: 10, 128>}, {pipeline_mode = #tpu.pipeline_mode<synchronous>, transform_indices = @transform_6, window_bounds = array<i64: 10, 128>}, {pipeline_mode = #tpu.pipeline_mode<synchronous>, transform_indices = @transform_7, window_bounds = array<i64: 128, 3>}, {pipeline_mode = #tpu.pipeline_mode<synchronous>, transform_indices = @transform_8, window_bounds = array<i64: 128, 3>}, {pipeline_mode = #tpu.pipeline_mode<synchronous>, transform_indices = @transform_9, window_bounds = array<i64: 128, 3>}, {pipeline_mode = #tpu.pipeline_mode<synchronous>, transform_indices = @transform_10, window_bounds = array<i64: 128, 3>}, {pipeline_mode = #tpu.pipeline_mode<synchronous>, transform_indices = @transform_11, window_bounds = array<i64: 1, 1>}, {pipeline_mode = #tpu.pipeline_mode<synchronous>, transform_indices = @transform_12, window_bounds = array<i64: 1, 3>}, {pipeline_mode = #tpu.pipeline_mode<synchronous>, transform_indices = @transform_13, window_bounds = array<i64: 10, 1000>}, {pipeline_mode = #tpu.pipeline_mode<synchronous>, transform_indices = @transform_14, window_bounds = array<i64: 10, 3>}]} {
    %get3A = arith.constant 0 : index
    %get3A_0 = arith.constant 0 : index
    %get3A_1 = vector.load %arg1[%get3A, %get3A_0] : memref<10x1000xf32, #tpu.memory_space<vmem>>, vector<10x1000xf32>
    %get3A_2 = arith.constant 0 : index
    %get3A_3 = arith.constant 0 : index
    %get3A_4 = vector.load %arg2[%get3A_2, %get3A_3] : memref<10x1000xf32, #tpu.memory_space<vmem>>, vector<10x1000xf32>
    %add3A = arith.addf %get3A_1, %get3A_4 : vector<10x1000xf32>
    %get3A_5 = arith.constant 0 : index
    %get3A_6 = arith.constant 0 : index
    %get3A_7 = vector.load %arg3[%get3A_5, %get3A_6] : memref<10x1000xf32, #tpu.memory_space<vmem>>, vector<10x1000xf32>
    %add3A_8 = arith.addf %add3A, %get3A_7 : vector<10x1000xf32>
    %get3A_9 = arith.constant 0 : index
    %get3A_10 = arith.constant 0 : index
    %get3A_11 = vector.load %arg12[%get3A_9, %get3A_10] : memref<1x1xf32, #tpu.memory_space<vmem>>, vector<1x1xf32>
    %get3A_12 = vector.extract %get3A_11[0, 0] : f32 from vector<1x1xf32>
    %add3A_13 = vector.broadcast %get3A_12 : f32 to vector<10x1000xf32>
    %add3A_14 = arith.addf %add3A_8, %add3A_13 : vector<10x1000xf32>
    %reduce_max3A = arith.constant dense<0xFF800000> : vector<10xf32>
    %reduce_max3A_15 = vector.multi_reduction <maximumf>, %add3A_14, %reduce_max3A [1] : vector<10x1000xf32> to vector<10xf32>
    %broadcast_in_dim3A = vector.shape_cast %reduce_max3A_15 : vector<10xf32> to vector<10x1xf32>
    %sub3A = vector.broadcast %broadcast_in_dim3A : vector<10x1xf32> to vector<10x1000xf32>
    %sub3A_16 = arith.subf %add3A_14, %sub3A : vector<10x1000xf32>
    %exp3A = math.exp %sub3A_16 : vector<10x1000xf32>
    %reduce_sum3A = arith.constant dense<0.000000e+00> : vector<10xf32>
    %reduce_sum3A_17 = vector.multi_reduction <add>, %exp3A, %reduce_sum3A [1] : vector<10x1000xf32> to vector<10xf32>
    %broadcast_in_dim3A_18 = vector.shape_cast %reduce_sum3A_17 : vector<10xf32> to vector<10x1xf32>
    %log3A = math.log %broadcast_in_dim3A_18 : vector<10x1xf32>
    %add3A_19 = arith.addf %log3A, %broadcast_in_dim3A : vector<10x1xf32>
    %sub3A_20 = vector.broadcast %add3A_19 : vector<10x1xf32> to vector<10x1000xf32>
    %sub3A_21 = arith.subf %add3A_14, %sub3A_20 : vector<10x1000xf32>
    %swap3A = arith.constant 0 : index
    %swap3A_22 = arith.constant 0 : index
    %swap3A_23 = vector.load %arg14[%swap3A, %swap3A_22] : memref<10x1000xf32, #tpu.memory_space<vmem>>, vector<10x1000xf32>
    tpu.vector_store %arg14[%swap3A, %swap3A_22], %sub3A_21 {strides = array<i32>} : memref<10x1000xf32, #tpu.memory_space<vmem>>, vector<10x1000xf32>,
    %get3A_24 = arith.constant 0 : index
    %get3A_25 = arith.constant 0 : index
    %get3A_26 = vector.load %arg4[%get3A_24, %get3A_25] : memref<10x128xf32, #tpu.memory_space<vmem>>, vector<10x128xf32>
    %get3A_27 = arith.constant 0 : index
    %get3A_28 = arith.constant 0 : index
    %get3A_29 = vector.load %arg8[%get3A_27, %get3A_28] : memref<128x3xf32, #tpu.memory_space<vmem>>, vector<128x3xf32>
    %dot_general3A = arith.constant dense<0.000000e+00> : vector<10x3xf32>
    %dot_general3A_30 = tpu.matmul %get3A_26, %get3A_29, %dot_general3A {dimension_numbers = #tpu.dot_dimension_numbers<[1], [0], [0], [1], [0, 0, 1, 1], [], []>, transpose_lhs_hint = false} : vector<10x128xf32>, vector<128x3xf32>, vector<10x3xf32> -> vector<10x3xf32>
    %get3A_31 = arith.constant 0 : index
    %get3A_32 = arith.constant 0 : index
    %get3A_33 = vector.load %arg5[%get3A_31, %get3A_32] : memref<10x128xf32, #tpu.memory_space<vmem>>, vector<10x128xf32>
    %get3A_34 = arith.constant 0 : index
    %get3A_35 = arith.constant 0 : index
    %get3A_36 = vector.load %arg9[%get3A_34, %get3A_35] : memref<128x3xf32, #tpu.memory_space<vmem>>, vector<128x3xf32>
    %dot_general3A_37 = arith.constant dense<0.000000e+00> : vector<10x3xf32>
    %dot_general3A_38 = tpu.matmul %get3A_33, %get3A_36, %dot_general3A_37 {dimension_numbers = #tpu.dot_dimension_numbers<[1], [0], [0], [1], [0, 0, 1, 1], [], []>, transpose_lhs_hint = false} : vector<10x128xf32>, vector<128x3xf32>, vector<10x3xf32> -> vector<10x3xf32>
    %add3A_39 = arith.addf %dot_general3A_30, %dot_general3A_38 : vector<10x3xf32>
    %get3A_40 = arith.constant 0 : index
    %get3A_41 = arith.constant 0 : index
    %get3A_42 = vector.load %arg6[%get3A_40, %get3A_41] : memref<10x128xf32, #tpu.memory_space<vmem>>, vector<10x128xf32>
    %get3A_43 = arith.constant 0 : index
    %get3A_44 = arith.constant 0 : index
    %get3A_45 = vector.load %arg10[%get3A_43, %get3A_44] : memref<128x3xf32, #tpu.memory_space<vmem>>, vector<128x3xf32>
    %dot_general3A_46 = arith.constant dense<0.000000e+00> : vector<10x3xf32>
    %dot_general3A_47 = tpu.matmul %get3A_42, %get3A_45, %dot_general3A_46 {dimension_numbers = #tpu.dot_dimension_numbers<[1], [0], [0], [1], [0, 0, 1, 1], [], []>, transpose_lhs_hint = false} : vector<10x128xf32>, vector<128x3xf32>, vector<10x3xf32> -> vector<10x3xf32>
    %add3A_48 = arith.addf %add3A_39, %dot_general3A_47 : vector<10x3xf32>
    %get3A_49 = arith.constant 0 : index
    %get3A_50 = arith.constant 0 : index
    %get3A_51 = vector.load %arg7[%get3A_49, %get3A_50] : memref<10x128xf32, #tpu.memory_space<vmem>>, vector<10x128xf32>
    %get3A_52 = arith.constant 0 : index
    %get3A_53 = arith.constant 0 : index
    %get3A_54 = vector.load %arg11[%get3A_52, %get3A_53] : memref<128x3xf32, #tpu.memory_space<vmem>>, vector<128x3xf32>
    %dot_general3A_55 = arith.constant dense<0.000000e+00> : vector<10x3xf32>
    %dot_general3A_56 = tpu.matmul %get3A_51, %get3A_54, %dot_general3A_55 {dimension_numbers = #tpu.dot_dimension_numbers<[1], [0], [0], [1], [0, 0, 1, 1], [], []>, transpose_lhs_hint = false} : vector<10x128xf32>, vector<128x3xf32>, vector<10x3xf32> -> vector<10x3xf32>
    %add3A_57 = arith.addf %add3A_48, %dot_general3A_56 : vector<10x3xf32>
    %get3A_58 = arith.constant 0 : index
    %get3A_59 = arith.constant 0 : index
    %get3A_60 = vector.load %arg13[%get3A_58, %get3A_59] : memref<1x3xf32, #tpu.memory_space<vmem>>, vector<1x3xf32>
    %add3A_61 = vector.broadcast %get3A_60 : vector<1x3xf32> to vector<10x3xf32>
    %add3A_62 = arith.addf %add3A_57, %add3A_61 : vector<10x3xf32>
    %reduce_max3A_63 = arith.constant dense<0xFF800000> : vector<10xf32>
    %reduce_max3A_64 = vector.multi_reduction <maximumf>, %add3A_62, %reduce_max3A_63 [1] : vector<10x3xf32> to vector<10xf32>
    %broadcast_in_dim3A_65 = vector.shape_cast %reduce_max3A_64 : vector<10xf32> to vector<10x1xf32>
    %sub3A_66 = vector.broadcast %broadcast_in_dim3A_65 : vector<10x1xf32> to vector<10x3xf32>
    %sub3A_67 = arith.subf %add3A_62, %sub3A_66 : vector<10x3xf32>
    %exp3A_68 = math.exp %sub3A_67 : vector<10x3xf32>
    %reduce_sum3A_69 = arith.constant dense<0.000000e+00> : vector<10xf32>
    %reduce_sum3A_70 = vector.multi_reduction <add>, %exp3A_68, %reduce_sum3A_69 [1] : vector<10x3xf32> to vector<10xf32>
    %broadcast_in_dim3A_71 = vector.shape_cast %reduce_sum3A_70 : vector<10xf32> to vector<10x1xf32>
    %log3A_72 = math.log %broadcast_in_dim3A_71 : vector<10x1xf32>
    %add3A_73 = arith.addf %log3A_72, %broadcast_in_dim3A_65 : vector<10x1xf32>
    %sub3A_74 = vector.broadcast %add3A_73 : vector<10x1xf32> to vector<10x3xf32>
    %sub3A_75 = arith.subf %add3A_62, %sub3A_74 : vector<10x3xf32>
    %swap3A_76 = arith.constant 0 : index
    %swap3A_77 = arith.constant 0 : index
    %swap3A_78 = vector.load %arg15[%swap3A_76, %swap3A_77] : memref<10x3xf32, #tpu.memory_space<vmem>>, vector<10x3xf32>
    tpu.vector_store %arg15[%swap3A_76, %swap3A_77], %sub3A_75 {strides = array<i32>} : memref<10x3xf32, #tpu.memory_space<vmem>>, vector<10x3xf32>,
    return
  }
  func.func @transform_0(%arg0: i32) -> (i32, i32) {
    %c0_i32 = arith.constant 0 : i32
    %c0_i32_0 = arith.constant 0 : i32
    %c0_i32_1 = arith.constant 0 : i32
    return %c0_i32, %c0_i32_0 : i32, i32
  }
  func.func @transform_1(%arg0: i32) -> (i32, i32) {
    %c0_i32 = arith.constant 0 : i32
    %c0_i32_0 = arith.constant 0 : i32
    %c0_i32_1 = arith.constant 0 : i32
    return %c0_i32, %c0_i32_0 : i32, i32
  }
  func.func @transform_2(%arg0: i32) -> (i32, i32) {
    %c0_i32 = arith.constant 0 : i32
    %c0_i32_0 = arith.constant 0 : i32
    %c0_i32_1 = arith.constant 0 : i32
    return %c0_i32, %c0_i32_0 : i32, i32
  }
  func.func @transform_3(%arg0: i32) -> (i32, i32) {
    %c0_i32 = arith.constant 0 : i32
    %c0_i32_0 = arith.constant 0 : i32
    %c0_i32_1 = arith.constant 0 : i32
    return %c0_i32, %c0_i32_0 : i32, i32
  }
  func.func @transform_4(%arg0: i32) -> (i32, i32) {
    %c0_i32 = arith.constant 0 : i32
    %c0_i32_0 = arith.constant 0 : i32
    %c0_i32_1 = arith.constant 0 : i32
    return %c0_i32, %c0_i32_0 : i32, i32
  }
  func.func @transform_5(%arg0: i32) -> (i32, i32) {
    %c0_i32 = arith.constant 0 : i32
    %c0_i32_0 = arith.constant 0 : i32
    %c0_i32_1 = arith.constant 0 : i32
    return %c0_i32, %c0_i32_0 : i32, i32
  }
  func.func @transform_6(%arg0: i32) -> (i32, i32) {
    %c0_i32 = arith.constant 0 : i32
    %c0_i32_0 = arith.constant 0 : i32
    %c0_i32_1 = arith.constant 0 : i32
    return %c0_i32, %c0_i32_0 : i32, i32
  }
  func.func @transform_7(%arg0: i32) -> (i32, i32) {
    %c0_i32 = arith.constant 0 : i32
    %c0_i32_0 = arith.constant 0 : i32
    %c0_i32_1 = arith.constant 0 : i32
    return %c0_i32, %c0_i32_0 : i32, i32
  }
  func.func @transform_8(%arg0: i32) -> (i32, i32) {
    %c0_i32 = arith.constant 0 : i32
    %c0_i32_0 = arith.constant 0 : i32
    %c0_i32_1 = arith.constant 0 : i32
    return %c0_i32, %c0_i32_0 : i32, i32
  }
  func.func @transform_9(%arg0: i32) -> (i32, i32) {
    %c0_i32 = arith.constant 0 : i32
    %c0_i32_0 = arith.constant 0 : i32
    %c0_i32_1 = arith.constant 0 : i32
    return %c0_i32, %c0_i32_0 : i32, i32
  }
  func.func @transform_10(%arg0: i32) -> (i32, i32) {
    %c0_i32 = arith.constant 0 : i32
    %c0_i32_0 = arith.constant 0 : i32
    %c0_i32_1 = arith.constant 0 : i32
    return %c0_i32, %c0_i32_0 : i32, i32
  }
  func.func @transform_11(%arg0: i32) -> (i32, i32) {
    %c0_i32 = arith.constant 0 : i32
    %c0_i32_0 = arith.constant 0 : i32
    %c0_i32_1 = arith.constant 0 : i32
    return %c0_i32, %c0_i32_0 : i32, i32
  }
  func.func @transform_12(%arg0: i32) -> (i32, i32) {
    %c0_i32 = arith.constant 0 : i32
    %c0_i32_0 = arith.constant 0 : i32
    %c0_i32_1 = arith.constant 0 : i32
    return %c0_i32, %c0_i32_0 : i32, i32
  }
  func.func @transform_13(%arg0: i32) -> (i32, i32) {
    %c0_i32 = arith.constant 0 : i32
    %c0_i32_0 = arith.constant 0 : i32
    %c0_i32_1 = arith.constant 0 : i32
    return %c0_i32, %c0_i32_0 : i32, i32
  }
  func.func @transform_14(%arg0: i32) -> (i32, i32) {
    %c0_i32 = arith.constant 0 : i32
    %c0_i32_0 = arith.constant 0 : i32
    %c0_i32_1 = arith.constant 0 : i32
    return %c0_i32, %c0_i32_0 : i32, i32
  }
}

module attributes {stable_mosaic.version = 14 : i64} {
  func.func @_layer23_body(%arg0: i32, %arg1: memref<2x10000x128xf32, #tpu.memory_space<vmem>>, %arg2: memref<128x128xf32, #tpu.memory_space<vmem>>, %arg3: memref<1x128xf32, #tpu.memory_space<vmem>>, %arg4: memref<1x128xf32, #tpu.memory_space<vmem>>, %arg5: memref<1x128xf32, #tpu.memory_space<vmem>>, %arg6: memref<128x128xf32, #tpu.memory_space<vmem>>, %arg7: memref<1x128xf32, #tpu.memory_space<vmem>>, %arg8: memref<1x128xf32, #tpu.memory_space<vmem>>, %arg9: memref<1x128xf32, #tpu.memory_space<vmem>>, %arg10: memref<128x1xf32, #tpu.memory_space<vmem>>, %arg11: memref<10000x128xf32, #tpu.memory_space<vmem>>, %arg12: memref<10x1000xf32, #tpu.memory_space<vmem>>, %arg13: memref<10x128xf32, #tpu.memory_space<vmem>>) attributes {dimension_semantics = [#tpu.dimension_semantics<arbitrary>], iteration_bounds = array<i64: 1>, scalar_prefetch = 0 : i64, scratch_operands = 0 : i64, tpu.core_type = #tpu.core_type<tc>, window_params = [{transform_indices = @transform_0, window_bounds = array<i64: 2, 10000, 128>}, {pipeline_mode = #tpu.pipeline_mode<synchronous>, transform_indices = @transform_1, window_bounds = array<i64: 128, 128>}, {pipeline_mode = #tpu.pipeline_mode<synchronous>, transform_indices = @transform_2, window_bounds = array<i64: 1, 128>}, {pipeline_mode = #tpu.pipeline_mode<synchronous>, transform_indices = @transform_3, window_bounds = array<i64: 1, 128>}, {pipeline_mode = #tpu.pipeline_mode<synchronous>, transform_indices = @transform_4, window_bounds = array<i64: 1, 128>}, {pipeline_mode = #tpu.pipeline_mode<synchronous>, transform_indices = @transform_5, window_bounds = array<i64: 128, 128>}, {pipeline_mode = #tpu.pipeline_mode<synchronous>, transform_indices = @transform_6, window_bounds = array<i64: 1, 128>}, {pipeline_mode = #tpu.pipeline_mode<synchronous>, transform_indices = @transform_7, window_bounds = array<i64: 1, 128>}, {pipeline_mode = #tpu.pipeline_mode<synchronous>, transform_indices = @transform_8, window_bounds = array<i64: 1, 128>}, {pipeline_mode = #tpu.pipeline_mode<synchronous>, transform_indices = @transform_9, window_bounds = array<i64: 128, 1>}, {pipeline_mode = #tpu.pipeline_mode<synchronous>, transform_indices = @transform_10, window_bounds = array<i64: 10000, 128>}, {pipeline_mode = #tpu.pipeline_mode<synchronous>, transform_indices = @transform_11, window_bounds = array<i64: 10, 1000>}, {pipeline_mode = #tpu.pipeline_mode<synchronous>, transform_indices = @transform_12, window_bounds = array<i64: 10, 128>}]} {
    %get3A = arith.constant 0 : index
    %get3A_0 = arith.constant 0 : index
    %get3A_1 = arith.constant 0 : index
    %get3A_2 = vector.load %arg1[%get3A, %get3A_0, %get3A_1] : memref<2x10000x128xf32, #tpu.memory_space<vmem>>, vector<1x10000x128xf32>
    %get3A_3 = vector.shape_cast %get3A_2 : vector<1x10000x128xf32> to vector<10000x128xf32>
    %get3A_4 = arith.constant 1 : index
    %get3A_5 = arith.constant 0 : index
    %get3A_6 = arith.constant 0 : index
    %get3A_7 = vector.load %arg1[%get3A_4, %get3A_5, %get3A_6] : memref<2x10000x128xf32, #tpu.memory_space<vmem>>, vector<1x10000x128xf32>
    %get3A_8 = vector.shape_cast %get3A_7 : vector<1x10000x128xf32> to vector<10000x128xf32>
    %add3A = arith.addf %get3A_3, %get3A_8 : vector<10000x128xf32>
    %get3A_9 = arith.constant 0 : index
    %get3A_10 = arith.constant 0 : index
    %get3A_11 = vector.load %arg2[%get3A_9, %get3A_10] : memref<128x128xf32, #tpu.memory_space<vmem>>, vector<128x128xf32>
    %dot_general3A = arith.constant dense<0.000000e+00> : vector<10000x128xf32>
    %dot_general3A_12 = tpu.matmul %add3A, %get3A_11, %dot_general3A {dimension_numbers = #tpu.dot_dimension_numbers<[1], [0], [0], [1], [0, 0, 1, 1], [], []>, transpose_lhs_hint = false} : vector<10000x128xf32>, vector<128x128xf32>, vector<10000x128xf32> -> vector<10000x128xf32>
    %get3A_13 = arith.constant 0 : index
    %get3A_14 = arith.constant 0 : index
    %get3A_15 = vector.load %arg3[%get3A_13, %get3A_14] : memref<1x128xf32, #tpu.memory_space<vmem>>, vector<1x128xf32>
    %add3A_16 = vector.broadcast %get3A_15 : vector<1x128xf32> to vector<10000x128xf32>
    %add3A_17 = arith.addf %dot_general3A_12, %add3A_16 : vector<10000x128xf32>
    %reduce_sum3A = arith.constant dense<0.000000e+00> : vector<128xf32>
    %reduce_sum3A_18 = vector.multi_reduction <add>, %add3A_17, %reduce_sum3A [0] : vector<10000x128xf32> to vector<128xf32>
    %broadcast_in_dim3A = vector.shape_cast %reduce_sum3A_18 : vector<128xf32> to vector<1x128xf32>
    %div3A = arith.constant 1.000000e+04 : f32
    %div3A_19 = vector.broadcast %div3A : f32 to vector<1x128xf32>
    %div3A_20 = arith.divf %broadcast_in_dim3A, %div3A_19 : vector<1x128xf32>
    %sub3A = vector.broadcast %div3A_20 : vector<1x128xf32> to vector<10000x128xf32>
    %sub3A_21 = arith.subf %add3A_17, %sub3A : vector<10000x128xf32>
    %square3A = arith.mulf %sub3A_21, %sub3A_21 : vector<10000x128xf32>
    %reduce_sum3A_22 = arith.constant dense<0.000000e+00> : vector<128xf32>
    %reduce_sum3A_23 = vector.multi_reduction <add>, %square3A, %reduce_sum3A_22 [0] : vector<10000x128xf32> to vector<128xf32>
    %broadcast_in_dim3A_24 = vector.shape_cast %reduce_sum3A_23 : vector<128xf32> to vector<1x128xf32>
    %div3A_25 = arith.constant 1.000000e+04 : f32
    %div3A_26 = vector.broadcast %div3A_25 : f32 to vector<1x128xf32>
    %div3A_27 = arith.divf %broadcast_in_dim3A_24, %div3A_26 : vector<1x128xf32>
    %sub3A_28 = vector.broadcast %div3A_20 : vector<1x128xf32> to vector<10000x128xf32>
    %sub3A_29 = arith.subf %add3A_17, %sub3A_28 : vector<10000x128xf32>
    %add3A_30 = arith.constant 9.99999974E-6 : f32
    %add3A_31 = vector.broadcast %add3A_30 : f32 to vector<1x128xf32>
    %add3A_32 = arith.addf %div3A_27, %add3A_31 : vector<1x128xf32>
    %rsqrt3A = math.rsqrt %add3A_32 : vector<1x128xf32>
    %mul3A = vector.broadcast %rsqrt3A : vector<1x128xf32> to vector<10000x128xf32>
    %mul3A_33 = arith.mulf %sub3A_29, %mul3A : vector<10000x128xf32>
    %get3A_34 = arith.constant 0 : index
    %get3A_35 = arith.constant 0 : index
    %get3A_36 = vector.load %arg4[%get3A_34, %get3A_35] : memref<1x128xf32, #tpu.memory_space<vmem>>, vector<1x128xf32>
    %mul3A_37 = vector.broadcast %get3A_36 : vector<1x128xf32> to vector<10000x128xf32>
    %mul3A_38 = arith.mulf %mul3A_33, %mul3A_37 : vector<10000x128xf32>
    %get3A_39 = arith.constant 0 : index
    %get3A_40 = arith.constant 0 : index
    %get3A_41 = vector.load %arg5[%get3A_39, %get3A_40] : memref<1x128xf32, #tpu.memory_space<vmem>>, vector<1x128xf32>
    %add3A_42 = vector.broadcast %get3A_41 : vector<1x128xf32> to vector<10000x128xf32>
    %add3A_43 = arith.addf %mul3A_38, %add3A_42 : vector<10000x128xf32>
    %max3A = arith.constant 0.000000e+00 : f32
    %max3A_44 = vector.broadcast %max3A : f32 to vector<10000x128xf32>
    %max3A_45 = arith.maximumf %add3A_43, %max3A_44 : vector<10000x128xf32>
    %get3A_46 = arith.constant 0 : index
    %get3A_47 = arith.constant 0 : index
    %get3A_48 = vector.load %arg6[%get3A_46, %get3A_47] : memref<128x128xf32, #tpu.memory_space<vmem>>, vector<128x128xf32>
    %dot_general3A_49 = arith.constant dense<0.000000e+00> : vector<10000x128xf32>
    %dot_general3A_50 = tpu.matmul %max3A_45, %get3A_48, %dot_general3A_49 {dimension_numbers = #tpu.dot_dimension_numbers<[1], [0], [0], [1], [0, 0, 1, 1], [], []>, transpose_lhs_hint = false} : vector<10000x128xf32>, vector<128x128xf32>, vector<10000x128xf32> -> vector<10000x128xf32>
    %get3A_51 = arith.constant 0 : index
    %get3A_52 = arith.constant 0 : index
    %get3A_53 = vector.load %arg7[%get3A_51, %get3A_52] : memref<1x128xf32, #tpu.memory_space<vmem>>, vector<1x128xf32>
    %add3A_54 = vector.broadcast %get3A_53 : vector<1x128xf32> to vector<10000x128xf32>
    %add3A_55 = arith.addf %dot_general3A_50, %add3A_54 : vector<10000x128xf32>
    %reduce_sum3A_56 = arith.constant dense<0.000000e+00> : vector<128xf32>
    %reduce_sum3A_57 = vector.multi_reduction <add>, %add3A_55, %reduce_sum3A_56 [0] : vector<10000x128xf32> to vector<128xf32>
    %broadcast_in_dim3A_58 = vector.shape_cast %reduce_sum3A_57 : vector<128xf32> to vector<1x128xf32>
    %div3A_59 = arith.constant 1.000000e+04 : f32
    %div3A_60 = vector.broadcast %div3A_59 : f32 to vector<1x128xf32>
    %div3A_61 = arith.divf %broadcast_in_dim3A_58, %div3A_60 : vector<1x128xf32>
    %sub3A_62 = vector.broadcast %div3A_61 : vector<1x128xf32> to vector<10000x128xf32>
    %sub3A_63 = arith.subf %add3A_55, %sub3A_62 : vector<10000x128xf32>
    %square3A_64 = arith.mulf %sub3A_63, %sub3A_63 : vector<10000x128xf32>
    %reduce_sum3A_65 = arith.constant dense<0.000000e+00> : vector<128xf32>
    %reduce_sum3A_66 = vector.multi_reduction <add>, %square3A_64, %reduce_sum3A_65 [0] : vector<10000x128xf32> to vector<128xf32>
    %broadcast_in_dim3A_67 = vector.shape_cast %reduce_sum3A_66 : vector<128xf32> to vector<1x128xf32>
    %div3A_68 = arith.constant 1.000000e+04 : f32
    %div3A_69 = vector.broadcast %div3A_68 : f32 to vector<1x128xf32>
    %div3A_70 = arith.divf %broadcast_in_dim3A_67, %div3A_69 : vector<1x128xf32>
    %sub3A_71 = vector.broadcast %div3A_61 : vector<1x128xf32> to vector<10000x128xf32>
    %sub3A_72 = arith.subf %add3A_55, %sub3A_71 : vector<10000x128xf32>
    %add3A_73 = arith.constant 9.99999974E-6 : f32
    %add3A_74 = vector.broadcast %add3A_73 : f32 to vector<1x128xf32>
    %add3A_75 = arith.addf %div3A_70, %add3A_74 : vector<1x128xf32>
    %rsqrt3A_76 = math.rsqrt %add3A_75 : vector<1x128xf32>
    %mul3A_77 = vector.broadcast %rsqrt3A_76 : vector<1x128xf32> to vector<10000x128xf32>
    %mul3A_78 = arith.mulf %sub3A_72, %mul3A_77 : vector<10000x128xf32>
    %get3A_79 = arith.constant 0 : index
    %get3A_80 = arith.constant 0 : index
    %get3A_81 = vector.load %arg8[%get3A_79, %get3A_80] : memref<1x128xf32, #tpu.memory_space<vmem>>, vector<1x128xf32>
    %mul3A_82 = vector.broadcast %get3A_81 : vector<1x128xf32> to vector<10000x128xf32>
    %mul3A_83 = arith.mulf %mul3A_78, %mul3A_82 : vector<10000x128xf32>
    %get3A_84 = arith.constant 0 : index
    %get3A_85 = arith.constant 0 : index
    %get3A_86 = vector.load %arg9[%get3A_84, %get3A_85] : memref<1x128xf32, #tpu.memory_space<vmem>>, vector<1x128xf32>
    %add3A_87 = vector.broadcast %get3A_86 : vector<1x128xf32> to vector<10000x128xf32>
    %add3A_88 = arith.addf %mul3A_83, %add3A_87 : vector<10000x128xf32>
    %max3A_89 = arith.constant 0.000000e+00 : f32
    %max3A_90 = vector.broadcast %max3A_89 : f32 to vector<10000x128xf32>
    %max3A_91 = arith.maximumf %add3A_88, %max3A_90 : vector<10000x128xf32>
    %swap3A = arith.constant 0 : index
    %swap3A_92 = arith.constant 0 : index
    %swap3A_93 = vector.load %arg11[%swap3A, %swap3A_92] : memref<10000x128xf32, #tpu.memory_space<vmem>>, vector<10000x128xf32>
    tpu.vector_store %arg11[%swap3A, %swap3A_92], %max3A_91 {strides = array<i32>} : memref<10000x128xf32, #tpu.memory_space<vmem>>, vector<10000x128xf32>,
    %reshape3A = vector.shape_cast %max3A_91 : vector<10000x128xf32> to vector<10x1000x128xf32>
    %get3A_94 = arith.constant 0 : index
    %get3A_95 = arith.constant 0 : index
    %get3A_96 = vector.load %arg10[%get3A_94, %get3A_95] : memref<128x1xf32, #tpu.memory_space<vmem>>, vector<128x1xf32>
    %dot_general3A_97 = arith.constant dense<0.000000e+00> : vector<10x1000x1xf32>
    %dot_general3A_98 = tpu.matmul %reshape3A, %get3A_96, %dot_general3A_97 {dimension_numbers = #tpu.dot_dimension_numbers<[2], [0], [0, 1], [1], [0, 0, 0, 1, 1, 1], [], []>, transpose_lhs_hint = false} : vector<10x1000x128xf32>, vector<128x1xf32>, vector<10x1000x1xf32> -> vector<10x1000x1xf32>
    %squeeze3A = vector.shape_cast %dot_general3A_98 : vector<10x1000x1xf32> to vector<10x1000xf32>
    %swap3A_99 = arith.constant 0 : index
    %swap3A_100 = arith.constant 0 : index
    %swap3A_101 = vector.load %arg12[%swap3A_99, %swap3A_100] : memref<10x1000xf32, #tpu.memory_space<vmem>>, vector<10x1000xf32>
    tpu.vector_store %arg12[%swap3A_99, %swap3A_100], %squeeze3A {strides = array<i32>} : memref<10x1000xf32, #tpu.memory_space<vmem>>, vector<10x1000xf32>,
    %reduce_sum3A_102 = arith.constant dense<0.000000e+00> : vector<10x128xf32>
    %reduce_sum3A_103 = vector.multi_reduction <add>, %reshape3A, %reduce_sum3A_102 [1] : vector<10x1000x128xf32> to vector<10x128xf32>
    %div3A_104 = arith.constant 1.000000e+03 : f32
    %div3A_105 = vector.broadcast %div3A_104 : f32 to vector<10x128xf32>
    %div3A_106 = arith.divf %reduce_sum3A_103, %div3A_105 : vector<10x128xf32>
    %swap3A_107 = arith.constant 0 : index
    %swap3A_108 = arith.constant 0 : index
    %swap3A_109 = vector.load %arg13[%swap3A_107, %swap3A_108] : memref<10x128xf32, #tpu.memory_space<vmem>>, vector<10x128xf32>
    tpu.vector_store %arg13[%swap3A_107, %swap3A_108], %div3A_106 {strides = array<i32>} : memref<10x128xf32, #tpu.memory_space<vmem>>, vector<10x128xf32>,
    return
  }
  func.func @transform_0(%arg0: i32) -> (i32, i32, i32) {
    %c0_i32 = arith.constant 0 : i32
    %c0_i32_0 = arith.constant 0 : i32
    %c0_i32_1 = arith.constant 0 : i32
    %c0_i32_2 = arith.constant 0 : i32
    return %c0_i32, %c0_i32_0, %c0_i32_1 : i32, i32, i32
  }
  func.func @transform_1(%arg0: i32) -> (i32, i32) {
    %c0_i32 = arith.constant 0 : i32
    %c0_i32_0 = arith.constant 0 : i32
    %c0_i32_1 = arith.constant 0 : i32
    return %c0_i32, %c0_i32_0 : i32, i32
  }
  func.func @transform_2(%arg0: i32) -> (i32, i32) {
    %c0_i32 = arith.constant 0 : i32
    %c0_i32_0 = arith.constant 0 : i32
    %c0_i32_1 = arith.constant 0 : i32
    return %c0_i32, %c0_i32_0 : i32, i32
  }
  func.func @transform_3(%arg0: i32) -> (i32, i32) {
    %c0_i32 = arith.constant 0 : i32
    %c0_i32_0 = arith.constant 0 : i32
    %c0_i32_1 = arith.constant 0 : i32
    return %c0_i32, %c0_i32_0 : i32, i32
  }
  func.func @transform_4(%arg0: i32) -> (i32, i32) {
    %c0_i32 = arith.constant 0 : i32
    %c0_i32_0 = arith.constant 0 : i32
    %c0_i32_1 = arith.constant 0 : i32
    return %c0_i32, %c0_i32_0 : i32, i32
  }
  func.func @transform_5(%arg0: i32) -> (i32, i32) {
    %c0_i32 = arith.constant 0 : i32
    %c0_i32_0 = arith.constant 0 : i32
    %c0_i32_1 = arith.constant 0 : i32
    return %c0_i32, %c0_i32_0 : i32, i32
  }
  func.func @transform_6(%arg0: i32) -> (i32, i32) {
    %c0_i32 = arith.constant 0 : i32
    %c0_i32_0 = arith.constant 0 : i32
    %c0_i32_1 = arith.constant 0 : i32
    return %c0_i32, %c0_i32_0 : i32, i32
  }
  func.func @transform_7(%arg0: i32) -> (i32, i32) {
    %c0_i32 = arith.constant 0 : i32
    %c0_i32_0 = arith.constant 0 : i32
    %c0_i32_1 = arith.constant 0 : i32
    return %c0_i32, %c0_i32_0 : i32, i32
  }
  func.func @transform_8(%arg0: i32) -> (i32, i32) {
    %c0_i32 = arith.constant 0 : i32
    %c0_i32_0 = arith.constant 0 : i32
    %c0_i32_1 = arith.constant 0 : i32
    return %c0_i32, %c0_i32_0 : i32, i32
  }
  func.func @transform_9(%arg0: i32) -> (i32, i32) {
    %c0_i32 = arith.constant 0 : i32
    %c0_i32_0 = arith.constant 0 : i32
    %c0_i32_1 = arith.constant 0 : i32
    return %c0_i32, %c0_i32_0 : i32, i32
  }
  func.func @transform_10(%arg0: i32) -> (i32, i32) {
    %c0_i32 = arith.constant 0 : i32
    %c0_i32_0 = arith.constant 0 : i32
    %c0_i32_1 = arith.constant 0 : i32
    return %c0_i32, %c0_i32_0 : i32, i32
  }
  func.func @transform_11(%arg0: i32) -> (i32, i32) {
    %c0_i32 = arith.constant 0 : i32
    %c0_i32_0 = arith.constant 0 : i32
    %c0_i32_1 = arith.constant 0 : i32
    return %c0_i32, %c0_i32_0 : i32, i32
  }
  func.func @transform_12(%arg0: i32) -> (i32, i32) {
    %c0_i32 = arith.constant 0 : i32
    %c0_i32_0 = arith.constant 0 : i32
    %c0_i32_1 = arith.constant 0 : i32
    return %c0_i32, %c0_i32_0 : i32, i32
  }
}

</mosaic_0001>

<sc_bundles>
// kernel: kernel.12.cloned.1.call-start
scs
__scs_entry_jumppad:
0x0: {  	(pc) =	sbr.rel $0x88, $3  }
0x1: {  	(tag) =	ssettag $0x0;
	lr =	simm.s32 $0x1  }
0x2: {  	[smem:$0x3F8F] =	sst lr;
	_ =	strace $0xD0000000  }
0x3: {  	_ = 	snop  }
0x4: {  	_ = 	snop  }
0x5: {  	_ = 	snop  }
0x6: {  	_ = 	snop  }
0x7: {  	_ = 	snop  }
__scs_overlays_trampoline_lowered:
0x8: {  	[smem:$0x3F9E] =	sst s0  }
0x9: {  	[smem:$0x3F9F] =	sst s1  }
0xa: {  	[smem:$0x3FA0] =	sst s2  }
0xb: {  	[smem:$0x3FA1] =	sst s3  }
0xc: {  	[smem:$0x3FA2] =	sst s4  }
0xd: {  	[smem:$0x3FA3] =	sst s5  }
0xe: {  	[smem:$0x3FA4] =	sst s6  }
0xf: {  	[smem:$0x3FA5] =	sst s7  }
0x10: {  	[smem:$0x3FA6] =	sst s8  }
0x11: {  	[smem:$0x3FA7] =	sst s9;
	s0 =	simm.s32 @!p0 $0x0  }
0x12: {  	s1 =	sld [smem:$0x3F8D];
	s0 =	simm.s32 @p0 $0x1  }
0x13: {  	[smem:$0x3FA8] =	sst s0;
	s0 =	simm.s32 @!p1 $0x0  }
0x14: {  	s2 =	sld [smem:$0x3F8C];
	s0 =	simm.s32 @p1 $0x1  }
0x15: {  	[smem:$0x3FA9] =	sst s0;
	s0 =	simm.s32 @!p2 $0x0  }
0x16: {  	s3 =	sld [smem:$0x3FDB];
	s0 =	simm.s32 @p2 $0x1  }
0x17: {  	s4 =	simm.s32 $0x1BF5;
	[smem:$0x3FAB] =	sst s0  }
0x18: {  	s0 =	sld [smem:$0x3F8E];
	_ =	swait.ge [sflag:s4], $0x0  }
0x19: {  	s7 =	sld [smem:$0x3F8F]  }
0x1a: {  	s8 =	sadd.s32 $0xFFFFE003, lr  }
0x1b: {  	s9 =	sadd.s32 $0xFFFFFEF7, lr;
	s5 =	simm.s32 $0xFFFFFFFF;
	p2 =	slt.u32 s8, $0xFFFFF086  }
0x1c: {  	p1 =	slt.u32 s9, $0xF7A;
	s5 =	simm.s32 @!p2 $0x0  }
0x1d: {  	s5 =	simm.s32 @p1 $0x1;
	p0 =	seq.s32 s7, s2  }
0x1e: {  	s7 =	smul.u32 @!p0 $0xF7A, s2;
	p2 =	seq.s32 @!p0 s5, $0x0  }
0x1f: {  	s9 =	smul.u32 $0xF7A, s1;
	s8 =	simm.s32 @!p0 $0x1BF5;
	p2 =	por !p2, p0  }
0x20: {  	[sflag:s8] =	ssyncset.s32 @!p0 $0xFFFFF086;
	s6 =	sadd.s32 @!p0 s3, s7;
	s7 =	simm.s32 @!p0 $0x108  }
0x21: {  	s3 =	sadd.s32 s3, s9;
	s6 =	sadd.s32 @!p0 $0x88, s6;
	s7 =	simm.s32 @p2 $0x1082  }
0x22: {  	[simem:s7], [sflag:s8] =	dma.local @!p0 [hbm:s6], $0xF7A  }
0x23: {  	s9 =	sor.u32 $0xD0000000, s2;
	s6 =	simm.s32 $0x108;
	_ =	swait.ge @!p0 [sflag:s8], $0x0  }
0x24: {  	s3 =	sadd.s32 $0x88, s3;
	s6 =	simm.s32 @!p1 $0x1082;
	[sflag:s4] =	ssyncset.s32 $0xFFFFF086  }
0x25: {  	[simem:s6], [sflag:s4] =	dma.local [hbm:s3], $0xF7A  }
0x26: {  	[smem:$0x3F8F] =	sst s1;
	(tag) =	ssettag s2;
	_ =	strace s9  }
0x27: {  	s1 =	sld [smem:$0x3F9F]  }
0x28: {  	s2 =	sld [smem:$0x3FA0]  }
0x29: {  	s4 =	sld [smem:$0x3FA2]  }
0x2a: {  	p0 =	seq.s32 s5, $0x0;
	s5 =	sld [smem:$0x3FA3]  }
0x2b: {  	s6 =	sld [smem:$0x3FA4]  }
0x2c: {  	s7 =	sld [smem:$0x3FA5]  }
0x2d: {  	s3 =	simm.s32 $0x108;
	s8 =	sld [smem:$0x3FA6]  }
0x2e: {  	s3 =	simm.s32 @!p0 $0x1082;
	s9 =	sld [smem:$0x3FA7]  }
0x2f: {  	lr =	sadd.s32 s0, s3;
	s0 =	sld [smem:$0x3F9E]  }
0x30: {  	s3 =	sld [smem:$0x3FA1]  }
0x31: {  	[smem:$0x3FAA] =	sst s10  }
0x32: {  	s10 =	sld [smem:$0x3FA8];
	_ =	sdelay $0x3  }
0x33: {  	p0 =	seq.s32 s10, $0x1;
	s10 =	sld [smem:$0x3FAA];
	_ =	sdelay $0x3  }
0x34: {  	[smem:$0x3FAA] =	sst s10  }
0x35: {  	s10 =	sld [smem:$0x3FA9];
	_ =	sdelay $0x3  }
0x36: {  	p1 =	seq.s32 s10, $0x1;
	s10 =	sld [smem:$0x3FAA];
	_ =	sdelay $0x3  }
0x37: {  	[smem:$0x3FAA] =	sst s10  }
0x38: {  	s10 =	sld [smem:$0x3FAB]  }
0x39: {  	_ = 	snop;
	(pc) =	sbr.ind lr, $3  }
0x3a: {  	_ = 	snop  }
0x3b: {  	_ = 	snop  }
0x3c: {  	p2 =	seq.s32 s10, $0x1;
	s10 =	sld [smem:$0x3FAA]  }
0x3d: {  	_ =	shalt  }
0x3e: {  	_ =	shalt  }
0x3f: {  	_ =	shalt  }
0x40: {  	_ =	shalt  }
0x41: {  	_ =	shalt  }
0x42: {  	_ =	shalt  }
0x43: {  	_ =	shalt  }
0x44: {  	_ =	shalt  }
0x45: {  	_ =	shalt  }
0x46: {  	_ =	shalt  }
0x47: {  	_ =	shalt  }
0x48: {  	_ =	shalt  }
0x49: {  	_ =	shalt  }
0x4a: {  	_ =	shalt  }
0x4b: {  	_ =	shalt  }
0x4c: {  	_ =	shalt  }
0x4d: {  	_ =	shalt  }
0x4e: {  	_ =	shalt  }
0x4f: {  	_ =	shalt  }
0x50: {  	_ =	shalt  }
0x51: {  	_ =	shalt  }
0x52: {  	_ =	shalt  }
0x53: {  	_ =	shalt  }
0x54: {  	_ =	shalt  }
0x55: {  	_ =	shalt  }
0x56: {  	_ =	shalt  }
0x57: {  	_ =	shalt  }
0x58: {  	_ =	shalt  }
0x59: {  	_ =	shalt  }
0x5a: {  	_ =	shalt  }
0x5b: {  	_ =	shalt  }
0x5c: {  	_ =	shalt  }
0x5d: {  	_ =	shalt  }
0x5e: {  	_ =	shalt  }
0x5f: {  	_ =	shalt  }
0x60: {  	_ =	shalt  }
0x61: {  	_ =	shalt  }
0x62: {  	_ =	shalt  }
0x63: {  	_ =	shalt  }
0x64: {  	_ =	shalt  }
0x65: {  	_ =	shalt  }
0x66: {  	_ =	shalt  }
0x67: {  	_ =	shalt  }
0x68: {  	_ =	shalt  }
0x69: {  	_ =	shalt  }
0x6a: {  	_ =	shalt  }
0x6b: {  	_ =	shalt  }
0x6c: {  	_ =	shalt  }
0x6d: {  	_ =	shalt  }
0x6e: {  	_ =	shalt  }
0x6f: {  	_ =	shalt  }
0x70: {  	_ =	shalt  }
0x71: {  	_ =	shalt  }
0x72: {  	_ =	shalt  }
0x73: {  	_ =	shalt  }
0x74: {  	_ =	shalt  }
0x75: {  	_ =	shalt  }
0x76: {  	_ =	shalt  }
0x77: {  	_ =	shalt  }
0x78: {  	_ =	shalt  }
0x79: {  	_ =	shalt  }
0x7a: {  	_ =	shalt  }
0x7b: {  	_ =	shalt  }
0x7c: {  	_ =	shalt  }
0x7d: {  	_ =	shalt  }
0x7e: {  	_ =	shalt  }
0x7f: {  	_ =	shalt  }
0x80: {  	_ =	shalt  }
0x81: {  	_ =	shalt  }
0x82: {  	_ =	shalt  }
0x83: {  	_ =	shalt  }
0x84: {  	_ =	shalt  }
0x85: {  	_ =	shalt  }
0x86: {  	_ =	shalt  }
0x87: {  	_ =	shalt  }
.Lfunc_end0:
.L_simem_size_0:
called_computation.1_lowered:
.L_overlay_start_0:
0x88: {  	s2 =	sld [smem:$0x3FD9]  }
0x89: {  	s3 =	sld [smem:$0x3FFE];
	_ =	sdelay $0x1  }
0x8a: {  	s1 =	srdreg.scid  }
0x8b: {  	s0 =	sand.u32 $0x1, s1  }
0x8c: {  	s14 =	sshll.u32 s0, $0xA;
	s2 =	sadd.s32 s3, s2  }
0x8d: {  	s2 =	sadd.s32 s2, s14  }
0x8e: {  	[smem:$0x3FB6] =	sst s2  }
0x8f: {  	_ = 	snop  }
0x90: {  	s2 =	sld [smem:$0x3FD0];
	_ =	sdelay $0x2  }
0x91: {  	s4 =	simm.s32 $0xA;
	s5 =	simm.s32 $0x10;
	s15 =	sld [smem:$0x3FC8]  }
0x92: {  	[smem:s5], [sflag:s4] =	dma.local [hbm:s2], $0x1  }
0x93: {  	_ =	swait.eq [sflag:s4], $0x1  }
0x94: {  	[sflag:s4] =	ssyncset.done $0x0  }
0x95: {  	[sflag:s4] =	ssyncadd.s32 $0xFFFFFFFF  }
0x96: {  	s16 =	sld [smem:$0x10];
	(tm) =	ssettm $0x1  }
0x97: {  	s17 =	sld [smem:$0x3FFB];
	_ =	sdelay $0x3  }
0x98: {  	_ =	strace s17  }
0x99: {  	s4 =	sld [smem:$0x3FFC];
	_ =	sdelay $0x3  }
0x9a: {  	_ =	strace s4  }
0x9b: {  	s4 =	sld [smem:$0x3FFD];
	_ =	sdelay $0x3  }
0x9c: {  	_ =	strace s4  }
0x9d: {  	_ =	strace $0x8FFFFFFF  }
0x9e: {  	s18 =	sld [smem:$0x3FDB];
	_ =	sdelay $0x1  }
0x9f: {  	s19 =	simm.s32 $_scs_section_size  }
0xa0: {  	s6 =	simm.s32 $_size__tile_overlayer_lowered;
	s7 =	simm.s32 $_tile_overlayer_lowered  }
0xa1: {  	s22 =	simm.s32 $0x1BFF;
	s21 =	sshll.u32 s7, $0x1;
	s4 =	sadd.s32 s19, s18  }
0xa2: {  	s8 =	simm.s32 $0x0;
	s20 =	sshll.u32 s6, $0x1;
	s6 =	sadd.s32 s21, s4  }
0xa3: {  	[timem:s8], [sflag:s22] =	dma.local [hbm:s6], s20  }
0xa4: {  	_ =	swait.ge [sflag:s22], s20  }
0xa5: {  	s5 =	ssub.s32 $0x0, s20;
	[sflag:s22] =	ssyncset.done $0x0  }
0xa6: {  	[sflag:s22] =	ssyncadd.s32 s5;
	_ =	sdelay $0x1  }
0xa7: {  	s23 =	simm.s32 $0x1B8B  }
0xa8: {  	_ =	swait.ge [sflag:s23], $0x1  }
0xa9: {  	[sflag:s23] =	ssyncset.done $0x0  }
0xaa: {  	s25 =	simm.s32 $0x1B8E;
	s24 =	sld [smem:$0x3FFE];
	[sflag:s23] =	ssyncadd.s32 $0xFFFFFFFF  }
0xab: {  	s26 =	simm.s32 $execute0_lowered;
	[smem:$0x3FD2] =	sst s25  }
0xac: {  	s6 =	sshll.u32 s26, $0x1;
	_ =	strace $0x80000049;
	[dreg:$0x1] =	wrdreg $0xFFFFFFFF  }
0xad: {  	s28 =	simm.s32 $_size_execute0_lowered;
	s4 =	sadd.s32 s4, s6;
	[dreg:$0x0] =	wrdreg $0x0  }
0xae: {  	s6 =	sshll.u32 s28, $0x1;
	[dreg:$0x2] =	wrdreg s4  }
0xaf: {  	[dreg:$0x3] =	wrdreg s6  }
0xb0: {  	[dreg:$0x4] =	wrdreg $0xC0  }
0xb1: {  	_ =	task [dreg:s8], $0x5FFFF  }
0xb2: {  	[dreg:$0x1] =	wrdreg $0xFFFFFFFF  }
0xb3: {  	[dreg:$0x0] =	wrdreg $0x60  }
0xb4: {  	[dreg:$0x2] =	wrdreg s24  }
0xb5: {  	[dreg:$0x3] =	wrdreg s15  }
0xb6: {  	[dreg:$0x4] =	wrdreg s16  }
0xb7: {  	[dreg:$0x5] =	wrdreg $0x84000  }
0xb8: {  	[dreg:$0x6] =	wrdreg $0x9  }
0xb9: {  	_ =	task.clear_ibuf [dreg:s8], $0x7FFFF;
	_ =	strace $0x90000049  }
0xba: {  	s29 =	simm.s32 $0x9;
	_ =	strace $0x8000004B  }
0xbb: {  	_ =	swait.ge [sflag:s29], $0x1  }
0xbc: {  	[sflag:s29] =	ssyncadd.s32 $0xFFFFFFFF  }
0xbd: {  	_ =	strace $0x9000004B  }
0xbe: {  	_ =	sfence  }
0xbf: {  	s30 =	sld [smem:$0x0];
	_ =	sdelay $0x2  }
0xc0: {  	s31 =	sshll.u32 s1, $0xD;
	s1 =	sshrl.u32 s1, $0x2  }
0xc1: {  	s3 =	sand.u32 $0x4000, s31;
	s1 =	sadd.s32 s1, s30  }
0xc2: {  	s0 =	sor.u32 s3, s0;
	s1 =	sshll.u32 s1, $0x11  }
0xc3: {  	s0 =	sor.u32 s1, s0  }
0xc4: {  	s0 =	sadd.s32 $0x8F2B, s0  }
0xc5: {  	[sflag:s0] =	ssyncadd.remote.s32 $0x1  }
0xc6: {  	_ =	sfence.sel $0xFFFF  }
0xc7: {  	[dreg:$0x0] =	wrdreg $0xFFFFFFFF;
	(pc) =	sbr.abs _section_cstart, $3  }
0xc8: {  	[dreg:$0x1] =	wrdreg $0xFFFFFFFF  }
0xc9: {  	_ =	task.clear_ibuf [dreg:s8], $0x2FFFF;
	_ =	strace $0x9FFFFFFF  }
0xca: {  	(tm) =	ssettm $0x7FFFFFFF  }
0xcb: {  	_ =	shalt  }
tec
execute0_lowered:
.L_overlay_start_1:
0x0: {  	(tag) =	ssettag $0x1  }
0x1: {  	s0 =	rddreg [dreg:$0x0]  }
0x2: {  	s1 =	rddreg [dreg:$0x1]  }
0x3: {  	s2 =	rddreg [dreg:$0x2]  }
0x4: {  	s3 =	rddreg [dreg:$0x3];
	s5 =	srdreg.scid  }
0x5: {  	s17 =	stileid.u32;
	s4 =	simm.s32 $0x0;
	s30 =	simm.s32 $0x1  }
0x6: {  	s31 =	simm.s32 $0x4400;
	s6 =	sand.u32 $0x1, s5;
	s9 =	smul.u32 $0x280, s17  }
0x7: {  	s7 =	sshll.u32 s17, $0x1;
	[smem:$0x7FF] =	sst s4;
	s12 =	smul.u32 $0x50000, s17  }
0x8: {  	s10 =	sadd.s32 $0x2AE00, s0;
	s13 =	sadd.s32 $0x10, s1;
	s16 =	smul.u32 $0x2800, s17  }
0x9: {  	s28 =	sadd.s32 $0x3800, s0;
	s5 =	sor.u32 s6, s7;
	_ =	strace $0x8000004A  }
0xa: {  	s8 =	ssub.s32 $0x2, s6;
	s14 =	smul.u32 $0x2800, s6;
	p0 =	seq.s32 s6, $0x1  }
0xb: {  	s7 =	smul.u32 $0xA00, s5;
	s5 =	sadd.s32 $0x3C00, s0;
	s11 =	sshrl.u32 s8, $0x1  }
0xc: {  	s12 =	sshrl.u32 s12, $0x2;
	s6 =	simm.s32 @!p0 $0x0;
	s19 =	sadd.s32 $0x80, s9  }
0xd: {  	s11 =	ssub.s32 s8, s11;
	s6 =	simm.s32 @p0 $0x1;
	s15 =	sadd.s32 s14, s9  }
0xe: {  	s29 =	sshll.u32 s19, $0x7;
	p0 =	seq.s32 s17, $0xF;
	s18 =	sadd.s32 s1, s7  }
0xf: {  	s8 =	sadd.s32 s7, s13;
	[smem:$0x7F9] =	sst s6;
	s1 =	sshll.u32 s15, $0x4  }
0x10: {  	s26 =	smax.u32 s11, $0x1;
	s6 =	sadd.s32 s5, s16;
	s11 =	sadd.s32 $0x100, s9  }
0x11: {  	s16 =	smul.u32 $0x5000, s17;
	s7 =	sshll.u32 s19, $0x4;
	[dreg:$0x6] =	wrdreg s8  }
0x12: {  	s17 =	sadd.s32 $0x29C00, s0;
	s8 =	sadd.s32 s12, s3;
	[dreg:$0x8] =	wrdreg s26  }
0x13: {  	s1 =	sadd.s32 s10, s1;
	[dreg:$0x9] =	wrdreg s6;
	s6 =	sadd.s32 s14, s19  }
0x14: {  	s12 =	sadd.s32 $0x180, s9;
	s9 =	sadd.s32 $0x200, s9;
	[dreg:$0x17] =	wrdreg s17  }
0x15: {  	s20 =	sadd.s32 s14, s11;
	s7 =	sadd.s32 s5, s7;
	[dreg:$0x5] =	wrdreg s18  }
0x16: {  	[dreg:$0x7] =	wrdreg s1;
	s1 =	sadd.s32 s29, s3;
	s15 =	sadd.s32 s14, s12  }
0x17: {  	s22 =	sadd.s32 s14, s9;
	s16 =	sadd.s32 s14, s16;
	[dreg:$0xf] =	wrdreg s7  }
0x18: {  	s29 =	sshll.u32 s12, $0x7;
	s14 =	sadd.s32 $0x2AC00, s0;
	[dreg:$0xa] =	wrdreg s1  }
0x19: {  	s26 =	sshll.u32 s11, $0x7;
	s7 =	sadd.s32 s29, s3;
	[dreg:$0x15] =	wrdreg s14  }
0x1a: {  	s21 =	sshll.u32 s15, $0x4;
	s15 =	sadd.s32 $0x29400, s0;
	[dreg:$0x12] =	wrdreg s7  }
0x1b: {  	s1 =	sshll.u32 s6, $0x4;
	s0 =	sadd.s32 $0x2A400, s0;
	[dreg:$0x16] =	wrdreg s15  }
0x1c: {  	s23 =	sshll.u32 s22, $0x4;
	s22 =	sadd.s32 $0x30, s18;
	[dreg:$0x18] =	wrdreg s0  }
0x1d: {  	s24 =	sor.u32 $0x100, s16;
	s29 =	sadd.s32 $0x10000, s8;
	[dreg:$0x1e] =	wrdreg s22  }
0x1e: {  	s6 =	sshll.u32 s11, $0x4;
	s1 =	sadd.s32 s10, s1;
	[smem:$0x7FD] =	sst s29  }
0x1f: {  	s6 =	sadd.s32 s5, s6;
	[dreg:$0xb] =	wrdreg s1;
	s1 =	sshll.u32 s20, $0x4  }
0x20: {  	s25 =	sor.u32 $0x180, s16;
	[dreg:$0x11] =	wrdreg s6;
	s1 =	sadd.s32 s10, s1  }
0x21: {  	s11 =	sshll.u32 s9, $0x7;
	[dreg:$0xc] =	wrdreg s1;
	s1 =	sadd.s32 s10, s21  }
0x22: {  	s22 =	simm.s32 $0x400;
	s21 =	sadd.s32 $0x20, s18;
	[dreg:$0xd] =	wrdreg s1  }
0x23: {  	s18 =	simm.s32 $0x80;
	s1 =	sadd.s32 s10, s23;
	[dreg:$0x1d] =	wrdreg s21  }
0x24: {  	s10 =	sshrl.u32 s25, $0x2;
	s23 =	sadd.s32 $0x4000, s8;
	[dreg:$0xe] =	wrdreg s1  }
0x25: {  	s1 =	sshrl.u32 s24, $0x2;
	s20 =	sadd.s32 s10, s13;
	s10 =	sshll.u32 s12, $0x4  }
0x26: {  	s12 =	sshll.u32 s9, $0x4;
	[dreg:$0x1f] =	wrdreg s23;
	s24 =	sadd.s32 $0x8000, s8  }
0x27: {  	s19 =	sadd.s32 s1, s13;
	s1 =	sadd.s32 s26, s3;
	[smem:$0x7FB] =	sst s24  }
0x28: {  	s25 =	sadd.s32 s11, s3;
	s13 =	sadd.s32 s5, s12;
	[dreg:$0x10] =	wrdreg s1  }
0x29: {  	s11 =	simm.s32 $0x3;
	s1 =	sadd.s32 s5, s10;
	[dreg:$0x14] =	wrdreg s13  }
0x2a: {  	s26 =	sadd.s32 $0xC000, s8;
	[dreg:$0x13] =	wrdreg s1;
	s1 =	sadd.s32 $0x12C000, s3  }
0x2b: {  	[smem:$0x7FC] =	sst s26;
	s0 =	sshrl.u32 @p0 s1, $0x3;
	s1 =	sadd.s32 $0x134000, s3  }
0x2c: {  	[dreg:$0x19] =	wrdreg s0;
	s0 =	sadd.s32 $0x130000, s3;
	s1 =	sshrl.u32 @p0 s1, $0x3  }
0x2d: {  	s0 =	sshrl.u32 @p0 s0, $0x3;
	[dreg:$0x1b] =	wrdreg s1;
	s1 =	simm.s32 @!p0 $0x0  }
0x2e: {  	[dreg:$0x1a] =	wrdreg s0;
	s0 =	sadd.s32 $0x138000, s3;
	s1 =	simm.s32 @p0 $0x1  }
0x2f: {  	s24 =	simm.s32 $0x4;
	[smem:$0x7FA] =	sst s1;
	s0 =	sshrl.u32 @p0 s0, $0x3  }
0x30: {  	v0 =	vimm.f32 $0.0e+00;
	s1 =	simm.s32 $0x0;
	[dreg:$0x1c] =	wrdreg s0;
	s0 =	simm.s32 $0x2  }
.LBB2_1:
0x31: {  	s6 =	rddreg [dreg:$0x5]  }
0x32: {  	s29 =	sld [smem:$0x7F9]  }
0x33: {  	[tilespmem:s4], [sflag:$0x1] =	stream.linear.gather [hbm4b:s6+s4], $0x80, $0x38;
	[tilespmem:$0x1C400] =	vst v63  }
0x34: {  	s17 =	rddreg [dreg:$0x6];
	s7 =	simm.s32 $0x200  }
0x35: {  	[tilespmem:s7], [sflag:$0x1] =	stream.linear.gather [hbm4b:s17+s4], $0x80, $0x38;
	[tilespmem:$0x1C400] =	vst v63  }
0x36: {  	p0 =	seq.s32 s29, $0x1  }
.Ltmp0:
0x37: {  	_ = 	snop;
	(pc) =	sbr.rel @!p0 .LBB2_2-.Ltmp0, $4  }
0x38: {  	s21 =	rddreg [dreg:$0x1d]  }
0x39: {  	[tilespmem:s18], [sflag:$0x1] =	stream.linear.gather [hbm4b:s21+s4], $0x80, $0x38;
	[tilespmem:$0x1C400] =	vst v63  }
0x3a: {  	s23 =	rddreg [dreg:$0x1e];
	s26 =	simm.s32 $0x280  }
0x3b: {  	[tilespmem:s26], [sflag:$0x1] =	stream.linear.gather [hbm4b:s23+s4], $0x80, $0x38;
	[tilespmem:$0x1C400] =	vst v63  }
0x3c: {  	s6 =	sand.u32 $0xFE00, s4  }
0x3d: {  	s7 =	sand.u32 $0x70, s4;
	s9 =	sshrl.u32 s6, $0x2  }
0x3e: {  	s6 =	simm.s32 $0x40;
	s9 =	sor.u32 s7, s9;
	s7 =	simm.s32 $0x0  }
.LBB2_4:
0x3f: {  	p0 =	seq.s32 s6, $0xFFC0  }
0x40: {  	[tilespmem:s9+$0x400] =	vst v0;
	s7 =	sadd.s32 $0x10, s7;
	s9 =	smov.u32 s6;
	s6 =	sadd.s32 $0x40, s6  }
.Ltmp1:
0x41: {  	(pc) =	sbr.rel @!p0 .LBB2_4-.Ltmp1, $4  }
0x42: {  	_ = 	snop  }
0x43: {  	s9 =	sand.u32 $0xFE00, s9  }
0x44: {  	s10 =	sand.u32 $0x70, s7;
	s9 =	sshrl.u32 s9, $0x2  }
0x45: {  	s9 =	sor.u32 s10, s9  }
0x46: {  	[tilespmem:s9+$0x400] =	vst v0  }
0x47: {  	[spmem:s8] =	stream.linear.scatter [tilespmem:s22], [sflag:$0x4], $0x4000, $0x38;
	[tilespmem:$0x1C400] =	vst v63  }
0x48: {  	_ =	swait.ge [sflag:s24], $0x4000  }
0x49: {  	[sflag:s24] =	ssyncset.done $0x0  }
0x4a: {  	s6 =	rddreg [dreg:$0x1f];
	[sflag:s24] =	ssyncadd.s32 $0xFFFFC000  }
0x4b: {  	[spmem:s6] =	stream.linear.scatter [tilespmem:s22], [sflag:$0x4], $0x4000, $0x38;
	[tilespmem:$0x1C400] =	vst v63  }
0x4c: {  	_ =	swait.ge [sflag:s24], $0x4000  }
0x4d: {  	s23 =	sld [smem:$0x7FB]  }
0x4e: {  	[sflag:s24] =	ssyncset.done $0x0  }
0x4f: {  	[sflag:s24] =	ssyncadd.s32 $0xFFFFC000  }
0x50: {  	[spmem:s23] =	stream.linear.scatter [tilespmem:s22], [sflag:$0x4], $0x4000, $0x38;
	[tilespmem:$0x1C400] =	vst v63  }
0x51: {  	_ =	swait.ge [sflag:s24], $0x4000  }
0x52: {  	s26 =	sld [smem:$0x7FC]  }
0x53: {  	[sflag:s24] =	ssyncset.done $0x0  }
0x54: {  	[sflag:s24] =	ssyncadd.s32 $0xFFFFC000  }
0x55: {  	[spmem:s26] =	stream.linear.scatter [tilespmem:s22], [sflag:$0x4], $0x4000, $0x38;
	[tilespmem:$0x1C400] =	vst v63  }
0x56: {  	_ =	swait.ge [sflag:s24], $0x4000  }
0x57: {  	s29 =	sld [smem:$0x7FD]  }
0x58: {  	[sflag:s24] =	ssyncset.done $0x0  }
.Ltmp2:
0x59: {  	[sflag:s24] =	ssyncadd.s32 $0xFFFFC000;
	(pc) =	sbr.rel .LBB2_6-.Ltmp2, $4  }
0x5a: {  	[spmem:s29] =	stream.linear.scatter [tilespmem:s22], [sflag:$0x4], $0x4000, $0x38;
	[tilespmem:$0x1C400] =	vst v63  }
0x5b: {  	_ =	swait.ge [sflag:s24], $0x4000  }
0x5c: {  	[sflag:s24] =	ssyncset.done $0x0  }
0x5d: {  	[sflag:s24] =	ssyncadd.s32 $0xFFFFC000  }
.LBB2_2:
0x5e: {  	s6 =	sld [smem:$0x7FA];
	_ =	sdelay $0x2  }
0x5f: {  	s7 =	rddreg [dreg:$0x16];
	p0 =	seq.s32 s6, $0x1  }
0x60: {  	s9 =	rddreg [dreg:$0x19];
	s6 =	simm.s32 @p0 $0x1FC4  }
0x61: {  	[spmem:s9], [sflag:s6] =	dma.local @p0 [hbm:s7], $0x800  }
0x62: {  	s7 =	simm.s32 @p0 $0x4  }
0x63: {  	_ =	swait.ge @p0 [sflag:s7], $0x800  }
0x64: {  	[sflag:s7] =	ssyncset.done @p0 $0x0;
	s9 =	rddreg [dreg:$0x17]  }
0x65: {  	s10 =	rddreg [dreg:$0x1a];
	[sflag:s7] =	ssyncadd.s32 @p0 $0xFFFFF800  }
0x66: {  	[spmem:s10], [sflag:s6] =	dma.local @p0 [hbm:s9], $0x800  }
0x67: {  	_ =	swait.ge @p0 [sflag:s7], $0x800  }
0x68: {  	[sflag:s7] =	ssyncset.done @p0 $0x0;
	s9 =	rddreg [dreg:$0x18]  }
0x69: {  	s10 =	rddreg [dreg:$0x1b];
	[sflag:s7] =	ssyncadd.s32 @p0 $0xFFFFF800  }
0x6a: {  	[spmem:s10], [sflag:s6] =	dma.local @p0 [hbm:s9], $0x800  }
0x6b: {  	_ =	swait.ge @p0 [sflag:s7], $0x800  }
0x6c: {  	[sflag:s7] =	ssyncset.done @p0 $0x0;
	s9 =	rddreg [dreg:$0x15]  }
0x6d: {  	s10 =	rddreg [dreg:$0x1c];
	[sflag:s7] =	ssyncadd.s32 @p0 $0xFFFFF800  }
0x6e: {  	[spmem:s10], [sflag:s6] =	dma.local @p0 [hbm:s9], $0x100  }
0x6f: {  	s6 =	stileid.u32  }
0x70: {  	_ =	swait.ge @p0 [sflag:s7], $0x100;
	s6 =	sshll.u32 @!p0 s6, $0x6  }
0x71: {  	[sflag:s7] =	ssyncset.done @p0 $0x0;
	s6 =	sor.u32 @!p0 $0x1C04, s6  }
0x72: {  	s9 =	rddreg [dreg:$0x9];
	[sflag:s7] =	ssyncadd.s32 @p0 $0xFFFFFF00;
	s7 =	sshrl.u32 @!p0 s8, $0x3  }
0x73: {  	[spmem:s7], [sflag:s6] =	dma.local @!p0 [hbm:s9], $0x800  }
0x74: {  	s7 =	simm.s32 @!p0 $0x4  }
0x75: {  	_ =	swait.ge @!p0 [sflag:s7], $0x800  }
0x76: {  	[sflag:s7] =	ssyncset.done @!p0 $0x0;
	s9 =	rddreg [dreg:$0xa]  }
0x77: {  	s10 =	rddreg [dreg:$0xf];
	[sflag:s7] =	ssyncadd.s32 @!p0 $0xFFFFF800;
	s9 =	sshrl.u32 @!p0 s9, $0x3  }
0x78: {  	[spmem:s9], [sflag:s6] =	dma.local @!p0 [hbm:s10], $0x800  }
0x79: {  	_ =	swait.ge @!p0 [sflag:s7], $0x800  }
0x7a: {  	[sflag:s7] =	ssyncset.done @!p0 $0x0;
	s9 =	rddreg [dreg:$0x10]  }
0x7b: {  	s10 =	rddreg [dreg:$0x11];
	[sflag:s7] =	ssyncadd.s32 @!p0 $0xFFFFF800;
	s9 =	sshrl.u32 @!p0 s9, $0x3  }
0x7c: {  	[spmem:s9], [sflag:s6] =	dma.local @!p0 [hbm:s10], $0x800  }
0x7d: {  	_ =	swait.ge @!p0 [sflag:s7], $0x800  }
0x7e: {  	[sflag:s7] =	ssyncset.done @!p0 $0x0;
	s9 =	rddreg [dreg:$0x12]  }
0x7f: {  	s10 =	rddreg [dreg:$0x13];
	[sflag:s7] =	ssyncadd.s32 @!p0 $0xFFFFF800;
	s9 =	sshrl.u32 @!p0 s9, $0x3  }
0x80: {  	[spmem:s9], [sflag:s6] =	dma.local @!p0 [hbm:s10], $0x800  }
0x81: {  	_ =	swait.ge @!p0 [sflag:s7], $0x800  }
0x82: {  	[sflag:s7] =	ssyncset.done @!p0 $0x0  }
0x83: {  	s9 =	sshrl.u32 @!p0 s25, $0x3;
	s10 =	rddreg [dreg:$0x14];
	[sflag:s7] =	ssyncadd.s32 @!p0 $0xFFFFF800  }
0x84: {  	[spmem:s9], [sflag:s6] =	dma.local @!p0 [hbm:s10], $0x800  }
0x85: {  	_ =	swait.ge @!p0 [sflag:s7], $0x800  }
0x86: {  	[sflag:s7] =	ssyncset.done @!p0 $0x0  }
0x87: {  	[sflag:s7] =	ssyncadd.s32 @!p0 $0xFFFFF800  }
.LBB2_6:
0x88: {  	_ =	swait.ge [sflag:s30], $0x80  }
0x89: {  	[sflag:s30] =	ssyncset.done $0x0  }
0x8a: {  	[sflag:s30] =	ssyncadd.s32 $0xFFFFFF80  }
0x8b: {  	_ =	swait.ge [sflag:s30], $0x80  }
0x8c: {  	[sflag:s30] =	ssyncset.done $0x0  }
0x8d: {  	p0 =	por $0x0, $0x0;
	[sflag:s30] =	ssyncadd.s32 $0xFFFFFF80  }
0x8e: {  	s7 =	sadd.s32 @!p0 $0x0, s16;
	_ =	swait.ge [sflag:s30], $0x80  }
0x8f: {  	s7 =	sadd.s32 @!p0 $0x100, s7;
	[sflag:s30] =	ssyncset.done $0x0  }
0x90: {  	s6 =	simm.s32 $0x0;
	p3 =	sgt.u32 @!p0 s7, $0x4E1FF;
	[sflag:s30] =	ssyncadd.s32 $0xFFFFFF80  }
0x91: {  	s9 =	sxor.u32 @!p0 $0xFFFFFFFF, s6;
	p1 =	por !p3, p0;
	_ =	swait.ge [sflag:s30], $0x80  }
0x92: {  	p2 =	por p0, p0;
	s7 =	sadd.s32 @!p1 $0x0, s16;
	[sflag:s30] =	ssyncset.done $0x0  }
0x93: {  	s10 =	sadd.s32 @!p0 $0x180, s16;
	s7 =	sadd.s32 @!p1 $0xFFFB1F00, s7;
	[sflag:s30] =	ssyncadd.s32 $0xFFFFFF80  }
0x94: {  	s9 =	sand.u32 @!p2 $0x100, s9;
	s7 =	sshrl.u32 @!p1 s7, $0x3;
	[bflag:$0x0] =	sbarrier.arrive $0xFFFF  }
0x95: {  	[tilespmem:s22], [sflag:$0x2] =	stream.indirect.gather [hbm4b:s5+s18], $0x80, s6, s18, $0xb8;
	[tilespmem:$0x1C400] =	vst v63  }
0x96: {  	p3 =	por p3, p2;
	s13 =	simm.s32 @!p1 $0x0;
	s14 =	sadd.s32 @!p1 s2, s7  }
0x97: {  	[tilespmem:s9], [sflag:$0x1] =	stream.linear.gather @!p1 [hbm4b:s14+s13], $0x80, $0x38;
	[tilespmem:$0x1C400] =	vst v63  }
0x98: {  	p4 =	sgt.u32 @!p0 s10, $0x4E1FF;
	s10 =	sadd.s32 @!p3 $0xFFFFFFF0, s19;
	s13 =	simm.s32 @!p3 $0x0  }
0x99: {  	[tilespmem:s9], [sflag:$0x1] =	stream.linear.gather @!p3 [hbm4b:s10+s13], $0x80, $0x38;
	[tilespmem:$0x1C400] =	vst v63  }
0x9a: {  	s7 =	sadd.s32 @!p1 s28, s7;
	p3 =	por !p4, p2  }
0x9b: {  	s7 =	smov.u32 @p1 s19;
	s13 =	sadd.s32 @!p3 $0x0, s16  }
0x9c: {  	s14 =	simm.s32 @!p0 $0x0;
	s9 =	sor.u32 @!p2 $0x200, s9;
	s13 =	sadd.s32 @!p3 $0xFFFB1F80, s13  }
0x9d: {  	[tilespmem:s9], [sflag:$0x1] =	stream.linear.gather @!p2 [hbm4b:s7+s14], $0x80, $0x38;
	[tilespmem:$0x1C400] =	vst v63  }
0x9e: {  	s10 =	simm.s32 @!p0 $0x180;
	p4 =	por p4, p0;
	s13 =	sshrl.u32 @!p3 s13, $0x3  }
0x9f: {  	s7 =	sand.u32 @!p0 $0x180, s10;
	s9 =	simm.s32 @!p3 $0x0;
	s10 =	sadd.s32 @!p3 s2, s13  }
0xa0: {  	[tilespmem:s7], [sflag:$0x1] =	stream.linear.gather @!p3 [hbm4b:s10+s9], $0x80, $0x38;
	[tilespmem:$0x1C400] =	vst v63  }
0xa1: {  	s9 =	simm.s32 @!p4 $0x0;
	s10 =	sadd.s32 @!p3 s28, s13;
	s13 =	sadd.s32 @!p4 $0xFFFFFFF0, s20  }
0xa2: {  	[tilespmem:s7], [sflag:$0x1] =	stream.linear.gather @!p4 [hbm4b:s13+s9], $0x80, $0x38;
	[tilespmem:$0x1C400] =	vst v63  }
0xa3: {  	s6 =	sand.u32 $0x100, s6;
	s10 =	smov.u32 @p3 s20;
	s7 =	sor.u32 @!p2 $0x200, s7  }
0xa4: {  	[tilespmem:s7], [sflag:$0x1] =	stream.linear.gather @!p2 [hbm4b:s10+s14], $0x80, $0x38;
	[tilespmem:$0x1C400] =	vst v63  }
0xa5: {  	s26 =	sor.u32 $0x80, s6  }
0xa6: {  	[tilespmem:s31], [sflag:$0x3] =	stream.indirect.gather [hbm4b:s5+s18], $0x80, s26, s18, $0xb8;
	[tilespmem:$0x1C400] =	vst v63  }
0xa7: {  	_ =	swait.ge [sflag:s0], $0x4000  }
0xa8: {  	[sflag:s0] =	ssyncset.done $0x0  }
0xa9: {  	s29 =	sor.u32 $0x200, s6;
	[sflag:s0] =	ssyncadd.s32 $0xFFFFC000  }
0xaa: {  	[spmem:s3] =	stream.indirect.scatter.add.f32 [tilespmem:s22], [sflag:$0x4], $0x80, s29, s18, $0xb8;
	[tilespmem:$0x1C400] =	vst v63  }
0xab: {  	_ =	swait.ge [sflag:s24], $0x4000  }
0xac: {  	[sflag:s24] =	ssyncset.done $0x0  }
0xad: {  	s15 =	simm.s32 @!p2 $0x1;
	[sflag:s24] =	ssyncadd.s32 $0xFFFFC000  }
0xae: {  	_ =	swait.ge @!p2 [sflag:s15], $0x80  }
0xaf: {  	[sflag:s15] =	ssyncset.done @!p2 $0x0  }
0xb0: {  	[sflag:s15] =	ssyncadd.s32 @!p2 $0xFFFFFF80  }
0xb1: {  	s6 =	sxor.u32 @!p2 $0x100, s6;
	_ =	swait.ge @!p2 [sflag:s15], $0x80  }
0xb2: {  	s13 =	simm.s32 $0x200;
	p4 =	por $0x0, $0x0;
	[sflag:s15] =	ssyncset.done @!p2 $0x0  }
0xb3: {  	s9 =	sadd.s32 $0x40, s20;
	s12 =	sadd.s32 @!p4 $0x100, s16;
	[sflag:s15] =	ssyncadd.s32 @!p2 $0xFFFFFF80  }
0xb4: {  	s7 =	simm.s32 $0x100;
	s14 =	sor.u32 $0x200, s26;
	_ =	swait.ge @!p2 [sflag:s15], $0x80  }
0xb5: {  	s10 =	sadd.s32 $0x40, s19;
	s12 =	sadd.s32 @!p4 $0x100, s12;
	[sflag:s15] =	ssyncset.done @!p2 $0x0  }
0xb6: {  	s17 =	sxor.u32 @!p4 $0xFFFFFFFF, s7;
	p0 =	sgt.u32 @!p4 s12, $0x4E1FF;
	[sflag:s15] =	ssyncadd.s32 @!p2 $0xFFFFFF80  }
0xb7: {  	s12 =	sadd.s32 @!p4 $0x280, s16;
	s26 =	simm.s32 @!p2 $0x80;
	_ =	swait.ge @!p2 [sflag:s15], $0x80  }
0xb8: {  	p6 =	por !p0, p4;
	p1 =	sgt.u32 @!p4 s12, $0x4E1FF;
	[sflag:s15] =	ssyncset.done @!p2 $0x0  }
0xb9: {  	p3 =	por p1, p4;
	s29 =	simm.s32 @!p2 $0x400;
	[sflag:s15] =	ssyncadd.s32 @!p2 $0xFFFFFF80  }
0xba: {  	[tilespmem:s29], [sflag:$0x2] =	stream.indirect.gather @!p2 [hbm4b:s5+s26], $0x80, s6, s26, $0xb8;
	[tilespmem:$0x1C400] =	vst v63  }
0xbb: {  	s15 =	simm.s32 @!p4 $0x280;
	s6 =	sadd.s32 @!p6 $0x100, s16;
	_ =	swait.ge [sflag:s11], $0x4000  }
.LBB2_7:
0xbc: {  	s12 =	simm.s32 @!p4 $0x0;
	s15 =	sand.u32 @!p4 $0x180, s15  }
0xbd: {  	[sflag:s11] =	ssyncset.done $0x0;
	s26 =	smov.u32 s13;
	p2 =	por p4, p4  }
0xbe: {  	s17 =	sand.u32 @!p2 $0x100, s17;
	p4 =	por !p1, p2;
	[sflag:s11] =	ssyncadd.s32 $0xFFFFC000  }
0xbf: {  	[spmem:s3] =	stream.indirect.scatter.add.f32 [tilespmem:s31], [sflag:$0x4], $0x80, s14, s18, $0xb8;
	[tilespmem:$0x1C400] =	vst v63  }
0xc0: {  	s6 =	sadd.s32 @!p6 $0xFFFB1F00, s6;
	p0 =	por p0, p2;
	_ =	swait.ge [sflag:s24], $0x4000  }
0xc1: {  	s6 =	sshrl.u32 @!p6 s6, $0x3;
	s14 =	simm.s32 @!p6 $0x0;
	[sflag:s24] =	ssyncset.done $0x0  }
0xc2: {  	s29 =	sadd.s32 @!p6 s2, s6;
	s6 =	sadd.s32 @!p6 s28, s6;
	s21 =	sadd.s32 @!p4 s7, s16  }
0xc3: {  	s6 =	smov.u32 @p6 s10;
	s21 =	sadd.s32 @!p4 $0xFFFB1F80, s21;
	[sflag:s24] =	ssyncadd.s32 $0xFFFFC000  }
0xc4: {  	[tilespmem:s17], [sflag:$0x1] =	stream.linear.gather @!p6 [hbm4b:s29+s14], $0x80, $0x38;
	[tilespmem:$0x1C400] =	vst v63  }
0xc5: {  	s23 =	sor.u32 @!p2 $0x200, s17;
	s14 =	sadd.s32 @!p0 $0xFFFFFFF0, s10;
	s29 =	simm.s32 @!p0 $0x0  }
0xc6: {  	[tilespmem:s17], [sflag:$0x1] =	stream.linear.gather @!p0 [hbm4b:s14+s29], $0x80, $0x38;
	[tilespmem:$0x1C400] =	vst v63  }
0xc7: {  	s14 =	sshrl.u32 @!p4 s21, $0x3;
	s17 =	simm.s32 @!p4 $0x0;
	s21 =	simm.s32 @!p3 $0x0  }
0xc8: {  	[tilespmem:s23], [sflag:$0x1] =	stream.linear.gather @!p2 [hbm4b:s6+s12], $0x80, $0x38;
	[tilespmem:$0x1C400] =	vst v63  }
0xc9: {  	s6 =	sadd.s32 @!p4 s2, s14;
	s14 =	sadd.s32 @!p4 s28, s14;
	s23 =	sadd.s32 @!p3 $0xFFFFFFF0, s9  }
0xca: {  	[tilespmem:s15], [sflag:$0x1] =	stream.linear.gather @!p4 [hbm4b:s6+s17], $0x80, $0x38;
	[tilespmem:$0x1C400] =	vst v63  }
0xcb: {  	s13 =	sadd.s32 $0x100, s13;
	s14 =	smov.u32 @p4 s9;
	s6 =	sor.u32 @!p2 $0x200, s15  }
0xcc: {  	[tilespmem:s15], [sflag:$0x1] =	stream.linear.gather @!p3 [hbm4b:s23+s21], $0x80, $0x38;
	[tilespmem:$0x1C400] =	vst v63  }
0xcd: {  	p5 =	sne.s32 s13, $0x2800;
	s15 =	sand.u32 $0x100, s7;
	s7 =	smov.u32 s26  }
0xce: {  	[tilespmem:s6], [sflag:$0x1] =	stream.linear.gather @!p2 [hbm4b:s14+s12], $0x80, $0x38;
	[tilespmem:$0x1C400] =	vst v63  }
0xcf: {  	s6 =	sor.u32 $0x80, s15  }
0xd0: {  	[tilespmem:s31], [sflag:$0x3] =	stream.indirect.gather [hbm4b:s5+s18], $0x80, s6, s18, $0xb8;
	[tilespmem:$0x1C400] =	vst v63  }
0xd1: {  	_ =	swait.ge [sflag:s0], $0x4000  }
0xd2: {  	s12 =	sor.u32 $0x200, s15;
	[sflag:s0] =	ssyncset.done $0x0  }
0xd3: {  	[sflag:s0] =	ssyncadd.s32 $0xFFFFC000  }
0xd4: {  	[spmem:s3] =	stream.indirect.scatter.add.f32 [tilespmem:s22], [sflag:$0x4], $0x80, s12, s18, $0xb8;
	[tilespmem:$0x1C400] =	vst v63  }
0xd5: {  	_ =	swait.ge [sflag:s24], $0x4000  }
0xd6: {  	s12 =	simm.s32 @!p2 $0x1;
	[sflag:s24] =	ssyncset.done $0x0  }
0xd7: {  	[sflag:s24] =	ssyncadd.s32 $0xFFFFC000  }
0xd8: {  	_ =	swait.ge @!p2 [sflag:s12], $0x80  }
0xd9: {  	[sflag:s12] =	ssyncset.done @!p2 $0x0  }
0xda: {  	[sflag:s12] =	ssyncadd.s32 @!p2 $0xFFFFFF80  }
0xdb: {  	_ =	swait.ge @!p2 [sflag:s12], $0x80  }
0xdc: {  	s10 =	sadd.s32 $0x40, s10;
	s9 =	sadd.s32 $0x40, s9;
	[sflag:s12] =	ssyncset.done @!p2 $0x0  }
0xdd: {  	s21 =	simm.s32 @!p2 $0x400;
	s14 =	sor.u32 $0x200, s6;
	[sflag:s12] =	ssyncadd.s32 @!p2 $0xFFFFFF80  }
0xde: {  	p4 =	seq.s32 s7, $0x2700;
	s6 =	simm.s32 @!p2 $0x80;
	_ =	swait.ge @!p2 [sflag:s12], $0x80  }
0xdf: {  	s23 =	sxor.u32 @!p2 $0x100, s15;
	s15 =	sadd.s32 @!p4 s7, s16;
	[sflag:s12] =	ssyncset.done @!p2 $0x0  }
0xe0: {  	s17 =	sxor.u32 @!p4 $0xFFFFFFFF, s7;
	s26 =	sadd.s32 @!p4 $0x100, s15;
	[sflag:s12] =	ssyncadd.s32 @!p2 $0xFFFFFF80  }
.Ltmp3:
0xe1: {  	s15 =	sadd.s32 @!p4 $0x180, s7;
	_ =	swait.ge @!p2 [sflag:s12], $0x80;
	(pc) =	sbr.rel @p5 .LBB2_7-.Ltmp3, $4  }
0xe2: {  	p0 =	sgt.u32 @!p4 s26, $0x4E1FF;
	s26 =	sadd.s32 @!p4 s16, s15;
	[sflag:s12] =	ssyncset.done @!p2 $0x0  }
0xe3: {  	p6 =	por !p0, p4;
	p1 =	sgt.u32 @!p4 s26, $0x4E1FF;
	[sflag:s12] =	ssyncadd.s32 @!p2 $0xFFFFFF80  }
0xe4: {  	[tilespmem:s21], [sflag:$0x2] =	stream.indirect.gather @!p2 [hbm4b:s5+s6], $0x80, s23, s6, $0xb8;
	[tilespmem:$0x1C400] =	vst v63  }
0xe5: {  	p3 =	por p1, p4;
	s6 =	sadd.s32 @!p6 s7, s16;
	_ =	swait.ge [sflag:s11], $0x4000  }
0xe6: {  	[sflag:s11] =	ssyncset.done $0x0  }
0xe7: {  	p2 =	por p4, p4;
	[sflag:s11] =	ssyncadd.s32 $0xFFFFC000  }
0xe8: {  	[spmem:s3] =	stream.indirect.scatter.add.f32 [tilespmem:s31], [sflag:$0x4], $0x80, s14, s18, $0xb8;
	[tilespmem:$0x1C400] =	vst v63  }
0xe9: {  	s6 =	sadd.s32 @!p6 $0xFFFB1F00, s6;
	s13 =	simm.s32 @!p6 $0x0;
	_ =	swait.ge [sflag:s24], $0x4000  }
0xea: {  	s12 =	sand.u32 @!p2 $0x100, s17;
	s6 =	sshrl.u32 @!p6 s6, $0x3;
	[sflag:s24] =	ssyncset.done $0x0  }
0xeb: {  	p0 =	por p0, p2;
	s14 =	sadd.s32 @!p6 s2, s6;
	[sflag:s24] =	ssyncadd.s32 $0xFFFFC000  }
0xec: {  	[tilespmem:s12], [sflag:$0x1] =	stream.linear.gather @!p6 [hbm4b:s14+s13], $0x80, $0x38;
	[tilespmem:$0x1C400] =	vst v63  }
0xed: {  	s13 =	sadd.s32 @!p0 $0xFFFFFFF0, s10;
	s14 =	simm.s32 @!p0 $0x0  }
0xee: {  	[tilespmem:s12], [sflag:$0x1] =	stream.linear.gather @!p0 [hbm4b:s13+s14], $0x80, $0x38;
	[tilespmem:$0x1C400] =	vst v63  }
0xef: {  	p0 =	por !p1, p2  }
0xf0: {  	s6 =	sadd.s32 @!p6 s28, s6;
	s13 =	sadd.s32 @!p0 s7, s16  }
0xf1: {  	s6 =	smov.u32 @p6 s10;
	s10 =	sadd.s32 @!p0 $0xFFFB1F80, s13  }
0xf2: {  	s12 =	sor.u32 @!p2 $0x200, s12;
	s13 =	simm.s32 @!p4 $0x0;
	s10 =	sshrl.u32 @!p0 s10, $0x3  }
0xf3: {  	[tilespmem:s12], [sflag:$0x1] =	stream.linear.gather @!p2 [hbm4b:s6+s13], $0x80, $0x38;
	[tilespmem:$0x1C400] =	vst v63  }
0xf4: {  	s6 =	sand.u32 @!p4 $0x180, s15;
	s12 =	simm.s32 @!p0 $0x0;
	s14 =	sadd.s32 @!p0 s2, s10  }
0xf5: {  	[tilespmem:s6], [sflag:$0x1] =	stream.linear.gather @!p0 [hbm4b:s14+s12], $0x80, $0x38;
	[tilespmem:$0x1C400] =	vst v63  }
0xf6: {  	s10 =	sadd.s32 @!p0 s28, s10;
	s12 =	simm.s32 @!p3 $0x0;
	s14 =	sadd.s32 @!p3 $0xFFFFFFF0, s9  }
0xf7: {  	[tilespmem:s6], [sflag:$0x1] =	stream.linear.gather @!p3 [hbm4b:s14+s12], $0x80, $0x38;
	[tilespmem:$0x1C400] =	vst v63  }
0xf8: {  	s7 =	sand.u32 $0x100, s7;
	s10 =	smov.u32 @p0 s9;
	s6 =	sor.u32 @!p2 $0x200, s6  }
0xf9: {  	[tilespmem:s6], [sflag:$0x1] =	stream.linear.gather @!p2 [hbm4b:s10+s13], $0x80, $0x38;
	[tilespmem:$0x1C400] =	vst v63  }
0xfa: {  	s26 =	sor.u32 $0x80, s7  }
0xfb: {  	[tilespmem:s31], [sflag:$0x3] =	stream.indirect.gather [hbm4b:s5+s18], $0x80, s26, s18, $0xb8;
	[tilespmem:$0x1C400] =	vst v63  }
0xfc: {  	_ =	swait.ge [sflag:s0], $0x4000  }
0xfd: {  	[sflag:s0] =	ssyncset.done $0x0  }
0xfe: {  	s29 =	sor.u32 $0x200, s7;
	[sflag:s0] =	ssyncadd.s32 $0xFFFFC000  }
0xff: {  	[spmem:s3] =	stream.indirect.scatter.add.f32 [tilespmem:s22], [sflag:$0x4], $0x80, s29, s18, $0xb8;
	[tilespmem:$0x1C400] =	vst v63  }
0x100: {  	_ =	swait.ge [sflag:s24], $0x4000  }
0x101: {  	[sflag:s24] =	ssyncset.done $0x0  }
0x102: {  	s9 =	simm.s32 @!p2 $0x1;
	[sflag:s24] =	ssyncadd.s32 $0xFFFFC000  }
0x103: {  	_ =	swait.ge @!p2 [sflag:s9], $0x80  }
0x104: {  	[sflag:s9] =	ssyncset.done @!p2 $0x0  }
0x105: {  	[sflag:s9] =	ssyncadd.s32 @!p2 $0xFFFFFF80  }
0x106: {  	_ =	swait.ge @!p2 [sflag:s9], $0x80  }
0x107: {  	[sflag:s9] =	ssyncset.done @!p2 $0x0  }
0x108: {  	[sflag:s9] =	ssyncadd.s32 @!p2 $0xFFFFFF80  }
0x109: {  	_ =	swait.ge @!p2 [sflag:s9], $0x80  }
0x10a: {  	[sflag:s9] =	ssyncset.done @!p2 $0x0  }
0x10b: {  	[sflag:s9] =	ssyncadd.s32 @!p2 $0xFFFFFF80  }
0x10c: {  	_ =	swait.ge @!p2 [sflag:s9], $0x80  }
0x10d: {  	s7 =	sxor.u32 @!p2 $0x100, s7;
	[sflag:s9] =	ssyncset.done @!p2 $0x0  }
0x10e: {  	s10 =	simm.s32 @!p2 $0x80;
	[sflag:s9] =	ssyncadd.s32 @!p2 $0xFFFFFF80;
	s9 =	simm.s32 @!p2 $0x400  }
0x10f: {  	[tilespmem:s9], [sflag:$0x2] =	stream.indirect.gather @!p2 [hbm4b:s5+s10], $0x80, s7, s10, $0xb8;
	[tilespmem:$0x1C400] =	vst v63  }
0x110: {  	_ =	swait.ge [sflag:s11], $0x4000  }
0x111: {  	[sflag:s11] =	ssyncset.done $0x0  }
0x112: {  	s6 =	sor.u32 $0x200, s26;
	[sflag:s11] =	ssyncadd.s32 $0xFFFFC000  }
0x113: {  	[spmem:s3] =	stream.indirect.scatter.add.f32 [tilespmem:s31], [sflag:$0x4], $0x80, s6, s18, $0xb8;
	[tilespmem:$0x1C400] =	vst v63  }
0x114: {  	_ =	swait.ge [sflag:s24], $0x4000  }
0x115: {  	[sflag:s24] =	ssyncset.done $0x0  }
0x116: {  	s7 =	stileid.u32;
	[sflag:s24] =	ssyncadd.s32 $0xFFFFC000  }
0x117: {  	s6 =	sshll.u32 s7, $0x6;
	[bflag:$0x0] =	sbarrier.arrive $0xFFFF  }
0x118: {  	s9 =	sshrl.u32 s8, $0x3;
	s6 =	sor.u32 $0x1C04, s6;
	s10 =	rddreg [dreg:$0x7]  }
0x119: {  	[hbm:s10], [sflag:s6] =	dma.local [spmem:s9], $0x800  }
0x11a: {  	_ =	swait.ge [sflag:s24], $0x800  }
0x11b: {  	[sflag:s24] =	ssyncset.done $0x0;
	s12 =	rddreg [dreg:$0xa]  }
0x11c: {  	s13 =	rddreg [dreg:$0xb];
	[sflag:s24] =	ssyncadd.s32 $0xFFFFF800;
	s7 =	sshrl.u32 s12, $0x3  }
0x11d: {  	[hbm:s13], [sflag:s6] =	dma.local [spmem:s7], $0x800  }
0x11e: {  	_ =	swait.ge [sflag:s24], $0x800  }
0x11f: {  	[sflag:s24] =	ssyncset.done $0x0;
	s14 =	rddreg [dreg:$0x10]  }
0x120: {  	s15 =	rddreg [dreg:$0xc];
	[sflag:s24] =	ssyncadd.s32 $0xFFFFF800;
	s7 =	sshrl.u32 s14, $0x3  }
0x121: {  	[hbm:s15], [sflag:s6] =	dma.local [spmem:s7], $0x800  }
0x122: {  	_ =	swait.ge [sflag:s24], $0x800  }
0x123: {  	[sflag:s24] =	ssyncset.done $0x0;
	s17 =	rddreg [dreg:$0x12]  }
0x124: {  	s21 =	rddreg [dreg:$0xd];
	[sflag:s24] =	ssyncadd.s32 $0xFFFFF800;
	s7 =	sshrl.u32 s17, $0x3  }
0x125: {  	[hbm:s21], [sflag:s6] =	dma.local [spmem:s7], $0x800  }
0x126: {  	_ =	swait.ge [sflag:s24], $0x800  }
0x127: {  	[sflag:s24] =	ssyncset.done $0x0  }
0x128: {  	s23 =	sshrl.u32 s25, $0x3;
	s26 =	rddreg [dreg:$0xe];
	[sflag:s24] =	ssyncadd.s32 $0xFFFFF800  }
0x129: {  	[hbm:s26], [sflag:s6] =	dma.local [spmem:s23], $0x800  }
0x12a: {  	_ =	swait.ge [sflag:s24], $0x800  }
0x12b: {  	s1 =	sadd.s32 $0x1, s1;
	s29 =	rddreg [dreg:$0x8]  }
0x12c: {  	p0 =	sne.s32 s1, s29  }
.Ltmp4:
0x12d: {  	_ = 	snop;
	(pc) =	sbr.rel @p0 .LBB2_1-.Ltmp4, $3  }
0x12e: {  	_ =	sdelay $0x1  }
0x12f: {  	[sflag:s24] =	ssyncset.done $0x0  }
0x130: {  	[sflag:s24] =	ssyncadd.s32 $0xFFFFF800  }
0x131: {  	_ =	sfence.sel $0x180000  }
0x132: {  	[bflag:$0x0] =	sbarrier.arrive $0xFFFF  }
0x133: {  	_ =	strace $0x9000004A  }
0x134: {  	s0 =	stileid.u32;
	[bflag:$0x2] =	sbarrier.arrive $0xFFFF  }
0x135: {  	p0 =	sne.s32 s0, $0x0;
	s0 =	rddreg [dreg:$0x4]  }
0x136: {  	s0 =	sadd.s32 @!p0 $0x100000, s0  }
0x137: {  	[sflag:s0] =	ssyncadd.tile.s32 @!p0 $0x1;
	_ =	shalt  }
.Lfunc_end2:
_tile_overlayer_lowered:
.L_overlay_start_2:
0x138: {  	(tag) =	ssettag $0x2  }
0x139: {  	s0 =	rddreg [dreg:$0x0];
	s2 =	stileid.u32  }
0x13a: {  	s1 =	rddreg [dreg:$0x1];
	p0 =	sne.s32 s2, $0x0  }
0x13b: {  	s3 =	rddreg [dreg:$0x2];
	[bflag:$0x3] =	sbarrier.arrive $0xFFFF;
	s2 =	simm.s32 @!p0 $0x1C04  }
0x13c: {  	[timem:s3], [sflag:s2] =	dma.local @!p0 [hbm:s0], s1  }
0x13d: {  	s0 =	simm.s32 @!p0 $0x4  }
0x13e: {  	_ =	swait.ge @!p0 [sflag:s0], s1  }
0x13f: {  	s1 =	ssub.s32 @!p0 $0x0, s1;
	[sflag:s0] =	ssyncset.done @!p0 $0x0  }
0x140: {  	[sflag:s0] =	ssyncadd.s32 @!p0 s1  }
0x141: {  	[bflag:$0x3] =	sbarrier.arrive $0xFFFF  }
0x142: {  	_ =	shalt  }

// kernel: kernel.15.cloned.1.call-start
scs
__scs_entry_jumppad:
0x0: {  	(pc) =	sbr.rel $0x88, $3  }
0x1: {  	(tag) =	ssettag $0x0;
	lr =	simm.s32 $0x1  }
0x2: {  	[smem:$0x3F8F] =	sst lr;
	_ =	strace $0xD0000000  }
0x3: {  	_ = 	snop  }
0x4: {  	_ = 	snop  }
0x5: {  	_ = 	snop  }
0x6: {  	_ = 	snop  }
0x7: {  	_ = 	snop  }
__scs_overlays_trampoline_lowered:
0x8: {  	[smem:$0x3F9E] =	sst s0  }
0x9: {  	[smem:$0x3F9F] =	sst s1  }
0xa: {  	[smem:$0x3FA0] =	sst s2  }
0xb: {  	[smem:$0x3FA1] =	sst s3  }
0xc: {  	[smem:$0x3FA2] =	sst s4  }
0xd: {  	[smem:$0x3FA3] =	sst s5  }
0xe: {  	[smem:$0x3FA4] =	sst s6  }
0xf: {  	[smem:$0x3FA5] =	sst s7  }
0x10: {  	[smem:$0x3FA6] =	sst s8  }
0x11: {  	[smem:$0x3FA7] =	sst s9;
	s0 =	simm.s32 @!p0 $0x0  }
0x12: {  	s1 =	sld [smem:$0x3F8D];
	s0 =	simm.s32 @p0 $0x1  }
0x13: {  	[smem:$0x3FA8] =	sst s0;
	s0 =	simm.s32 @!p1 $0x0  }
0x14: {  	s2 =	sld [smem:$0x3F8C];
	s0 =	simm.s32 @p1 $0x1  }
0x15: {  	[smem:$0x3FA9] =	sst s0;
	s0 =	simm.s32 @!p2 $0x0  }
0x16: {  	s3 =	sld [smem:$0x3FDB];
	s0 =	simm.s32 @p2 $0x1  }
0x17: {  	s4 =	simm.s32 $0x1BF5;
	[smem:$0x3FAB] =	sst s0  }
0x18: {  	s0 =	sld [smem:$0x3F8E];
	_ =	swait.ge [sflag:s4], $0x0  }
0x19: {  	s7 =	sld [smem:$0x3F8F]  }
0x1a: {  	s8 =	sadd.s32 $0xFFFFE003, lr  }
0x1b: {  	s9 =	sadd.s32 $0xFFFFFEF7, lr;
	s5 =	simm.s32 $0xFFFFFFFF;
	p2 =	slt.u32 s8, $0xFFFFF086  }
0x1c: {  	p1 =	slt.u32 s9, $0xF7A;
	s5 =	simm.s32 @!p2 $0x0  }
0x1d: {  	s5 =	simm.s32 @p1 $0x1;
	p0 =	seq.s32 s7, s2  }
0x1e: {  	s7 =	smul.u32 @!p0 $0xF7A, s2;
	p2 =	seq.s32 @!p0 s5, $0x0  }
0x1f: {  	s9 =	smul.u32 $0xF7A, s1;
	s8 =	simm.s32 @!p0 $0x1BF5;
	p2 =	por !p2, p0  }
0x20: {  	[sflag:s8] =	ssyncset.s32 @!p0 $0xFFFFF086;
	s6 =	sadd.s32 @!p0 s3, s7;
	s7 =	simm.s32 @!p0 $0x108  }
0x21: {  	s3 =	sadd.s32 s3, s9;
	s6 =	sadd.s32 @!p0 $0x88, s6;
	s7 =	simm.s32 @p2 $0x1082  }
0x22: {  	[simem:s7], [sflag:s8] =	dma.local @!p0 [hbm:s6], $0xF7A  }
0x23: {  	s9 =	sor.u32 $0xD0000000, s2;
	s6 =	simm.s32 $0x108;
	_ =	swait.ge @!p0 [sflag:s8], $0x0  }
0x24: {  	s3 =	sadd.s32 $0x88, s3;
	s6 =	simm.s32 @!p1 $0x1082;
	[sflag:s4] =	ssyncset.s32 $0xFFFFF086  }
0x25: {  	[simem:s6], [sflag:s4] =	dma.local [hbm:s3], $0xF7A  }
0x26: {  	[smem:$0x3F8F] =	sst s1;
	(tag) =	ssettag s2;
	_ =	strace s9  }
0x27: {  	s1 =	sld [smem:$0x3F9F]  }
0x28: {  	s2 =	sld [smem:$0x3FA0]  }
0x29: {  	s4 =	sld [smem:$0x3FA2]  }
0x2a: {  	p0 =	seq.s32 s5, $0x0;
	s5 =	sld [smem:$0x3FA3]  }
0x2b: {  	s6 =	sld [smem:$0x3FA4]  }
0x2c: {  	s7 =	sld [smem:$0x3FA5]  }
0x2d: {  	s3 =	simm.s32 $0x108;
	s8 =	sld [smem:$0x3FA6]  }
0x2e: {  	s3 =	simm.s32 @!p0 $0x1082;
	s9 =	sld [smem:$0x3FA7]  }
0x2f: {  	lr =	sadd.s32 s0, s3;
	s0 =	sld [smem:$0x3F9E]  }
0x30: {  	s3 =	sld [smem:$0x3FA1]  }
0x31: {  	[smem:$0x3FAA] =	sst s10  }
0x32: {  	s10 =	sld [smem:$0x3FA8];
	_ =	sdelay $0x3  }
0x33: {  	p0 =	seq.s32 s10, $0x1;
	s10 =	sld [smem:$0x3FAA];
	_ =	sdelay $0x3  }
0x34: {  	[smem:$0x3FAA] =	sst s10  }
0x35: {  	s10 =	sld [smem:$0x3FA9];
	_ =	sdelay $0x3  }
0x36: {  	p1 =	seq.s32 s10, $0x1;
	s10 =	sld [smem:$0x3FAA];
	_ =	sdelay $0x3  }
0x37: {  	[smem:$0x3FAA] =	sst s10  }
0x38: {  	s10 =	sld [smem:$0x3FAB]  }
0x39: {  	_ = 	snop;
	(pc) =	sbr.ind lr, $3  }
0x3a: {  	_ = 	snop  }
0x3b: {  	_ = 	snop  }
0x3c: {  	p2 =	seq.s32 s10, $0x1;
	s10 =	sld [smem:$0x3FAA]  }
0x3d: {  	_ =	shalt  }
0x3e: {  	_ =	shalt  }
0x3f: {  	_ =	shalt  }
0x40: {  	_ =	shalt  }
0x41: {  	_ =	shalt  }
0x42: {  	_ =	shalt  }
0x43: {  	_ =	shalt  }
0x44: {  	_ =	shalt  }
0x45: {  	_ =	shalt  }
0x46: {  	_ =	shalt  }
0x47: {  	_ =	shalt  }
0x48: {  	_ =	shalt  }
0x49: {  	_ =	shalt  }
0x4a: {  	_ =	shalt  }
0x4b: {  	_ =	shalt  }
0x4c: {  	_ =	shalt  }
0x4d: {  	_ =	shalt  }
0x4e: {  	_ =	shalt  }
0x4f: {  	_ =	shalt  }
0x50: {  	_ =	shalt  }
0x51: {  	_ =	shalt  }
0x52: {  	_ =	shalt  }
0x53: {  	_ =	shalt  }
0x54: {  	_ =	shalt  }
0x55: {  	_ =	shalt  }
0x56: {  	_ =	shalt  }
0x57: {  	_ =	shalt  }
0x58: {  	_ =	shalt  }
0x59: {  	_ =	shalt  }
0x5a: {  	_ =	shalt  }
0x5b: {  	_ =	shalt  }
0x5c: {  	_ =	shalt  }
0x5d: {  	_ =	shalt  }
0x5e: {  	_ =	shalt  }
0x5f: {  	_ =	shalt  }
0x60: {  	_ =	shalt  }
0x61: {  	_ =	shalt  }
0x62: {  	_ =	shalt  }
0x63: {  	_ =	shalt  }
0x64: {  	_ =	shalt  }
0x65: {  	_ =	shalt  }
0x66: {  	_ =	shalt  }
0x67: {  	_ =	shalt  }
0x68: {  	_ =	shalt  }
0x69: {  	_ =	shalt  }
0x6a: {  	_ =	shalt  }
0x6b: {  	_ =	shalt  }
0x6c: {  	_ =	shalt  }
0x6d: {  	_ =	shalt  }
0x6e: {  	_ =	shalt  }
0x6f: {  	_ =	shalt  }
0x70: {  	_ =	shalt  }
0x71: {  	_ =	shalt  }
0x72: {  	_ =	shalt  }
0x73: {  	_ =	shalt  }
0x74: {  	_ =	shalt  }
0x75: {  	_ =	shalt  }
0x76: {  	_ =	shalt  }
0x77: {  	_ =	shalt  }
0x78: {  	_ =	shalt  }
0x79: {  	_ =	shalt  }
0x7a: {  	_ =	shalt  }
0x7b: {  	_ =	shalt  }
0x7c: {  	_ =	shalt  }
0x7d: {  	_ =	shalt  }
0x7e: {  	_ =	shalt  }
0x7f: {  	_ =	shalt  }
0x80: {  	_ =	shalt  }
0x81: {  	_ =	shalt  }
0x82: {  	_ =	shalt  }
0x83: {  	_ =	shalt  }
0x84: {  	_ =	shalt  }
0x85: {  	_ =	shalt  }
0x86: {  	_ =	shalt  }
0x87: {  	_ =	shalt  }
.Lfunc_end0:
.L_simem_size_0:
called_computation.2_lowered:
.L_overlay_start_0:
0x88: {  	s2 =	sld [smem:$0x3FD9]  }
0x89: {  	s3 =	sld [smem:$0x3FFE];
	_ =	sdelay $0x1  }
0x8a: {  	s1 =	srdreg.scid  }
0x8b: {  	s0 =	sand.u32 $0x1, s1  }
0x8c: {  	s14 =	sshll.u32 s0, $0xA;
	s2 =	sadd.s32 s3, s2  }
0x8d: {  	s2 =	sadd.s32 s2, s14  }
0x8e: {  	[smem:$0x3FB6] =	sst s2  }
0x8f: {  	_ = 	snop  }
0x90: {  	s2 =	sld [smem:$0x3FD0];
	_ =	sdelay $0x2  }
0x91: {  	s4 =	simm.s32 $0xA;
	s5 =	simm.s32 $0x10;
	s15 =	sld [smem:$0x3FC8]  }
0x92: {  	[smem:s5], [sflag:s4] =	dma.local [hbm:s2], $0x1  }
0x93: {  	_ =	swait.eq [sflag:s4], $0x1  }
0x94: {  	[sflag:s4] =	ssyncset.done $0x0  }
0x95: {  	[sflag:s4] =	ssyncadd.s32 $0xFFFFFFFF  }
0x96: {  	s16 =	sld [smem:$0x10];
	(tm) =	ssettm $0x1  }
0x97: {  	s17 =	sld [smem:$0x3FFB];
	_ =	sdelay $0x3  }
0x98: {  	_ =	strace s17  }
0x99: {  	s4 =	sld [smem:$0x3FFC];
	_ =	sdelay $0x3  }
0x9a: {  	_ =	strace s4  }
0x9b: {  	s4 =	sld [smem:$0x3FFD];
	_ =	sdelay $0x3  }
0x9c: {  	_ =	strace s4  }
0x9d: {  	_ =	strace $0x8FFFFFFF  }
0x9e: {  	s18 =	sld [smem:$0x3FDB];
	_ =	sdelay $0x1  }
0x9f: {  	s19 =	simm.s32 $_scs_section_size  }
0xa0: {  	s6 =	simm.s32 $_size__tile_overlayer_lowered;
	s7 =	simm.s32 $_tile_overlayer_lowered  }
0xa1: {  	s22 =	simm.s32 $0x1BFF;
	s21 =	sshll.u32 s7, $0x1;
	s4 =	sadd.s32 s19, s18  }
0xa2: {  	s8 =	simm.s32 $0x0;
	s20 =	sshll.u32 s6, $0x1;
	s6 =	sadd.s32 s21, s4  }
0xa3: {  	[timem:s8], [sflag:s22] =	dma.local [hbm:s6], s20  }
0xa4: {  	_ =	swait.ge [sflag:s22], s20  }
0xa5: {  	s5 =	ssub.s32 $0x0, s20;
	[sflag:s22] =	ssyncset.done $0x0  }
0xa6: {  	[sflag:s22] =	ssyncadd.s32 s5;
	_ =	sdelay $0x1  }
0xa7: {  	s23 =	simm.s32 $0x1B8B  }
0xa8: {  	_ =	swait.ge [sflag:s23], $0x1  }
0xa9: {  	[sflag:s23] =	ssyncset.done $0x0  }
0xaa: {  	s25 =	simm.s32 $0x1B8E;
	s24 =	sld [smem:$0x3FFE];
	[sflag:s23] =	ssyncadd.s32 $0xFFFFFFFF  }
0xab: {  	s26 =	simm.s32 $execute0_lowered;
	[smem:$0x3FD2] =	sst s25  }
0xac: {  	s6 =	sshll.u32 s26, $0x1;
	_ =	strace $0x8000004C;
	[dreg:$0x1] =	wrdreg $0xFFFFFFFF  }
0xad: {  	s28 =	simm.s32 $_size_execute0_lowered;
	s4 =	sadd.s32 s4, s6;
	[dreg:$0x0] =	wrdreg $0x0  }
0xae: {  	s6 =	sshll.u32 s28, $0x1;
	[dreg:$0x2] =	wrdreg s4  }
0xaf: {  	[dreg:$0x3] =	wrdreg s6  }
0xb0: {  	[dreg:$0x4] =	wrdreg $0xC0  }
0xb1: {  	_ =	task [dreg:s8], $0x5FFFF  }
0xb2: {  	[dreg:$0x1] =	wrdreg $0xFFFFFFFF  }
0xb3: {  	[dreg:$0x0] =	wrdreg $0x60  }
0xb4: {  	[dreg:$0x2] =	wrdreg s24  }
0xb5: {  	[dreg:$0x3] =	wrdreg s15  }
0xb6: {  	[dreg:$0x4] =	wrdreg s16  }
0xb7: {  	[dreg:$0x5] =	wrdreg $0x84000  }
0xb8: {  	[dreg:$0x6] =	wrdreg $0x9  }
0xb9: {  	_ =	task.clear_ibuf [dreg:s8], $0x7FFFF;
	_ =	strace $0x9000004C  }
0xba: {  	s29 =	simm.s32 $0x9;
	_ =	strace $0x8000004E  }
0xbb: {  	_ =	swait.ge [sflag:s29], $0x1  }
0xbc: {  	[sflag:s29] =	ssyncadd.s32 $0xFFFFFFFF  }
0xbd: {  	_ =	strace $0x9000004E  }
0xbe: {  	_ =	sfence  }
0xbf: {  	s30 =	sld [smem:$0x0];
	_ =	sdelay $0x2  }
0xc0: {  	s31 =	sshll.u32 s1, $0xD;
	s1 =	sshrl.u32 s1, $0x2  }
0xc1: {  	s3 =	sand.u32 $0x4000, s31;
	s1 =	sadd.s32 s1, s30  }
0xc2: {  	s0 =	sor.u32 s3, s0;
	s1 =	sshll.u32 s1, $0x11  }
0xc3: {  	s0 =	sor.u32 s1, s0  }
0xc4: {  	s0 =	sadd.s32 $0x8F2B, s0  }
0xc5: {  	[sflag:s0] =	ssyncadd.remote.s32 $0x1  }
0xc6: {  	_ =	sfence.sel $0xFFFF  }
0xc7: {  	[dreg:$0x0] =	wrdreg $0xFFFFFFFF;
	(pc) =	sbr.abs _section_cstart, $3  }
0xc8: {  	[dreg:$0x1] =	wrdreg $0xFFFFFFFF  }
0xc9: {  	_ =	task.clear_ibuf [dreg:s8], $0x2FFFF;
	_ =	strace $0x9FFFFFFF  }
0xca: {  	(tm) =	ssettm $0x7FFFFFFF  }
0xcb: {  	_ =	shalt  }
tec
execute0_lowered:
.L_overlay_start_1:
0x0: {  	(tag) =	ssettag $0x1  }
0x1: {  	s0 =	rddreg [dreg:$0x0]  }
0x2: {  	s1 =	rddreg [dreg:$0x1]  }
0x3: {  	s2 =	rddreg [dreg:$0x2]  }
0x4: {  	s3 =	rddreg [dreg:$0x3];
	s5 =	srdreg.scid  }
0x5: {  	s17 =	stileid.u32;
	s4 =	simm.s32 $0x0;
	s30 =	simm.s32 $0x1  }
0x6: {  	s31 =	simm.s32 $0x4400;
	s6 =	sand.u32 $0x1, s5;
	s9 =	smul.u32 $0x280, s17  }
0x7: {  	s7 =	sshll.u32 s17, $0x1;
	[smem:$0x7FF] =	sst s4;
	s12 =	smul.u32 $0x50000, s17  }
0x8: {  	s10 =	sadd.s32 $0x2AE00, s0;
	s13 =	sadd.s32 $0x10, s1;
	s16 =	smul.u32 $0x2800, s17  }
0x9: {  	s28 =	sadd.s32 $0x3800, s0;
	s5 =	sor.u32 s6, s7;
	_ =	strace $0x8000004D  }
0xa: {  	s8 =	ssub.s32 $0x2, s6;
	s14 =	smul.u32 $0x2800, s6;
	p0 =	seq.s32 s6, $0x1  }
0xb: {  	s7 =	smul.u32 $0xA00, s5;
	s5 =	sadd.s32 $0x3C00, s0;
	s11 =	sshrl.u32 s8, $0x1  }
0xc: {  	s12 =	sshrl.u32 s12, $0x2;
	s6 =	simm.s32 @!p0 $0x0;
	s19 =	sadd.s32 $0x80, s9  }
0xd: {  	s11 =	ssub.s32 s8, s11;
	s6 =	simm.s32 @p0 $0x1;
	s15 =	sadd.s32 s14, s9  }
0xe: {  	s29 =	sshll.u32 s19, $0x7;
	p0 =	seq.s32 s17, $0xF;
	s18 =	sadd.s32 s1, s7  }
0xf: {  	s8 =	sadd.s32 s7, s13;
	[smem:$0x7F9] =	sst s6;
	s1 =	sshll.u32 s15, $0x4  }
0x10: {  	s26 =	smax.u32 s11, $0x1;
	s6 =	sadd.s32 s5, s16;
	s11 =	sadd.s32 $0x100, s9  }
0x11: {  	s16 =	smul.u32 $0x5000, s17;
	s7 =	sshll.u32 s19, $0x4;
	[dreg:$0x6] =	wrdreg s8  }
0x12: {  	s17 =	sadd.s32 $0x29C00, s0;
	s8 =	sadd.s32 s12, s3;
	[dreg:$0x8] =	wrdreg s26  }
0x13: {  	s1 =	sadd.s32 s10, s1;
	[dreg:$0x9] =	wrdreg s6;
	s6 =	sadd.s32 s14, s19  }
0x14: {  	s12 =	sadd.s32 $0x180, s9;
	s9 =	sadd.s32 $0x200, s9;
	[dreg:$0x17] =	wrdreg s17  }
0x15: {  	s20 =	sadd.s32 s14, s11;
	s7 =	sadd.s32 s5, s7;
	[dreg:$0x5] =	wrdreg s18  }
0x16: {  	[dreg:$0x7] =	wrdreg s1;
	s1 =	sadd.s32 s29, s3;
	s15 =	sadd.s32 s14, s12  }
0x17: {  	s22 =	sadd.s32 s14, s9;
	s16 =	sadd.s32 s14, s16;
	[dreg:$0xf] =	wrdreg s7  }
0x18: {  	s29 =	sshll.u32 s12, $0x7;
	s14 =	sadd.s32 $0x2AC00, s0;
	[dreg:$0xa] =	wrdreg s1  }
0x19: {  	s26 =	sshll.u32 s11, $0x7;
	s7 =	sadd.s32 s29, s3;
	[dreg:$0x15] =	wrdreg s14  }
0x1a: {  	s21 =	sshll.u32 s15, $0x4;
	s15 =	sadd.s32 $0x29400, s0;
	[dreg:$0x12] =	wrdreg s7  }
0x1b: {  	s1 =	sshll.u32 s6, $0x4;
	s0 =	sadd.s32 $0x2A400, s0;
	[dreg:$0x16] =	wrdreg s15  }
0x1c: {  	s23 =	sshll.u32 s22, $0x4;
	s22 =	sadd.s32 $0x30, s18;
	[dreg:$0x18] =	wrdreg s0  }
0x1d: {  	s24 =	sor.u32 $0x100, s16;
	s29 =	sadd.s32 $0x10000, s8;
	[dreg:$0x1e] =	wrdreg s22  }
0x1e: {  	s6 =	sshll.u32 s11, $0x4;
	s1 =	sadd.s32 s10, s1;
	[smem:$0x7FD] =	sst s29  }
0x1f: {  	s6 =	sadd.s32 s5, s6;
	[dreg:$0xb] =	wrdreg s1;
	s1 =	sshll.u32 s20, $0x4  }
0x20: {  	s25 =	sor.u32 $0x180, s16;
	[dreg:$0x11] =	wrdreg s6;
	s1 =	sadd.s32 s10, s1  }
0x21: {  	s11 =	sshll.u32 s9, $0x7;
	[dreg:$0xc] =	wrdreg s1;
	s1 =	sadd.s32 s10, s21  }
0x22: {  	s22 =	simm.s32 $0x400;
	s21 =	sadd.s32 $0x20, s18;
	[dreg:$0xd] =	wrdreg s1  }
0x23: {  	s18 =	simm.s32 $0x80;
	s1 =	sadd.s32 s10, s23;
	[dreg:$0x1d] =	wrdreg s21  }
0x24: {  	s10 =	sshrl.u32 s25, $0x2;
	s23 =	sadd.s32 $0x4000, s8;
	[dreg:$0xe] =	wrdreg s1  }
0x25: {  	s1 =	sshrl.u32 s24, $0x2;
	s20 =	sadd.s32 s10, s13;
	s10 =	sshll.u32 s12, $0x4  }
0x26: {  	s12 =	sshll.u32 s9, $0x4;
	[dreg:$0x1f] =	wrdreg s23;
	s24 =	sadd.s32 $0x8000, s8  }
0x27: {  	s19 =	sadd.s32 s1, s13;
	s1 =	sadd.s32 s26, s3;
	[smem:$0x7FB] =	sst s24  }
0x28: {  	s25 =	sadd.s32 s11, s3;
	s13 =	sadd.s32 s5, s12;
	[dreg:$0x10] =	wrdreg s1  }
0x29: {  	s11 =	simm.s32 $0x3;
	s1 =	sadd.s32 s5, s10;
	[dreg:$0x14] =	wrdreg s13  }
0x2a: {  	s26 =	sadd.s32 $0xC000, s8;
	[dreg:$0x13] =	wrdreg s1;
	s1 =	sadd.s32 $0x12C000, s3  }
0x2b: {  	[smem:$0x7FC] =	sst s26;
	s0 =	sshrl.u32 @p0 s1, $0x3;
	s1 =	sadd.s32 $0x134000, s3  }
0x2c: {  	[dreg:$0x19] =	wrdreg s0;
	s0 =	sadd.s32 $0x130000, s3;
	s1 =	sshrl.u32 @p0 s1, $0x3  }
0x2d: {  	s0 =	sshrl.u32 @p0 s0, $0x3;
	[dreg:$0x1b] =	wrdreg s1;
	s1 =	simm.s32 @!p0 $0x0  }
0x2e: {  	[dreg:$0x1a] =	wrdreg s0;
	s0 =	sadd.s32 $0x138000, s3;
	s1 =	simm.s32 @p0 $0x1  }
0x2f: {  	s24 =	simm.s32 $0x4;
	[smem:$0x7FA] =	sst s1;
	s0 =	sshrl.u32 @p0 s0, $0x3  }
0x30: {  	v0 =	vimm.f32 $0.0e+00;
	s1 =	simm.s32 $0x0;
	[dreg:$0x1c] =	wrdreg s0;
	s0 =	simm.s32 $0x2  }
.LBB2_1:
0x31: {  	s6 =	rddreg [dreg:$0x5]  }
0x32: {  	s29 =	sld [smem:$0x7F9]  }
0x33: {  	[tilespmem:s4], [sflag:$0x1] =	stream.linear.gather [hbm4b:s6+s4], $0x80, $0x38;
	[tilespmem:$0x1C400] =	vst v63  }
0x34: {  	s17 =	rddreg [dreg:$0x6];
	s7 =	simm.s32 $0x200  }
0x35: {  	[tilespmem:s7], [sflag:$0x1] =	stream.linear.gather [hbm4b:s17+s4], $0x80, $0x38;
	[tilespmem:$0x1C400] =	vst v63  }
0x36: {  	p0 =	seq.s32 s29, $0x1  }
.Ltmp0:
0x37: {  	_ = 	snop;
	(pc) =	sbr.rel @!p0 .LBB2_2-.Ltmp0, $4  }
0x38: {  	s21 =	rddreg [dreg:$0x1d]  }
0x39: {  	[tilespmem:s18], [sflag:$0x1] =	stream.linear.gather [hbm4b:s21+s4], $0x80, $0x38;
	[tilespmem:$0x1C400] =	vst v63  }
0x3a: {  	s23 =	rddreg [dreg:$0x1e];
	s26 =	simm.s32 $0x280  }
0x3b: {  	[tilespmem:s26], [sflag:$0x1] =	stream.linear.gather [hbm4b:s23+s4], $0x80, $0x38;
	[tilespmem:$0x1C400] =	vst v63  }
0x3c: {  	s6 =	sand.u32 $0xFE00, s4  }
0x3d: {  	s7 =	sand.u32 $0x70, s4;
	s9 =	sshrl.u32 s6, $0x2  }
0x3e: {  	s6 =	simm.s32 $0x40;
	s9 =	sor.u32 s7, s9;
	s7 =	simm.s32 $0x0  }
.LBB2_4:
0x3f: {  	p0 =	seq.s32 s6, $0xFFC0  }
0x40: {  	[tilespmem:s9+$0x400] =	vst v0;
	s7 =	sadd.s32 $0x10, s7;
	s9 =	smov.u32 s6;
	s6 =	sadd.s32 $0x40, s6  }
.Ltmp1:
0x41: {  	(pc) =	sbr.rel @!p0 .LBB2_4-.Ltmp1, $4  }
0x42: {  	_ = 	snop  }
0x43: {  	s9 =	sand.u32 $0xFE00, s9  }
0x44: {  	s10 =	sand.u32 $0x70, s7;
	s9 =	sshrl.u32 s9, $0x2  }
0x45: {  	s9 =	sor.u32 s10, s9  }
0x46: {  	[tilespmem:s9+$0x400] =	vst v0  }
0x47: {  	[spmem:s8] =	stream.linear.scatter [tilespmem:s22], [sflag:$0x4], $0x4000, $0x38;
	[tilespmem:$0x1C400] =	vst v63  }
0x48: {  	_ =	swait.ge [sflag:s24], $0x4000  }
0x49: {  	[sflag:s24] =	ssyncset.done $0x0  }
0x4a: {  	s6 =	rddreg [dreg:$0x1f];
	[sflag:s24] =	ssyncadd.s32 $0xFFFFC000  }
0x4b: {  	[spmem:s6] =	stream.linear.scatter [tilespmem:s22], [sflag:$0x4], $0x4000, $0x38;
	[tilespmem:$0x1C400] =	vst v63  }
0x4c: {  	_ =	swait.ge [sflag:s24], $0x4000  }
0x4d: {  	s23 =	sld [smem:$0x7FB]  }
0x4e: {  	[sflag:s24] =	ssyncset.done $0x0  }
0x4f: {  	[sflag:s24] =	ssyncadd.s32 $0xFFFFC000  }
0x50: {  	[spmem:s23] =	stream.linear.scatter [tilespmem:s22], [sflag:$0x4], $0x4000, $0x38;
	[tilespmem:$0x1C400] =	vst v63  }
0x51: {  	_ =	swait.ge [sflag:s24], $0x4000  }
0x52: {  	s26 =	sld [smem:$0x7FC]  }
0x53: {  	[sflag:s24] =	ssyncset.done $0x0  }
0x54: {  	[sflag:s24] =	ssyncadd.s32 $0xFFFFC000  }
0x55: {  	[spmem:s26] =	stream.linear.scatter [tilespmem:s22], [sflag:$0x4], $0x4000, $0x38;
	[tilespmem:$0x1C400] =	vst v63  }
0x56: {  	_ =	swait.ge [sflag:s24], $0x4000  }
0x57: {  	s29 =	sld [smem:$0x7FD]  }
0x58: {  	[sflag:s24] =	ssyncset.done $0x0  }
.Ltmp2:
0x59: {  	[sflag:s24] =	ssyncadd.s32 $0xFFFFC000;
	(pc) =	sbr.rel .LBB2_6-.Ltmp2, $4  }
0x5a: {  	[spmem:s29] =	stream.linear.scatter [tilespmem:s22], [sflag:$0x4], $0x4000, $0x38;
	[tilespmem:$0x1C400] =	vst v63  }
0x5b: {  	_ =	swait.ge [sflag:s24], $0x4000  }
0x5c: {  	[sflag:s24] =	ssyncset.done $0x0  }
0x5d: {  	[sflag:s24] =	ssyncadd.s32 $0xFFFFC000  }
.LBB2_2:
0x5e: {  	s6 =	sld [smem:$0x7FA];
	_ =	sdelay $0x2  }
0x5f: {  	s7 =	rddreg [dreg:$0x16];
	p0 =	seq.s32 s6, $0x1  }
0x60: {  	s9 =	rddreg [dreg:$0x19];
	s6 =	simm.s32 @p0 $0x1FC4  }
0x61: {  	[spmem:s9], [sflag:s6] =	dma.local @p0 [hbm:s7], $0x800  }
0x62: {  	s7 =	simm.s32 @p0 $0x4  }
0x63: {  	_ =	swait.ge @p0 [sflag:s7], $0x800  }
0x64: {  	[sflag:s7] =	ssyncset.done @p0 $0x0;
	s9 =	rddreg [dreg:$0x17]  }
0x65: {  	s10 =	rddreg [dreg:$0x1a];
	[sflag:s7] =	ssyncadd.s32 @p0 $0xFFFFF800  }
0x66: {  	[spmem:s10], [sflag:s6] =	dma.local @p0 [hbm:s9], $0x800  }
0x67: {  	_ =	swait.ge @p0 [sflag:s7], $0x800  }
0x68: {  	[sflag:s7] =	ssyncset.done @p0 $0x0;
	s9 =	rddreg [dreg:$0x18]  }
0x69: {  	s10 =	rddreg [dreg:$0x1b];
	[sflag:s7] =	ssyncadd.s32 @p0 $0xFFFFF800  }
0x6a: {  	[spmem:s10], [sflag:s6] =	dma.local @p0 [hbm:s9], $0x800  }
0x6b: {  	_ =	swait.ge @p0 [sflag:s7], $0x800  }
0x6c: {  	[sflag:s7] =	ssyncset.done @p0 $0x0;
	s9 =	rddreg [dreg:$0x15]  }
0x6d: {  	s10 =	rddreg [dreg:$0x1c];
	[sflag:s7] =	ssyncadd.s32 @p0 $0xFFFFF800  }
0x6e: {  	[spmem:s10], [sflag:s6] =	dma.local @p0 [hbm:s9], $0x100  }
0x6f: {  	s6 =	stileid.u32  }
0x70: {  	_ =	swait.ge @p0 [sflag:s7], $0x100;
	s6 =	sshll.u32 @!p0 s6, $0x6  }
0x71: {  	[sflag:s7] =	ssyncset.done @p0 $0x0;
	s6 =	sor.u32 @!p0 $0x1C04, s6  }
0x72: {  	s9 =	rddreg [dreg:$0x9];
	[sflag:s7] =	ssyncadd.s32 @p0 $0xFFFFFF00;
	s7 =	sshrl.u32 @!p0 s8, $0x3  }
0x73: {  	[spmem:s7], [sflag:s6] =	dma.local @!p0 [hbm:s9], $0x800  }
0x74: {  	s7 =	simm.s32 @!p0 $0x4  }
0x75: {  	_ =	swait.ge @!p0 [sflag:s7], $0x800  }
0x76: {  	[sflag:s7] =	ssyncset.done @!p0 $0x0;
	s9 =	rddreg [dreg:$0xa]  }
0x77: {  	s10 =	rddreg [dreg:$0xf];
	[sflag:s7] =	ssyncadd.s32 @!p0 $0xFFFFF800;
	s9 =	sshrl.u32 @!p0 s9, $0x3  }
0x78: {  	[spmem:s9], [sflag:s6] =	dma.local @!p0 [hbm:s10], $0x800  }
0x79: {  	_ =	swait.ge @!p0 [sflag:s7], $0x800  }
0x7a: {  	[sflag:s7] =	ssyncset.done @!p0 $0x0;
	s9 =	rddreg [dreg:$0x10]  }
0x7b: {  	s10 =	rddreg [dreg:$0x11];
	[sflag:s7] =	ssyncadd.s32 @!p0 $0xFFFFF800;
	s9 =	sshrl.u32 @!p0 s9, $0x3  }
0x7c: {  	[spmem:s9], [sflag:s6] =	dma.local @!p0 [hbm:s10], $0x800  }
0x7d: {  	_ =	swait.ge @!p0 [sflag:s7], $0x800  }
0x7e: {  	[sflag:s7] =	ssyncset.done @!p0 $0x0;
	s9 =	rddreg [dreg:$0x12]  }
0x7f: {  	s10 =	rddreg [dreg:$0x13];
	[sflag:s7] =	ssyncadd.s32 @!p0 $0xFFFFF800;
	s9 =	sshrl.u32 @!p0 s9, $0x3  }
0x80: {  	[spmem:s9], [sflag:s6] =	dma.local @!p0 [hbm:s10], $0x800  }
0x81: {  	_ =	swait.ge @!p0 [sflag:s7], $0x800  }
0x82: {  	[sflag:s7] =	ssyncset.done @!p0 $0x0  }
0x83: {  	s9 =	sshrl.u32 @!p0 s25, $0x3;
	s10 =	rddreg [dreg:$0x14];
	[sflag:s7] =	ssyncadd.s32 @!p0 $0xFFFFF800  }
0x84: {  	[spmem:s9], [sflag:s6] =	dma.local @!p0 [hbm:s10], $0x800  }
0x85: {  	_ =	swait.ge @!p0 [sflag:s7], $0x800  }
0x86: {  	[sflag:s7] =	ssyncset.done @!p0 $0x0  }
0x87: {  	[sflag:s7] =	ssyncadd.s32 @!p0 $0xFFFFF800  }
.LBB2_6:
0x88: {  	_ =	swait.ge [sflag:s30], $0x80  }
0x89: {  	[sflag:s30] =	ssyncset.done $0x0  }
0x8a: {  	[sflag:s30] =	ssyncadd.s32 $0xFFFFFF80  }
0x8b: {  	_ =	swait.ge [sflag:s30], $0x80  }
0x8c: {  	[sflag:s30] =	ssyncset.done $0x0  }
0x8d: {  	p0 =	por $0x0, $0x0;
	[sflag:s30] =	ssyncadd.s32 $0xFFFFFF80  }
0x8e: {  	s7 =	sadd.s32 @!p0 $0x0, s16;
	_ =	swait.ge [sflag:s30], $0x80  }
0x8f: {  	s7 =	sadd.s32 @!p0 $0x100, s7;
	[sflag:s30] =	ssyncset.done $0x0  }
0x90: {  	s6 =	simm.s32 $0x0;
	p3 =	sgt.u32 @!p0 s7, $0x4E1FF;
	[sflag:s30] =	ssyncadd.s32 $0xFFFFFF80  }
0x91: {  	s9 =	sxor.u32 @!p0 $0xFFFFFFFF, s6;
	p1 =	por !p3, p0;
	_ =	swait.ge [sflag:s30], $0x80  }
0x92: {  	p2 =	por p0, p0;
	s7 =	sadd.s32 @!p1 $0x0, s16;
	[sflag:s30] =	ssyncset.done $0x0  }
0x93: {  	s10 =	sadd.s32 @!p0 $0x180, s16;
	s7 =	sadd.s32 @!p1 $0xFFFB1F00, s7;
	[sflag:s30] =	ssyncadd.s32 $0xFFFFFF80  }
0x94: {  	s9 =	sand.u32 @!p2 $0x100, s9;
	s7 =	sshrl.u32 @!p1 s7, $0x3;
	[bflag:$0x0] =	sbarrier.arrive $0xFFFF  }
0x95: {  	[tilespmem:s22], [sflag:$0x2] =	stream.indirect.gather [hbm4b:s5+s18], $0x80, s6, s18, $0xb8;
	[tilespmem:$0x1C400] =	vst v63  }
0x96: {  	p3 =	por p3, p2;
	s13 =	simm.s32 @!p1 $0x0;
	s14 =	sadd.s32 @!p1 s2, s7  }
0x97: {  	[tilespmem:s9], [sflag:$0x1] =	stream.linear.gather @!p1 [hbm4b:s14+s13], $0x80, $0x38;
	[tilespmem:$0x1C400] =	vst v63  }
0x98: {  	p4 =	sgt.u32 @!p0 s10, $0x4E1FF;
	s10 =	sadd.s32 @!p3 $0xFFFFFFF0, s19;
	s13 =	simm.s32 @!p3 $0x0  }
0x99: {  	[tilespmem:s9], [sflag:$0x1] =	stream.linear.gather @!p3 [hbm4b:s10+s13], $0x80, $0x38;
	[tilespmem:$0x1C400] =	vst v63  }
0x9a: {  	s7 =	sadd.s32 @!p1 s28, s7;
	p3 =	por !p4, p2  }
0x9b: {  	s7 =	smov.u32 @p1 s19;
	s13 =	sadd.s32 @!p3 $0x0, s16  }
0x9c: {  	s14 =	simm.s32 @!p0 $0x0;
	s9 =	sor.u32 @!p2 $0x200, s9;
	s13 =	sadd.s32 @!p3 $0xFFFB1F80, s13  }
0x9d: {  	[tilespmem:s9], [sflag:$0x1] =	stream.linear.gather @!p2 [hbm4b:s7+s14], $0x80, $0x38;
	[tilespmem:$0x1C400] =	vst v63  }
0x9e: {  	s10 =	simm.s32 @!p0 $0x180;
	p4 =	por p4, p0;
	s13 =	sshrl.u32 @!p3 s13, $0x3  }
0x9f: {  	s7 =	sand.u32 @!p0 $0x180, s10;
	s9 =	simm.s32 @!p3 $0x0;
	s10 =	sadd.s32 @!p3 s2, s13  }
0xa0: {  	[tilespmem:s7], [sflag:$0x1] =	stream.linear.gather @!p3 [hbm4b:s10+s9], $0x80, $0x38;
	[tilespmem:$0x1C400] =	vst v63  }
0xa1: {  	s9 =	simm.s32 @!p4 $0x0;
	s10 =	sadd.s32 @!p3 s28, s13;
	s13 =	sadd.s32 @!p4 $0xFFFFFFF0, s20  }
0xa2: {  	[tilespmem:s7], [sflag:$0x1] =	stream.linear.gather @!p4 [hbm4b:s13+s9], $0x80, $0x38;
	[tilespmem:$0x1C400] =	vst v63  }
0xa3: {  	s6 =	sand.u32 $0x100, s6;
	s10 =	smov.u32 @p3 s20;
	s7 =	sor.u32 @!p2 $0x200, s7  }
0xa4: {  	[tilespmem:s7], [sflag:$0x1] =	stream.linear.gather @!p2 [hbm4b:s10+s14], $0x80, $0x38;
	[tilespmem:$0x1C400] =	vst v63  }
0xa5: {  	s26 =	sor.u32 $0x80, s6  }
0xa6: {  	[tilespmem:s31], [sflag:$0x3] =	stream.indirect.gather [hbm4b:s5+s18], $0x80, s26, s18, $0xb8;
	[tilespmem:$0x1C400] =	vst v63  }
0xa7: {  	_ =	swait.ge [sflag:s0], $0x4000  }
0xa8: {  	[sflag:s0] =	ssyncset.done $0x0  }
0xa9: {  	s29 =	sor.u32 $0x200, s6;
	[sflag:s0] =	ssyncadd.s32 $0xFFFFC000  }
0xaa: {  	[spmem:s3] =	stream.indirect.scatter.add.f32 [tilespmem:s22], [sflag:$0x4], $0x80, s29, s18, $0xb8;
	[tilespmem:$0x1C400] =	vst v63  }
0xab: {  	_ =	swait.ge [sflag:s24], $0x4000  }
0xac: {  	[sflag:s24] =	ssyncset.done $0x0  }
0xad: {  	s15 =	simm.s32 @!p2 $0x1;
	[sflag:s24] =	ssyncadd.s32 $0xFFFFC000  }
0xae: {  	_ =	swait.ge @!p2 [sflag:s15], $0x80  }
0xaf: {  	[sflag:s15] =	ssyncset.done @!p2 $0x0  }
0xb0: {  	[sflag:s15] =	ssyncadd.s32 @!p2 $0xFFFFFF80  }
0xb1: {  	s6 =	sxor.u32 @!p2 $0x100, s6;
	_ =	swait.ge @!p2 [sflag:s15], $0x80  }
0xb2: {  	s13 =	simm.s32 $0x200;
	p4 =	por $0x0, $0x0;
	[sflag:s15] =	ssyncset.done @!p2 $0x0  }
0xb3: {  	s9 =	sadd.s32 $0x40, s20;
	s12 =	sadd.s32 @!p4 $0x100, s16;
	[sflag:s15] =	ssyncadd.s32 @!p2 $0xFFFFFF80  }
0xb4: {  	s7 =	simm.s32 $0x100;
	s14 =	sor.u32 $0x200, s26;
	_ =	swait.ge @!p2 [sflag:s15], $0x80  }
0xb5: {  	s10 =	sadd.s32 $0x40, s19;
	s12 =	sadd.s32 @!p4 $0x100, s12;
	[sflag:s15] =	ssyncset.done @!p2 $0x0  }
0xb6: {  	s17 =	sxor.u32 @!p4 $0xFFFFFFFF, s7;
	p0 =	sgt.u32 @!p4 s12, $0x4E1FF;
	[sflag:s15] =	ssyncadd.s32 @!p2 $0xFFFFFF80  }
0xb7: {  	s12 =	sadd.s32 @!p4 $0x280, s16;
	s26 =	simm.s32 @!p2 $0x80;
	_ =	swait.ge @!p2 [sflag:s15], $0x80  }
0xb8: {  	p6 =	por !p0, p4;
	p1 =	sgt.u32 @!p4 s12, $0x4E1FF;
	[sflag:s15] =	ssyncset.done @!p2 $0x0  }
0xb9: {  	p3 =	por p1, p4;
	s29 =	simm.s32 @!p2 $0x400;
	[sflag:s15] =	ssyncadd.s32 @!p2 $0xFFFFFF80  }
0xba: {  	[tilespmem:s29], [sflag:$0x2] =	stream.indirect.gather @!p2 [hbm4b:s5+s26], $0x80, s6, s26, $0xb8;
	[tilespmem:$0x1C400] =	vst v63  }
0xbb: {  	s15 =	simm.s32 @!p4 $0x280;
	s6 =	sadd.s32 @!p6 $0x100, s16;
	_ =	swait.ge [sflag:s11], $0x4000  }
.LBB2_7:
0xbc: {  	s12 =	simm.s32 @!p4 $0x0;
	s15 =	sand.u32 @!p4 $0x180, s15  }
0xbd: {  	[sflag:s11] =	ssyncset.done $0x0;
	s26 =	smov.u32 s13;
	p2 =	por p4, p4  }
0xbe: {  	s17 =	sand.u32 @!p2 $0x100, s17;
	p4 =	por !p1, p2;
	[sflag:s11] =	ssyncadd.s32 $0xFFFFC000  }
0xbf: {  	[spmem:s3] =	stream.indirect.scatter.add.f32 [tilespmem:s31], [sflag:$0x4], $0x80, s14, s18, $0xb8;
	[tilespmem:$0x1C400] =	vst v63  }
0xc0: {  	s6 =	sadd.s32 @!p6 $0xFFFB1F00, s6;
	p0 =	por p0, p2;
	_ =	swait.ge [sflag:s24], $0x4000  }
0xc1: {  	s6 =	sshrl.u32 @!p6 s6, $0x3;
	s14 =	simm.s32 @!p6 $0x0;
	[sflag:s24] =	ssyncset.done $0x0  }
0xc2: {  	s29 =	sadd.s32 @!p6 s2, s6;
	s6 =	sadd.s32 @!p6 s28, s6;
	s21 =	sadd.s32 @!p4 s7, s16  }
0xc3: {  	s6 =	smov.u32 @p6 s10;
	s21 =	sadd.s32 @!p4 $0xFFFB1F80, s21;
	[sflag:s24] =	ssyncadd.s32 $0xFFFFC000  }
0xc4: {  	[tilespmem:s17], [sflag:$0x1] =	stream.linear.gather @!p6 [hbm4b:s29+s14], $0x80, $0x38;
	[tilespmem:$0x1C400] =	vst v63  }
0xc5: {  	s23 =	sor.u32 @!p2 $0x200, s17;
	s14 =	sadd.s32 @!p0 $0xFFFFFFF0, s10;
	s29 =	simm.s32 @!p0 $0x0  }
0xc6: {  	[tilespmem:s17], [sflag:$0x1] =	stream.linear.gather @!p0 [hbm4b:s14+s29], $0x80, $0x38;
	[tilespmem:$0x1C400] =	vst v63  }
0xc7: {  	s14 =	sshrl.u32 @!p4 s21, $0x3;
	s17 =	simm.s32 @!p4 $0x0;
	s21 =	simm.s32 @!p3 $0x0  }
0xc8: {  	[tilespmem:s23], [sflag:$0x1] =	stream.linear.gather @!p2 [hbm4b:s6+s12], $0x80, $0x38;
	[tilespmem:$0x1C400] =	vst v63  }
0xc9: {  	s6 =	sadd.s32 @!p4 s2, s14;
	s14 =	sadd.s32 @!p4 s28, s14;
	s23 =	sadd.s32 @!p3 $0xFFFFFFF0, s9  }
0xca: {  	[tilespmem:s15], [sflag:$0x1] =	stream.linear.gather @!p4 [hbm4b:s6+s17], $0x80, $0x38;
	[tilespmem:$0x1C400] =	vst v63  }
0xcb: {  	s13 =	sadd.s32 $0x100, s13;
	s14 =	smov.u32 @p4 s9;
	s6 =	sor.u32 @!p2 $0x200, s15  }
0xcc: {  	[tilespmem:s15], [sflag:$0x1] =	stream.linear.gather @!p3 [hbm4b:s23+s21], $0x80, $0x38;
	[tilespmem:$0x1C400] =	vst v63  }
0xcd: {  	p5 =	sne.s32 s13, $0x2800;
	s15 =	sand.u32 $0x100, s7;
	s7 =	smov.u32 s26  }
0xce: {  	[tilespmem:s6], [sflag:$0x1] =	stream.linear.gather @!p2 [hbm4b:s14+s12], $0x80, $0x38;
	[tilespmem:$0x1C400] =	vst v63  }
0xcf: {  	s6 =	sor.u32 $0x80, s15  }
0xd0: {  	[tilespmem:s31], [sflag:$0x3] =	stream.indirect.gather [hbm4b:s5+s18], $0x80, s6, s18, $0xb8;
	[tilespmem:$0x1C400] =	vst v63  }
0xd1: {  	_ =	swait.ge [sflag:s0], $0x4000  }
0xd2: {  	s12 =	sor.u32 $0x200, s15;
	[sflag:s0] =	ssyncset.done $0x0  }
0xd3: {  	[sflag:s0] =	ssyncadd.s32 $0xFFFFC000  }
0xd4: {  	[spmem:s3] =	stream.indirect.scatter.add.f32 [tilespmem:s22], [sflag:$0x4], $0x80, s12, s18, $0xb8;
	[tilespmem:$0x1C400] =	vst v63  }
0xd5: {  	_ =	swait.ge [sflag:s24], $0x4000  }
0xd6: {  	s12 =	simm.s32 @!p2 $0x1;
	[sflag:s24] =	ssyncset.done $0x0  }
0xd7: {  	[sflag:s24] =	ssyncadd.s32 $0xFFFFC000  }
0xd8: {  	_ =	swait.ge @!p2 [sflag:s12], $0x80  }
0xd9: {  	[sflag:s12] =	ssyncset.done @!p2 $0x0  }
0xda: {  	[sflag:s12] =	ssyncadd.s32 @!p2 $0xFFFFFF80  }
0xdb: {  	_ =	swait.ge @!p2 [sflag:s12], $0x80  }
0xdc: {  	s10 =	sadd.s32 $0x40, s10;
	s9 =	sadd.s32 $0x40, s9;
	[sflag:s12] =	ssyncset.done @!p2 $0x0  }
0xdd: {  	s21 =	simm.s32 @!p2 $0x400;
	s14 =	sor.u32 $0x200, s6;
	[sflag:s12] =	ssyncadd.s32 @!p2 $0xFFFFFF80  }
0xde: {  	p4 =	seq.s32 s7, $0x2700;
	s6 =	simm.s32 @!p2 $0x80;
	_ =	swait.ge @!p2 [sflag:s12], $0x80  }
0xdf: {  	s23 =	sxor.u32 @!p2 $0x100, s15;
	s15 =	sadd.s32 @!p4 s7, s16;
	[sflag:s12] =	ssyncset.done @!p2 $0x0  }
0xe0: {  	s17 =	sxor.u32 @!p4 $0xFFFFFFFF, s7;
	s26 =	sadd.s32 @!p4 $0x100, s15;
	[sflag:s12] =	ssyncadd.s32 @!p2 $0xFFFFFF80  }
.Ltmp3:
0xe1: {  	s15 =	sadd.s32 @!p4 $0x180, s7;
	_ =	swait.ge @!p2 [sflag:s12], $0x80;
	(pc) =	sbr.rel @p5 .LBB2_7-.Ltmp3, $4  }
0xe2: {  	p0 =	sgt.u32 @!p4 s26, $0x4E1FF;
	s26 =	sadd.s32 @!p4 s16, s15;
	[sflag:s12] =	ssyncset.done @!p2 $0x0  }
0xe3: {  	p6 =	por !p0, p4;
	p1 =	sgt.u32 @!p4 s26, $0x4E1FF;
	[sflag:s12] =	ssyncadd.s32 @!p2 $0xFFFFFF80  }
0xe4: {  	[tilespmem:s21], [sflag:$0x2] =	stream.indirect.gather @!p2 [hbm4b:s5+s6], $0x80, s23, s6, $0xb8;
	[tilespmem:$0x1C400] =	vst v63  }
0xe5: {  	p3 =	por p1, p4;
	s6 =	sadd.s32 @!p6 s7, s16;
	_ =	swait.ge [sflag:s11], $0x4000  }
0xe6: {  	[sflag:s11] =	ssyncset.done $0x0  }
0xe7: {  	p2 =	por p4, p4;
	[sflag:s11] =	ssyncadd.s32 $0xFFFFC000  }
0xe8: {  	[spmem:s3] =	stream.indirect.scatter.add.f32 [tilespmem:s31], [sflag:$0x4], $0x80, s14, s18, $0xb8;
	[tilespmem:$0x1C400] =	vst v63  }
0xe9: {  	s6 =	sadd.s32 @!p6 $0xFFFB1F00, s6;
	s13 =	simm.s32 @!p6 $0x0;
	_ =	swait.ge [sflag:s24], $0x4000  }
0xea: {  	s12 =	sand.u32 @!p2 $0x100, s17;
	s6 =	sshrl.u32 @!p6 s6, $0x3;
	[sflag:s24] =	ssyncset.done $0x0  }
0xeb: {  	p0 =	por p0, p2;
	s14 =	sadd.s32 @!p6 s2, s6;
	[sflag:s24] =	ssyncadd.s32 $0xFFFFC000  }
0xec: {  	[tilespmem:s12], [sflag:$0x1] =	stream.linear.gather @!p6 [hbm4b:s14+s13], $0x80, $0x38;
	[tilespmem:$0x1C400] =	vst v63  }
0xed: {  	s13 =	sadd.s32 @!p0 $0xFFFFFFF0, s10;
	s14 =	simm.s32 @!p0 $0x0  }
0xee: {  	[tilespmem:s12], [sflag:$0x1] =	stream.linear.gather @!p0 [hbm4b:s13+s14], $0x80, $0x38;
	[tilespmem:$0x1C400] =	vst v63  }
0xef: {  	p0 =	por !p1, p2  }
0xf0: {  	s6 =	sadd.s32 @!p6 s28, s6;
	s13 =	sadd.s32 @!p0 s7, s16  }
0xf1: {  	s6 =	smov.u32 @p6 s10;
	s10 =	sadd.s32 @!p0 $0xFFFB1F80, s13  }
0xf2: {  	s12 =	sor.u32 @!p2 $0x200, s12;
	s13 =	simm.s32 @!p4 $0x0;
	s10 =	sshrl.u32 @!p0 s10, $0x3  }
0xf3: {  	[tilespmem:s12], [sflag:$0x1] =	stream.linear.gather @!p2 [hbm4b:s6+s13], $0x80, $0x38;
	[tilespmem:$0x1C400] =	vst v63  }
0xf4: {  	s6 =	sand.u32 @!p4 $0x180, s15;
	s12 =	simm.s32 @!p0 $0x0;
	s14 =	sadd.s32 @!p0 s2, s10  }
0xf5: {  	[tilespmem:s6], [sflag:$0x1] =	stream.linear.gather @!p0 [hbm4b:s14+s12], $0x80, $0x38;
	[tilespmem:$0x1C400] =	vst v63  }
0xf6: {  	s10 =	sadd.s32 @!p0 s28, s10;
	s12 =	simm.s32 @!p3 $0x0;
	s14 =	sadd.s32 @!p3 $0xFFFFFFF0, s9  }
0xf7: {  	[tilespmem:s6], [sflag:$0x1] =	stream.linear.gather @!p3 [hbm4b:s14+s12], $0x80, $0x38;
	[tilespmem:$0x1C400] =	vst v63  }
0xf8: {  	s7 =	sand.u32 $0x100, s7;
	s10 =	smov.u32 @p0 s9;
	s6 =	sor.u32 @!p2 $0x200, s6  }
0xf9: {  	[tilespmem:s6], [sflag:$0x1] =	stream.linear.gather @!p2 [hbm4b:s10+s13], $0x80, $0x38;
	[tilespmem:$0x1C400] =	vst v63  }
0xfa: {  	s26 =	sor.u32 $0x80, s7  }
0xfb: {  	[tilespmem:s31], [sflag:$0x3] =	stream.indirect.gather [hbm4b:s5+s18], $0x80, s26, s18, $0xb8;
	[tilespmem:$0x1C400] =	vst v63  }
0xfc: {  	_ =	swait.ge [sflag:s0], $0x4000  }
0xfd: {  	[sflag:s0] =	ssyncset.done $0x0  }
0xfe: {  	s29 =	sor.u32 $0x200, s7;
	[sflag:s0] =	ssyncadd.s32 $0xFFFFC000  }
0xff: {  	[spmem:s3] =	stream.indirect.scatter.add.f32 [tilespmem:s22], [sflag:$0x4], $0x80, s29, s18, $0xb8;
	[tilespmem:$0x1C400] =	vst v63  }
0x100: {  	_ =	swait.ge [sflag:s24], $0x4000  }
0x101: {  	[sflag:s24] =	ssyncset.done $0x0  }
0x102: {  	s9 =	simm.s32 @!p2 $0x1;
	[sflag:s24] =	ssyncadd.s32 $0xFFFFC000  }
0x103: {  	_ =	swait.ge @!p2 [sflag:s9], $0x80  }
0x104: {  	[sflag:s9] =	ssyncset.done @!p2 $0x0  }
0x105: {  	[sflag:s9] =	ssyncadd.s32 @!p2 $0xFFFFFF80  }
0x106: {  	_ =	swait.ge @!p2 [sflag:s9], $0x80  }
0x107: {  	[sflag:s9] =	ssyncset.done @!p2 $0x0  }
0x108: {  	[sflag:s9] =	ssyncadd.s32 @!p2 $0xFFFFFF80  }
0x109: {  	_ =	swait.ge @!p2 [sflag:s9], $0x80  }
0x10a: {  	[sflag:s9] =	ssyncset.done @!p2 $0x0  }
0x10b: {  	[sflag:s9] =	ssyncadd.s32 @!p2 $0xFFFFFF80  }
0x10c: {  	_ =	swait.ge @!p2 [sflag:s9], $0x80  }
0x10d: {  	s7 =	sxor.u32 @!p2 $0x100, s7;
	[sflag:s9] =	ssyncset.done @!p2 $0x0  }
0x10e: {  	s10 =	simm.s32 @!p2 $0x80;
	[sflag:s9] =	ssyncadd.s32 @!p2 $0xFFFFFF80;
	s9 =	simm.s32 @!p2 $0x400  }
0x10f: {  	[tilespmem:s9], [sflag:$0x2] =	stream.indirect.gather @!p2 [hbm4b:s5+s10], $0x80, s7, s10, $0xb8;
	[tilespmem:$0x1C400] =	vst v63  }
0x110: {  	_ =	swait.ge [sflag:s11], $0x4000  }
0x111: {  	[sflag:s11] =	ssyncset.done $0x0  }
0x112: {  	s6 =	sor.u32 $0x200, s26;
	[sflag:s11] =	ssyncadd.s32 $0xFFFFC000  }
0x113: {  	[spmem:s3] =	stream.indirect.scatter.add.f32 [tilespmem:s31], [sflag:$0x4], $0x80, s6, s18, $0xb8;
	[tilespmem:$0x1C400] =	vst v63  }
0x114: {  	_ =	swait.ge [sflag:s24], $0x4000  }
0x115: {  	[sflag:s24] =	ssyncset.done $0x0  }
0x116: {  	s7 =	stileid.u32;
	[sflag:s24] =	ssyncadd.s32 $0xFFFFC000  }
0x117: {  	s6 =	sshll.u32 s7, $0x6;
	[bflag:$0x0] =	sbarrier.arrive $0xFFFF  }
0x118: {  	s9 =	sshrl.u32 s8, $0x3;
	s6 =	sor.u32 $0x1C04, s6;
	s10 =	rddreg [dreg:$0x7]  }
0x119: {  	[hbm:s10], [sflag:s6] =	dma.local [spmem:s9], $0x800  }
0x11a: {  	_ =	swait.ge [sflag:s24], $0x800  }
0x11b: {  	[sflag:s24] =	ssyncset.done $0x0;
	s12 =	rddreg [dreg:$0xa]  }
0x11c: {  	s13 =	rddreg [dreg:$0xb];
	[sflag:s24] =	ssyncadd.s32 $0xFFFFF800;
	s7 =	sshrl.u32 s12, $0x3  }
0x11d: {  	[hbm:s13], [sflag:s6] =	dma.local [spmem:s7], $0x800  }
0x11e: {  	_ =	swait.ge [sflag:s24], $0x800  }
0x11f: {  	[sflag:s24] =	ssyncset.done $0x0;
	s14 =	rddreg [dreg:$0x10]  }
0x120: {  	s15 =	rddreg [dreg:$0xc];
	[sflag:s24] =	ssyncadd.s32 $0xFFFFF800;
	s7 =	sshrl.u32 s14, $0x3  }
0x121: {  	[hbm:s15], [sflag:s6] =	dma.local [spmem:s7], $0x800  }
0x122: {  	_ =	swait.ge [sflag:s24], $0x800  }
0x123: {  	[sflag:s24] =	ssyncset.done $0x0;
	s17 =	rddreg [dreg:$0x12]  }
0x124: {  	s21 =	rddreg [dreg:$0xd];
	[sflag:s24] =	ssyncadd.s32 $0xFFFFF800;
	s7 =	sshrl.u32 s17, $0x3  }
0x125: {  	[hbm:s21], [sflag:s6] =	dma.local [spmem:s7], $0x800  }
0x126: {  	_ =	swait.ge [sflag:s24], $0x800  }
0x127: {  	[sflag:s24] =	ssyncset.done $0x0  }
0x128: {  	s23 =	sshrl.u32 s25, $0x3;
	s26 =	rddreg [dreg:$0xe];
	[sflag:s24] =	ssyncadd.s32 $0xFFFFF800  }
0x129: {  	[hbm:s26], [sflag:s6] =	dma.local [spmem:s23], $0x800  }
0x12a: {  	_ =	swait.ge [sflag:s24], $0x800  }
0x12b: {  	s1 =	sadd.s32 $0x1, s1;
	s29 =	rddreg [dreg:$0x8]  }
0x12c: {  	p0 =	sne.s32 s1, s29  }
.Ltmp4:
0x12d: {  	_ = 	snop;
	(pc) =	sbr.rel @p0 .LBB2_1-.Ltmp4, $3  }
0x12e: {  	_ =	sdelay $0x1  }
0x12f: {  	[sflag:s24] =	ssyncset.done $0x0  }
0x130: {  	[sflag:s24] =	ssyncadd.s32 $0xFFFFF800  }
0x131: {  	_ =	sfence.sel $0x180000  }
0x132: {  	[bflag:$0x0] =	sbarrier.arrive $0xFFFF  }
0x133: {  	_ =	strace $0x9000004D  }
0x134: {  	s0 =	stileid.u32;
	[bflag:$0x2] =	sbarrier.arrive $0xFFFF  }
0x135: {  	p0 =	sne.s32 s0, $0x0;
	s0 =	rddreg [dreg:$0x4]  }
0x136: {  	s0 =	sadd.s32 @!p0 $0x100000, s0  }
0x137: {  	[sflag:s0] =	ssyncadd.tile.s32 @!p0 $0x1;
	_ =	shalt  }
.Lfunc_end2:
_tile_overlayer_lowered:
.L_overlay_start_2:
0x138: {  	(tag) =	ssettag $0x2  }
0x139: {  	s0 =	rddreg [dreg:$0x0];
	s2 =	stileid.u32  }
0x13a: {  	s1 =	rddreg [dreg:$0x1];
	p0 =	sne.s32 s2, $0x0  }
0x13b: {  	s3 =	rddreg [dreg:$0x2];
	[bflag:$0x3] =	sbarrier.arrive $0xFFFF;
	s2 =	simm.s32 @!p0 $0x1C04  }
0x13c: {  	[timem:s3], [sflag:s2] =	dma.local @!p0 [hbm:s0], s1  }
0x13d: {  	s0 =	simm.s32 @!p0 $0x4  }
0x13e: {  	_ =	swait.ge @!p0 [sflag:s0], s1  }
0x13f: {  	s1 =	ssub.s32 @!p0 $0x0, s1;
	[sflag:s0] =	ssyncset.done @!p0 $0x0  }
0x140: {  	[sflag:s0] =	ssyncadd.s32 @!p0 s1  }
0x141: {  	[bflag:$0x3] =	sbarrier.arrive $0xFFFF  }
0x142: {  	_ =	shalt  }

// kernel: kernel.9.cloned.1.call-start
scs
__scs_entry_jumppad:
0x0: {  	(pc) =	sbr.rel $0x88, $3  }
0x1: {  	(tag) =	ssettag $0x0;
	lr =	simm.s32 $0x1  }
0x2: {  	[smem:$0x3F8F] =	sst lr;
	_ =	strace $0xD0000000  }
0x3: {  	_ = 	snop  }
0x4: {  	_ = 	snop  }
0x5: {  	_ = 	snop  }
0x6: {  	_ = 	snop  }
0x7: {  	_ = 	snop  }
__scs_overlays_trampoline_lowered:
0x8: {  	[smem:$0x3F9E] =	sst s0  }
0x9: {  	[smem:$0x3F9F] =	sst s1  }
0xa: {  	[smem:$0x3FA0] =	sst s2  }
0xb: {  	[smem:$0x3FA1] =	sst s3  }
0xc: {  	[smem:$0x3FA2] =	sst s4  }
0xd: {  	[smem:$0x3FA3] =	sst s5  }
0xe: {  	[smem:$0x3FA4] =	sst s6  }
0xf: {  	[smem:$0x3FA5] =	sst s7  }
0x10: {  	[smem:$0x3FA6] =	sst s8  }
0x11: {  	[smem:$0x3FA7] =	sst s9;
	s0 =	simm.s32 @!p0 $0x0  }
0x12: {  	s1 =	sld [smem:$0x3F8D];
	s0 =	simm.s32 @p0 $0x1  }
0x13: {  	[smem:$0x3FA8] =	sst s0;
	s0 =	simm.s32 @!p1 $0x0  }
0x14: {  	s2 =	sld [smem:$0x3F8C];
	s0 =	simm.s32 @p1 $0x1  }
0x15: {  	[smem:$0x3FA9] =	sst s0;
	s0 =	simm.s32 @!p2 $0x0  }
0x16: {  	s3 =	sld [smem:$0x3FDB];
	s0 =	simm.s32 @p2 $0x1  }
0x17: {  	s4 =	simm.s32 $0x1BF5;
	[smem:$0x3FAB] =	sst s0  }
0x18: {  	s0 =	sld [smem:$0x3F8E];
	_ =	swait.ge [sflag:s4], $0x0  }
0x19: {  	s7 =	sld [smem:$0x3F8F]  }
0x1a: {  	s8 =	sadd.s32 $0xFFFFE003, lr  }
0x1b: {  	s9 =	sadd.s32 $0xFFFFFEF7, lr;
	s5 =	simm.s32 $0xFFFFFFFF;
	p2 =	slt.u32 s8, $0xFFFFF086  }
0x1c: {  	p1 =	slt.u32 s9, $0xF7A;
	s5 =	simm.s32 @!p2 $0x0  }
0x1d: {  	s5 =	simm.s32 @p1 $0x1;
	p0 =	seq.s32 s7, s2  }
0x1e: {  	s7 =	smul.u32 @!p0 $0xF7A, s2;
	p2 =	seq.s32 @!p0 s5, $0x0  }
0x1f: {  	s9 =	smul.u32 $0xF7A, s1;
	s8 =	simm.s32 @!p0 $0x1BF5;
	p2 =	por !p2, p0  }
0x20: {  	[sflag:s8] =	ssyncset.s32 @!p0 $0xFFFFF086;
	s6 =	sadd.s32 @!p0 s3, s7;
	s7 =	simm.s32 @!p0 $0x108  }
0x21: {  	s3 =	sadd.s32 s3, s9;
	s6 =	sadd.s32 @!p0 $0x88, s6;
	s7 =	simm.s32 @p2 $0x1082  }
0x22: {  	[simem:s7], [sflag:s8] =	dma.local @!p0 [hbm:s6], $0xF7A  }
0x23: {  	s9 =	sor.u32 $0xD0000000, s2;
	s6 =	simm.s32 $0x108;
	_ =	swait.ge @!p0 [sflag:s8], $0x0  }
0x24: {  	s3 =	sadd.s32 $0x88, s3;
	s6 =	simm.s32 @!p1 $0x1082;
	[sflag:s4] =	ssyncset.s32 $0xFFFFF086  }
0x25: {  	[simem:s6], [sflag:s4] =	dma.local [hbm:s3], $0xF7A  }
0x26: {  	[smem:$0x3F8F] =	sst s1;
	(tag) =	ssettag s2;
	_ =	strace s9  }
0x27: {  	s1 =	sld [smem:$0x3F9F]  }
0x28: {  	s2 =	sld [smem:$0x3FA0]  }
0x29: {  	s4 =	sld [smem:$0x3FA2]  }
0x2a: {  	p0 =	seq.s32 s5, $0x0;
	s5 =	sld [smem:$0x3FA3]  }
0x2b: {  	s6 =	sld [smem:$0x3FA4]  }
0x2c: {  	s7 =	sld [smem:$0x3FA5]  }
0x2d: {  	s3 =	simm.s32 $0x108;
	s8 =	sld [smem:$0x3FA6]  }
0x2e: {  	s3 =	simm.s32 @!p0 $0x1082;
	s9 =	sld [smem:$0x3FA7]  }
0x2f: {  	lr =	sadd.s32 s0, s3;
	s0 =	sld [smem:$0x3F9E]  }
0x30: {  	s3 =	sld [smem:$0x3FA1]  }
0x31: {  	[smem:$0x3FAA] =	sst s10  }
0x32: {  	s10 =	sld [smem:$0x3FA8];
	_ =	sdelay $0x3  }
0x33: {  	p0 =	seq.s32 s10, $0x1;
	s10 =	sld [smem:$0x3FAA];
	_ =	sdelay $0x3  }
0x34: {  	[smem:$0x3FAA] =	sst s10  }
0x35: {  	s10 =	sld [smem:$0x3FA9];
	_ =	sdelay $0x3  }
0x36: {  	p1 =	seq.s32 s10, $0x1;
	s10 =	sld [smem:$0x3FAA];
	_ =	sdelay $0x3  }
0x37: {  	[smem:$0x3FAA] =	sst s10  }
0x38: {  	s10 =	sld [smem:$0x3FAB]  }
0x39: {  	_ = 	snop;
	(pc) =	sbr.ind lr, $3  }
0x3a: {  	_ = 	snop  }
0x3b: {  	_ = 	snop  }
0x3c: {  	p2 =	seq.s32 s10, $0x1;
	s10 =	sld [smem:$0x3FAA]  }
0x3d: {  	_ =	shalt  }
0x3e: {  	_ =	shalt  }
0x3f: {  	_ =	shalt  }
0x40: {  	_ =	shalt  }
0x41: {  	_ =	shalt  }
0x42: {  	_ =	shalt  }
0x43: {  	_ =	shalt  }
0x44: {  	_ =	shalt  }
0x45: {  	_ =	shalt  }
0x46: {  	_ =	shalt  }
0x47: {  	_ =	shalt  }
0x48: {  	_ =	shalt  }
0x49: {  	_ =	shalt  }
0x4a: {  	_ =	shalt  }
0x4b: {  	_ =	shalt  }
0x4c: {  	_ =	shalt  }
0x4d: {  	_ =	shalt  }
0x4e: {  	_ =	shalt  }
0x4f: {  	_ =	shalt  }
0x50: {  	_ =	shalt  }
0x51: {  	_ =	shalt  }
0x52: {  	_ =	shalt  }
0x53: {  	_ =	shalt  }
0x54: {  	_ =	shalt  }
0x55: {  	_ =	shalt  }
0x56: {  	_ =	shalt  }
0x57: {  	_ =	shalt  }
0x58: {  	_ =	shalt  }
0x59: {  	_ =	shalt  }
0x5a: {  	_ =	shalt  }
0x5b: {  	_ =	shalt  }
0x5c: {  	_ =	shalt  }
0x5d: {  	_ =	shalt  }
0x5e: {  	_ =	shalt  }
0x5f: {  	_ =	shalt  }
0x60: {  	_ =	shalt  }
0x61: {  	_ =	shalt  }
0x62: {  	_ =	shalt  }
0x63: {  	_ =	shalt  }
0x64: {  	_ =	shalt  }
0x65: {  	_ =	shalt  }
0x66: {  	_ =	shalt  }
0x67: {  	_ =	shalt  }
0x68: {  	_ =	shalt  }
0x69: {  	_ =	shalt  }
0x6a: {  	_ =	shalt  }
0x6b: {  	_ =	shalt  }
0x6c: {  	_ =	shalt  }
0x6d: {  	_ =	shalt  }
0x6e: {  	_ =	shalt  }
0x6f: {  	_ =	shalt  }
0x70: {  	_ =	shalt  }
0x71: {  	_ =	shalt  }
0x72: {  	_ =	shalt  }
0x73: {  	_ =	shalt  }
0x74: {  	_ =	shalt  }
0x75: {  	_ =	shalt  }
0x76: {  	_ =	shalt  }
0x77: {  	_ =	shalt  }
0x78: {  	_ =	shalt  }
0x79: {  	_ =	shalt  }
0x7a: {  	_ =	shalt  }
0x7b: {  	_ =	shalt  }
0x7c: {  	_ =	shalt  }
0x7d: {  	_ =	shalt  }
0x7e: {  	_ =	shalt  }
0x7f: {  	_ =	shalt  }
0x80: {  	_ =	shalt  }
0x81: {  	_ =	shalt  }
0x82: {  	_ =	shalt  }
0x83: {  	_ =	shalt  }
0x84: {  	_ =	shalt  }
0x85: {  	_ =	shalt  }
0x86: {  	_ =	shalt  }
0x87: {  	_ =	shalt  }
.Lfunc_end0:
.L_simem_size_0:
called_computation_lowered:
.L_overlay_start_0:
0x88: {  	s2 =	sld [smem:$0x3FD9]  }
0x89: {  	s3 =	sld [smem:$0x3FFE];
	_ =	sdelay $0x1  }
0x8a: {  	s1 =	srdreg.scid  }
0x8b: {  	s0 =	sand.u32 $0x1, s1  }
0x8c: {  	s14 =	sshll.u32 s0, $0xA;
	s2 =	sadd.s32 s3, s2  }
0x8d: {  	s2 =	sadd.s32 s2, s14  }
0x8e: {  	[smem:$0x3FB6] =	sst s2  }
0x8f: {  	_ = 	snop  }
0x90: {  	s2 =	sld [smem:$0x3FD0];
	_ =	sdelay $0x1  }
0x91: {  	s15 =	sld [smem:$0x3FC9]  }
0x92: {  	s5 =	simm.s32 $0xA;
	s6 =	simm.s32 $0x10;
	s4 =	sld [smem:$0x3FC8]  }
0x93: {  	[smem:s6], [sflag:s5] =	dma.local [hbm:s2], $0x1  }
0x94: {  	_ =	swait.eq [sflag:s5], $0x1  }
0x95: {  	[sflag:s5] =	ssyncset.done $0x0  }
0x96: {  	[sflag:s5] =	ssyncadd.s32 $0xFFFFFFFF  }
0x97: {  	s16 =	sld [smem:$0x10];
	(tm) =	ssettm $0x1  }
0x98: {  	s17 =	sld [smem:$0x3FFB];
	_ =	sdelay $0x3  }
0x99: {  	_ =	strace s17  }
0x9a: {  	s5 =	sld [smem:$0x3FFC];
	_ =	sdelay $0x3  }
0x9b: {  	_ =	strace s5  }
0x9c: {  	s5 =	sld [smem:$0x3FFD];
	_ =	sdelay $0x3  }
0x9d: {  	_ =	strace s5  }
0x9e: {  	_ =	strace $0x8FFFFFFF  }
0x9f: {  	s18 =	sld [smem:$0x3FDB];
	_ =	sdelay $0x1  }
0xa0: {  	s19 =	simm.s32 $_scs_section_size  }
0xa1: {  	s7 =	simm.s32 $_size__tile_overlayer_lowered;
	s8 =	simm.s32 $_tile_overlayer_lowered  }
0xa2: {  	s22 =	simm.s32 $0x1BFF;
	s21 =	sshll.u32 s8, $0x1;
	s5 =	sadd.s32 s19, s18  }
0xa3: {  	s9 =	simm.s32 $0x0;
	s20 =	sshll.u32 s7, $0x1;
	s7 =	sadd.s32 s21, s5  }
0xa4: {  	[timem:s9], [sflag:s22] =	dma.local [hbm:s7], s20  }
0xa5: {  	_ =	swait.ge [sflag:s22], s20  }
0xa6: {  	s6 =	ssub.s32 $0x0, s20;
	[sflag:s22] =	ssyncset.done $0x0  }
0xa7: {  	[sflag:s22] =	ssyncadd.s32 s6;
	_ =	sdelay $0x1  }
0xa8: {  	s23 =	simm.s32 $0x1B8B  }
0xa9: {  	_ =	swait.ge [sflag:s23], $0x1  }
0xaa: {  	[sflag:s23] =	ssyncset.done $0x0  }
0xab: {  	s25 =	simm.s32 $0x1B8E;
	s24 =	sld [smem:$0x3FFE];
	[sflag:s23] =	ssyncadd.s32 $0xFFFFFFFF  }
0xac: {  	s26 =	simm.s32 $execute0_lowered;
	[smem:$0x3FD2] =	sst s25  }
0xad: {  	s7 =	sshll.u32 s26, $0x1;
	_ =	strace $0x80000046;
	[dreg:$0x1] =	wrdreg $0xFFFFFFFF  }
0xae: {  	s28 =	simm.s32 $_size_execute0_lowered;
	s5 =	sadd.s32 s5, s7;
	[dreg:$0x0] =	wrdreg $0x0  }
0xaf: {  	s7 =	sshll.u32 s28, $0x1;
	[dreg:$0x2] =	wrdreg s5  }
0xb0: {  	[dreg:$0x3] =	wrdreg s7  }
0xb1: {  	[dreg:$0x4] =	wrdreg $0xC0  }
0xb2: {  	_ =	task [dreg:s9], $0x5FFFF  }
0xb3: {  	[dreg:$0x1] =	wrdreg $0xFFFFFFFF  }
0xb4: {  	[dreg:$0x0] =	wrdreg $0x60  }
0xb5: {  	[dreg:$0x2] =	wrdreg s15  }
0xb6: {  	[dreg:$0x3] =	wrdreg s4  }
0xb7: {  	[dreg:$0x4] =	wrdreg s16  }
0xb8: {  	[dreg:$0x5] =	wrdreg s24  }
0xb9: {  	[dreg:$0x6] =	wrdreg $0x84000  }
0xba: {  	[dreg:$0x7] =	wrdreg $0x9  }
0xbb: {  	_ =	task.clear_ibuf [dreg:s9], $0x8FFFF;
	_ =	strace $0x90000046  }
0xbc: {  	s29 =	simm.s32 $0x9;
	_ =	strace $0x80000048  }
0xbd: {  	_ =	swait.ge [sflag:s29], $0x1  }
0xbe: {  	[sflag:s29] =	ssyncadd.s32 $0xFFFFFFFF  }
0xbf: {  	_ =	strace $0x90000048  }
0xc0: {  	_ =	sfence  }
0xc1: {  	s30 =	sld [smem:$0x0];
	_ =	sdelay $0x2  }
0xc2: {  	s31 =	sshll.u32 s1, $0xD;
	s1 =	sshrl.u32 s1, $0x2  }
0xc3: {  	s3 =	sand.u32 $0x4000, s31;
	s1 =	sadd.s32 s1, s30  }
0xc4: {  	s0 =	sor.u32 s3, s0;
	s1 =	sshll.u32 s1, $0x11  }
0xc5: {  	s0 =	sor.u32 s1, s0  }
0xc6: {  	s0 =	sadd.s32 $0x8F2B, s0  }
0xc7: {  	[sflag:s0] =	ssyncadd.remote.s32 $0x1  }
0xc8: {  	_ =	sfence.sel $0xFFFF  }
0xc9: {  	[dreg:$0x0] =	wrdreg $0xFFFFFFFF;
	(pc) =	sbr.abs _section_cstart, $3  }
0xca: {  	[dreg:$0x1] =	wrdreg $0xFFFFFFFF  }
0xcb: {  	_ =	task.clear_ibuf [dreg:s9], $0x2FFFF;
	_ =	strace $0x9FFFFFFF  }
0xcc: {  	(tm) =	ssettm $0x7FFFFFFF  }
0xcd: {  	_ =	shalt  }
tec
execute0_lowered:
.L_overlay_start_1:
0x0: {  	(tag) =	ssettag $0x1  }
0x1: {  	s0 =	rddreg [dreg:$0x0]  }
0x2: {  	s1 =	rddreg [dreg:$0x1]  }
0x3: {  	s2 =	rddreg [dreg:$0x2]  }
0x4: {  	s3 =	rddreg [dreg:$0x3];
	s5 =	srdreg.scid  }
0x5: {  	s13 =	stileid.u32;
	s4 =	rddreg [dreg:$0x4];
	s28 =	simm.s32 $0x400  }
0x6: {  	s29 =	simm.s32 $0x4;
	s30 =	simm.s32 $0x1;
	s31 =	simm.s32 $0x4400  }
0x7: {  	s7 =	sand.u32 $0x1, s5;
	s6 =	sshll.u32 s13, $0x1;
	s10 =	smul.u32 $0x280, s13  }
0x8: {  	s5 =	simm.s32 $0x0;
	s11 =	smul.u32 $0x50000, s13;
	s14 =	sadd.s32 $0x10, s1  }
0x9: {  	s19 =	smul.u32 $0x2800, s13;
	s6 =	sor.u32 s7, s6;
	[smem:$0x7FF] =	sst s5  }
0xa: {  	s9 =	ssub.s32 $0x2, s7;
	s15 =	smul.u32 $0x2800, s7;
	p0 =	seq.s32 s7, $0x1  }
0xb: {  	s8 =	smul.u32 $0xA00, s6;
	_ =	strace $0x80000047;
	s6 =	sadd.s32 $0x3800, s3  }
0xc: {  	s3 =	sadd.s32 $0x3C00, s3;
	s12 =	sshrl.u32 s9, $0x1;
	s16 =	sshrl.u32 s11, $0x2  }
0xd: {  	s20 =	sadd.s32 $0x80, s10;
	s24 =	sadd.s32 s0, s19;
	s12 =	ssub.s32 s9, s12  }
0xe: {  	s18 =	sadd.s32 s15, s10;
	s22 =	sshll.u32 s20, $0x7;
	[dreg:$0xa] =	wrdreg s24  }
0xf: {  	s25 =	sshll.u32 s20, $0x4;
	s11 =	sadd.s32 s15, s20;
	s17 =	sadd.s32 s1, s8  }
0x10: {  	s9 =	sadd.s32 s8, s14;
	s1 =	simm.s32 @!p0 $0x0;
	s7 =	sshll.u32 s18, $0x4  }
0x11: {  	s23 =	smax.u32 s12, $0x1;
	s8 =	sadd.s32 $0x180, s10;
	s11 =	sshll.u32 s11, $0x4  }
0x12: {  	[dreg:$0x7] =	wrdreg s9;
	s1 =	simm.s32 @p0 $0x1;
	s9 =	sadd.s32 s16, s4  }
0x13: {  	s21 =	sadd.s32 s3, s7;
	[dreg:$0x9] =	wrdreg s23;
	s7 =	sadd.s32 $0x100, s10  }
0x14: {  	s10 =	sadd.s32 $0x200, s10;
	s16 =	smul.u32 $0x5000, s13;
	[dreg:$0x6] =	wrdreg s17  }
0x15: {  	s11 =	sadd.s32 s3, s11;
	s18 =	sadd.s32 s15, s8;
	[smem:$0x7F8] =	sst s1  }
0x16: {  	p0 =	seq.s32 s13, $0xF;
	s13 =	sadd.s32 $0x20, s17;
	[dreg:$0x8] =	wrdreg s21  }
0x17: {  	s1 =	sadd.s32 s22, s4;
	s26 =	sadd.s32 s15, s7;
	[dreg:$0xc] =	wrdreg s11  }
0x18: {  	s11 =	sshll.u32 s18, $0x4;
	s19 =	sadd.s32 s15, s10;
	[dreg:$0x1a] =	wrdreg s13  }
0x19: {  	s18 =	sadd.s32 $0x26000, s0;
	[dreg:$0xb] =	wrdreg s1;
	s12 =	sshll.u32 s26, $0x4  }
0x1a: {  	s16 =	sadd.s32 s15, s16;
	s11 =	sadd.s32 s3, s11;
	[dreg:$0x1e] =	wrdreg s18  }
0x1b: {  	s20 =	sshll.u32 s19, $0x4;
	s1 =	sadd.s32 s0, s25;
	[dreg:$0xe] =	wrdreg s11  }
0x1c: {  	s25 =	sshll.u32 s7, $0x7;
	s15 =	sadd.s32 $0x27000, s0;
	[dreg:$0x10] =	wrdreg s1  }
0x1d: {  	s26 =	sshll.u32 s7, $0x4;
	s19 =	sadd.s32 $0x26800, s0;
	[dreg:$0x1c] =	wrdreg s15  }
0x1e: {  	s7 =	sshll.u32 s8, $0x7;
	s12 =	sadd.s32 s3, s12;
	[dreg:$0x1f] =	wrdreg s19  }
0x1f: {  	s8 =	sshll.u32 s8, $0x4;
	s3 =	sadd.s32 s3, s20;
	[dreg:$0xd] =	wrdreg s12  }
0x20: {  	s21 =	sor.u32 $0x100, s16;
	s1 =	sadd.s32 s25, s4;
	[dreg:$0xf] =	wrdreg s3  }
0x21: {  	s23 =	sor.u32 $0x180, s16;
	s25 =	sadd.s32 $0x10000, s9;
	[dreg:$0x11] =	wrdreg s1  }
0x22: {  	s11 =	sshll.u32 s10, $0x7;
	s3 =	sadd.s32 s0, s26;
	[smem:$0x7FD] =	sst s25  }
0x23: {  	s22 =	sshrl.u32 s21, $0x2;
	s1 =	sadd.s32 s7, s4;
	[dreg:$0x12] =	wrdreg s3  }
0x24: {  	s24 =	sshrl.u32 s23, $0x2;
	s23 =	sadd.s32 $0x8000, s9;
	[dreg:$0x13] =	wrdreg s1  }
0x25: {  	s20 =	sadd.s32 s22, s14;
	s1 =	sadd.s32 s0, s8;
	[smem:$0x7FB] =	sst s23  }
0x26: {  	s21 =	sadd.s32 s24, s14;
	s14 =	sadd.s32 $0x30, s17;
	[dreg:$0x14] =	wrdreg s1  }
0x27: {  	s12 =	sshll.u32 s10, $0x4;
	s17 =	sadd.s32 $0x25800, s0;
	[dreg:$0x1b] =	wrdreg s14  }
0x28: {  	s26 =	sadd.s32 s11, s4;
	s1 =	sadd.s32 s0, s12;
	[dreg:$0x1d] =	wrdreg s17  }
0x29: {  	s22 =	sadd.s32 $0x4000, s9;
	[dreg:$0x15] =	wrdreg s1;
	s1 =	sadd.s32 $0x12C000, s4  }
0x2a: {  	s25 =	simm.s32 $0x80;
	[smem:$0x7FA] =	sst s22;
	s1 =	sshrl.u32 @p0 s1, $0x3  }
0x2b: {  	s24 =	sadd.s32 $0xC000, s9;
	[dreg:$0x16] =	wrdreg s1;
	s1 =	sadd.s32 $0x130000, s4  }
0x2c: {  	s3 =	sadd.s32 $0x134000, s4;
	[smem:$0x7FC] =	sst s24;
	s1 =	sshrl.u32 @p0 s1, $0x3  }
0x2d: {  	[dreg:$0x17] =	wrdreg s1;
	s1 =	sshrl.u32 @p0 s3, $0x3;
	s3 =	simm.s32 @!p0 $0x0  }
0x2e: {  	[dreg:$0x18] =	wrdreg s1;
	s1 =	sadd.s32 $0x138000, s4;
	s3 =	simm.s32 @p0 $0x1  }
0x2f: {  	s23 =	simm.s32 $0x3;
	[smem:$0x7F9] =	sst s3;
	s1 =	sshrl.u32 @p0 s1, $0x3  }
0x30: {  	v0 =	vimm.f32 $0.0e+00;
	s3 =	simm.s32 $0x2;
	[dreg:$0x19] =	wrdreg s1;
	s1 =	simm.s32 $0x0  }
.LBB2_1:
0x31: {  	s7 =	rddreg [dreg:$0x6]  }
0x32: {  	s24 =	sld [smem:$0x7F8]  }
0x33: {  	[tilespmem:s5], [sflag:$0x1] =	stream.linear.gather [hbm4b:s7+s5], $0x80, $0x38;
	[tilespmem:$0x1C400] =	vst v63  }
0x34: {  	s17 =	rddreg [dreg:$0x7];
	s8 =	simm.s32 $0x200  }
0x35: {  	[tilespmem:s8], [sflag:$0x1] =	stream.linear.gather [hbm4b:s17+s5], $0x80, $0x38;
	[tilespmem:$0x1C400] =	vst v63  }
0x36: {  	p0 =	seq.s32 s24, $0x1  }
.Ltmp0:
0x37: {  	_ = 	snop;
	(pc) =	sbr.rel @!p0 .LBB2_2-.Ltmp0, $4  }
0x38: {  	s18 =	rddreg [dreg:$0x1a]  }
0x39: {  	[tilespmem:s25], [sflag:$0x1] =	stream.linear.gather [hbm4b:s18+s5], $0x80, $0x38;
	[tilespmem:$0x1C400] =	vst v63  }
0x3a: {  	s19 =	rddreg [dreg:$0x1b];
	s22 =	simm.s32 $0x280  }
0x3b: {  	[tilespmem:s22], [sflag:$0x1] =	stream.linear.gather [hbm4b:s19+s5], $0x80, $0x38;
	[tilespmem:$0x1C400] =	vst v63  }
0x3c: {  	s7 =	sand.u32 $0xFE00, s5  }
0x3d: {  	s8 =	sand.u32 $0x70, s5;
	s10 =	sshrl.u32 s7, $0x2  }
0x3e: {  	s7 =	simm.s32 $0x40;
	s10 =	sor.u32 s8, s10;
	s8 =	simm.s32 $0x0  }
.LBB2_4:
0x3f: {  	p0 =	seq.s32 s7, $0xFFC0  }
0x40: {  	[tilespmem:s10+$0x400] =	vst v0;
	s8 =	sadd.s32 $0x10, s8;
	s10 =	smov.u32 s7;
	s7 =	sadd.s32 $0x40, s7  }
.Ltmp1:
0x41: {  	(pc) =	sbr.rel @!p0 .LBB2_4-.Ltmp1, $4  }
0x42: {  	_ = 	snop  }
0x43: {  	s10 =	sand.u32 $0xFE00, s10  }
0x44: {  	s11 =	sand.u32 $0x70, s8;
	s10 =	sshrl.u32 s10, $0x2  }
0x45: {  	s10 =	sor.u32 s11, s10  }
0x46: {  	[tilespmem:s10+$0x400] =	vst v0  }
0x47: {  	[spmem:s9] =	stream.linear.scatter [tilespmem:s28], [sflag:$0x4], $0x4000, $0x38;
	[tilespmem:$0x1C400] =	vst v63  }
0x48: {  	_ =	swait.ge [sflag:s29], $0x4000  }
0x49: {  	s7 =	sld [smem:$0x7FA]  }
0x4a: {  	[sflag:s29] =	ssyncset.done $0x0  }
0x4b: {  	[sflag:s29] =	ssyncadd.s32 $0xFFFFC000  }
0x4c: {  	[spmem:s7] =	stream.linear.scatter [tilespmem:s28], [sflag:$0x4], $0x4000, $0x38;
	[tilespmem:$0x1C400] =	vst v63  }
0x4d: {  	_ =	swait.ge [sflag:s29], $0x4000  }
0x4e: {  	s19 =	sld [smem:$0x7FB]  }
0x4f: {  	[sflag:s29] =	ssyncset.done $0x0  }
0x50: {  	[sflag:s29] =	ssyncadd.s32 $0xFFFFC000  }
0x51: {  	[spmem:s19] =	stream.linear.scatter [tilespmem:s28], [sflag:$0x4], $0x4000, $0x38;
	[tilespmem:$0x1C400] =	vst v63  }
0x52: {  	_ =	swait.ge [sflag:s29], $0x4000  }
0x53: {  	s22 =	sld [smem:$0x7FC]  }
0x54: {  	[sflag:s29] =	ssyncset.done $0x0  }
0x55: {  	[sflag:s29] =	ssyncadd.s32 $0xFFFFC000  }
0x56: {  	[spmem:s22] =	stream.linear.scatter [tilespmem:s28], [sflag:$0x4], $0x4000, $0x38;
	[tilespmem:$0x1C400] =	vst v63  }
0x57: {  	_ =	swait.ge [sflag:s29], $0x4000  }
0x58: {  	s24 =	sld [smem:$0x7FD]  }
0x59: {  	[sflag:s29] =	ssyncset.done $0x0  }
.Ltmp2:
0x5a: {  	[sflag:s29] =	ssyncadd.s32 $0xFFFFC000;
	(pc) =	sbr.rel .LBB2_6-.Ltmp2, $4  }
0x5b: {  	[spmem:s24] =	stream.linear.scatter [tilespmem:s28], [sflag:$0x4], $0x4000, $0x38;
	[tilespmem:$0x1C400] =	vst v63  }
0x5c: {  	_ =	swait.ge [sflag:s29], $0x4000  }
0x5d: {  	[sflag:s29] =	ssyncset.done $0x0  }
0x5e: {  	[sflag:s29] =	ssyncadd.s32 $0xFFFFC000  }
.LBB2_2:
0x5f: {  	s7 =	sld [smem:$0x7F9];
	_ =	sdelay $0x2  }
0x60: {  	s8 =	rddreg [dreg:$0x16];
	p0 =	seq.s32 s7, $0x1  }
0x61: {  	s10 =	rddreg [dreg:$0x1d];
	s7 =	simm.s32 @p0 $0x1FC4  }
0x62: {  	[spmem:s8], [sflag:s7] =	dma.local @p0 [hbm:s10], $0x800  }
0x63: {  	s8 =	simm.s32 @p0 $0x4  }
0x64: {  	_ =	swait.ge @p0 [sflag:s8], $0x800  }
0x65: {  	[sflag:s8] =	ssyncset.done @p0 $0x0;
	s10 =	rddreg [dreg:$0x17]  }
0x66: {  	s11 =	rddreg [dreg:$0x1e];
	[sflag:s8] =	ssyncadd.s32 @p0 $0xFFFFF800  }
0x67: {  	[spmem:s10], [sflag:s7] =	dma.local @p0 [hbm:s11], $0x800  }
0x68: {  	_ =	swait.ge @p0 [sflag:s8], $0x800  }
0x69: {  	[sflag:s8] =	ssyncset.done @p0 $0x0;
	s10 =	rddreg [dreg:$0x18]  }
0x6a: {  	s11 =	rddreg [dreg:$0x1f];
	[sflag:s8] =	ssyncadd.s32 @p0 $0xFFFFF800  }
0x6b: {  	[spmem:s10], [sflag:s7] =	dma.local @p0 [hbm:s11], $0x800  }
0x6c: {  	_ =	swait.ge @p0 [sflag:s8], $0x800  }
0x6d: {  	[sflag:s8] =	ssyncset.done @p0 $0x0;
	s10 =	rddreg [dreg:$0x19]  }
0x6e: {  	s11 =	rddreg [dreg:$0x1c];
	[sflag:s8] =	ssyncadd.s32 @p0 $0xFFFFF800  }
0x6f: {  	[spmem:s10], [sflag:s7] =	dma.local @p0 [hbm:s11], $0x100  }
0x70: {  	s7 =	stileid.u32  }
0x71: {  	_ =	swait.ge @p0 [sflag:s8], $0x100;
	s7 =	sshll.u32 @!p0 s7, $0x6  }
0x72: {  	[sflag:s8] =	ssyncset.done @p0 $0x0;
	s7 =	sor.u32 @!p0 $0x1C04, s7  }
0x73: {  	s10 =	rddreg [dreg:$0xa];
	[sflag:s8] =	ssyncadd.s32 @p0 $0xFFFFFF00;
	s8 =	sshrl.u32 @!p0 s9, $0x3  }
0x74: {  	[spmem:s8], [sflag:s7] =	dma.local @!p0 [hbm:s10], $0x800  }
0x75: {  	s8 =	simm.s32 @!p0 $0x4  }
0x76: {  	_ =	swait.ge @!p0 [sflag:s8], $0x800  }
0x77: {  	[sflag:s8] =	ssyncset.done @!p0 $0x0;
	s10 =	rddreg [dreg:$0xb]  }
0x78: {  	s11 =	rddreg [dreg:$0x10];
	[sflag:s8] =	ssyncadd.s32 @!p0 $0xFFFFF800;
	s10 =	sshrl.u32 @!p0 s10, $0x3  }
0x79: {  	[spmem:s10], [sflag:s7] =	dma.local @!p0 [hbm:s11], $0x800  }
0x7a: {  	_ =	swait.ge @!p0 [sflag:s8], $0x800  }
0x7b: {  	[sflag:s8] =	ssyncset.done @!p0 $0x0;
	s10 =	rddreg [dreg:$0x11]  }
0x7c: {  	s11 =	rddreg [dreg:$0x12];
	[sflag:s8] =	ssyncadd.s32 @!p0 $0xFFFFF800;
	s10 =	sshrl.u32 @!p0 s10, $0x3  }
0x7d: {  	[spmem:s10], [sflag:s7] =	dma.local @!p0 [hbm:s11], $0x800  }
0x7e: {  	_ =	swait.ge @!p0 [sflag:s8], $0x800  }
0x7f: {  	[sflag:s8] =	ssyncset.done @!p0 $0x0;
	s10 =	rddreg [dreg:$0x13]  }
0x80: {  	s11 =	rddreg [dreg:$0x14];
	[sflag:s8] =	ssyncadd.s32 @!p0 $0xFFFFF800;
	s10 =	sshrl.u32 @!p0 s10, $0x3  }
0x81: {  	[spmem:s10], [sflag:s7] =	dma.local @!p0 [hbm:s11], $0x800  }
0x82: {  	_ =	swait.ge @!p0 [sflag:s8], $0x800  }
0x83: {  	[sflag:s8] =	ssyncset.done @!p0 $0x0  }
0x84: {  	s10 =	sshrl.u32 @!p0 s26, $0x3;
	s11 =	rddreg [dreg:$0x15];
	[sflag:s8] =	ssyncadd.s32 @!p0 $0xFFFFF800  }
0x85: {  	[spmem:s10], [sflag:s7] =	dma.local @!p0 [hbm:s11], $0x800  }
0x86: {  	_ =	swait.ge @!p0 [sflag:s8], $0x800  }
0x87: {  	[sflag:s8] =	ssyncset.done @!p0 $0x0  }
0x88: {  	[sflag:s8] =	ssyncadd.s32 @!p0 $0xFFFFF800  }
.LBB2_6:
0x89: {  	_ =	swait.ge [sflag:s30], $0x80  }
0x8a: {  	[sflag:s30] =	ssyncset.done $0x0  }
0x8b: {  	[sflag:s30] =	ssyncadd.s32 $0xFFFFFF80  }
0x8c: {  	_ =	swait.ge [sflag:s30], $0x80  }
0x8d: {  	[sflag:s30] =	ssyncset.done $0x0  }
0x8e: {  	p0 =	por $0x0, $0x0;
	[sflag:s30] =	ssyncadd.s32 $0xFFFFFF80  }
0x8f: {  	s8 =	sadd.s32 @!p0 $0x0, s16;
	_ =	swait.ge [sflag:s30], $0x80  }
0x90: {  	s8 =	sadd.s32 @!p0 $0x100, s8;
	[sflag:s30] =	ssyncset.done $0x0  }
0x91: {  	s7 =	simm.s32 $0x0;
	p3 =	sgt.u32 @!p0 s8, $0x4E1FF;
	[sflag:s30] =	ssyncadd.s32 $0xFFFFFF80  }
0x92: {  	s10 =	sxor.u32 @!p0 $0xFFFFFFFF, s7;
	p1 =	por !p3, p0;
	_ =	swait.ge [sflag:s30], $0x80  }
0x93: {  	p2 =	por p0, p0;
	s8 =	sadd.s32 @!p1 $0x0, s16;
	[sflag:s30] =	ssyncset.done $0x0  }
0x94: {  	s11 =	sadd.s32 @!p0 $0x180, s16;
	s8 =	sadd.s32 @!p1 $0xFFFB1F00, s8;
	[sflag:s30] =	ssyncadd.s32 $0xFFFFFF80  }
0x95: {  	s10 =	sand.u32 @!p2 $0x100, s10;
	s8 =	sshrl.u32 @!p1 s8, $0x3;
	[bflag:$0x0] =	sbarrier.arrive $0xFFFF  }
0x96: {  	[tilespmem:s28], [sflag:$0x2] =	stream.indirect.gather [hbm4b:s0+s25], $0x80, s7, s25, $0xb8;
	[tilespmem:$0x1C400] =	vst v63  }
0x97: {  	p3 =	por p3, p2;
	s14 =	simm.s32 @!p1 $0x0;
	s15 =	sadd.s32 @!p1 s2, s8  }
0x98: {  	[tilespmem:s10], [sflag:$0x1] =	stream.linear.gather @!p1 [hbm4b:s15+s14], $0x80, $0x38;
	[tilespmem:$0x1C400] =	vst v63  }
0x99: {  	p4 =	sgt.u32 @!p0 s11, $0x4E1FF;
	s11 =	sadd.s32 @!p3 $0xFFFFFFF0, s20;
	s14 =	simm.s32 @!p3 $0x0  }
0x9a: {  	[tilespmem:s10], [sflag:$0x1] =	stream.linear.gather @!p3 [hbm4b:s11+s14], $0x80, $0x38;
	[tilespmem:$0x1C400] =	vst v63  }
0x9b: {  	s8 =	sadd.s32 @!p1 s6, s8;
	p3 =	por !p4, p2  }
0x9c: {  	s8 =	smov.u32 @p1 s20;
	s14 =	sadd.s32 @!p3 $0x0, s16  }
0x9d: {  	s15 =	simm.s32 @!p0 $0x0;
	s10 =	sor.u32 @!p2 $0x200, s10;
	s14 =	sadd.s32 @!p3 $0xFFFB1F80, s14  }
0x9e: {  	[tilespmem:s10], [sflag:$0x1] =	stream.linear.gather @!p2 [hbm4b:s8+s15], $0x80, $0x38;
	[tilespmem:$0x1C400] =	vst v63  }
0x9f: {  	s11 =	simm.s32 @!p0 $0x180;
	p4 =	por p4, p0;
	s14 =	sshrl.u32 @!p3 s14, $0x3  }
0xa0: {  	s8 =	sand.u32 @!p0 $0x180, s11;
	s10 =	simm.s32 @!p3 $0x0;
	s11 =	sadd.s32 @!p3 s2, s14  }
0xa1: {  	[tilespmem:s8], [sflag:$0x1] =	stream.linear.gather @!p3 [hbm4b:s11+s10], $0x80, $0x38;
	[tilespmem:$0x1C400] =	vst v63  }
0xa2: {  	s10 =	simm.s32 @!p4 $0x0;
	s11 =	sadd.s32 @!p3 s6, s14;
	s14 =	sadd.s32 @!p4 $0xFFFFFFF0, s21  }
0xa3: {  	[tilespmem:s8], [sflag:$0x1] =	stream.linear.gather @!p4 [hbm4b:s14+s10], $0x80, $0x38;
	[tilespmem:$0x1C400] =	vst v63  }
0xa4: {  	s7 =	sand.u32 $0x100, s7;
	s11 =	smov.u32 @p3 s21;
	s8 =	sor.u32 @!p2 $0x200, s8  }
0xa5: {  	[tilespmem:s8], [sflag:$0x1] =	stream.linear.gather @!p2 [hbm4b:s11+s15], $0x80, $0x38;
	[tilespmem:$0x1C400] =	vst v63  }
0xa6: {  	s22 =	sor.u32 $0x80, s7  }
0xa7: {  	[tilespmem:s31], [sflag:$0x3] =	stream.indirect.gather [hbm4b:s0+s25], $0x80, s22, s25, $0xb8;
	[tilespmem:$0x1C400] =	vst v63  }
0xa8: {  	_ =	swait.ge [sflag:s3], $0x4000  }
0xa9: {  	[sflag:s3] =	ssyncset.done $0x0  }
0xaa: {  	s24 =	sor.u32 $0x200, s7;
	[sflag:s3] =	ssyncadd.s32 $0xFFFFC000  }
0xab: {  	[spmem:s4] =	stream.indirect.scatter.add.f32 [tilespmem:s28], [sflag:$0x4], $0x80, s24, s25, $0xb8;
	[tilespmem:$0x1C400] =	vst v63  }
0xac: {  	_ =	swait.ge [sflag:s29], $0x4000  }
0xad: {  	[sflag:s29] =	ssyncset.done $0x0  }
0xae: {  	s17 =	simm.s32 @!p2 $0x1;
	[sflag:s29] =	ssyncadd.s32 $0xFFFFC000  }
0xaf: {  	_ =	swait.ge @!p2 [sflag:s17], $0x80  }
0xb0: {  	[sflag:s17] =	ssyncset.done @!p2 $0x0  }
0xb1: {  	[sflag:s17] =	ssyncadd.s32 @!p2 $0xFFFFFF80  }
0xb2: {  	s18 =	simm.s32 @!p2 $0x80;
	_ =	swait.ge @!p2 [sflag:s17], $0x80  }
0xb3: {  	s12 =	simm.s32 @!p2 $0x400;
	s19 =	sxor.u32 @!p2 $0x100, s7;
	[sflag:s17] =	ssyncset.done @!p2 $0x0  }
0xb4: {  	s14 =	simm.s32 $0x200;
	p4 =	por $0x0, $0x0;
	[sflag:s17] =	ssyncadd.s32 @!p2 $0xFFFFFF80  }
0xb5: {  	s10 =	sadd.s32 $0x40, s21;
	s13 =	sadd.s32 @!p4 $0x100, s16;
	_ =	swait.ge @!p2 [sflag:s17], $0x80  }
0xb6: {  	s8 =	simm.s32 $0x100;
	s15 =	sor.u32 $0x200, s22;
	[sflag:s17] =	ssyncset.done @!p2 $0x0  }
0xb7: {  	s11 =	sadd.s32 $0x40, s20;
	s13 =	sadd.s32 @!p4 $0x100, s13;
	[sflag:s17] =	ssyncadd.s32 @!p2 $0xFFFFFF80  }
0xb8: {  	p0 =	sgt.u32 @!p4 s13, $0x4E1FF;
	s13 =	sadd.s32 @!p4 $0x280, s16;
	_ =	swait.ge @!p2 [sflag:s17], $0x80  }
0xb9: {  	s7 =	sxor.u32 @!p4 $0xFFFFFFFF, s8;
	p1 =	sgt.u32 @!p4 s13, $0x4E1FF;
	[sflag:s17] =	ssyncset.done @!p2 $0x0  }
0xba: {  	p6 =	por !p0, p4;
	p3 =	por p1, p4;
	[sflag:s17] =	ssyncadd.s32 @!p2 $0xFFFFFF80  }
0xbb: {  	[tilespmem:s12], [sflag:$0x2] =	stream.indirect.gather @!p2 [hbm4b:s0+s18], $0x80, s19, s18, $0xb8;
	[tilespmem:$0x1C400] =	vst v63  }
0xbc: {  	s17 =	simm.s32 @!p4 $0x280;
	s18 =	sadd.s32 @!p6 $0x100, s16;
	_ =	swait.ge [sflag:s23], $0x4000  }
.LBB2_7:
0xbd: {  	s12 =	simm.s32 @!p4 $0x0;
	s13 =	sand.u32 @!p4 $0x180, s17  }
0xbe: {  	[sflag:s23] =	ssyncset.done $0x0;
	s17 =	smov.u32 s14;
	p2 =	por p4, p4  }
0xbf: {  	s7 =	sand.u32 @!p2 $0x100, s7;
	p4 =	por !p1, p2;
	[sflag:s23] =	ssyncadd.s32 $0xFFFFC000  }
0xc0: {  	[spmem:s4] =	stream.indirect.scatter.add.f32 [tilespmem:s31], [sflag:$0x4], $0x80, s15, s25, $0xb8;
	[tilespmem:$0x1C400] =	vst v63  }
0xc1: {  	p0 =	por p0, p2;
	s15 =	sadd.s32 @!p6 $0xFFFB1F00, s18;
	_ =	swait.ge [sflag:s29], $0x4000  }
0xc2: {  	s18 =	simm.s32 @!p6 $0x0;
	s15 =	sshrl.u32 @!p6 s15, $0x3;
	[sflag:s29] =	ssyncset.done $0x0  }
0xc3: {  	s22 =	sadd.s32 @!p4 s8, s16;
	s19 =	sadd.s32 @!p6 s2, s15;
	s15 =	sadd.s32 @!p6 s6, s15  }
0xc4: {  	s22 =	sadd.s32 @!p4 $0xFFFB1F80, s22;
	s15 =	smov.u32 @p6 s11;
	[sflag:s29] =	ssyncadd.s32 $0xFFFFC000  }
0xc5: {  	[tilespmem:s7], [sflag:$0x1] =	stream.linear.gather @!p6 [hbm4b:s19+s18], $0x80, $0x38;
	[tilespmem:$0x1C400] =	vst v63  }
0xc6: {  	s24 =	sor.u32 @!p2 $0x200, s7;
	s18 =	sadd.s32 @!p0 $0xFFFFFFF0, s11;
	s19 =	simm.s32 @!p0 $0x0  }
0xc7: {  	[tilespmem:s7], [sflag:$0x1] =	stream.linear.gather @!p0 [hbm4b:s18+s19], $0x80, $0x38;
	[tilespmem:$0x1C400] =	vst v63  }
0xc8: {  	s7 =	sshrl.u32 @!p4 s22, $0x3;
	s18 =	simm.s32 @!p4 $0x0;
	s19 =	simm.s32 @!p3 $0x0  }
0xc9: {  	[tilespmem:s24], [sflag:$0x1] =	stream.linear.gather @!p2 [hbm4b:s15+s12], $0x80, $0x38;
	[tilespmem:$0x1C400] =	vst v63  }
0xca: {  	s22 =	sadd.s32 @!p3 $0xFFFFFFF0, s10;
	s15 =	sadd.s32 @!p4 s2, s7;
	s7 =	sadd.s32 @!p4 s6, s7  }
0xcb: {  	[tilespmem:s13], [sflag:$0x1] =	stream.linear.gather @!p4 [hbm4b:s15+s18], $0x80, $0x38;
	[tilespmem:$0x1C400] =	vst v63  }
0xcc: {  	s14 =	sadd.s32 $0x100, s14;
	s7 =	smov.u32 @p4 s10;
	s15 =	sor.u32 @!p2 $0x200, s13  }
0xcd: {  	[tilespmem:s13], [sflag:$0x1] =	stream.linear.gather @!p3 [hbm4b:s22+s19], $0x80, $0x38;
	[tilespmem:$0x1C400] =	vst v63  }
0xce: {  	p5 =	sne.s32 s14, $0x2800;
	s13 =	sand.u32 $0x100, s8;
	s8 =	smov.u32 s17  }
0xcf: {  	[tilespmem:s15], [sflag:$0x1] =	stream.linear.gather @!p2 [hbm4b:s7+s12], $0x80, $0x38;
	[tilespmem:$0x1C400] =	vst v63  }
0xd0: {  	s7 =	sor.u32 $0x80, s13  }
0xd1: {  	[tilespmem:s31], [sflag:$0x3] =	stream.indirect.gather [hbm4b:s0+s25], $0x80, s7, s25, $0xb8;
	[tilespmem:$0x1C400] =	vst v63  }
0xd2: {  	_ =	swait.ge [sflag:s3], $0x4000  }
0xd3: {  	s12 =	sor.u32 $0x200, s13;
	[sflag:s3] =	ssyncset.done $0x0  }
0xd4: {  	[sflag:s3] =	ssyncadd.s32 $0xFFFFC000  }
0xd5: {  	[spmem:s4] =	stream.indirect.scatter.add.f32 [tilespmem:s28], [sflag:$0x4], $0x80, s12, s25, $0xb8;
	[tilespmem:$0x1C400] =	vst v63  }
0xd6: {  	_ =	swait.ge [sflag:s29], $0x4000  }
0xd7: {  	s12 =	simm.s32 @!p2 $0x1;
	[sflag:s29] =	ssyncset.done $0x0  }
0xd8: {  	[sflag:s29] =	ssyncadd.s32 $0xFFFFC000  }
0xd9: {  	_ =	swait.ge @!p2 [sflag:s12], $0x80  }
0xda: {  	[sflag:s12] =	ssyncset.done @!p2 $0x0  }
0xdb: {  	[sflag:s12] =	ssyncadd.s32 @!p2 $0xFFFFFF80  }
0xdc: {  	_ =	swait.ge @!p2 [sflag:s12], $0x80  }
0xdd: {  	s11 =	sadd.s32 $0x40, s11;
	s10 =	sadd.s32 $0x40, s10;
	[sflag:s12] =	ssyncset.done @!p2 $0x0  }
0xde: {  	s18 =	simm.s32 @!p2 $0x80;
	s15 =	sor.u32 $0x200, s7;
	[sflag:s12] =	ssyncadd.s32 @!p2 $0xFFFFFF80  }
0xdf: {  	s19 =	simm.s32 @!p2 $0x400;
	p4 =	seq.s32 s8, $0x2700;
	_ =	swait.ge @!p2 [sflag:s12], $0x80  }
0xe0: {  	s13 =	sxor.u32 @!p2 $0x100, s13;
	s17 =	sadd.s32 @!p4 s8, s16;
	[sflag:s12] =	ssyncset.done @!p2 $0x0  }
0xe1: {  	s22 =	sadd.s32 @!p4 $0x100, s17;
	s7 =	sxor.u32 @!p4 $0xFFFFFFFF, s8;
	[sflag:s12] =	ssyncadd.s32 @!p2 $0xFFFFFF80  }
.Ltmp3:
0xe2: {  	s17 =	sadd.s32 @!p4 $0x180, s8;
	_ =	swait.ge @!p2 [sflag:s12], $0x80;
	(pc) =	sbr.rel @p5 .LBB2_7-.Ltmp3, $4  }
0xe3: {  	p0 =	sgt.u32 @!p4 s22, $0x4E1FF;
	s22 =	sadd.s32 @!p4 s16, s17;
	[sflag:s12] =	ssyncset.done @!p2 $0x0  }
0xe4: {  	p6 =	por !p0, p4;
	p1 =	sgt.u32 @!p4 s22, $0x4E1FF;
	[sflag:s12] =	ssyncadd.s32 @!p2 $0xFFFFFF80  }
0xe5: {  	[tilespmem:s19], [sflag:$0x2] =	stream.indirect.gather @!p2 [hbm4b:s0+s18], $0x80, s13, s18, $0xb8;
	[tilespmem:$0x1C400] =	vst v63  }
0xe6: {  	p3 =	por p1, p4;
	s18 =	sadd.s32 @!p6 s8, s16;
	_ =	swait.ge [sflag:s23], $0x4000  }
0xe7: {  	[sflag:s23] =	ssyncset.done $0x0  }
0xe8: {  	p2 =	por p4, p4;
	[sflag:s23] =	ssyncadd.s32 $0xFFFFC000  }
0xe9: {  	[spmem:s4] =	stream.indirect.scatter.add.f32 [tilespmem:s31], [sflag:$0x4], $0x80, s15, s25, $0xb8;
	[tilespmem:$0x1C400] =	vst v63  }
0xea: {  	s12 =	sadd.s32 @!p6 $0xFFFB1F00, s18;
	s13 =	simm.s32 @!p6 $0x0;
	_ =	swait.ge [sflag:s29], $0x4000  }
0xeb: {  	s7 =	sand.u32 @!p2 $0x100, s7;
	s12 =	sshrl.u32 @!p6 s12, $0x3;
	[sflag:s29] =	ssyncset.done $0x0  }
0xec: {  	p0 =	por p0, p2;
	s14 =	sadd.s32 @!p6 s2, s12;
	[sflag:s29] =	ssyncadd.s32 $0xFFFFC000  }
0xed: {  	[tilespmem:s7], [sflag:$0x1] =	stream.linear.gather @!p6 [hbm4b:s14+s13], $0x80, $0x38;
	[tilespmem:$0x1C400] =	vst v63  }
0xee: {  	s13 =	sadd.s32 @!p0 $0xFFFFFFF0, s11;
	s14 =	simm.s32 @!p0 $0x0  }
0xef: {  	[tilespmem:s7], [sflag:$0x1] =	stream.linear.gather @!p0 [hbm4b:s13+s14], $0x80, $0x38;
	[tilespmem:$0x1C400] =	vst v63  }
0xf0: {  	p0 =	por !p1, p2  }
0xf1: {  	s12 =	sadd.s32 @!p6 s6, s12;
	s13 =	sadd.s32 @!p0 s8, s16  }
0xf2: {  	s12 =	smov.u32 @p6 s11;
	s11 =	sadd.s32 @!p0 $0xFFFB1F80, s13  }
0xf3: {  	s7 =	sor.u32 @!p2 $0x200, s7;
	s13 =	simm.s32 @!p4 $0x0;
	s11 =	sshrl.u32 @!p0 s11, $0x3  }
0xf4: {  	[tilespmem:s7], [sflag:$0x1] =	stream.linear.gather @!p2 [hbm4b:s12+s13], $0x80, $0x38;
	[tilespmem:$0x1C400] =	vst v63  }
0xf5: {  	s7 =	sand.u32 @!p4 $0x180, s17;
	s12 =	simm.s32 @!p0 $0x0;
	s14 =	sadd.s32 @!p0 s2, s11  }
0xf6: {  	[tilespmem:s7], [sflag:$0x1] =	stream.linear.gather @!p0 [hbm4b:s14+s12], $0x80, $0x38;
	[tilespmem:$0x1C400] =	vst v63  }
0xf7: {  	s11 =	sadd.s32 @!p0 s6, s11;
	s12 =	simm.s32 @!p3 $0x0;
	s14 =	sadd.s32 @!p3 $0xFFFFFFF0, s10  }
0xf8: {  	[tilespmem:s7], [sflag:$0x1] =	stream.linear.gather @!p3 [hbm4b:s14+s12], $0x80, $0x38;
	[tilespmem:$0x1C400] =	vst v63  }
0xf9: {  	s8 =	sand.u32 $0x100, s8;
	s11 =	smov.u32 @p0 s10;
	s7 =	sor.u32 @!p2 $0x200, s7  }
0xfa: {  	[tilespmem:s7], [sflag:$0x1] =	stream.linear.gather @!p2 [hbm4b:s11+s13], $0x80, $0x38;
	[tilespmem:$0x1C400] =	vst v63  }
0xfb: {  	s22 =	sor.u32 $0x80, s8  }
0xfc: {  	[tilespmem:s31], [sflag:$0x3] =	stream.indirect.gather [hbm4b:s0+s25], $0x80, s22, s25, $0xb8;
	[tilespmem:$0x1C400] =	vst v63  }
0xfd: {  	_ =	swait.ge [sflag:s3], $0x4000  }
0xfe: {  	[sflag:s3] =	ssyncset.done $0x0  }
0xff: {  	s24 =	sor.u32 $0x200, s8;
	[sflag:s3] =	ssyncadd.s32 $0xFFFFC000  }
0x100: {  	[spmem:s4] =	stream.indirect.scatter.add.f32 [tilespmem:s28], [sflag:$0x4], $0x80, s24, s25, $0xb8;
	[tilespmem:$0x1C400] =	vst v63  }
0x101: {  	_ =	swait.ge [sflag:s29], $0x4000  }
0x102: {  	[sflag:s29] =	ssyncset.done $0x0  }
0x103: {  	s10 =	simm.s32 @!p2 $0x1;
	[sflag:s29] =	ssyncadd.s32 $0xFFFFC000  }
0x104: {  	_ =	swait.ge @!p2 [sflag:s10], $0x80  }
0x105: {  	[sflag:s10] =	ssyncset.done @!p2 $0x0  }
0x106: {  	[sflag:s10] =	ssyncadd.s32 @!p2 $0xFFFFFF80  }
0x107: {  	_ =	swait.ge @!p2 [sflag:s10], $0x80  }
0x108: {  	[sflag:s10] =	ssyncset.done @!p2 $0x0  }
0x109: {  	[sflag:s10] =	ssyncadd.s32 @!p2 $0xFFFFFF80  }
0x10a: {  	_ =	swait.ge @!p2 [sflag:s10], $0x80  }
0x10b: {  	[sflag:s10] =	ssyncset.done @!p2 $0x0  }
0x10c: {  	[sflag:s10] =	ssyncadd.s32 @!p2 $0xFFFFFF80  }
0x10d: {  	_ =	swait.ge @!p2 [sflag:s10], $0x80  }
0x10e: {  	s8 =	sxor.u32 @!p2 $0x100, s8;
	[sflag:s10] =	ssyncset.done @!p2 $0x0  }
0x10f: {  	s11 =	simm.s32 @!p2 $0x80;
	[sflag:s10] =	ssyncadd.s32 @!p2 $0xFFFFFF80;
	s10 =	simm.s32 @!p2 $0x400  }
0x110: {  	[tilespmem:s10], [sflag:$0x2] =	stream.indirect.gather @!p2 [hbm4b:s0+s11], $0x80, s8, s11, $0xb8;
	[tilespmem:$0x1C400] =	vst v63  }
0x111: {  	_ =	swait.ge [sflag:s23], $0x4000  }
0x112: {  	[sflag:s23] =	ssyncset.done $0x0  }
0x113: {  	s7 =	sor.u32 $0x200, s22;
	[sflag:s23] =	ssyncadd.s32 $0xFFFFC000  }
0x114: {  	[spmem:s4] =	stream.indirect.scatter.add.f32 [tilespmem:s31], [sflag:$0x4], $0x80, s7, s25, $0xb8;
	[tilespmem:$0x1C400] =	vst v63  }
0x115: {  	_ =	swait.ge [sflag:s29], $0x4000  }
0x116: {  	[sflag:s29] =	ssyncset.done $0x0  }
0x117: {  	s8 =	stileid.u32;
	[sflag:s29] =	ssyncadd.s32 $0xFFFFC000  }
0x118: {  	s7 =	sshll.u32 s8, $0x6;
	[bflag:$0x0] =	sbarrier.arrive $0xFFFF  }
0x119: {  	s10 =	sshrl.u32 s9, $0x3;
	s7 =	sor.u32 $0x1C04, s7;
	s11 =	rddreg [dreg:$0x8]  }
0x11a: {  	[hbm:s11], [sflag:s7] =	dma.local [spmem:s10], $0x800  }
0x11b: {  	_ =	swait.ge [sflag:s29], $0x800  }
0x11c: {  	[sflag:s29] =	ssyncset.done $0x0;
	s12 =	rddreg [dreg:$0xb]  }
0x11d: {  	s13 =	rddreg [dreg:$0xc];
	[sflag:s29] =	ssyncadd.s32 $0xFFFFF800;
	s8 =	sshrl.u32 s12, $0x3  }
0x11e: {  	[hbm:s13], [sflag:s7] =	dma.local [spmem:s8], $0x800  }
0x11f: {  	_ =	swait.ge [sflag:s29], $0x800  }
0x120: {  	[sflag:s29] =	ssyncset.done $0x0;
	s14 =	rddreg [dreg:$0x11]  }
0x121: {  	s15 =	rddreg [dreg:$0xd];
	[sflag:s29] =	ssyncadd.s32 $0xFFFFF800;
	s8 =	sshrl.u32 s14, $0x3  }
0x122: {  	[hbm:s15], [sflag:s7] =	dma.local [spmem:s8], $0x800  }
0x123: {  	_ =	swait.ge [sflag:s29], $0x800  }
0x124: {  	[sflag:s29] =	ssyncset.done $0x0;
	s17 =	rddreg [dreg:$0x13]  }
0x125: {  	s18 =	rddreg [dreg:$0xe];
	[sflag:s29] =	ssyncadd.s32 $0xFFFFF800;
	s8 =	sshrl.u32 s17, $0x3  }
0x126: {  	[hbm:s18], [sflag:s7] =	dma.local [spmem:s8], $0x800  }
0x127: {  	_ =	swait.ge [sflag:s29], $0x800  }
0x128: {  	[sflag:s29] =	ssyncset.done $0x0  }
0x129: {  	s19 =	sshrl.u32 s26, $0x3;
	s22 =	rddreg [dreg:$0xf];
	[sflag:s29] =	ssyncadd.s32 $0xFFFFF800  }
0x12a: {  	[hbm:s22], [sflag:s7] =	dma.local [spmem:s19], $0x800  }
0x12b: {  	_ =	swait.ge [sflag:s29], $0x800  }
0x12c: {  	s1 =	sadd.s32 $0x1, s1;
	s24 =	rddreg [dreg:$0x9]  }
0x12d: {  	p0 =	sne.s32 s1, s24  }
.Ltmp4:
0x12e: {  	_ = 	snop;
	(pc) =	sbr.rel @p0 .LBB2_1-.Ltmp4, $3  }
0x12f: {  	_ =	sdelay $0x1  }
0x130: {  	[sflag:s29] =	ssyncset.done $0x0  }
0x131: {  	[sflag:s29] =	ssyncadd.s32 $0xFFFFF800  }
0x132: {  	_ =	sfence.sel $0x180000  }
0x133: {  	[bflag:$0x0] =	sbarrier.arrive $0xFFFF  }
0x134: {  	_ =	strace $0x90000047  }
0x135: {  	s0 =	stileid.u32;
	[bflag:$0x2] =	sbarrier.arrive $0xFFFF  }
0x136: {  	p0 =	sne.s32 s0, $0x0;
	s0 =	rddreg [dreg:$0x5]  }
0x137: {  	s0 =	sadd.s32 @!p0 $0x100000, s0  }
0x138: {  	[sflag:s0] =	ssyncadd.tile.s32 @!p0 $0x1;
	_ =	shalt  }
.Lfunc_end2:
_tile_overlayer_lowered:
.L_overlay_start_2:
0x139: {  	(tag) =	ssettag $0x2  }
0x13a: {  	s0 =	rddreg [dreg:$0x0];
	s2 =	stileid.u32  }
0x13b: {  	s1 =	rddreg [dreg:$0x1];
	p0 =	sne.s32 s2, $0x0  }
0x13c: {  	s3 =	rddreg [dreg:$0x2];
	[bflag:$0x3] =	sbarrier.arrive $0xFFFF;
	s2 =	simm.s32 @!p0 $0x1C04  }
0x13d: {  	[timem:s3], [sflag:s2] =	dma.local @!p0 [hbm:s0], s1  }
0x13e: {  	s0 =	simm.s32 @!p0 $0x4  }
0x13f: {  	_ =	swait.ge @!p0 [sflag:s0], s1  }
0x140: {  	s1 =	ssub.s32 @!p0 $0x0, s1;
	[sflag:s0] =	ssyncset.done @!p0 $0x0  }
0x141: {  	[sflag:s0] =	ssyncadd.s32 @!p0 s1  }
0x142: {  	[bflag:$0x3] =	sbarrier.arrive $0xFFFF  }
0x143: {  	_ =	shalt  }

</sc_bundles>
